<compile_context>
chip_gen: v7x
topology: tpu7x:2x2x1
jax: 0.10.2.dev20260603
libtpu: 0.0.44.dev20260713+nightly
codegen_flags: <defaults>
</compile_context>

<pallas_src>
import functools

import jax
import jax.numpy as jnp
from jax import lax
from jax.experimental import pallas as pl
from jax.experimental.pallas import tpu as pltpu
from jax.experimental.pallas import tpu_sc as plsc

_LAMBDA_L1 = 5.0
_NUM_CLASSES = 91
_NO_CLASS_WEIGHT = 0.1



def _tc_one_batch(x, pidx):
    Q, C = x.shape
    N = pidx.shape[1]
    m = jnp.max(x, axis=1, keepdims=True)
    s = jnp.sum(jnp.exp(x - m), axis=1, keepdims=True)
    lse = m + jnp.log(s)
    x_no = x[:, _NUM_CLASSES:_NUM_CLASSES + 1]
    base = lse - x_no

    q_iota = lax.broadcasted_iota(jnp.int32, (Q, N), 0)
    matchf = (q_iota == jnp.broadcast_to(pidx, (Q, N))).astype(jnp.float32)
    cnt = lax.dot_general(matchf, jnp.ones((N, 1), jnp.float32),
                          (((1,), (0,)), ((), ())),
                          preferred_element_type=jnp.float32)
    w_ind = jnp.minimum(cnt, 1.0)
    return base, w_ind * lse, w_ind


def _tc_body(bps, total_b, logits_ref, pidx_ref, out_ref, base_acc, wlse_acc,
             w_acc):
    g = pl.program_id(0)
    ng = pl.num_programs(0)
    Q = logits_ref.shape[1]

    parts = [_tc_one_batch(logits_ref[i], pidx_ref[i]) for i in range(bps)]
    base = sum(p[0] for p in parts[1:]) + parts[0][0]
    wlse = sum(p[1] for p in parts[1:]) + parts[0][1]
    w = sum(p[2] for p in parts[1:]) + parts[0][2]

    @pl.when(g == 0)
    def _init():
        base_acc[...] = base
        wlse_acc[...] = wlse
        w_acc[...] = w

    @pl.when(g > 0)
    def _acc():
        base_acc[...] += base
        wlse_acc[...] += wlse
        w_acc[...] += w

    @pl.when(g == ng - 1)
    def _fin():
        nwin = jnp.sum(w_acc[...])
        t1 = (_NO_CLASS_WEIGHT * jnp.sum(base_acc[...])
              + (1.0 - _NO_CLASS_WEIGHT) * jnp.sum(wlse_acc[...]))
        wsum = _NO_CLASS_WEIGHT * Q * total_b + (1.0 - _NO_CLASS_WEIGHT) * nwin
        lane = lax.broadcasted_iota(jnp.int32, (1, 8), 1)
        out_ref[...] = jnp.where(lane == 0, t1, jnp.where(lane == 1, wsum, 0.0))


def _tc_call(logits, pred_idx):
    B, Q, C = logits.shape
    N = pred_idx.shape[1]
    BPS = 8
    pidx3 = pred_idx.astype(jnp.int32).reshape(B, 1, N)
    return pl.pallas_call(
        functools.partial(_tc_body, BPS, B),
        grid=(B // BPS,),
        in_specs=[
            pl.BlockSpec((BPS, Q, C), lambda b: (b, 0, 0)),
            pl.BlockSpec((BPS, 1, N), lambda b: (b, 0, 0)),
        ],
        out_specs=pl.BlockSpec((1, 8), lambda b: (0, 0)),
        out_shape=jax.ShapeDtypeStruct((1, 8), jnp.float32),
        scratch_shapes=[
            pltpu.VMEM((Q, 1), jnp.float32),
            pltpu.VMEM((Q, 1), jnp.float32),
            pltpu.VMEM((Q, 1), jnp.float32),
        ],
    )(logits, pidx3)



_L = 16
_NPAD = 112
_MAPW = 912


def _sc_call(logits, pred_bboxes, target_bboxes, tcls_pad, pidx_pad, tgt_pad):
    B, Q, C = logits.shape
    info = plsc.get_sparse_core_info()
    nw = info.num_cores * info.num_subcores
    bpw = B // nw
    logits_flat = logits.reshape(-1)
    pbox_flat = pred_bboxes.reshape(B, Q * 4)
    tbox_flat = target_bboxes.reshape(B, 400)
    mesh = plsc.VectorSubcoreMesh(core_axis_name="c", subcore_axis_name="s")

    @functools.partial(
        pl.kernel, mesh=mesh,
        compiler_params=pltpu.CompilerParams(needs_layout_passes=False, skip_device_barrier=True),
        out_type=jax.ShapeDtypeStruct((2, nw, _L), jnp.float32),
        scratch_types=[
            pltpu.VMEM((_NPAD,), jnp.int32),
            pltpu.VMEM((_NPAD,), jnp.int32),
            pltpu.VMEM((_NPAD,), jnp.float32),
            pltpu.VMEM((_NPAD,), jnp.int32),
            pltpu.VMEM((_NPAD,), jnp.int32),
            pltpu.VMEM((_NPAD,), jnp.float32),
            pltpu.VMEM((_NPAD,), jnp.float32),
            pltpu.VMEM((Q * 4,), jnp.float32),
            pltpu.VMEM((400,), jnp.float32),
            pltpu.VMEM((_MAPW,), jnp.float32),
            pltpu.VMEM((_L,), jnp.float32),
            pltpu.VMEM((_L,), jnp.float32),
            pltpu.SemaphoreType.DMA,
        ],
    )
    def sc(logits_hbm, pbox_hbm, tbox_hbm, tcls_hbm, pidx_hbm, tgt_hbm,
           out_hbm, pidx_v, tg_v, tclsf_v, cidx_v, c91_v, xc_v, x91_v, pbox_v,
           tbox_v, map_v, part0_v, part1_v, sem):
        wid = lax.axis_index("s") * info.num_cores + lax.axis_index("c")
        zero = jnp.zeros((_L,), jnp.float32)
        acc_corr = zero
        acc_l1 = zero
        for i in range(bpw):
            b = wid * bpw + i
            pltpu.sync_copy(pidx_hbm.at[b], pidx_v)
            pltpu.sync_copy(tgt_hbm.at[b], tg_v)
            pltpu.sync_copy(tcls_hbm.at[b], tclsf_v)
            pltpu.sync_copy(pbox_hbm.at[b], pbox_v)
            pltpu.sync_copy(tbox_hbm.at[b], tbox_v)
            row0 = b * (Q * C)
            for j in range(_NPAD // _L):
                sl = pl.ds(j * _L, _L)
                p = pidx_v[sl]
                t = tg_v[sl]
                c = plsc.load_gather(tclsf_v, [t]).astype(jnp.int32)
                off = p * C + row0
                cidx_v[sl] = off + c
                c91_v[sl] = off + _NUM_CLASSES
            pltpu.async_copy(logits_hbm.at[cidx_v], xc_v, sem).wait()
            pltpu.async_copy(logits_hbm.at[c91_v], x91_v, sem).wait()
            for j in range(_MAPW // _L):
                map_v[pl.ds(j * _L, _L)] = zero
            for j in range(_NPAD // _L):
                sl = pl.ds(j * _L, _L)
                lane = lax.iota(jnp.int32, _L) + (j * _L)
                valid = lane < 100
                p = pidx_v[sl]
                t = tg_v[sl]
                v = _NO_CLASS_WEIGHT * x91_v[sl] - xc_v[sl]
                plsc.store_scatter(map_v, [p], v, mask=valid)
                p4 = p * 4
                t4 = t * 4
                for k in range(4):
                    bp = plsc.load_gather(pbox_v, [p4 + k])
                    bt = plsc.load_gather(tbox_v, [t4 + k])
                    acc_l1 = acc_l1 + jnp.where(valid, jnp.abs(bp - bt), 0.0)
            msum = zero
            for j in range(_MAPW // _L):
                msum = msum + map_v[pl.ds(j * _L, _L)]
            acc_corr = acc_corr + msum
        part0_v[...] = acc_corr
        part1_v[...] = acc_l1
        pltpu.sync_copy(part0_v, out_hbm.at[0, wid])
        pltpu.sync_copy(part1_v, out_hbm.at[1, wid])

    return sc(logits_flat, pbox_flat, tbox_flat, tcls_pad, pidx_pad,
              tgt_pad)


@jax.jit
def _detr_loss(logits, pred_bboxes, target_bboxes, target_classes, pred_idx,
               tgt_idx):
    B, Q, C = logits.shape
    N = pred_idx.shape[1]
    pad = ((0, 0), (0, _NPAD - N))
    pidx_pad = jnp.pad(pred_idx.astype(jnp.int32), pad)
    tgt_pad = jnp.pad(tgt_idx.astype(jnp.int32), pad)
    tcls_pad = jnp.pad(target_classes.astype(jnp.float32), pad)

    tc_out = _tc_call(logits, pred_idx)
    sc_out = _sc_call(logits, pred_bboxes, target_bboxes, tcls_pad, pidx_pad,
                      tgt_pad)
    csum = tc_out[0, 0] + jnp.sum(sc_out[0])
    l1_mean = jnp.sum(sc_out[1]) / jnp.float32(B * N * 4)
    return csum / tc_out[0, 1] + _LAMBDA_L1 * l1_mean


def kernel(logits, pred_bboxes, target_bboxes, target_classes, pred_idx, tgt_idx):
    return _detr_loss(logits, pred_bboxes, target_bboxes, target_classes,
                      pred_idx, tgt_idx)

# --- scband reference (transcript-rebuilt; emitter-appended) ---
"""Pipeline reference for scband-detrloss-59442347376808 (READ-ONLY COPY).

The authoritative reference and input builder live on the scoring server;
editing this copy changes nothing except your own understanding.
"""

import jax, jax.numpy as jnp
import numpy as np

LAMBDA_CLASSES = 1.0
LAMBDA_L1 = 5.0
NUM_CLASSES = 91
NO_CLASS_WEIGHT = 0.1


def setup_inputs(seed: int = 0) -> dict:
    key = jax.random.key(seed)
    k1, k2, k3, k4, k5, k6 = jax.random.split(key, 6)
    B, Q, C, N = 64, 900, NUM_CLASSES + 1, 100
    return {
        "logits": jax.random.normal(k1, (B, Q, C), dtype=jnp.float32),
        "pred_bboxes": jax.random.uniform(k2, (B, Q, 4), dtype=jnp.float32),
        "target_bboxes": jax.random.uniform(k3, (B, N, 4), dtype=jnp.float32),
        "target_classes": jax.random.randint(k4, (B, N), 0, NUM_CLASSES),
        "pred_idx": jax.random.randint(k5, (B, N), 0, Q),
        "tgt_idx": jax.random.randint(k6, (B, N), 0, N),
    }


def _forward(logits, pred_bboxes, target_bboxes, target_classes, pred_idx, tgt_idx):
    B, Q, C = logits.shape
    N = pred_idx.shape[1]
    no_class = NUM_CLASSES
    # Flatten Hungarian-matched indices (mirrors torch.cat over per-batch tuples)
    batch_idx = jnp.repeat(jnp.arange(B), N)
    pred_idx_flat = pred_idx.reshape(-1)
    # target classes gathered by match order J: labels[b]['classes'][J]
    tgt_cls = jnp.take_along_axis(target_classes, tgt_idx, axis=1).reshape(-1)
    # all_target_classes: filled with no-object class, matched slots overwritten
    all_target = jnp.full((B, Q), no_class, dtype=jnp.int32)
    all_target = all_target.at[batch_idx, pred_idx_flat].set(tgt_cls.astype(jnp.int32))
    # weighted cross entropy (PyTorch semantics: sum(w*nll)/sum(w))
    weights = jnp.ones((no_class + 1,), dtype=logits.dtype).at[no_class].set(NO_CLASS_WEIGHT)
    log_probs = jax.nn.log_softmax(logits, axis=-1)
    nll = -jnp.take_along_axis(log_probs, all_target[..., None], axis=-1)[..., 0]
    w = weights[all_target]
    class_loss = jnp.sum(w * nll) / jnp.sum(w)
    # L1 bbox loss on matched pairs
    boxes_pred = pred_bboxes[batch_idx, pred_idx_flat]
    boxes_lbl = jnp.take_along_axis(target_bboxes, tgt_idx[..., None], axis=1).reshape(-1, 4)
    l1_loss = jnp.mean(jnp.abs(boxes_pred - boxes_lbl))
    return class_loss * LAMBDA_CLASSES + l1_loss * LAMBDA_L1


def reference(logits, pred_bboxes, target_bboxes, target_classes, pred_idx, tgt_idx):
    return _forward(logits, pred_bboxes, target_bboxes, target_classes, pred_idx, tgt_idx)

if __name__ == "__main__":
    import jax
    _d = setup_inputs()
    print(jax.jit(kernel)(*tuple(_d.values())))

</pallas_src>

<mosaic_0001>
#map = affine_map<(d0, d1) -> (0)>
#map1 = affine_map<(d0, d1) -> (0, 0)>
#map2 = affine_map<(d0, d1) -> (0, 0, 0)>
module attributes {stable_mosaic.version = 14 : i64} {
  func.func @sc(%arg0: i32, %arg1: i32, %arg2: memref<5299200xf32, #tpu.memory_space<hbm>>, %arg3: memref<64x3600xf32, #tpu.memory_space<hbm>>, %arg4: memref<64x400xf32, #tpu.memory_space<hbm>>, %arg5: memref<64x112xf32, #tpu.memory_space<hbm>>, %arg6: memref<64x112xi32, #tpu.memory_space<hbm>>, %arg7: memref<64x112xi32, #tpu.memory_space<hbm>>, %arg8: memref<2x32x16xf32, #tpu.memory_space<hbm>>, %arg9: memref<112xi32, #tpu.memory_space<vmem>>, %arg10: memref<112xi32, #tpu.memory_space<vmem>>, %arg11: memref<112xf32, #tpu.memory_space<vmem>>, %arg12: memref<112xi32, #tpu.memory_space<vmem>>, %arg13: memref<112xi32, #tpu.memory_space<vmem>>, %arg14: memref<112xf32, #tpu.memory_space<vmem>>, %arg15: memref<112xf32, #tpu.memory_space<vmem>>, %arg16: memref<3600xf32, #tpu.memory_space<vmem>>, %arg17: memref<400xf32, #tpu.memory_space<vmem>>, %arg18: memref<912xf32, #tpu.memory_space<vmem>>, %arg19: memref<16xf32, #tpu.memory_space<vmem>>, %arg20: memref<16xf32, #tpu.memory_space<vmem>>, %arg21: memref<!tpu.dma_semaphore, #tpu.memory_space<semaphore_mem>>) attributes {dimension_semantics = [#tpu.dimension_semantics<core_parallel>, #tpu.dimension_semantics<subcore_parallel>], iteration_bounds = array<i64: 2, 16>, scalar_prefetch = 0 : i64, scratch_operands = 13 : i64, tpu.core_type = #tpu.core_type<sc_vector_subcore>, window_params = [{transform_indices = #map}, {transform_indices = #map1}, {transform_indices = #map1}, {transform_indices = #map1}, {transform_indices = #map1}, {transform_indices = #map1}, {transform_indices = #map2}]} {
    %mul3A = arith.constant 2 : i32
    %mul3A_0 = arith.muli %arg1, %mul3A : i32
    %add3A = arith.addi %mul3A_0, %arg0 : i32
    %broadcast_in_dim3A = arith.constant 0.000000e+00 : f32
    %broadcast_in_dim3A_1 = vector.broadcast %broadcast_in_dim3A : f32 to vector<16xf32>
    %mul3A_2 = arith.constant 2 : i32
    %mul3A_3 = arith.muli %add3A, %mul3A_2 : i32
    %add3A_4 = arith.constant 0 : i32
    %add3A_5 = arith.addi %mul3A_3, %add3A_4 : i32
    "tpu.region"() ({
      %run_scoped3A_1995 = tpu.sem_alloc : memref<!tpu.dma_semaphore, #tpu.memory_space<semaphore_mem>>
      %dma_start3A_1996 = arith.constant 0 : i32
      %dma_start3A_1997 = tpu.memref_slice %arg6[%add3A_5, %dma_start3A_1996] : memref<64x112xi32, #tpu.memory_space<hbm>> -> memref<1x112xi32, #tpu.memory_space<hbm>>
      %dma_start3A_1998 = tpu.memref_squeeze %dma_start3A_1997 : memref<1x112xi32, #tpu.memory_space<hbm>> -> memref<112xi32, #tpu.memory_space<hbm>>
      %dma_start3A_1999 = arith.constant 0 : i32
      %dma_start3A_2000 = tpu.memref_slice %arg6[%add3A_5, %dma_start3A_1999] : memref<64x112xi32, #tpu.memory_space<hbm>> -> memref<1x112xi32, #tpu.memory_space<hbm>>
      %dma_start3A_2001 = tpu.memref_squeeze %dma_start3A_2000 : memref<1x112xi32, #tpu.memory_space<hbm>> -> memref<112xi32, #tpu.memory_space<hbm>>
      tpu.enqueue_dma source(%dma_start3A_2001 : memref<112xi32, #tpu.memory_space<hbm>>) target(%arg9 : memref<112xi32, #tpu.memory_space<vmem>>) target_semaphore(%run_scoped3A_1995 : memref<!tpu.dma_semaphore, #tpu.memory_space<semaphore_mem>>)
      %dma_wait3A_2002 = arith.constant 0 : i32
      %dma_wait3A_2003 = tpu.memref_slice %arg6[%add3A_5, %dma_wait3A_2002] : memref<64x112xi32, #tpu.memory_space<hbm>> -> memref<1x112xi32, #tpu.memory_space<hbm>>
      %dma_wait3A_2004 = tpu.memref_squeeze %dma_wait3A_2003 : memref<1x112xi32, #tpu.memory_space<hbm>> -> memref<112xi32, #tpu.memory_space<hbm>>
      %dma_wait3A_2005 = arith.constant 0 : i32
      %dma_wait3A_2006 = tpu.memref_slice %arg6[%add3A_5, %dma_wait3A_2005] : memref<64x112xi32, #tpu.memory_space<hbm>> -> memref<1x112xi32, #tpu.memory_space<hbm>>
      %dma_wait3A_2007 = tpu.memref_squeeze %dma_wait3A_2006 : memref<1x112xi32, #tpu.memory_space<hbm>> -> memref<112xi32, #tpu.memory_space<hbm>>
      tpu.wait_dma2 semaphore(%run_scoped3A_1995 : memref<!tpu.dma_semaphore, #tpu.memory_space<semaphore_mem>>) src(%dma_wait3A_2007 : memref<112xi32, #tpu.memory_space<hbm>>) dst(%arg9 : memref<112xi32, #tpu.memory_space<vmem>>)
      tpu.yield
    }) : () -> ()
    "tpu.region"() ({
      %run_scoped3A_1995 = tpu.sem_alloc : memref<!tpu.dma_semaphore, #tpu.memory_space<semaphore_mem>>
      %dma_start3A_1996 = arith.constant 0 : i32
      %dma_start3A_1997 = tpu.memref_slice %arg7[%add3A_5, %dma_start3A_1996] : memref<64x112xi32, #tpu.memory_space<hbm>> -> memref<1x112xi32, #tpu.memory_space<hbm>>
      %dma_start3A_1998 = tpu.memref_squeeze %dma_start3A_1997 : memref<1x112xi32, #tpu.memory_space<hbm>> -> memref<112xi32, #tpu.memory_space<hbm>>
      %dma_start3A_1999 = arith.constant 0 : i32
      %dma_start3A_2000 = tpu.memref_slice %arg7[%add3A_5, %dma_start3A_1999] : memref<64x112xi32, #tpu.memory_space<hbm>> -> memref<1x112xi32, #tpu.memory_space<hbm>>
      %dma_start3A_2001 = tpu.memref_squeeze %dma_start3A_2000 : memref<1x112xi32, #tpu.memory_space<hbm>> -> memref<112xi32, #tpu.memory_space<hbm>>
      tpu.enqueue_dma source(%dma_start3A_2001 : memref<112xi32, #tpu.memory_space<hbm>>) target(%arg10 : memref<112xi32, #tpu.memory_space<vmem>>) target_semaphore(%run_scoped3A_1995 : memref<!tpu.dma_semaphore, #tpu.memory_space<semaphore_mem>>)
      %dma_wait3A_2002 = arith.constant 0 : i32
      %dma_wait3A_2003 = tpu.memref_slice %arg7[%add3A_5, %dma_wait3A_2002] : memref<64x112xi32, #tpu.memory_space<hbm>> -> memref<1x112xi32, #tpu.memory_space<hbm>>
      %dma_wait3A_2004 = tpu.memref_squeeze %dma_wait3A_2003 : memref<1x112xi32, #tpu.memory_space<hbm>> -> memref<112xi32, #tpu.memory_space<hbm>>
      %dma_wait3A_2005 = arith.constant 0 : i32
      %dma_wait3A_2006 = tpu.memref_slice %arg7[%add3A_5, %dma_wait3A_2005] : memref<64x112xi32, #tpu.memory_space<hbm>> -> memref<1x112xi32, #tpu.memory_space<hbm>>
      %dma_wait3A_2007 = tpu.memref_squeeze %dma_wait3A_2006 : memref<1x112xi32, #tpu.memory_space<hbm>> -> memref<112xi32, #tpu.memory_space<hbm>>
      tpu.wait_dma2 semaphore(%run_scoped3A_1995 : memref<!tpu.dma_semaphore, #tpu.memory_space<semaphore_mem>>) src(%dma_wait3A_2007 : memref<112xi32, #tpu.memory_space<hbm>>) dst(%arg10 : memref<112xi32, #tpu.memory_space<vmem>>)
      tpu.yield
    }) : () -> ()
    "tpu.region"() ({
      %run_scoped3A_1995 = tpu.sem_alloc : memref<!tpu.dma_semaphore, #tpu.memory_space<semaphore_mem>>
      %dma_start3A_1996 = arith.constant 0 : i32
      %dma_start3A_1997 = tpu.memref_slice %arg5[%add3A_5, %dma_start3A_1996] : memref<64x112xf32, #tpu.memory_space<hbm>> -> memref<1x112xf32, #tpu.memory_space<hbm>>
      %dma_start3A_1998 = tpu.memref_squeeze %dma_start3A_1997 : memref<1x112xf32, #tpu.memory_space<hbm>> -> memref<112xf32, #tpu.memory_space<hbm>>
      %dma_start3A_1999 = arith.constant 0 : i32
      %dma_start3A_2000 = tpu.memref_slice %arg5[%add3A_5, %dma_start3A_1999] : memref<64x112xf32, #tpu.memory_space<hbm>> -> memref<1x112xf32, #tpu.memory_space<hbm>>
      %dma_start3A_2001 = tpu.memref_squeeze %dma_start3A_2000 : memref<1x112xf32, #tpu.memory_space<hbm>> -> memref<112xf32, #tpu.memory_space<hbm>>
      tpu.enqueue_dma source(%dma_start3A_2001 : memref<112xf32, #tpu.memory_space<hbm>>) target(%arg11 : memref<112xf32, #tpu.memory_space<vmem>>) target_semaphore(%run_scoped3A_1995 : memref<!tpu.dma_semaphore, #tpu.memory_space<semaphore_mem>>)
      %dma_wait3A_2002 = arith.constant 0 : i32
      %dma_wait3A_2003 = tpu.memref_slice %arg5[%add3A_5, %dma_wait3A_2002] : memref<64x112xf32, #tpu.memory_space<hbm>> -> memref<1x112xf32, #tpu.memory_space<hbm>>
      %dma_wait3A_2004 = tpu.memref_squeeze %dma_wait3A_2003 : memref<1x112xf32, #tpu.memory_space<hbm>> -> memref<112xf32, #tpu.memory_space<hbm>>
      %dma_wait3A_2005 = arith.constant 0 : i32
      %dma_wait3A_2006 = tpu.memref_slice %arg5[%add3A_5, %dma_wait3A_2005] : memref<64x112xf32, #tpu.memory_space<hbm>> -> memref<1x112xf32, #tpu.memory_space<hbm>>
      %dma_wait3A_2007 = tpu.memref_squeeze %dma_wait3A_2006 : memref<1x112xf32, #tpu.memory_space<hbm>> -> memref<112xf32, #tpu.memory_space<hbm>>
      tpu.wait_dma2 semaphore(%run_scoped3A_1995 : memref<!tpu.dma_semaphore, #tpu.memory_space<semaphore_mem>>) src(%dma_wait3A_2007 : memref<112xf32, #tpu.memory_space<hbm>>) dst(%arg11 : memref<112xf32, #tpu.memory_space<vmem>>)
      tpu.yield
    }) : () -> ()
    "tpu.region"() ({
      %run_scoped3A_1995 = tpu.sem_alloc : memref<!tpu.dma_semaphore, #tpu.memory_space<semaphore_mem>>
      %dma_start3A_1996 = arith.constant 0 : i32
      %dma_start3A_1997 = tpu.memref_slice %arg3[%add3A_5, %dma_start3A_1996] : memref<64x3600xf32, #tpu.memory_space<hbm>> -> memref<1x3600xf32, #tpu.memory_space<hbm>>
      %dma_start3A_1998 = tpu.memref_squeeze %dma_start3A_1997 : memref<1x3600xf32, #tpu.memory_space<hbm>> -> memref<3600xf32, #tpu.memory_space<hbm>>
      %dma_start3A_1999 = arith.constant 0 : i32
      %dma_start3A_2000 = tpu.memref_slice %arg3[%add3A_5, %dma_start3A_1999] : memref<64x3600xf32, #tpu.memory_space<hbm>> -> memref<1x3600xf32, #tpu.memory_space<hbm>>
      %dma_start3A_2001 = tpu.memref_squeeze %dma_start3A_2000 : memref<1x3600xf32, #tpu.memory_space<hbm>> -> memref<3600xf32, #tpu.memory_space<hbm>>
      tpu.enqueue_dma source(%dma_start3A_2001 : memref<3600xf32, #tpu.memory_space<hbm>>) target(%arg16 : memref<3600xf32, #tpu.memory_space<vmem>>) target_semaphore(%run_scoped3A_1995 : memref<!tpu.dma_semaphore, #tpu.memory_space<semaphore_mem>>)
      %dma_wait3A_2002 = arith.constant 0 : i32
      %dma_wait3A_2003 = tpu.memref_slice %arg3[%add3A_5, %dma_wait3A_2002] : memref<64x3600xf32, #tpu.memory_space<hbm>> -> memref<1x3600xf32, #tpu.memory_space<hbm>>
      %dma_wait3A_2004 = tpu.memref_squeeze %dma_wait3A_2003 : memref<1x3600xf32, #tpu.memory_space<hbm>> -> memref<3600xf32, #tpu.memory_space<hbm>>
      %dma_wait3A_2005 = arith.constant 0 : i32
      %dma_wait3A_2006 = tpu.memref_slice %arg3[%add3A_5, %dma_wait3A_2005] : memref<64x3600xf32, #tpu.memory_space<hbm>> -> memref<1x3600xf32, #tpu.memory_space<hbm>>
      %dma_wait3A_2007 = tpu.memref_squeeze %dma_wait3A_2006 : memref<1x3600xf32, #tpu.memory_space<hbm>> -> memref<3600xf32, #tpu.memory_space<hbm>>
      tpu.wait_dma2 semaphore(%run_scoped3A_1995 : memref<!tpu.dma_semaphore, #tpu.memory_space<semaphore_mem>>) src(%dma_wait3A_2007 : memref<3600xf32, #tpu.memory_space<hbm>>) dst(%arg16 : memref<3600xf32, #tpu.memory_space<vmem>>)
      tpu.yield
    }) : () -> ()
    "tpu.region"() ({
      %run_scoped3A_1995 = tpu.sem_alloc : memref<!tpu.dma_semaphore, #tpu.memory_space<semaphore_mem>>
      %dma_start3A_1996 = arith.constant 0 : i32
      %dma_start3A_1997 = tpu.memref_slice %arg4[%add3A_5, %dma_start3A_1996] : memref<64x400xf32, #tpu.memory_space<hbm>> -> memref<1x400xf32, #tpu.memory_space<hbm>>
      %dma_start3A_1998 = tpu.memref_squeeze %dma_start3A_1997 : memref<1x400xf32, #tpu.memory_space<hbm>> -> memref<400xf32, #tpu.memory_space<hbm>>
      %dma_start3A_1999 = arith.constant 0 : i32
      %dma_start3A_2000 = tpu.memref_slice %arg4[%add3A_5, %dma_start3A_1999] : memref<64x400xf32, #tpu.memory_space<hbm>> -> memref<1x400xf32, #tpu.memory_space<hbm>>
      %dma_start3A_2001 = tpu.memref_squeeze %dma_start3A_2000 : memref<1x400xf32, #tpu.memory_space<hbm>> -> memref<400xf32, #tpu.memory_space<hbm>>
      tpu.enqueue_dma source(%dma_start3A_2001 : memref<400xf32, #tpu.memory_space<hbm>>) target(%arg17 : memref<400xf32, #tpu.memory_space<vmem>>) target_semaphore(%run_scoped3A_1995 : memref<!tpu.dma_semaphore, #tpu.memory_space<semaphore_mem>>)
      %dma_wait3A_2002 = arith.constant 0 : i32
      %dma_wait3A_2003 = tpu.memref_slice %arg4[%add3A_5, %dma_wait3A_2002] : memref<64x400xf32, #tpu.memory_space<hbm>> -> memref<1x400xf32, #tpu.memory_space<hbm>>
      %dma_wait3A_2004 = tpu.memref_squeeze %dma_wait3A_2003 : memref<1x400xf32, #tpu.memory_space<hbm>> -> memref<400xf32, #tpu.memory_space<hbm>>
      %dma_wait3A_2005 = arith.constant 0 : i32
      %dma_wait3A_2006 = tpu.memref_slice %arg4[%add3A_5, %dma_wait3A_2005] : memref<64x400xf32, #tpu.memory_space<hbm>> -> memref<1x400xf32, #tpu.memory_space<hbm>>
      %dma_wait3A_2007 = tpu.memref_squeeze %dma_wait3A_2006 : memref<1x400xf32, #tpu.memory_space<hbm>> -> memref<400xf32, #tpu.memory_space<hbm>>
      tpu.wait_dma2 semaphore(%run_scoped3A_1995 : memref<!tpu.dma_semaphore, #tpu.memory_space<semaphore_mem>>) src(%dma_wait3A_2007 : memref<400xf32, #tpu.memory_space<hbm>>) dst(%arg17 : memref<400xf32, #tpu.memory_space<vmem>>)
      tpu.yield
    }) : () -> ()
    %mul3A_6 = arith.constant 82800 : i32
    %mul3A_7 = arith.muli %add3A_5, %mul3A_6 : i32
    %get3A = arith.constant 0 : index
    %get3A_8 = tpu.vector_load %arg9[%get3A] {strides = array<i32>} : memref<112xi32, #tpu.memory_space<vmem>>, vector<16xi32>,
    %get3A_9 = arith.constant 0 : index
    %get3A_10 = tpu.vector_load %arg10[%get3A_9] {strides = array<i32>} : memref<112xi32, #tpu.memory_space<vmem>>, vector<16xi32>,
    %gather3A = tpu.vector_load_idx %arg11[%get3A_10] : memref<112xf32, #tpu.memory_space<vmem>>[vector<16xi32>], vector<16xf32>,
    %convert_element_type3A = arith.fptosi %gather3A : vector<16xf32> to vector<16xi32>
    %mul3A_11 = arith.constant 92 : i32
    %mul3A_12 = vector.broadcast %mul3A_11 : i32 to vector<16xi32>
    %mul3A_13 = arith.muli %get3A_8, %mul3A_12 : vector<16xi32>
    %add3A_14 = vector.broadcast %mul3A_7 : i32 to vector<16xi32>
    %add3A_15 = arith.addi %mul3A_13, %add3A_14 : vector<16xi32>
    %add3A_16 = arith.addi %add3A_15, %convert_element_type3A : vector<16xi32>
    %swap3A = arith.constant 0 : index
    %swap3A_17 = tpu.vector_load %arg12[%swap3A] {strides = array<i32>} : memref<112xi32, #tpu.memory_space<vmem>>, vector<16xi32>,
    tpu.vector_store %arg12[%swap3A], %add3A_16 {strides = array<i32>} : memref<112xi32, #tpu.memory_space<vmem>>, vector<16xi32>,
    %add3A_18 = arith.constant 91 : i32
    %add3A_19 = vector.broadcast %add3A_18 : i32 to vector<16xi32>
    %add3A_20 = arith.addi %add3A_15, %add3A_19 : vector<16xi32>
    %swap3A_21 = arith.constant 0 : index
    %swap3A_22 = tpu.vector_load %arg13[%swap3A_21] {strides = array<i32>} : memref<112xi32, #tpu.memory_space<vmem>>, vector<16xi32>,
    tpu.vector_store %arg13[%swap3A_21], %add3A_20 {strides = array<i32>} : memref<112xi32, #tpu.memory_space<vmem>>, vector<16xi32>,
    %get3A_23 = arith.constant 16 : index
    %get3A_24 = tpu.vector_load %arg9[%get3A_23] {strides = array<i32>} : memref<112xi32, #tpu.memory_space<vmem>>, vector<16xi32>,
    %get3A_25 = arith.constant 16 : index
    %get3A_26 = tpu.vector_load %arg10[%get3A_25] {strides = array<i32>} : memref<112xi32, #tpu.memory_space<vmem>>, vector<16xi32>,
    %gather3A_27 = tpu.vector_load_idx %arg11[%get3A_26] : memref<112xf32, #tpu.memory_space<vmem>>[vector<16xi32>], vector<16xf32>,
    %convert_element_type3A_28 = arith.fptosi %gather3A_27 : vector<16xf32> to vector<16xi32>
    %mul3A_29 = arith.constant 92 : i32
    %mul3A_30 = vector.broadcast %mul3A_29 : i32 to vector<16xi32>
    %mul3A_31 = arith.muli %get3A_24, %mul3A_30 : vector<16xi32>
    %add3A_32 = vector.broadcast %mul3A_7 : i32 to vector<16xi32>
    %add3A_33 = arith.addi %mul3A_31, %add3A_32 : vector<16xi32>
    %add3A_34 = arith.addi %add3A_33, %convert_element_type3A_28 : vector<16xi32>
    %swap3A_35 = arith.constant 16 : index
    %swap3A_36 = tpu.vector_load %arg12[%swap3A_35] {strides = array<i32>} : memref<112xi32, #tpu.memory_space<vmem>>, vector<16xi32>,
    tpu.vector_store %arg12[%swap3A_35], %add3A_34 {strides = array<i32>} : memref<112xi32, #tpu.memory_space<vmem>>, vector<16xi32>,
    %add3A_37 = arith.constant 91 : i32
    %add3A_38 = vector.broadcast %add3A_37 : i32 to vector<16xi32>
    %add3A_39 = arith.addi %add3A_33, %add3A_38 : vector<16xi32>
    %swap3A_40 = arith.constant 16 : index
    %swap3A_41 = tpu.vector_load %arg13[%swap3A_40] {strides = array<i32>} : memref<112xi32, #tpu.memory_space<vmem>>, vector<16xi32>,
    tpu.vector_store %arg13[%swap3A_40], %add3A_39 {strides = array<i32>} : memref<112xi32, #tpu.memory_space<vmem>>, vector<16xi32>,
    %get3A_42 = arith.constant 32 : index
    %get3A_43 = tpu.vector_load %arg9[%get3A_42] {strides = array<i32>} : memref<112xi32, #tpu.memory_space<vmem>>, vector<16xi32>,
    %get3A_44 = arith.constant 32 : index
    %get3A_45 = tpu.vector_load %arg10[%get3A_44] {strides = array<i32>} : memref<112xi32, #tpu.memory_space<vmem>>, vector<16xi32>,
    %gather3A_46 = tpu.vector_load_idx %arg11[%get3A_45] : memref<112xf32, #tpu.memory_space<vmem>>[vector<16xi32>], vector<16xf32>,
    %convert_element_type3A_47 = arith.fptosi %gather3A_46 : vector<16xf32> to vector<16xi32>
    %mul3A_48 = arith.constant 92 : i32
    %mul3A_49 = vector.broadcast %mul3A_48 : i32 to vector<16xi32>
    %mul3A_50 = arith.muli %get3A_43, %mul3A_49 : vector<16xi32>
    %add3A_51 = vector.broadcast %mul3A_7 : i32 to vector<16xi32>
    %add3A_52 = arith.addi %mul3A_50, %add3A_51 : vector<16xi32>
    %add3A_53 = arith.addi %add3A_52, %convert_element_type3A_47 : vector<16xi32>
    %swap3A_54 = arith.constant 32 : index
    %swap3A_55 = tpu.vector_load %arg12[%swap3A_54] {strides = array<i32>} : memref<112xi32, #tpu.memory_space<vmem>>, vector<16xi32>,
    tpu.vector_store %arg12[%swap3A_54], %add3A_53 {strides = array<i32>} : memref<112xi32, #tpu.memory_space<vmem>>, vector<16xi32>,
    %add3A_56 = arith.constant 91 : i32
    %add3A_57 = vector.broadcast %add3A_56 : i32 to vector<16xi32>
    %add3A_58 = arith.addi %add3A_52, %add3A_57 : vector<16xi32>
    %swap3A_59 = arith.constant 32 : index
    %swap3A_60 = tpu.vector_load %arg13[%swap3A_59] {strides = array<i32>} : memref<112xi32, #tpu.memory_space<vmem>>, vector<16xi32>,
    tpu.vector_store %arg13[%swap3A_59], %add3A_58 {strides = array<i32>} : memref<112xi32, #tpu.memory_space<vmem>>, vector<16xi32>,
    %get3A_61 = arith.constant 48 : index
    %get3A_62 = tpu.vector_load %arg9[%get3A_61] {strides = array<i32>} : memref<112xi32, #tpu.memory_space<vmem>>, vector<16xi32>,
    %get3A_63 = arith.constant 48 : index
    %get3A_64 = tpu.vector_load %arg10[%get3A_63] {strides = array<i32>} : memref<112xi32, #tpu.memory_space<vmem>>, vector<16xi32>,
    %gather3A_65 = tpu.vector_load_idx %arg11[%get3A_64] : memref<112xf32, #tpu.memory_space<vmem>>[vector<16xi32>], vector<16xf32>,
    %convert_element_type3A_66 = arith.fptosi %gather3A_65 : vector<16xf32> to vector<16xi32>
    %mul3A_67 = arith.constant 92 : i32
    %mul3A_68 = vector.broadcast %mul3A_67 : i32 to vector<16xi32>
    %mul3A_69 = arith.muli %get3A_62, %mul3A_68 : vector<16xi32>
    %add3A_70 = vector.broadcast %mul3A_7 : i32 to vector<16xi32>
    %add3A_71 = arith.addi %mul3A_69, %add3A_70 : vector<16xi32>
    %add3A_72 = arith.addi %add3A_71, %convert_element_type3A_66 : vector<16xi32>
    %swap3A_73 = arith.constant 48 : index
    %swap3A_74 = tpu.vector_load %arg12[%swap3A_73] {strides = array<i32>} : memref<112xi32, #tpu.memory_space<vmem>>, vector<16xi32>,
    tpu.vector_store %arg12[%swap3A_73], %add3A_72 {strides = array<i32>} : memref<112xi32, #tpu.memory_space<vmem>>, vector<16xi32>,
    %add3A_75 = arith.constant 91 : i32
    %add3A_76 = vector.broadcast %add3A_75 : i32 to vector<16xi32>
    %add3A_77 = arith.addi %add3A_71, %add3A_76 : vector<16xi32>
    %swap3A_78 = arith.constant 48 : index
    %swap3A_79 = tpu.vector_load %arg13[%swap3A_78] {strides = array<i32>} : memref<112xi32, #tpu.memory_space<vmem>>, vector<16xi32>,
    tpu.vector_store %arg13[%swap3A_78], %add3A_77 {strides = array<i32>} : memref<112xi32, #tpu.memory_space<vmem>>, vector<16xi32>,
    %get3A_80 = arith.constant 64 : index
    %get3A_81 = tpu.vector_load %arg9[%get3A_80] {strides = array<i32>} : memref<112xi32, #tpu.memory_space<vmem>>, vector<16xi32>,
    %get3A_82 = arith.constant 64 : index
    %get3A_83 = tpu.vector_load %arg10[%get3A_82] {strides = array<i32>} : memref<112xi32, #tpu.memory_space<vmem>>, vector<16xi32>,
    %gather3A_84 = tpu.vector_load_idx %arg11[%get3A_83] : memref<112xf32, #tpu.memory_space<vmem>>[vector<16xi32>], vector<16xf32>,
    %convert_element_type3A_85 = arith.fptosi %gather3A_84 : vector<16xf32> to vector<16xi32>
    %mul3A_86 = arith.constant 92 : i32
    %mul3A_87 = vector.broadcast %mul3A_86 : i32 to vector<16xi32>
    %mul3A_88 = arith.muli %get3A_81, %mul3A_87 : vector<16xi32>
    %add3A_89 = vector.broadcast %mul3A_7 : i32 to vector<16xi32>
    %add3A_90 = arith.addi %mul3A_88, %add3A_89 : vector<16xi32>
    %add3A_91 = arith.addi %add3A_90, %convert_element_type3A_85 : vector<16xi32>
    %swap3A_92 = arith.constant 64 : index
    %swap3A_93 = tpu.vector_load %arg12[%swap3A_92] {strides = array<i32>} : memref<112xi32, #tpu.memory_space<vmem>>, vector<16xi32>,
    tpu.vector_store %arg12[%swap3A_92], %add3A_91 {strides = array<i32>} : memref<112xi32, #tpu.memory_space<vmem>>, vector<16xi32>,
    %add3A_94 = arith.constant 91 : i32
    %add3A_95 = vector.broadcast %add3A_94 : i32 to vector<16xi32>
    %add3A_96 = arith.addi %add3A_90, %add3A_95 : vector<16xi32>
    %swap3A_97 = arith.constant 64 : index
    %swap3A_98 = tpu.vector_load %arg13[%swap3A_97] {strides = array<i32>} : memref<112xi32, #tpu.memory_space<vmem>>, vector<16xi32>,
    tpu.vector_store %arg13[%swap3A_97], %add3A_96 {strides = array<i32>} : memref<112xi32, #tpu.memory_space<vmem>>, vector<16xi32>,
    %get3A_99 = arith.constant 80 : index
    %get3A_100 = tpu.vector_load %arg9[%get3A_99] {strides = array<i32>} : memref<112xi32, #tpu.memory_space<vmem>>, vector<16xi32>,
    %get3A_101 = arith.constant 80 : index
    %get3A_102 = tpu.vector_load %arg10[%get3A_101] {strides = array<i32>} : memref<112xi32, #tpu.memory_space<vmem>>, vector<16xi32>,
    %gather3A_103 = tpu.vector_load_idx %arg11[%get3A_102] : memref<112xf32, #tpu.memory_space<vmem>>[vector<16xi32>], vector<16xf32>,
    %convert_element_type3A_104 = arith.fptosi %gather3A_103 : vector<16xf32> to vector<16xi32>
    %mul3A_105 = arith.constant 92 : i32
    %mul3A_106 = vector.broadcast %mul3A_105 : i32 to vector<16xi32>
    %mul3A_107 = arith.muli %get3A_100, %mul3A_106 : vector<16xi32>
    %add3A_108 = vector.broadcast %mul3A_7 : i32 to vector<16xi32>
    %add3A_109 = arith.addi %mul3A_107, %add3A_108 : vector<16xi32>
    %add3A_110 = arith.addi %add3A_109, %convert_element_type3A_104 : vector<16xi32>
    %swap3A_111 = arith.constant 80 : index
    %swap3A_112 = tpu.vector_load %arg12[%swap3A_111] {strides = array<i32>} : memref<112xi32, #tpu.memory_space<vmem>>, vector<16xi32>,
    tpu.vector_store %arg12[%swap3A_111], %add3A_110 {strides = array<i32>} : memref<112xi32, #tpu.memory_space<vmem>>, vector<16xi32>,
    %add3A_113 = arith.constant 91 : i32
    %add3A_114 = vector.broadcast %add3A_113 : i32 to vector<16xi32>
    %add3A_115 = arith.addi %add3A_109, %add3A_114 : vector<16xi32>
    %swap3A_116 = arith.constant 80 : index
    %swap3A_117 = tpu.vector_load %arg13[%swap3A_116] {strides = array<i32>} : memref<112xi32, #tpu.memory_space<vmem>>, vector<16xi32>,
    tpu.vector_store %arg13[%swap3A_116], %add3A_115 {strides = array<i32>} : memref<112xi32, #tpu.memory_space<vmem>>, vector<16xi32>,
    %get3A_118 = arith.constant 96 : index
    %get3A_119 = tpu.vector_load %arg9[%get3A_118] {strides = array<i32>} : memref<112xi32, #tpu.memory_space<vmem>>, vector<16xi32>,
    %get3A_120 = arith.constant 96 : index
    %get3A_121 = tpu.vector_load %arg10[%get3A_120] {strides = array<i32>} : memref<112xi32, #tpu.memory_space<vmem>>, vector<16xi32>,
    %gather3A_122 = tpu.vector_load_idx %arg11[%get3A_121] : memref<112xf32, #tpu.memory_space<vmem>>[vector<16xi32>], vector<16xf32>,
    %convert_element_type3A_123 = arith.fptosi %gather3A_122 : vector<16xf32> to vector<16xi32>
    %mul3A_124 = arith.constant 92 : i32
    %mul3A_125 = vector.broadcast %mul3A_124 : i32 to vector<16xi32>
    %mul3A_126 = arith.muli %get3A_119, %mul3A_125 : vector<16xi32>
    %add3A_127 = vector.broadcast %mul3A_7 : i32 to vector<16xi32>
    %add3A_128 = arith.addi %mul3A_126, %add3A_127 : vector<16xi32>
    %add3A_129 = arith.addi %add3A_128, %convert_element_type3A_123 : vector<16xi32>
    %swap3A_130 = arith.constant 96 : index
    %swap3A_131 = tpu.vector_load %arg12[%swap3A_130] {strides = array<i32>} : memref<112xi32, #tpu.memory_space<vmem>>, vector<16xi32>,
    tpu.vector_store %arg12[%swap3A_130], %add3A_129 {strides = array<i32>} : memref<112xi32, #tpu.memory_space<vmem>>, vector<16xi32>,
    %add3A_132 = arith.constant 91 : i32
    %add3A_133 = vector.broadcast %add3A_132 : i32 to vector<16xi32>
    %add3A_134 = arith.addi %add3A_128, %add3A_133 : vector<16xi32>
    %swap3A_135 = arith.constant 96 : index
    %swap3A_136 = tpu.vector_load %arg13[%swap3A_135] {strides = array<i32>} : memref<112xi32, #tpu.memory_space<vmem>>, vector<16xi32>,
    tpu.vector_store %arg13[%swap3A_135], %add3A_134 {strides = array<i32>} : memref<112xi32, #tpu.memory_space<vmem>>, vector<16xi32>,
    %dma_start3A = arith.constant 0 : i32
    %dma_start3A_137 = tpu.memref_slice %arg2[%dma_start3A] : memref<5299200xf32, #tpu.memory_space<hbm>> -> memref<5299200xf32, #tpu.memory_space<hbm>>
    tpu.enqueue_indirect_dma source(%dma_start3A_137 : memref<5299200xf32, #tpu.memory_space<hbm>>) target(%arg14 : memref<112xf32, #tpu.memory_space<vmem>>) offsets(%arg12 : memref<112xi32, #tpu.memory_space<vmem>>) semaphore(%arg21 : memref<!tpu.dma_semaphore, #tpu.memory_space<semaphore_mem>>)
    %dma_wait3A = arith.constant 0 : i32
    %dma_wait3A_138 = tpu.memref_slice %arg2[%dma_wait3A] : memref<5299200xf32, #tpu.memory_space<hbm>> -> memref<5299200xf32, #tpu.memory_space<hbm>>
    tpu.wait_indirect_dma semaphore(%arg21 : memref<!tpu.dma_semaphore, #tpu.memory_space<semaphore_mem>>) src(%dma_wait3A_138 : memref<5299200xf32, #tpu.memory_space<hbm>>) dst(%arg14 : memref<112xf32, #tpu.memory_space<vmem>>)
    %dma_start3A_139 = arith.constant 0 : i32
    %dma_start3A_140 = tpu.memref_slice %arg2[%dma_start3A_139] : memref<5299200xf32, #tpu.memory_space<hbm>> -> memref<5299200xf32, #tpu.memory_space<hbm>>
    tpu.enqueue_indirect_dma source(%dma_start3A_140 : memref<5299200xf32, #tpu.memory_space<hbm>>) target(%arg15 : memref<112xf32, #tpu.memory_space<vmem>>) offsets(%arg13 : memref<112xi32, #tpu.memory_space<vmem>>) semaphore(%arg21 : memref<!tpu.dma_semaphore, #tpu.memory_space<semaphore_mem>>)
    %dma_wait3A_141 = arith.constant 0 : i32
    %dma_wait3A_142 = tpu.memref_slice %arg2[%dma_wait3A_141] : memref<5299200xf32, #tpu.memory_space<hbm>> -> memref<5299200xf32, #tpu.memory_space<hbm>>
    tpu.wait_indirect_dma semaphore(%arg21 : memref<!tpu.dma_semaphore, #tpu.memory_space<semaphore_mem>>) src(%dma_wait3A_142 : memref<5299200xf32, #tpu.memory_space<hbm>>) dst(%arg15 : memref<112xf32, #tpu.memory_space<vmem>>)
    %swap3A_143 = arith.constant 0 : index
    %swap3A_144 = tpu.vector_load %arg18[%swap3A_143] {strides = array<i32>} : memref<912xf32, #tpu.memory_space<vmem>>, vector<16xf32>,
    tpu.vector_store %arg18[%swap3A_143], %broadcast_in_dim3A_1 {strides = array<i32>} : memref<912xf32, #tpu.memory_space<vmem>>, vector<16xf32>,
    %swap3A_145 = arith.constant 16 : index
    %swap3A_146 = tpu.vector_load %arg18[%swap3A_145] {strides = array<i32>} : memref<912xf32, #tpu.memory_space<vmem>>, vector<16xf32>,
    tpu.vector_store %arg18[%swap3A_145], %broadcast_in_dim3A_1 {strides = array<i32>} : memref<912xf32, #tpu.memory_space<vmem>>, vector<16xf32>,
    %swap3A_147 = arith.constant 32 : index
    %swap3A_148 = tpu.vector_load %arg18[%swap3A_147] {strides = array<i32>} : memref<912xf32, #tpu.memory_space<vmem>>, vector<16xf32>,
    tpu.vector_store %arg18[%swap3A_147], %broadcast_in_dim3A_1 {strides = array<i32>} : memref<912xf32, #tpu.memory_space<vmem>>, vector<16xf32>,
    %swap3A_149 = arith.constant 48 : index
    %swap3A_150 = tpu.vector_load %arg18[%swap3A_149] {strides = array<i32>} : memref<912xf32, #tpu.memory_space<vmem>>, vector<16xf32>,
    tpu.vector_store %arg18[%swap3A_149], %broadcast_in_dim3A_1 {strides = array<i32>} : memref<912xf32, #tpu.memory_space<vmem>>, vector<16xf32>,
    %swap3A_151 = arith.constant 64 : index
    %swap3A_152 = tpu.vector_load %arg18[%swap3A_151] {strides = array<i32>} : memref<912xf32, #tpu.memory_space<vmem>>, vector<16xf32>,
    tpu.vector_store %arg18[%swap3A_151], %broadcast_in_dim3A_1 {strides = array<i32>} : memref<912xf32, #tpu.memory_space<vmem>>, vector<16xf32>,
    %swap3A_153 = arith.constant 80 : index
    %swap3A_154 = tpu.vector_load %arg18[%swap3A_153] {strides = array<i32>} : memref<912xf32, #tpu.memory_space<vmem>>, vector<16xf32>,
    tpu.vector_store %arg18[%swap3A_153], %broadcast_in_dim3A_1 {strides = array<i32>} : memref<912xf32, #tpu.memory_space<vmem>>, vector<16xf32>,
    %swap3A_155 = arith.constant 96 : index
    %swap3A_156 = tpu.vector_load %arg18[%swap3A_155] {strides = array<i32>} : memref<912xf32, #tpu.memory_space<vmem>>, vector<16xf32>,
    tpu.vector_store %arg18[%swap3A_155], %broadcast_in_dim3A_1 {strides = array<i32>} : memref<912xf32, #tpu.memory_space<vmem>>, vector<16xf32>,
    %swap3A_157 = arith.constant 112 : index
    %swap3A_158 = tpu.vector_load %arg18[%swap3A_157] {strides = array<i32>} : memref<912xf32, #tpu.memory_space<vmem>>, vector<16xf32>,
    tpu.vector_store %arg18[%swap3A_157], %broadcast_in_dim3A_1 {strides = array<i32>} : memref<912xf32, #tpu.memory_space<vmem>>, vector<16xf32>,
    %swap3A_159 = arith.constant 128 : index
    %swap3A_160 = tpu.vector_load %arg18[%swap3A_159] {strides = array<i32>} : memref<912xf32, #tpu.memory_space<vmem>>, vector<16xf32>,
    tpu.vector_store %arg18[%swap3A_159], %broadcast_in_dim3A_1 {strides = array<i32>} : memref<912xf32, #tpu.memory_space<vmem>>, vector<16xf32>,
    %swap3A_161 = arith.constant 144 : index
    %swap3A_162 = tpu.vector_load %arg18[%swap3A_161] {strides = array<i32>} : memref<912xf32, #tpu.memory_space<vmem>>, vector<16xf32>,
    tpu.vector_store %arg18[%swap3A_161], %broadcast_in_dim3A_1 {strides = array<i32>} : memref<912xf32, #tpu.memory_space<vmem>>, vector<16xf32>,
    %swap3A_163 = arith.constant 160 : index
    %swap3A_164 = tpu.vector_load %arg18[%swap3A_163] {strides = array<i32>} : memref<912xf32, #tpu.memory_space<vmem>>, vector<16xf32>,
    tpu.vector_store %arg18[%swap3A_163], %broadcast_in_dim3A_1 {strides = array<i32>} : memref<912xf32, #tpu.memory_space<vmem>>, vector<16xf32>,
    %swap3A_165 = arith.constant 176 : index
    %swap3A_166 = tpu.vector_load %arg18[%swap3A_165] {strides = array<i32>} : memref<912xf32, #tpu.memory_space<vmem>>, vector<16xf32>,
    tpu.vector_store %arg18[%swap3A_165], %broadcast_in_dim3A_1 {strides = array<i32>} : memref<912xf32, #tpu.memory_space<vmem>>, vector<16xf32>,
    %swap3A_167 = arith.constant 192 : index
    %swap3A_168 = tpu.vector_load %arg18[%swap3A_167] {strides = array<i32>} : memref<912xf32, #tpu.memory_space<vmem>>, vector<16xf32>,
    tpu.vector_store %arg18[%swap3A_167], %broadcast_in_dim3A_1 {strides = array<i32>} : memref<912xf32, #tpu.memory_space<vmem>>, vector<16xf32>,
    %swap3A_169 = arith.constant 208 : index
    %swap3A_170 = tpu.vector_load %arg18[%swap3A_169] {strides = array<i32>} : memref<912xf32, #tpu.memory_space<vmem>>, vector<16xf32>,
    tpu.vector_store %arg18[%swap3A_169], %broadcast_in_dim3A_1 {strides = array<i32>} : memref<912xf32, #tpu.memory_space<vmem>>, vector<16xf32>,
    %swap3A_171 = arith.constant 224 : index
    %swap3A_172 = tpu.vector_load %arg18[%swap3A_171] {strides = array<i32>} : memref<912xf32, #tpu.memory_space<vmem>>, vector<16xf32>,
    tpu.vector_store %arg18[%swap3A_171], %broadcast_in_dim3A_1 {strides = array<i32>} : memref<912xf32, #tpu.memory_space<vmem>>, vector<16xf32>,
    %swap3A_173 = arith.constant 240 : index
    %swap3A_174 = tpu.vector_load %arg18[%swap3A_173] {strides = array<i32>} : memref<912xf32, #tpu.memory_space<vmem>>, vector<16xf32>,
    tpu.vector_store %arg18[%swap3A_173], %broadcast_in_dim3A_1 {strides = array<i32>} : memref<912xf32, #tpu.memory_space<vmem>>, vector<16xf32>,
    %swap3A_175 = arith.constant 256 : index
    %swap3A_176 = tpu.vector_load %arg18[%swap3A_175] {strides = array<i32>} : memref<912xf32, #tpu.memory_space<vmem>>, vector<16xf32>,
    tpu.vector_store %arg18[%swap3A_175], %broadcast_in_dim3A_1 {strides = array<i32>} : memref<912xf32, #tpu.memory_space<vmem>>, vector<16xf32>,
    %swap3A_177 = arith.constant 272 : index
    %swap3A_178 = tpu.vector_load %arg18[%swap3A_177] {strides = array<i32>} : memref<912xf32, #tpu.memory_space<vmem>>, vector<16xf32>,
    tpu.vector_store %arg18[%swap3A_177], %broadcast_in_dim3A_1 {strides = array<i32>} : memref<912xf32, #tpu.memory_space<vmem>>, vector<16xf32>,
    %swap3A_179 = arith.constant 288 : index
    %swap3A_180 = tpu.vector_load %arg18[%swap3A_179] {strides = array<i32>} : memref<912xf32, #tpu.memory_space<vmem>>, vector<16xf32>,
    tpu.vector_store %arg18[%swap3A_179], %broadcast_in_dim3A_1 {strides = array<i32>} : memref<912xf32, #tpu.memory_space<vmem>>, vector<16xf32>,
    %swap3A_181 = arith.constant 304 : index
    %swap3A_182 = tpu.vector_load %arg18[%swap3A_181] {strides = array<i32>} : memref<912xf32, #tpu.memory_space<vmem>>, vector<16xf32>,
    tpu.vector_store %arg18[%swap3A_181], %broadcast_in_dim3A_1 {strides = array<i32>} : memref<912xf32, #tpu.memory_space<vmem>>, vector<16xf32>,
    %swap3A_183 = arith.constant 320 : index
    %swap3A_184 = tpu.vector_load %arg18[%swap3A_183] {strides = array<i32>} : memref<912xf32, #tpu.memory_space<vmem>>, vector<16xf32>,
    tpu.vector_store %arg18[%swap3A_183], %broadcast_in_dim3A_1 {strides = array<i32>} : memref<912xf32, #tpu.memory_space<vmem>>, vector<16xf32>,
    %swap3A_185 = arith.constant 336 : index
    %swap3A_186 = tpu.vector_load %arg18[%swap3A_185] {strides = array<i32>} : memref<912xf32, #tpu.memory_space<vmem>>, vector<16xf32>,
    tpu.vector_store %arg18[%swap3A_185], %broadcast_in_dim3A_1 {strides = array<i32>} : memref<912xf32, #tpu.memory_space<vmem>>, vector<16xf32>,
    %swap3A_187 = arith.constant 352 : index
    %swap3A_188 = tpu.vector_load %arg18[%swap3A_187] {strides = array<i32>} : memref<912xf32, #tpu.memory_space<vmem>>, vector<16xf32>,
    tpu.vector_store %arg18[%swap3A_187], %broadcast_in_dim3A_1 {strides = array<i32>} : memref<912xf32, #tpu.memory_space<vmem>>, vector<16xf32>,
    %swap3A_189 = arith.constant 368 : index
    %swap3A_190 = tpu.vector_load %arg18[%swap3A_189] {strides = array<i32>} : memref<912xf32, #tpu.memory_space<vmem>>, vector<16xf32>,
    tpu.vector_store %arg18[%swap3A_189], %broadcast_in_dim3A_1 {strides = array<i32>} : memref<912xf32, #tpu.memory_space<vmem>>, vector<16xf32>,
    %swap3A_191 = arith.constant 384 : index
    %swap3A_192 = tpu.vector_load %arg18[%swap3A_191] {strides = array<i32>} : memref<912xf32, #tpu.memory_space<vmem>>, vector<16xf32>,
    tpu.vector_store %arg18[%swap3A_191], %broadcast_in_dim3A_1 {strides = array<i32>} : memref<912xf32, #tpu.memory_space<vmem>>, vector<16xf32>,
    %swap3A_193 = arith.constant 400 : index
    %swap3A_194 = tpu.vector_load %arg18[%swap3A_193] {strides = array<i32>} : memref<912xf32, #tpu.memory_space<vmem>>, vector<16xf32>,
    tpu.vector_store %arg18[%swap3A_193], %broadcast_in_dim3A_1 {strides = array<i32>} : memref<912xf32, #tpu.memory_space<vmem>>, vector<16xf32>,
    %swap3A_195 = arith.constant 416 : index
    %swap3A_196 = tpu.vector_load %arg18[%swap3A_195] {strides = array<i32>} : memref<912xf32, #tpu.memory_space<vmem>>, vector<16xf32>,
    tpu.vector_store %arg18[%swap3A_195], %broadcast_in_dim3A_1 {strides = array<i32>} : memref<912xf32, #tpu.memory_space<vmem>>, vector<16xf32>,
    %swap3A_197 = arith.constant 432 : index
    %swap3A_198 = tpu.vector_load %arg18[%swap3A_197] {strides = array<i32>} : memref<912xf32, #tpu.memory_space<vmem>>, vector<16xf32>,
    tpu.vector_store %arg18[%swap3A_197], %broadcast_in_dim3A_1 {strides = array<i32>} : memref<912xf32, #tpu.memory_space<vmem>>, vector<16xf32>,
    %swap3A_199 = arith.constant 448 : index
    %swap3A_200 = tpu.vector_load %arg18[%swap3A_199] {strides = array<i32>} : memref<912xf32, #tpu.memory_space<vmem>>, vector<16xf32>,
    tpu.vector_store %arg18[%swap3A_199], %broadcast_in_dim3A_1 {strides = array<i32>} : memref<912xf32, #tpu.memory_space<vmem>>, vector<16xf32>,
    %swap3A_201 = arith.constant 464 : index
    %swap3A_202 = tpu.vector_load %arg18[%swap3A_201] {strides = array<i32>} : memref<912xf32, #tpu.memory_space<vmem>>, vector<16xf32>,
    tpu.vector_store %arg18[%swap3A_201], %broadcast_in_dim3A_1 {strides = array<i32>} : memref<912xf32, #tpu.memory_space<vmem>>, vector<16xf32>,
    %swap3A_203 = arith.constant 480 : index
    %swap3A_204 = tpu.vector_load %arg18[%swap3A_203] {strides = array<i32>} : memref<912xf32, #tpu.memory_space<vmem>>, vector<16xf32>,
    tpu.vector_store %arg18[%swap3A_203], %broadcast_in_dim3A_1 {strides = array<i32>} : memref<912xf32, #tpu.memory_space<vmem>>, vector<16xf32>,
    %swap3A_205 = arith.constant 496 : index
    %swap3A_206 = tpu.vector_load %arg18[%swap3A_205] {strides = array<i32>} : memref<912xf32, #tpu.memory_space<vmem>>, vector<16xf32>,
    tpu.vector_store %arg18[%swap3A_205], %broadcast_in_dim3A_1 {strides = array<i32>} : memref<912xf32, #tpu.memory_space<vmem>>, vector<16xf32>,
    %swap3A_207 = arith.constant 512 : index
    %swap3A_208 = tpu.vector_load %arg18[%swap3A_207] {strides = array<i32>} : memref<912xf32, #tpu.memory_space<vmem>>, vector<16xf32>,
    tpu.vector_store %arg18[%swap3A_207], %broadcast_in_dim3A_1 {strides = array<i32>} : memref<912xf32, #tpu.memory_space<vmem>>, vector<16xf32>,
    %swap3A_209 = arith.constant 528 : index
    %swap3A_210 = tpu.vector_load %arg18[%swap3A_209] {strides = array<i32>} : memref<912xf32, #tpu.memory_space<vmem>>, vector<16xf32>,
    tpu.vector_store %arg18[%swap3A_209], %broadcast_in_dim3A_1 {strides = array<i32>} : memref<912xf32, #tpu.memory_space<vmem>>, vector<16xf32>,
    %swap3A_211 = arith.constant 544 : index
    %swap3A_212 = tpu.vector_load %arg18[%swap3A_211] {strides = array<i32>} : memref<912xf32, #tpu.memory_space<vmem>>, vector<16xf32>,
    tpu.vector_store %arg18[%swap3A_211], %broadcast_in_dim3A_1 {strides = array<i32>} : memref<912xf32, #tpu.memory_space<vmem>>, vector<16xf32>,
    %swap3A_213 = arith.constant 560 : index
    %swap3A_214 = tpu.vector_load %arg18[%swap3A_213] {strides = array<i32>} : memref<912xf32, #tpu.memory_space<vmem>>, vector<16xf32>,
    tpu.vector_store %arg18[%swap3A_213], %broadcast_in_dim3A_1 {strides = array<i32>} : memref<912xf32, #tpu.memory_space<vmem>>, vector<16xf32>,
    %swap3A_215 = arith.constant 576 : index
    %swap3A_216 = tpu.vector_load %arg18[%swap3A_215] {strides = array<i32>} : memref<912xf32, #tpu.memory_space<vmem>>, vector<16xf32>,
    tpu.vector_store %arg18[%swap3A_215], %broadcast_in_dim3A_1 {strides = array<i32>} : memref<912xf32, #tpu.memory_space<vmem>>, vector<16xf32>,
    %swap3A_217 = arith.constant 592 : index
    %swap3A_218 = tpu.vector_load %arg18[%swap3A_217] {strides = array<i32>} : memref<912xf32, #tpu.memory_space<vmem>>, vector<16xf32>,
    tpu.vector_store %arg18[%swap3A_217], %broadcast_in_dim3A_1 {strides = array<i32>} : memref<912xf32, #tpu.memory_space<vmem>>, vector<16xf32>,
    %swap3A_219 = arith.constant 608 : index
    %swap3A_220 = tpu.vector_load %arg18[%swap3A_219] {strides = array<i32>} : memref<912xf32, #tpu.memory_space<vmem>>, vector<16xf32>,
    tpu.vector_store %arg18[%swap3A_219], %broadcast_in_dim3A_1 {strides = array<i32>} : memref<912xf32, #tpu.memory_space<vmem>>, vector<16xf32>,
    %swap3A_221 = arith.constant 624 : index
    %swap3A_222 = tpu.vector_load %arg18[%swap3A_221] {strides = array<i32>} : memref<912xf32, #tpu.memory_space<vmem>>, vector<16xf32>,
    tpu.vector_store %arg18[%swap3A_221], %broadcast_in_dim3A_1 {strides = array<i32>} : memref<912xf32, #tpu.memory_space<vmem>>, vector<16xf32>,
    %swap3A_223 = arith.constant 640 : index
    %swap3A_224 = tpu.vector_load %arg18[%swap3A_223] {strides = array<i32>} : memref<912xf32, #tpu.memory_space<vmem>>, vector<16xf32>,
    tpu.vector_store %arg18[%swap3A_223], %broadcast_in_dim3A_1 {strides = array<i32>} : memref<912xf32, #tpu.memory_space<vmem>>, vector<16xf32>,
    %swap3A_225 = arith.constant 656 : index
    %swap3A_226 = tpu.vector_load %arg18[%swap3A_225] {strides = array<i32>} : memref<912xf32, #tpu.memory_space<vmem>>, vector<16xf32>,
    tpu.vector_store %arg18[%swap3A_225], %broadcast_in_dim3A_1 {strides = array<i32>} : memref<912xf32, #tpu.memory_space<vmem>>, vector<16xf32>,
    %swap3A_227 = arith.constant 672 : index
    %swap3A_228 = tpu.vector_load %arg18[%swap3A_227] {strides = array<i32>} : memref<912xf32, #tpu.memory_space<vmem>>, vector<16xf32>,
    tpu.vector_store %arg18[%swap3A_227], %broadcast_in_dim3A_1 {strides = array<i32>} : memref<912xf32, #tpu.memory_space<vmem>>, vector<16xf32>,
    %swap3A_229 = arith.constant 688 : index
    %swap3A_230 = tpu.vector_load %arg18[%swap3A_229] {strides = array<i32>} : memref<912xf32, #tpu.memory_space<vmem>>, vector<16xf32>,
    tpu.vector_store %arg18[%swap3A_229], %broadcast_in_dim3A_1 {strides = array<i32>} : memref<912xf32, #tpu.memory_space<vmem>>, vector<16xf32>,
    %swap3A_231 = arith.constant 704 : index
    %swap3A_232 = tpu.vector_load %arg18[%swap3A_231] {strides = array<i32>} : memref<912xf32, #tpu.memory_space<vmem>>, vector<16xf32>,
    tpu.vector_store %arg18[%swap3A_231], %broadcast_in_dim3A_1 {strides = array<i32>} : memref<912xf32, #tpu.memory_space<vmem>>, vector<16xf32>,
    %swap3A_233 = arith.constant 720 : index
    %swap3A_234 = tpu.vector_load %arg18[%swap3A_233] {strides = array<i32>} : memref<912xf32, #tpu.memory_space<vmem>>, vector<16xf32>,
    tpu.vector_store %arg18[%swap3A_233], %broadcast_in_dim3A_1 {strides = array<i32>} : memref<912xf32, #tpu.memory_space<vmem>>, vector<16xf32>,
    %swap3A_235 = arith.constant 736 : index
    %swap3A_236 = tpu.vector_load %arg18[%swap3A_235] {strides = array<i32>} : memref<912xf32, #tpu.memory_space<vmem>>, vector<16xf32>,
    tpu.vector_store %arg18[%swap3A_235], %broadcast_in_dim3A_1 {strides = array<i32>} : memref<912xf32, #tpu.memory_space<vmem>>, vector<16xf32>,
    %swap3A_237 = arith.constant 752 : index
    %swap3A_238 = tpu.vector_load %arg18[%swap3A_237] {strides = array<i32>} : memref<912xf32, #tpu.memory_space<vmem>>, vector<16xf32>,
    tpu.vector_store %arg18[%swap3A_237], %broadcast_in_dim3A_1 {strides = array<i32>} : memref<912xf32, #tpu.memory_space<vmem>>, vector<16xf32>,
    %swap3A_239 = arith.constant 768 : index
    %swap3A_240 = tpu.vector_load %arg18[%swap3A_239] {strides = array<i32>} : memref<912xf32, #tpu.memory_space<vmem>>, vector<16xf32>,
    tpu.vector_store %arg18[%swap3A_239], %broadcast_in_dim3A_1 {strides = array<i32>} : memref<912xf32, #tpu.memory_space<vmem>>, vector<16xf32>,
    %swap3A_241 = arith.constant 784 : index
    %swap3A_242 = tpu.vector_load %arg18[%swap3A_241] {strides = array<i32>} : memref<912xf32, #tpu.memory_space<vmem>>, vector<16xf32>,
    tpu.vector_store %arg18[%swap3A_241], %broadcast_in_dim3A_1 {strides = array<i32>} : memref<912xf32, #tpu.memory_space<vmem>>, vector<16xf32>,
    %swap3A_243 = arith.constant 800 : index
    %swap3A_244 = tpu.vector_load %arg18[%swap3A_243] {strides = array<i32>} : memref<912xf32, #tpu.memory_space<vmem>>, vector<16xf32>,
    tpu.vector_store %arg18[%swap3A_243], %broadcast_in_dim3A_1 {strides = array<i32>} : memref<912xf32, #tpu.memory_space<vmem>>, vector<16xf32>,
    %swap3A_245 = arith.constant 816 : index
    %swap3A_246 = tpu.vector_load %arg18[%swap3A_245] {strides = array<i32>} : memref<912xf32, #tpu.memory_space<vmem>>, vector<16xf32>,
    tpu.vector_store %arg18[%swap3A_245], %broadcast_in_dim3A_1 {strides = array<i32>} : memref<912xf32, #tpu.memory_space<vmem>>, vector<16xf32>,
    %swap3A_247 = arith.constant 832 : index
    %swap3A_248 = tpu.vector_load %arg18[%swap3A_247] {strides = array<i32>} : memref<912xf32, #tpu.memory_space<vmem>>, vector<16xf32>,
    tpu.vector_store %arg18[%swap3A_247], %broadcast_in_dim3A_1 {strides = array<i32>} : memref<912xf32, #tpu.memory_space<vmem>>, vector<16xf32>,
    %swap3A_249 = arith.constant 848 : index
    %swap3A_250 = tpu.vector_load %arg18[%swap3A_249] {strides = array<i32>} : memref<912xf32, #tpu.memory_space<vmem>>, vector<16xf32>,
    tpu.vector_store %arg18[%swap3A_249], %broadcast_in_dim3A_1 {strides = array<i32>} : memref<912xf32, #tpu.memory_space<vmem>>, vector<16xf32>,
    %swap3A_251 = arith.constant 864 : index
    %swap3A_252 = tpu.vector_load %arg18[%swap3A_251] {strides = array<i32>} : memref<912xf32, #tpu.memory_space<vmem>>, vector<16xf32>,
    tpu.vector_store %arg18[%swap3A_251], %broadcast_in_dim3A_1 {strides = array<i32>} : memref<912xf32, #tpu.memory_space<vmem>>, vector<16xf32>,
    %swap3A_253 = arith.constant 880 : index
    %swap3A_254 = tpu.vector_load %arg18[%swap3A_253] {strides = array<i32>} : memref<912xf32, #tpu.memory_space<vmem>>, vector<16xf32>,
    tpu.vector_store %arg18[%swap3A_253], %broadcast_in_dim3A_1 {strides = array<i32>} : memref<912xf32, #tpu.memory_space<vmem>>, vector<16xf32>,
    %swap3A_255 = arith.constant 896 : index
    %swap3A_256 = tpu.vector_load %arg18[%swap3A_255] {strides = array<i32>} : memref<912xf32, #tpu.memory_space<vmem>>, vector<16xf32>,
    tpu.vector_store %arg18[%swap3A_255], %broadcast_in_dim3A_1 {strides = array<i32>} : memref<912xf32, #tpu.memory_space<vmem>>, vector<16xf32>,
    %iota3A = tpu.iota {dimensions = array<i32: 0>} : vector<16xi32>
    %add3A_257 = arith.constant 0 : i32
    %add3A_258 = vector.broadcast %add3A_257 : i32 to vector<16xi32>
    %add3A_259 = arith.addi %iota3A, %add3A_258 : vector<16xi32>
    %lt3A = arith.constant 100 : i32
    %lt3A_260 = vector.broadcast %lt3A : i32 to vector<16xi32>
    %lt3A_261 = arith.cmpi slt, %add3A_259, %lt3A_260 : vector<16xi32>
    %get3A_262 = arith.constant 0 : index
    %get3A_263 = tpu.vector_load %arg9[%get3A_262] {strides = array<i32>} : memref<112xi32, #tpu.memory_space<vmem>>, vector<16xi32>,
    %get3A_264 = arith.constant 0 : index
    %get3A_265 = tpu.vector_load %arg10[%get3A_264] {strides = array<i32>} : memref<112xi32, #tpu.memory_space<vmem>>, vector<16xi32>,
    %get3A_266 = arith.constant 0 : index
    %get3A_267 = tpu.vector_load %arg15[%get3A_266] {strides = array<i32>} : memref<112xf32, #tpu.memory_space<vmem>>, vector<16xf32>,
    %mul3A_268 = arith.constant 1.000000e-01 : f32
    %mul3A_269 = vector.broadcast %mul3A_268 : f32 to vector<16xf32>
    %mul3A_270 = arith.mulf %mul3A_269, %get3A_267 : vector<16xf32>
    %get3A_271 = arith.constant 0 : index
    %get3A_272 = tpu.vector_load %arg14[%get3A_271] {strides = array<i32>} : memref<112xf32, #tpu.memory_space<vmem>>, vector<16xf32>,
    %sub3A = arith.subf %mul3A_270, %get3A_272 : vector<16xf32>
    tpu.vector_store_idx %arg18[%get3A_263], %sub3A masked %lt3A_261 : memref<912xf32, #tpu.memory_space<vmem>>[vector<16xi32>], vector<16xf32>, vector<16xi1>
    %mul3A_273 = arith.constant 4 : i32
    %mul3A_274 = vector.broadcast %mul3A_273 : i32 to vector<16xi32>
    %mul3A_275 = arith.muli %get3A_263, %mul3A_274 : vector<16xi32>
    %mul3A_276 = arith.constant 4 : i32
    %mul3A_277 = vector.broadcast %mul3A_276 : i32 to vector<16xi32>
    %mul3A_278 = arith.muli %get3A_265, %mul3A_277 : vector<16xi32>
    %add3A_279 = arith.constant 0 : i32
    %add3A_280 = vector.broadcast %add3A_279 : i32 to vector<16xi32>
    %add3A_281 = arith.addi %mul3A_275, %add3A_280 : vector<16xi32>
    %gather3A_282 = tpu.vector_load_idx %arg16[%add3A_281] : memref<3600xf32, #tpu.memory_space<vmem>>[vector<16xi32>], vector<16xf32>,
    %add3A_283 = arith.constant 0 : i32
    %add3A_284 = vector.broadcast %add3A_283 : i32 to vector<16xi32>
    %add3A_285 = arith.addi %mul3A_278, %add3A_284 : vector<16xi32>
    %gather3A_286 = tpu.vector_load_idx %arg17[%add3A_285] : memref<400xf32, #tpu.memory_space<vmem>>[vector<16xi32>], vector<16xf32>,
    %sub3A_287 = arith.subf %gather3A_282, %gather3A_286 : vector<16xf32>
    %abs3A = math.absf %sub3A_287 : vector<16xf32>
    %jit3A = arith.constant 0.000000e+00 : f32
    %broadcast_in_dim3A_288 = vector.broadcast %jit3A : f32 to vector<16xf32>
    %select_n3A = arith.select %lt3A_261, %abs3A, %broadcast_in_dim3A_288 : vector<16xi1>, vector<16xf32>
    %add3A_289 = arith.addf %broadcast_in_dim3A_1, %select_n3A : vector<16xf32>
    %add3A_290 = arith.constant 1 : i32
    %add3A_291 = vector.broadcast %add3A_290 : i32 to vector<16xi32>
    %add3A_292 = arith.addi %mul3A_275, %add3A_291 : vector<16xi32>
    %gather3A_293 = tpu.vector_load_idx %arg16[%add3A_292] : memref<3600xf32, #tpu.memory_space<vmem>>[vector<16xi32>], vector<16xf32>,
    %add3A_294 = arith.constant 1 : i32
    %add3A_295 = vector.broadcast %add3A_294 : i32 to vector<16xi32>
    %add3A_296 = arith.addi %mul3A_278, %add3A_295 : vector<16xi32>
    %gather3A_297 = tpu.vector_load_idx %arg17[%add3A_296] : memref<400xf32, #tpu.memory_space<vmem>>[vector<16xi32>], vector<16xf32>,
    %sub3A_298 = arith.subf %gather3A_293, %gather3A_297 : vector<16xf32>
    %abs3A_299 = math.absf %sub3A_298 : vector<16xf32>
    %jit3A_300 = arith.constant 0.000000e+00 : f32
    %broadcast_in_dim3A_301 = vector.broadcast %jit3A_300 : f32 to vector<16xf32>
    %select_n3A_302 = arith.select %lt3A_261, %abs3A_299, %broadcast_in_dim3A_301 : vector<16xi1>, vector<16xf32>
    %add3A_303 = arith.addf %add3A_289, %select_n3A_302 : vector<16xf32>
    %add3A_304 = arith.constant 2 : i32
    %add3A_305 = vector.broadcast %add3A_304 : i32 to vector<16xi32>
    %add3A_306 = arith.addi %mul3A_275, %add3A_305 : vector<16xi32>
    %gather3A_307 = tpu.vector_load_idx %arg16[%add3A_306] : memref<3600xf32, #tpu.memory_space<vmem>>[vector<16xi32>], vector<16xf32>,
    %add3A_308 = arith.constant 2 : i32
    %add3A_309 = vector.broadcast %add3A_308 : i32 to vector<16xi32>
    %add3A_310 = arith.addi %mul3A_278, %add3A_309 : vector<16xi32>
    %gather3A_311 = tpu.vector_load_idx %arg17[%add3A_310] : memref<400xf32, #tpu.memory_space<vmem>>[vector<16xi32>], vector<16xf32>,
    %sub3A_312 = arith.subf %gather3A_307, %gather3A_311 : vector<16xf32>
    %abs3A_313 = math.absf %sub3A_312 : vector<16xf32>
    %jit3A_314 = arith.constant 0.000000e+00 : f32
    %broadcast_in_dim3A_315 = vector.broadcast %jit3A_314 : f32 to vector<16xf32>
    %select_n3A_316 = arith.select %lt3A_261, %abs3A_313, %broadcast_in_dim3A_315 : vector<16xi1>, vector<16xf32>
    %add3A_317 = arith.addf %add3A_303, %select_n3A_316 : vector<16xf32>
    %add3A_318 = arith.constant 3 : i32
    %add3A_319 = vector.broadcast %add3A_318 : i32 to vector<16xi32>
    %add3A_320 = arith.addi %mul3A_275, %add3A_319 : vector<16xi32>
    %gather3A_321 = tpu.vector_load_idx %arg16[%add3A_320] : memref<3600xf32, #tpu.memory_space<vmem>>[vector<16xi32>], vector<16xf32>,
    %add3A_322 = arith.constant 3 : i32
    %add3A_323 = vector.broadcast %add3A_322 : i32 to vector<16xi32>
    %add3A_324 = arith.addi %mul3A_278, %add3A_323 : vector<16xi32>
    %gather3A_325 = tpu.vector_load_idx %arg17[%add3A_324] : memref<400xf32, #tpu.memory_space<vmem>>[vector<16xi32>], vector<16xf32>,
    %sub3A_326 = arith.subf %gather3A_321, %gather3A_325 : vector<16xf32>
    %abs3A_327 = math.absf %sub3A_326 : vector<16xf32>
    %jit3A_328 = arith.constant 0.000000e+00 : f32
    %broadcast_in_dim3A_329 = vector.broadcast %jit3A_328 : f32 to vector<16xf32>
    %select_n3A_330 = arith.select %lt3A_261, %abs3A_327, %broadcast_in_dim3A_329 : vector<16xi1>, vector<16xf32>
    %add3A_331 = arith.addf %add3A_317, %select_n3A_330 : vector<16xf32>
    %iota3A_332 = tpu.iota {dimensions = array<i32: 0>} : vector<16xi32>
    %add3A_333 = arith.constant 16 : i32
    %add3A_334 = vector.broadcast %add3A_333 : i32 to vector<16xi32>
    %add3A_335 = arith.addi %iota3A_332, %add3A_334 : vector<16xi32>
    %lt3A_336 = arith.constant 100 : i32
    %lt3A_337 = vector.broadcast %lt3A_336 : i32 to vector<16xi32>
    %lt3A_338 = arith.cmpi slt, %add3A_335, %lt3A_337 : vector<16xi32>
    %get3A_339 = arith.constant 16 : index
    %get3A_340 = tpu.vector_load %arg9[%get3A_339] {strides = array<i32>} : memref<112xi32, #tpu.memory_space<vmem>>, vector<16xi32>,
    %get3A_341 = arith.constant 16 : index
    %get3A_342 = tpu.vector_load %arg10[%get3A_341] {strides = array<i32>} : memref<112xi32, #tpu.memory_space<vmem>>, vector<16xi32>,
    %get3A_343 = arith.constant 16 : index
    %get3A_344 = tpu.vector_load %arg15[%get3A_343] {strides = array<i32>} : memref<112xf32, #tpu.memory_space<vmem>>, vector<16xf32>,
    %mul3A_345 = arith.constant 1.000000e-01 : f32
    %mul3A_346 = vector.broadcast %mul3A_345 : f32 to vector<16xf32>
    %mul3A_347 = arith.mulf %mul3A_346, %get3A_344 : vector<16xf32>
    %get3A_348 = arith.constant 16 : index
    %get3A_349 = tpu.vector_load %arg14[%get3A_348] {strides = array<i32>} : memref<112xf32, #tpu.memory_space<vmem>>, vector<16xf32>,
    %sub3A_350 = arith.subf %mul3A_347, %get3A_349 : vector<16xf32>
    tpu.vector_store_idx %arg18[%get3A_340], %sub3A_350 masked %lt3A_338 : memref<912xf32, #tpu.memory_space<vmem>>[vector<16xi32>], vector<16xf32>, vector<16xi1>
    %mul3A_351 = arith.constant 4 : i32
    %mul3A_352 = vector.broadcast %mul3A_351 : i32 to vector<16xi32>
    %mul3A_353 = arith.muli %get3A_340, %mul3A_352 : vector<16xi32>
    %mul3A_354 = arith.constant 4 : i32
    %mul3A_355 = vector.broadcast %mul3A_354 : i32 to vector<16xi32>
    %mul3A_356 = arith.muli %get3A_342, %mul3A_355 : vector<16xi32>
    %add3A_357 = arith.constant 0 : i32
    %add3A_358 = vector.broadcast %add3A_357 : i32 to vector<16xi32>
    %add3A_359 = arith.addi %mul3A_353, %add3A_358 : vector<16xi32>
    %gather3A_360 = tpu.vector_load_idx %arg16[%add3A_359] : memref<3600xf32, #tpu.memory_space<vmem>>[vector<16xi32>], vector<16xf32>,
    %add3A_361 = arith.constant 0 : i32
    %add3A_362 = vector.broadcast %add3A_361 : i32 to vector<16xi32>
    %add3A_363 = arith.addi %mul3A_356, %add3A_362 : vector<16xi32>
    %gather3A_364 = tpu.vector_load_idx %arg17[%add3A_363] : memref<400xf32, #tpu.memory_space<vmem>>[vector<16xi32>], vector<16xf32>,
    %sub3A_365 = arith.subf %gather3A_360, %gather3A_364 : vector<16xf32>
    %abs3A_366 = math.absf %sub3A_365 : vector<16xf32>
    %jit3A_367 = arith.constant 0.000000e+00 : f32
    %broadcast_in_dim3A_368 = vector.broadcast %jit3A_367 : f32 to vector<16xf32>
    %select_n3A_369 = arith.select %lt3A_338, %abs3A_366, %broadcast_in_dim3A_368 : vector<16xi1>, vector<16xf32>
    %add3A_370 = arith.addf %add3A_331, %select_n3A_369 : vector<16xf32>
    %add3A_371 = arith.constant 1 : i32
    %add3A_372 = vector.broadcast %add3A_371 : i32 to vector<16xi32>
    %add3A_373 = arith.addi %mul3A_353, %add3A_372 : vector<16xi32>
    %gather3A_374 = tpu.vector_load_idx %arg16[%add3A_373] : memref<3600xf32, #tpu.memory_space<vmem>>[vector<16xi32>], vector<16xf32>,
    %add3A_375 = arith.constant 1 : i32
    %add3A_376 = vector.broadcast %add3A_375 : i32 to vector<16xi32>
    %add3A_377 = arith.addi %mul3A_356, %add3A_376 : vector<16xi32>
    %gather3A_378 = tpu.vector_load_idx %arg17[%add3A_377] : memref<400xf32, #tpu.memory_space<vmem>>[vector<16xi32>], vector<16xf32>,
    %sub3A_379 = arith.subf %gather3A_374, %gather3A_378 : vector<16xf32>
    %abs3A_380 = math.absf %sub3A_379 : vector<16xf32>
    %jit3A_381 = arith.constant 0.000000e+00 : f32
    %broadcast_in_dim3A_382 = vector.broadcast %jit3A_381 : f32 to vector<16xf32>
    %select_n3A_383 = arith.select %lt3A_338, %abs3A_380, %broadcast_in_dim3A_382 : vector<16xi1>, vector<16xf32>
    %add3A_384 = arith.addf %add3A_370, %select_n3A_383 : vector<16xf32>
    %add3A_385 = arith.constant 2 : i32
    %add3A_386 = vector.broadcast %add3A_385 : i32 to vector<16xi32>
    %add3A_387 = arith.addi %mul3A_353, %add3A_386 : vector<16xi32>
    %gather3A_388 = tpu.vector_load_idx %arg16[%add3A_387] : memref<3600xf32, #tpu.memory_space<vmem>>[vector<16xi32>], vector<16xf32>,
    %add3A_389 = arith.constant 2 : i32
    %add3A_390 = vector.broadcast %add3A_389 : i32 to vector<16xi32>
    %add3A_391 = arith.addi %mul3A_356, %add3A_390 : vector<16xi32>
    %gather3A_392 = tpu.vector_load_idx %arg17[%add3A_391] : memref<400xf32, #tpu.memory_space<vmem>>[vector<16xi32>], vector<16xf32>,
    %sub3A_393 = arith.subf %gather3A_388, %gather3A_392 : vector<16xf32>
    %abs3A_394 = math.absf %sub3A_393 : vector<16xf32>
    %jit3A_395 = arith.constant 0.000000e+00 : f32
    %broadcast_in_dim3A_396 = vector.broadcast %jit3A_395 : f32 to vector<16xf32>
    %select_n3A_397 = arith.select %lt3A_338, %abs3A_394, %broadcast_in_dim3A_396 : vector<16xi1>, vector<16xf32>
    %add3A_398 = arith.addf %add3A_384, %select_n3A_397 : vector<16xf32>
    %add3A_399 = arith.constant 3 : i32
    %add3A_400 = vector.broadcast %add3A_399 : i32 to vector<16xi32>
    %add3A_401 = arith.addi %mul3A_353, %add3A_400 : vector<16xi32>
    %gather3A_402 = tpu.vector_load_idx %arg16[%add3A_401] : memref<3600xf32, #tpu.memory_space<vmem>>[vector<16xi32>], vector<16xf32>,
    %add3A_403 = arith.constant 3 : i32
    %add3A_404 = vector.broadcast %add3A_403 : i32 to vector<16xi32>
    %add3A_405 = arith.addi %mul3A_356, %add3A_404 : vector<16xi32>
    %gather3A_406 = tpu.vector_load_idx %arg17[%add3A_405] : memref<400xf32, #tpu.memory_space<vmem>>[vector<16xi32>], vector<16xf32>,
    %sub3A_407 = arith.subf %gather3A_402, %gather3A_406 : vector<16xf32>
    %abs3A_408 = math.absf %sub3A_407 : vector<16xf32>
    %jit3A_409 = arith.constant 0.000000e+00 : f32
    %broadcast_in_dim3A_410 = vector.broadcast %jit3A_409 : f32 to vector<16xf32>
    %select_n3A_411 = arith.select %lt3A_338, %abs3A_408, %broadcast_in_dim3A_410 : vector<16xi1>, vector<16xf32>
    %add3A_412 = arith.addf %add3A_398, %select_n3A_411 : vector<16xf32>
    %iota3A_413 = tpu.iota {dimensions = array<i32: 0>} : vector<16xi32>
    %add3A_414 = arith.constant 32 : i32
    %add3A_415 = vector.broadcast %add3A_414 : i32 to vector<16xi32>
    %add3A_416 = arith.addi %iota3A_413, %add3A_415 : vector<16xi32>
    %lt3A_417 = arith.constant 100 : i32
    %lt3A_418 = vector.broadcast %lt3A_417 : i32 to vector<16xi32>
    %lt3A_419 = arith.cmpi slt, %add3A_416, %lt3A_418 : vector<16xi32>
    %get3A_420 = arith.constant 32 : index
    %get3A_421 = tpu.vector_load %arg9[%get3A_420] {strides = array<i32>} : memref<112xi32, #tpu.memory_space<vmem>>, vector<16xi32>,
    %get3A_422 = arith.constant 32 : index
    %get3A_423 = tpu.vector_load %arg10[%get3A_422] {strides = array<i32>} : memref<112xi32, #tpu.memory_space<vmem>>, vector<16xi32>,
    %get3A_424 = arith.constant 32 : index
    %get3A_425 = tpu.vector_load %arg15[%get3A_424] {strides = array<i32>} : memref<112xf32, #tpu.memory_space<vmem>>, vector<16xf32>,
    %mul3A_426 = arith.constant 1.000000e-01 : f32
    %mul3A_427 = vector.broadcast %mul3A_426 : f32 to vector<16xf32>
    %mul3A_428 = arith.mulf %mul3A_427, %get3A_425 : vector<16xf32>
    %get3A_429 = arith.constant 32 : index
    %get3A_430 = tpu.vector_load %arg14[%get3A_429] {strides = array<i32>} : memref<112xf32, #tpu.memory_space<vmem>>, vector<16xf32>,
    %sub3A_431 = arith.subf %mul3A_428, %get3A_430 : vector<16xf32>
    tpu.vector_store_idx %arg18[%get3A_421], %sub3A_431 masked %lt3A_419 : memref<912xf32, #tpu.memory_space<vmem>>[vector<16xi32>], vector<16xf32>, vector<16xi1>
    %mul3A_432 = arith.constant 4 : i32
    %mul3A_433 = vector.broadcast %mul3A_432 : i32 to vector<16xi32>
    %mul3A_434 = arith.muli %get3A_421, %mul3A_433 : vector<16xi32>
    %mul3A_435 = arith.constant 4 : i32
    %mul3A_436 = vector.broadcast %mul3A_435 : i32 to vector<16xi32>
    %mul3A_437 = arith.muli %get3A_423, %mul3A_436 : vector<16xi32>
    %add3A_438 = arith.constant 0 : i32
    %add3A_439 = vector.broadcast %add3A_438 : i32 to vector<16xi32>
    %add3A_440 = arith.addi %mul3A_434, %add3A_439 : vector<16xi32>
    %gather3A_441 = tpu.vector_load_idx %arg16[%add3A_440] : memref<3600xf32, #tpu.memory_space<vmem>>[vector<16xi32>], vector<16xf32>,
    %add3A_442 = arith.constant 0 : i32
    %add3A_443 = vector.broadcast %add3A_442 : i32 to vector<16xi32>
    %add3A_444 = arith.addi %mul3A_437, %add3A_443 : vector<16xi32>
    %gather3A_445 = tpu.vector_load_idx %arg17[%add3A_444] : memref<400xf32, #tpu.memory_space<vmem>>[vector<16xi32>], vector<16xf32>,
    %sub3A_446 = arith.subf %gather3A_441, %gather3A_445 : vector<16xf32>
    %abs3A_447 = math.absf %sub3A_446 : vector<16xf32>
    %jit3A_448 = arith.constant 0.000000e+00 : f32
    %broadcast_in_dim3A_449 = vector.broadcast %jit3A_448 : f32 to vector<16xf32>
    %select_n3A_450 = arith.select %lt3A_419, %abs3A_447, %broadcast_in_dim3A_449 : vector<16xi1>, vector<16xf32>
    %add3A_451 = arith.addf %add3A_412, %select_n3A_450 : vector<16xf32>
    %add3A_452 = arith.constant 1 : i32
    %add3A_453 = vector.broadcast %add3A_452 : i32 to vector<16xi32>
    %add3A_454 = arith.addi %mul3A_434, %add3A_453 : vector<16xi32>
    %gather3A_455 = tpu.vector_load_idx %arg16[%add3A_454] : memref<3600xf32, #tpu.memory_space<vmem>>[vector<16xi32>], vector<16xf32>,
    %add3A_456 = arith.constant 1 : i32
    %add3A_457 = vector.broadcast %add3A_456 : i32 to vector<16xi32>
    %add3A_458 = arith.addi %mul3A_437, %add3A_457 : vector<16xi32>
    %gather3A_459 = tpu.vector_load_idx %arg17[%add3A_458] : memref<400xf32, #tpu.memory_space<vmem>>[vector<16xi32>], vector<16xf32>,
    %sub3A_460 = arith.subf %gather3A_455, %gather3A_459 : vector<16xf32>
    %abs3A_461 = math.absf %sub3A_460 : vector<16xf32>
    %jit3A_462 = arith.constant 0.000000e+00 : f32
    %broadcast_in_dim3A_463 = vector.broadcast %jit3A_462 : f32 to vector<16xf32>
    %select_n3A_464 = arith.select %lt3A_419, %abs3A_461, %broadcast_in_dim3A_463 : vector<16xi1>, vector<16xf32>
    %add3A_465 = arith.addf %add3A_451, %select_n3A_464 : vector<16xf32>
    %add3A_466 = arith.constant 2 : i32
    %add3A_467 = vector.broadcast %add3A_466 : i32 to vector<16xi32>
    %add3A_468 = arith.addi %mul3A_434, %add3A_467 : vector<16xi32>
    %gather3A_469 = tpu.vector_load_idx %arg16[%add3A_468] : memref<3600xf32, #tpu.memory_space<vmem>>[vector<16xi32>], vector<16xf32>,
    %add3A_470 = arith.constant 2 : i32
    %add3A_471 = vector.broadcast %add3A_470 : i32 to vector<16xi32>
    %add3A_472 = arith.addi %mul3A_437, %add3A_471 : vector<16xi32>
    %gather3A_473 = tpu.vector_load_idx %arg17[%add3A_472] : memref<400xf32, #tpu.memory_space<vmem>>[vector<16xi32>], vector<16xf32>,
    %sub3A_474 = arith.subf %gather3A_469, %gather3A_473 : vector<16xf32>
    %abs3A_475 = math.absf %sub3A_474 : vector<16xf32>
    %jit3A_476 = arith.constant 0.000000e+00 : f32
    %broadcast_in_dim3A_477 = vector.broadcast %jit3A_476 : f32 to vector<16xf32>
    %select_n3A_478 = arith.select %lt3A_419, %abs3A_475, %broadcast_in_dim3A_477 : vector<16xi1>, vector<16xf32>
    %add3A_479 = arith.addf %add3A_465, %select_n3A_478 : vector<16xf32>
    %add3A_480 = arith.constant 3 : i32
    %add3A_481 = vector.broadcast %add3A_480 : i32 to vector<16xi32>
    %add3A_482 = arith.addi %mul3A_434, %add3A_481 : vector<16xi32>
    %gather3A_483 = tpu.vector_load_idx %arg16[%add3A_482] : memref<3600xf32, #tpu.memory_space<vmem>>[vector<16xi32>], vector<16xf32>,
    %add3A_484 = arith.constant 3 : i32
    %add3A_485 = vector.broadcast %add3A_484 : i32 to vector<16xi32>
    %add3A_486 = arith.addi %mul3A_437, %add3A_485 : vector<16xi32>
    %gather3A_487 = tpu.vector_load_idx %arg17[%add3A_486] : memref<400xf32, #tpu.memory_space<vmem>>[vector<16xi32>], vector<16xf32>,
    %sub3A_488 = arith.subf %gather3A_483, %gather3A_487 : vector<16xf32>
    %abs3A_489 = math.absf %sub3A_488 : vector<16xf32>
    %jit3A_490 = arith.constant 0.000000e+00 : f32
    %broadcast_in_dim3A_491 = vector.broadcast %jit3A_490 : f32 to vector<16xf32>
    %select_n3A_492 = arith.select %lt3A_419, %abs3A_489, %broadcast_in_dim3A_491 : vector<16xi1>, vector<16xf32>
    %add3A_493 = arith.addf %add3A_479, %select_n3A_492 : vector<16xf32>
    %iota3A_494 = tpu.iota {dimensions = array<i32: 0>} : vector<16xi32>
    %add3A_495 = arith.constant 48 : i32
    %add3A_496 = vector.broadcast %add3A_495 : i32 to vector<16xi32>
    %add3A_497 = arith.addi %iota3A_494, %add3A_496 : vector<16xi32>
    %lt3A_498 = arith.constant 100 : i32
    %lt3A_499 = vector.broadcast %lt3A_498 : i32 to vector<16xi32>
    %lt3A_500 = arith.cmpi slt, %add3A_497, %lt3A_499 : vector<16xi32>
    %get3A_501 = arith.constant 48 : index
    %get3A_502 = tpu.vector_load %arg9[%get3A_501] {strides = array<i32>} : memref<112xi32, #tpu.memory_space<vmem>>, vector<16xi32>,
    %get3A_503 = arith.constant 48 : index
    %get3A_504 = tpu.vector_load %arg10[%get3A_503] {strides = array<i32>} : memref<112xi32, #tpu.memory_space<vmem>>, vector<16xi32>,
    %get3A_505 = arith.constant 48 : index
    %get3A_506 = tpu.vector_load %arg15[%get3A_505] {strides = array<i32>} : memref<112xf32, #tpu.memory_space<vmem>>, vector<16xf32>,
    %mul3A_507 = arith.constant 1.000000e-01 : f32
    %mul3A_508 = vector.broadcast %mul3A_507 : f32 to vector<16xf32>
    %mul3A_509 = arith.mulf %mul3A_508, %get3A_506 : vector<16xf32>
    %get3A_510 = arith.constant 48 : index
    %get3A_511 = tpu.vector_load %arg14[%get3A_510] {strides = array<i32>} : memref<112xf32, #tpu.memory_space<vmem>>, vector<16xf32>,
    %sub3A_512 = arith.subf %mul3A_509, %get3A_511 : vector<16xf32>
    tpu.vector_store_idx %arg18[%get3A_502], %sub3A_512 masked %lt3A_500 : memref<912xf32, #tpu.memory_space<vmem>>[vector<16xi32>], vector<16xf32>, vector<16xi1>
    %mul3A_513 = arith.constant 4 : i32
    %mul3A_514 = vector.broadcast %mul3A_513 : i32 to vector<16xi32>
    %mul3A_515 = arith.muli %get3A_502, %mul3A_514 : vector<16xi32>
    %mul3A_516 = arith.constant 4 : i32
    %mul3A_517 = vector.broadcast %mul3A_516 : i32 to vector<16xi32>
    %mul3A_518 = arith.muli %get3A_504, %mul3A_517 : vector<16xi32>
    %add3A_519 = arith.constant 0 : i32
    %add3A_520 = vector.broadcast %add3A_519 : i32 to vector<16xi32>
    %add3A_521 = arith.addi %mul3A_515, %add3A_520 : vector<16xi32>
    %gather3A_522 = tpu.vector_load_idx %arg16[%add3A_521] : memref<3600xf32, #tpu.memory_space<vmem>>[vector<16xi32>], vector<16xf32>,
    %add3A_523 = arith.constant 0 : i32
    %add3A_524 = vector.broadcast %add3A_523 : i32 to vector<16xi32>
    %add3A_525 = arith.addi %mul3A_518, %add3A_524 : vector<16xi32>
    %gather3A_526 = tpu.vector_load_idx %arg17[%add3A_525] : memref<400xf32, #tpu.memory_space<vmem>>[vector<16xi32>], vector<16xf32>,
    %sub3A_527 = arith.subf %gather3A_522, %gather3A_526 : vector<16xf32>
    %abs3A_528 = math.absf %sub3A_527 : vector<16xf32>
    %jit3A_529 = arith.constant 0.000000e+00 : f32
    %broadcast_in_dim3A_530 = vector.broadcast %jit3A_529 : f32 to vector<16xf32>
    %select_n3A_531 = arith.select %lt3A_500, %abs3A_528, %broadcast_in_dim3A_530 : vector<16xi1>, vector<16xf32>
    %add3A_532 = arith.addf %add3A_493, %select_n3A_531 : vector<16xf32>
    %add3A_533 = arith.constant 1 : i32
    %add3A_534 = vector.broadcast %add3A_533 : i32 to vector<16xi32>
    %add3A_535 = arith.addi %mul3A_515, %add3A_534 : vector<16xi32>
    %gather3A_536 = tpu.vector_load_idx %arg16[%add3A_535] : memref<3600xf32, #tpu.memory_space<vmem>>[vector<16xi32>], vector<16xf32>,
    %add3A_537 = arith.constant 1 : i32
    %add3A_538 = vector.broadcast %add3A_537 : i32 to vector<16xi32>
    %add3A_539 = arith.addi %mul3A_518, %add3A_538 : vector<16xi32>
    %gather3A_540 = tpu.vector_load_idx %arg17[%add3A_539] : memref<400xf32, #tpu.memory_space<vmem>>[vector<16xi32>], vector<16xf32>,
    %sub3A_541 = arith.subf %gather3A_536, %gather3A_540 : vector<16xf32>
    %abs3A_542 = math.absf %sub3A_541 : vector<16xf32>
    %jit3A_543 = arith.constant 0.000000e+00 : f32
    %broadcast_in_dim3A_544 = vector.broadcast %jit3A_543 : f32 to vector<16xf32>
    %select_n3A_545 = arith.select %lt3A_500, %abs3A_542, %broadcast_in_dim3A_544 : vector<16xi1>, vector<16xf32>
    %add3A_546 = arith.addf %add3A_532, %select_n3A_545 : vector<16xf32>
    %add3A_547 = arith.constant 2 : i32
    %add3A_548 = vector.broadcast %add3A_547 : i32 to vector<16xi32>
    %add3A_549 = arith.addi %mul3A_515, %add3A_548 : vector<16xi32>
    %gather3A_550 = tpu.vector_load_idx %arg16[%add3A_549] : memref<3600xf32, #tpu.memory_space<vmem>>[vector<16xi32>], vector<16xf32>,
    %add3A_551 = arith.constant 2 : i32
    %add3A_552 = vector.broadcast %add3A_551 : i32 to vector<16xi32>
    %add3A_553 = arith.addi %mul3A_518, %add3A_552 : vector<16xi32>
    %gather3A_554 = tpu.vector_load_idx %arg17[%add3A_553] : memref<400xf32, #tpu.memory_space<vmem>>[vector<16xi32>], vector<16xf32>,
    %sub3A_555 = arith.subf %gather3A_550, %gather3A_554 : vector<16xf32>
    %abs3A_556 = math.absf %sub3A_555 : vector<16xf32>
    %jit3A_557 = arith.constant 0.000000e+00 : f32
    %broadcast_in_dim3A_558 = vector.broadcast %jit3A_557 : f32 to vector<16xf32>
    %select_n3A_559 = arith.select %lt3A_500, %abs3A_556, %broadcast_in_dim3A_558 : vector<16xi1>, vector<16xf32>
    %add3A_560 = arith.addf %add3A_546, %select_n3A_559 : vector<16xf32>
    %add3A_561 = arith.constant 3 : i32
    %add3A_562 = vector.broadcast %add3A_561 : i32 to vector<16xi32>
    %add3A_563 = arith.addi %mul3A_515, %add3A_562 : vector<16xi32>
    %gather3A_564 = tpu.vector_load_idx %arg16[%add3A_563] : memref<3600xf32, #tpu.memory_space<vmem>>[vector<16xi32>], vector<16xf32>,
    %add3A_565 = arith.constant 3 : i32
    %add3A_566 = vector.broadcast %add3A_565 : i32 to vector<16xi32>
    %add3A_567 = arith.addi %mul3A_518, %add3A_566 : vector<16xi32>
    %gather3A_568 = tpu.vector_load_idx %arg17[%add3A_567] : memref<400xf32, #tpu.memory_space<vmem>>[vector<16xi32>], vector<16xf32>,
    %sub3A_569 = arith.subf %gather3A_564, %gather3A_568 : vector<16xf32>
    %abs3A_570 = math.absf %sub3A_569 : vector<16xf32>
    %jit3A_571 = arith.constant 0.000000e+00 : f32
    %broadcast_in_dim3A_572 = vector.broadcast %jit3A_571 : f32 to vector<16xf32>
    %select_n3A_573 = arith.select %lt3A_500, %abs3A_570, %broadcast_in_dim3A_572 : vector<16xi1>, vector<16xf32>
    %add3A_574 = arith.addf %add3A_560, %select_n3A_573 : vector<16xf32>
    %iota3A_575 = tpu.iota {dimensions = array<i32: 0>} : vector<16xi32>
    %add3A_576 = arith.constant 64 : i32
    %add3A_577 = vector.broadcast %add3A_576 : i32 to vector<16xi32>
    %add3A_578 = arith.addi %iota3A_575, %add3A_577 : vector<16xi32>
    %lt3A_579 = arith.constant 100 : i32
    %lt3A_580 = vector.broadcast %lt3A_579 : i32 to vector<16xi32>
    %lt3A_581 = arith.cmpi slt, %add3A_578, %lt3A_580 : vector<16xi32>
    %get3A_582 = arith.constant 64 : index
    %get3A_583 = tpu.vector_load %arg9[%get3A_582] {strides = array<i32>} : memref<112xi32, #tpu.memory_space<vmem>>, vector<16xi32>,
    %get3A_584 = arith.constant 64 : index
    %get3A_585 = tpu.vector_load %arg10[%get3A_584] {strides = array<i32>} : memref<112xi32, #tpu.memory_space<vmem>>, vector<16xi32>,
    %get3A_586 = arith.constant 64 : index
    %get3A_587 = tpu.vector_load %arg15[%get3A_586] {strides = array<i32>} : memref<112xf32, #tpu.memory_space<vmem>>, vector<16xf32>,
    %mul3A_588 = arith.constant 1.000000e-01 : f32
    %mul3A_589 = vector.broadcast %mul3A_588 : f32 to vector<16xf32>
    %mul3A_590 = arith.mulf %mul3A_589, %get3A_587 : vector<16xf32>
    %get3A_591 = arith.constant 64 : index
    %get3A_592 = tpu.vector_load %arg14[%get3A_591] {strides = array<i32>} : memref<112xf32, #tpu.memory_space<vmem>>, vector<16xf32>,
    %sub3A_593 = arith.subf %mul3A_590, %get3A_592 : vector<16xf32>
    tpu.vector_store_idx %arg18[%get3A_583], %sub3A_593 masked %lt3A_581 : memref<912xf32, #tpu.memory_space<vmem>>[vector<16xi32>], vector<16xf32>, vector<16xi1>
    %mul3A_594 = arith.constant 4 : i32
    %mul3A_595 = vector.broadcast %mul3A_594 : i32 to vector<16xi32>
    %mul3A_596 = arith.muli %get3A_583, %mul3A_595 : vector<16xi32>
    %mul3A_597 = arith.constant 4 : i32
    %mul3A_598 = vector.broadcast %mul3A_597 : i32 to vector<16xi32>
    %mul3A_599 = arith.muli %get3A_585, %mul3A_598 : vector<16xi32>
    %add3A_600 = arith.constant 0 : i32
    %add3A_601 = vector.broadcast %add3A_600 : i32 to vector<16xi32>
    %add3A_602 = arith.addi %mul3A_596, %add3A_601 : vector<16xi32>
    %gather3A_603 = tpu.vector_load_idx %arg16[%add3A_602] : memref<3600xf32, #tpu.memory_space<vmem>>[vector<16xi32>], vector<16xf32>,
    %add3A_604 = arith.constant 0 : i32
    %add3A_605 = vector.broadcast %add3A_604 : i32 to vector<16xi32>
    %add3A_606 = arith.addi %mul3A_599, %add3A_605 : vector<16xi32>
    %gather3A_607 = tpu.vector_load_idx %arg17[%add3A_606] : memref<400xf32, #tpu.memory_space<vmem>>[vector<16xi32>], vector<16xf32>,
    %sub3A_608 = arith.subf %gather3A_603, %gather3A_607 : vector<16xf32>
    %abs3A_609 = math.absf %sub3A_608 : vector<16xf32>
    %jit3A_610 = arith.constant 0.000000e+00 : f32
    %broadcast_in_dim3A_611 = vector.broadcast %jit3A_610 : f32 to vector<16xf32>
    %select_n3A_612 = arith.select %lt3A_581, %abs3A_609, %broadcast_in_dim3A_611 : vector<16xi1>, vector<16xf32>
    %add3A_613 = arith.addf %add3A_574, %select_n3A_612 : vector<16xf32>
    %add3A_614 = arith.constant 1 : i32
    %add3A_615 = vector.broadcast %add3A_614 : i32 to vector<16xi32>
    %add3A_616 = arith.addi %mul3A_596, %add3A_615 : vector<16xi32>
    %gather3A_617 = tpu.vector_load_idx %arg16[%add3A_616] : memref<3600xf32, #tpu.memory_space<vmem>>[vector<16xi32>], vector<16xf32>,
    %add3A_618 = arith.constant 1 : i32
    %add3A_619 = vector.broadcast %add3A_618 : i32 to vector<16xi32>
    %add3A_620 = arith.addi %mul3A_599, %add3A_619 : vector<16xi32>
    %gather3A_621 = tpu.vector_load_idx %arg17[%add3A_620] : memref<400xf32, #tpu.memory_space<vmem>>[vector<16xi32>], vector<16xf32>,
    %sub3A_622 = arith.subf %gather3A_617, %gather3A_621 : vector<16xf32>
    %abs3A_623 = math.absf %sub3A_622 : vector<16xf32>
    %jit3A_624 = arith.constant 0.000000e+00 : f32
    %broadcast_in_dim3A_625 = vector.broadcast %jit3A_624 : f32 to vector<16xf32>
    %select_n3A_626 = arith.select %lt3A_581, %abs3A_623, %broadcast_in_dim3A_625 : vector<16xi1>, vector<16xf32>
    %add3A_627 = arith.addf %add3A_613, %select_n3A_626 : vector<16xf32>
    %add3A_628 = arith.constant 2 : i32
    %add3A_629 = vector.broadcast %add3A_628 : i32 to vector<16xi32>
    %add3A_630 = arith.addi %mul3A_596, %add3A_629 : vector<16xi32>
    %gather3A_631 = tpu.vector_load_idx %arg16[%add3A_630] : memref<3600xf32, #tpu.memory_space<vmem>>[vector<16xi32>], vector<16xf32>,
    %add3A_632 = arith.constant 2 : i32
    %add3A_633 = vector.broadcast %add3A_632 : i32 to vector<16xi32>
    %add3A_634 = arith.addi %mul3A_599, %add3A_633 : vector<16xi32>
    %gather3A_635 = tpu.vector_load_idx %arg17[%add3A_634] : memref<400xf32, #tpu.memory_space<vmem>>[vector<16xi32>], vector<16xf32>,
    %sub3A_636 = arith.subf %gather3A_631, %gather3A_635 : vector<16xf32>
    %abs3A_637 = math.absf %sub3A_636 : vector<16xf32>
    %jit3A_638 = arith.constant 0.000000e+00 : f32
    %broadcast_in_dim3A_639 = vector.broadcast %jit3A_638 : f32 to vector<16xf32>
    %select_n3A_640 = arith.select %lt3A_581, %abs3A_637, %broadcast_in_dim3A_639 : vector<16xi1>, vector<16xf32>
    %add3A_641 = arith.addf %add3A_627, %select_n3A_640 : vector<16xf32>
    %add3A_642 = arith.constant 3 : i32
    %add3A_643 = vector.broadcast %add3A_642 : i32 to vector<16xi32>
    %add3A_644 = arith.addi %mul3A_596, %add3A_643 : vector<16xi32>
    %gather3A_645 = tpu.vector_load_idx %arg16[%add3A_644] : memref<3600xf32, #tpu.memory_space<vmem>>[vector<16xi32>], vector<16xf32>,
    %add3A_646 = arith.constant 3 : i32
    %add3A_647 = vector.broadcast %add3A_646 : i32 to vector<16xi32>
    %add3A_648 = arith.addi %mul3A_599, %add3A_647 : vector<16xi32>
    %gather3A_649 = tpu.vector_load_idx %arg17[%add3A_648] : memref<400xf32, #tpu.memory_space<vmem>>[vector<16xi32>], vector<16xf32>,
    %sub3A_650 = arith.subf %gather3A_645, %gather3A_649 : vector<16xf32>
    %abs3A_651 = math.absf %sub3A_650 : vector<16xf32>
    %jit3A_652 = arith.constant 0.000000e+00 : f32
    %broadcast_in_dim3A_653 = vector.broadcast %jit3A_652 : f32 to vector<16xf32>
    %select_n3A_654 = arith.select %lt3A_581, %abs3A_651, %broadcast_in_dim3A_653 : vector<16xi1>, vector<16xf32>
    %add3A_655 = arith.addf %add3A_641, %select_n3A_654 : vector<16xf32>
    %iota3A_656 = tpu.iota {dimensions = array<i32: 0>} : vector<16xi32>
    %add3A_657 = arith.constant 80 : i32
    %add3A_658 = vector.broadcast %add3A_657 : i32 to vector<16xi32>
    %add3A_659 = arith.addi %iota3A_656, %add3A_658 : vector<16xi32>
    %lt3A_660 = arith.constant 100 : i32
    %lt3A_661 = vector.broadcast %lt3A_660 : i32 to vector<16xi32>
    %lt3A_662 = arith.cmpi slt, %add3A_659, %lt3A_661 : vector<16xi32>
    %get3A_663 = arith.constant 80 : index
    %get3A_664 = tpu.vector_load %arg9[%get3A_663] {strides = array<i32>} : memref<112xi32, #tpu.memory_space<vmem>>, vector<16xi32>,
    %get3A_665 = arith.constant 80 : index
    %get3A_666 = tpu.vector_load %arg10[%get3A_665] {strides = array<i32>} : memref<112xi32, #tpu.memory_space<vmem>>, vector<16xi32>,
    %get3A_667 = arith.constant 80 : index
    %get3A_668 = tpu.vector_load %arg15[%get3A_667] {strides = array<i32>} : memref<112xf32, #tpu.memory_space<vmem>>, vector<16xf32>,
    %mul3A_669 = arith.constant 1.000000e-01 : f32
    %mul3A_670 = vector.broadcast %mul3A_669 : f32 to vector<16xf32>
    %mul3A_671 = arith.mulf %mul3A_670, %get3A_668 : vector<16xf32>
    %get3A_672 = arith.constant 80 : index
    %get3A_673 = tpu.vector_load %arg14[%get3A_672] {strides = array<i32>} : memref<112xf32, #tpu.memory_space<vmem>>, vector<16xf32>,
    %sub3A_674 = arith.subf %mul3A_671, %get3A_673 : vector<16xf32>
    tpu.vector_store_idx %arg18[%get3A_664], %sub3A_674 masked %lt3A_662 : memref<912xf32, #tpu.memory_space<vmem>>[vector<16xi32>], vector<16xf32>, vector<16xi1>
    %mul3A_675 = arith.constant 4 : i32
    %mul3A_676 = vector.broadcast %mul3A_675 : i32 to vector<16xi32>
    %mul3A_677 = arith.muli %get3A_664, %mul3A_676 : vector<16xi32>
    %mul3A_678 = arith.constant 4 : i32
    %mul3A_679 = vector.broadcast %mul3A_678 : i32 to vector<16xi32>
    %mul3A_680 = arith.muli %get3A_666, %mul3A_679 : vector<16xi32>
    %add3A_681 = arith.constant 0 : i32
    %add3A_682 = vector.broadcast %add3A_681 : i32 to vector<16xi32>
    %add3A_683 = arith.addi %mul3A_677, %add3A_682 : vector<16xi32>
    %gather3A_684 = tpu.vector_load_idx %arg16[%add3A_683] : memref<3600xf32, #tpu.memory_space<vmem>>[vector<16xi32>], vector<16xf32>,
    %add3A_685 = arith.constant 0 : i32
    %add3A_686 = vector.broadcast %add3A_685 : i32 to vector<16xi32>
    %add3A_687 = arith.addi %mul3A_680, %add3A_686 : vector<16xi32>
    %gather3A_688 = tpu.vector_load_idx %arg17[%add3A_687] : memref<400xf32, #tpu.memory_space<vmem>>[vector<16xi32>], vector<16xf32>,
    %sub3A_689 = arith.subf %gather3A_684, %gather3A_688 : vector<16xf32>
    %abs3A_690 = math.absf %sub3A_689 : vector<16xf32>
    %jit3A_691 = arith.constant 0.000000e+00 : f32
    %broadcast_in_dim3A_692 = vector.broadcast %jit3A_691 : f32 to vector<16xf32>
    %select_n3A_693 = arith.select %lt3A_662, %abs3A_690, %broadcast_in_dim3A_692 : vector<16xi1>, vector<16xf32>
    %add3A_694 = arith.addf %add3A_655, %select_n3A_693 : vector<16xf32>
    %add3A_695 = arith.constant 1 : i32
    %add3A_696 = vector.broadcast %add3A_695 : i32 to vector<16xi32>
    %add3A_697 = arith.addi %mul3A_677, %add3A_696 : vector<16xi32>
    %gather3A_698 = tpu.vector_load_idx %arg16[%add3A_697] : memref<3600xf32, #tpu.memory_space<vmem>>[vector<16xi32>], vector<16xf32>,
    %add3A_699 = arith.constant 1 : i32
    %add3A_700 = vector.broadcast %add3A_699 : i32 to vector<16xi32>
    %add3A_701 = arith.addi %mul3A_680, %add3A_700 : vector<16xi32>
    %gather3A_702 = tpu.vector_load_idx %arg17[%add3A_701] : memref<400xf32, #tpu.memory_space<vmem>>[vector<16xi32>], vector<16xf32>,
    %sub3A_703 = arith.subf %gather3A_698, %gather3A_702 : vector<16xf32>
    %abs3A_704 = math.absf %sub3A_703 : vector<16xf32>
    %jit3A_705 = arith.constant 0.000000e+00 : f32
    %broadcast_in_dim3A_706 = vector.broadcast %jit3A_705 : f32 to vector<16xf32>
    %select_n3A_707 = arith.select %lt3A_662, %abs3A_704, %broadcast_in_dim3A_706 : vector<16xi1>, vector<16xf32>
    %add3A_708 = arith.addf %add3A_694, %select_n3A_707 : vector<16xf32>
    %add3A_709 = arith.constant 2 : i32
    %add3A_710 = vector.broadcast %add3A_709 : i32 to vector<16xi32>
    %add3A_711 = arith.addi %mul3A_677, %add3A_710 : vector<16xi32>
    %gather3A_712 = tpu.vector_load_idx %arg16[%add3A_711] : memref<3600xf32, #tpu.memory_space<vmem>>[vector<16xi32>], vector<16xf32>,
    %add3A_713 = arith.constant 2 : i32
    %add3A_714 = vector.broadcast %add3A_713 : i32 to vector<16xi32>
    %add3A_715 = arith.addi %mul3A_680, %add3A_714 : vector<16xi32>
    %gather3A_716 = tpu.vector_load_idx %arg17[%add3A_715] : memref<400xf32, #tpu.memory_space<vmem>>[vector<16xi32>], vector<16xf32>,
    %sub3A_717 = arith.subf %gather3A_712, %gather3A_716 : vector<16xf32>
    %abs3A_718 = math.absf %sub3A_717 : vector<16xf32>
    %jit3A_719 = arith.constant 0.000000e+00 : f32
    %broadcast_in_dim3A_720 = vector.broadcast %jit3A_719 : f32 to vector<16xf32>
    %select_n3A_721 = arith.select %lt3A_662, %abs3A_718, %broadcast_in_dim3A_720 : vector<16xi1>, vector<16xf32>
    %add3A_722 = arith.addf %add3A_708, %select_n3A_721 : vector<16xf32>
    %add3A_723 = arith.constant 3 : i32
    %add3A_724 = vector.broadcast %add3A_723 : i32 to vector<16xi32>
    %add3A_725 = arith.addi %mul3A_677, %add3A_724 : vector<16xi32>
    %gather3A_726 = tpu.vector_load_idx %arg16[%add3A_725] : memref<3600xf32, #tpu.memory_space<vmem>>[vector<16xi32>], vector<16xf32>,
    %add3A_727 = arith.constant 3 : i32
    %add3A_728 = vector.broadcast %add3A_727 : i32 to vector<16xi32>
    %add3A_729 = arith.addi %mul3A_680, %add3A_728 : vector<16xi32>
    %gather3A_730 = tpu.vector_load_idx %arg17[%add3A_729] : memref<400xf32, #tpu.memory_space<vmem>>[vector<16xi32>], vector<16xf32>,
    %sub3A_731 = arith.subf %gather3A_726, %gather3A_730 : vector<16xf32>
    %abs3A_732 = math.absf %sub3A_731 : vector<16xf32>
    %jit3A_733 = arith.constant 0.000000e+00 : f32
    %broadcast_in_dim3A_734 = vector.broadcast %jit3A_733 : f32 to vector<16xf32>
    %select_n3A_735 = arith.select %lt3A_662, %abs3A_732, %broadcast_in_dim3A_734 : vector<16xi1>, vector<16xf32>
    %add3A_736 = arith.addf %add3A_722, %select_n3A_735 : vector<16xf32>
    %iota3A_737 = tpu.iota {dimensions = array<i32: 0>} : vector<16xi32>
    %add3A_738 = arith.constant 96 : i32
    %add3A_739 = vector.broadcast %add3A_738 : i32 to vector<16xi32>
    %add3A_740 = arith.addi %iota3A_737, %add3A_739 : vector<16xi32>
    %lt3A_741 = arith.constant 100 : i32
    %lt3A_742 = vector.broadcast %lt3A_741 : i32 to vector<16xi32>
    %lt3A_743 = arith.cmpi slt, %add3A_740, %lt3A_742 : vector<16xi32>
    %get3A_744 = arith.constant 96 : index
    %get3A_745 = tpu.vector_load %arg9[%get3A_744] {strides = array<i32>} : memref<112xi32, #tpu.memory_space<vmem>>, vector<16xi32>,
    %get3A_746 = arith.constant 96 : index
    %get3A_747 = tpu.vector_load %arg10[%get3A_746] {strides = array<i32>} : memref<112xi32, #tpu.memory_space<vmem>>, vector<16xi32>,
    %get3A_748 = arith.constant 96 : index
    %get3A_749 = tpu.vector_load %arg15[%get3A_748] {strides = array<i32>} : memref<112xf32, #tpu.memory_space<vmem>>, vector<16xf32>,
    %mul3A_750 = arith.constant 1.000000e-01 : f32
    %mul3A_751 = vector.broadcast %mul3A_750 : f32 to vector<16xf32>
    %mul3A_752 = arith.mulf %mul3A_751, %get3A_749 : vector<16xf32>
    %get3A_753 = arith.constant 96 : index
    %get3A_754 = tpu.vector_load %arg14[%get3A_753] {strides = array<i32>} : memref<112xf32, #tpu.memory_space<vmem>>, vector<16xf32>,
    %sub3A_755 = arith.subf %mul3A_752, %get3A_754 : vector<16xf32>
    tpu.vector_store_idx %arg18[%get3A_745], %sub3A_755 masked %lt3A_743 : memref<912xf32, #tpu.memory_space<vmem>>[vector<16xi32>], vector<16xf32>, vector<16xi1>
    %mul3A_756 = arith.constant 4 : i32
    %mul3A_757 = vector.broadcast %mul3A_756 : i32 to vector<16xi32>
    %mul3A_758 = arith.muli %get3A_745, %mul3A_757 : vector<16xi32>
    %mul3A_759 = arith.constant 4 : i32
    %mul3A_760 = vector.broadcast %mul3A_759 : i32 to vector<16xi32>
    %mul3A_761 = arith.muli %get3A_747, %mul3A_760 : vector<16xi32>
    %add3A_762 = arith.constant 0 : i32
    %add3A_763 = vector.broadcast %add3A_762 : i32 to vector<16xi32>
    %add3A_764 = arith.addi %mul3A_758, %add3A_763 : vector<16xi32>
    %gather3A_765 = tpu.vector_load_idx %arg16[%add3A_764] : memref<3600xf32, #tpu.memory_space<vmem>>[vector<16xi32>], vector<16xf32>,
    %add3A_766 = arith.constant 0 : i32
    %add3A_767 = vector.broadcast %add3A_766 : i32 to vector<16xi32>
    %add3A_768 = arith.addi %mul3A_761, %add3A_767 : vector<16xi32>
    %gather3A_769 = tpu.vector_load_idx %arg17[%add3A_768] : memref<400xf32, #tpu.memory_space<vmem>>[vector<16xi32>], vector<16xf32>,
    %sub3A_770 = arith.subf %gather3A_765, %gather3A_769 : vector<16xf32>
    %abs3A_771 = math.absf %sub3A_770 : vector<16xf32>
    %jit3A_772 = arith.constant 0.000000e+00 : f32
    %broadcast_in_dim3A_773 = vector.broadcast %jit3A_772 : f32 to vector<16xf32>
    %select_n3A_774 = arith.select %lt3A_743, %abs3A_771, %broadcast_in_dim3A_773 : vector<16xi1>, vector<16xf32>
    %add3A_775 = arith.addf %add3A_736, %select_n3A_774 : vector<16xf32>
    %add3A_776 = arith.constant 1 : i32
    %add3A_777 = vector.broadcast %add3A_776 : i32 to vector<16xi32>
    %add3A_778 = arith.addi %mul3A_758, %add3A_777 : vector<16xi32>
    %gather3A_779 = tpu.vector_load_idx %arg16[%add3A_778] : memref<3600xf32, #tpu.memory_space<vmem>>[vector<16xi32>], vector<16xf32>,
    %add3A_780 = arith.constant 1 : i32
    %add3A_781 = vector.broadcast %add3A_780 : i32 to vector<16xi32>
    %add3A_782 = arith.addi %mul3A_761, %add3A_781 : vector<16xi32>
    %gather3A_783 = tpu.vector_load_idx %arg17[%add3A_782] : memref<400xf32, #tpu.memory_space<vmem>>[vector<16xi32>], vector<16xf32>,
    %sub3A_784 = arith.subf %gather3A_779, %gather3A_783 : vector<16xf32>
    %abs3A_785 = math.absf %sub3A_784 : vector<16xf32>
    %jit3A_786 = arith.constant 0.000000e+00 : f32
    %broadcast_in_dim3A_787 = vector.broadcast %jit3A_786 : f32 to vector<16xf32>
    %select_n3A_788 = arith.select %lt3A_743, %abs3A_785, %broadcast_in_dim3A_787 : vector<16xi1>, vector<16xf32>
    %add3A_789 = arith.addf %add3A_775, %select_n3A_788 : vector<16xf32>
    %add3A_790 = arith.constant 2 : i32
    %add3A_791 = vector.broadcast %add3A_790 : i32 to vector<16xi32>
    %add3A_792 = arith.addi %mul3A_758, %add3A_791 : vector<16xi32>
    %gather3A_793 = tpu.vector_load_idx %arg16[%add3A_792] : memref<3600xf32, #tpu.memory_space<vmem>>[vector<16xi32>], vector<16xf32>,
    %add3A_794 = arith.constant 2 : i32
    %add3A_795 = vector.broadcast %add3A_794 : i32 to vector<16xi32>
    %add3A_796 = arith.addi %mul3A_761, %add3A_795 : vector<16xi32>
    %gather3A_797 = tpu.vector_load_idx %arg17[%add3A_796] : memref<400xf32, #tpu.memory_space<vmem>>[vector<16xi32>], vector<16xf32>,
    %sub3A_798 = arith.subf %gather3A_793, %gather3A_797 : vector<16xf32>
    %abs3A_799 = math.absf %sub3A_798 : vector<16xf32>
    %jit3A_800 = arith.constant 0.000000e+00 : f32
    %broadcast_in_dim3A_801 = vector.broadcast %jit3A_800 : f32 to vector<16xf32>
    %select_n3A_802 = arith.select %lt3A_743, %abs3A_799, %broadcast_in_dim3A_801 : vector<16xi1>, vector<16xf32>
    %add3A_803 = arith.addf %add3A_789, %select_n3A_802 : vector<16xf32>
    %add3A_804 = arith.constant 3 : i32
    %add3A_805 = vector.broadcast %add3A_804 : i32 to vector<16xi32>
    %add3A_806 = arith.addi %mul3A_758, %add3A_805 : vector<16xi32>
    %gather3A_807 = tpu.vector_load_idx %arg16[%add3A_806] : memref<3600xf32, #tpu.memory_space<vmem>>[vector<16xi32>], vector<16xf32>,
    %add3A_808 = arith.constant 3 : i32
    %add3A_809 = vector.broadcast %add3A_808 : i32 to vector<16xi32>
    %add3A_810 = arith.addi %mul3A_761, %add3A_809 : vector<16xi32>
    %gather3A_811 = tpu.vector_load_idx %arg17[%add3A_810] : memref<400xf32, #tpu.memory_space<vmem>>[vector<16xi32>], vector<16xf32>,
    %sub3A_812 = arith.subf %gather3A_807, %gather3A_811 : vector<16xf32>
    %abs3A_813 = math.absf %sub3A_812 : vector<16xf32>
    %jit3A_814 = arith.constant 0.000000e+00 : f32
    %broadcast_in_dim3A_815 = vector.broadcast %jit3A_814 : f32 to vector<16xf32>
    %select_n3A_816 = arith.select %lt3A_743, %abs3A_813, %broadcast_in_dim3A_815 : vector<16xi1>, vector<16xf32>
    %add3A_817 = arith.addf %add3A_803, %select_n3A_816 : vector<16xf32>
    %get3A_818 = arith.constant 0 : index
    %get3A_819 = tpu.vector_load %arg18[%get3A_818] {strides = array<i32>} : memref<912xf32, #tpu.memory_space<vmem>>, vector<16xf32>,
    %add3A_820 = arith.addf %broadcast_in_dim3A_1, %get3A_819 : vector<16xf32>
    %get3A_821 = arith.constant 16 : index
    %get3A_822 = tpu.vector_load %arg18[%get3A_821] {strides = array<i32>} : memref<912xf32, #tpu.memory_space<vmem>>, vector<16xf32>,
    %add3A_823 = arith.addf %add3A_820, %get3A_822 : vector<16xf32>
    %get3A_824 = arith.constant 32 : index
    %get3A_825 = tpu.vector_load %arg18[%get3A_824] {strides = array<i32>} : memref<912xf32, #tpu.memory_space<vmem>>, vector<16xf32>,
    %add3A_826 = arith.addf %add3A_823, %get3A_825 : vector<16xf32>
    %get3A_827 = arith.constant 48 : index
    %get3A_828 = tpu.vector_load %arg18[%get3A_827] {strides = array<i32>} : memref<912xf32, #tpu.memory_space<vmem>>, vector<16xf32>,
    %add3A_829 = arith.addf %add3A_826, %get3A_828 : vector<16xf32>
    %get3A_830 = arith.constant 64 : index
    %get3A_831 = tpu.vector_load %arg18[%get3A_830] {strides = array<i32>} : memref<912xf32, #tpu.memory_space<vmem>>, vector<16xf32>,
    %add3A_832 = arith.addf %add3A_829, %get3A_831 : vector<16xf32>
    %get3A_833 = arith.constant 80 : index
    %get3A_834 = tpu.vector_load %arg18[%get3A_833] {strides = array<i32>} : memref<912xf32, #tpu.memory_space<vmem>>, vector<16xf32>,
    %add3A_835 = arith.addf %add3A_832, %get3A_834 : vector<16xf32>
    %get3A_836 = arith.constant 96 : index
    %get3A_837 = tpu.vector_load %arg18[%get3A_836] {strides = array<i32>} : memref<912xf32, #tpu.memory_space<vmem>>, vector<16xf32>,
    %add3A_838 = arith.addf %add3A_835, %get3A_837 : vector<16xf32>
    %get3A_839 = arith.constant 112 : index
    %get3A_840 = tpu.vector_load %arg18[%get3A_839] {strides = array<i32>} : memref<912xf32, #tpu.memory_space<vmem>>, vector<16xf32>,
    %add3A_841 = arith.addf %add3A_838, %get3A_840 : vector<16xf32>
    %get3A_842 = arith.constant 128 : index
    %get3A_843 = tpu.vector_load %arg18[%get3A_842] {strides = array<i32>} : memref<912xf32, #tpu.memory_space<vmem>>, vector<16xf32>,
    %add3A_844 = arith.addf %add3A_841, %get3A_843 : vector<16xf32>
    %get3A_845 = arith.constant 144 : index
    %get3A_846 = tpu.vector_load %arg18[%get3A_845] {strides = array<i32>} : memref<912xf32, #tpu.memory_space<vmem>>, vector<16xf32>,
    %add3A_847 = arith.addf %add3A_844, %get3A_846 : vector<16xf32>
    %get3A_848 = arith.constant 160 : index
    %get3A_849 = tpu.vector_load %arg18[%get3A_848] {strides = array<i32>} : memref<912xf32, #tpu.memory_space<vmem>>, vector<16xf32>,
    %add3A_850 = arith.addf %add3A_847, %get3A_849 : vector<16xf32>
    %get3A_851 = arith.constant 176 : index
    %get3A_852 = tpu.vector_load %arg18[%get3A_851] {strides = array<i32>} : memref<912xf32, #tpu.memory_space<vmem>>, vector<16xf32>,
    %add3A_853 = arith.addf %add3A_850, %get3A_852 : vector<16xf32>
    %get3A_854 = arith.constant 192 : index
    %get3A_855 = tpu.vector_load %arg18[%get3A_854] {strides = array<i32>} : memref<912xf32, #tpu.memory_space<vmem>>, vector<16xf32>,
    %add3A_856 = arith.addf %add3A_853, %get3A_855 : vector<16xf32>
    %get3A_857 = arith.constant 208 : index
    %get3A_858 = tpu.vector_load %arg18[%get3A_857] {strides = array<i32>} : memref<912xf32, #tpu.memory_space<vmem>>, vector<16xf32>,
    %add3A_859 = arith.addf %add3A_856, %get3A_858 : vector<16xf32>
    %get3A_860 = arith.constant 224 : index
    %get3A_861 = tpu.vector_load %arg18[%get3A_860] {strides = array<i32>} : memref<912xf32, #tpu.memory_space<vmem>>, vector<16xf32>,
    %add3A_862 = arith.addf %add3A_859, %get3A_861 : vector<16xf32>
    %get3A_863 = arith.constant 240 : index
    %get3A_864 = tpu.vector_load %arg18[%get3A_863] {strides = array<i32>} : memref<912xf32, #tpu.memory_space<vmem>>, vector<16xf32>,
    %add3A_865 = arith.addf %add3A_862, %get3A_864 : vector<16xf32>
    %get3A_866 = arith.constant 256 : index
    %get3A_867 = tpu.vector_load %arg18[%get3A_866] {strides = array<i32>} : memref<912xf32, #tpu.memory_space<vmem>>, vector<16xf32>,
    %add3A_868 = arith.addf %add3A_865, %get3A_867 : vector<16xf32>
    %get3A_869 = arith.constant 272 : index
    %get3A_870 = tpu.vector_load %arg18[%get3A_869] {strides = array<i32>} : memref<912xf32, #tpu.memory_space<vmem>>, vector<16xf32>,
    %add3A_871 = arith.addf %add3A_868, %get3A_870 : vector<16xf32>
    %get3A_872 = arith.constant 288 : index
    %get3A_873 = tpu.vector_load %arg18[%get3A_872] {strides = array<i32>} : memref<912xf32, #tpu.memory_space<vmem>>, vector<16xf32>,
    %add3A_874 = arith.addf %add3A_871, %get3A_873 : vector<16xf32>
    %get3A_875 = arith.constant 304 : index
    %get3A_876 = tpu.vector_load %arg18[%get3A_875] {strides = array<i32>} : memref<912xf32, #tpu.memory_space<vmem>>, vector<16xf32>,
    %add3A_877 = arith.addf %add3A_874, %get3A_876 : vector<16xf32>
    %get3A_878 = arith.constant 320 : index
    %get3A_879 = tpu.vector_load %arg18[%get3A_878] {strides = array<i32>} : memref<912xf32, #tpu.memory_space<vmem>>, vector<16xf32>,
    %add3A_880 = arith.addf %add3A_877, %get3A_879 : vector<16xf32>
    %get3A_881 = arith.constant 336 : index
    %get3A_882 = tpu.vector_load %arg18[%get3A_881] {strides = array<i32>} : memref<912xf32, #tpu.memory_space<vmem>>, vector<16xf32>,
    %add3A_883 = arith.addf %add3A_880, %get3A_882 : vector<16xf32>
    %get3A_884 = arith.constant 352 : index
    %get3A_885 = tpu.vector_load %arg18[%get3A_884] {strides = array<i32>} : memref<912xf32, #tpu.memory_space<vmem>>, vector<16xf32>,
    %add3A_886 = arith.addf %add3A_883, %get3A_885 : vector<16xf32>
    %get3A_887 = arith.constant 368 : index
    %get3A_888 = tpu.vector_load %arg18[%get3A_887] {strides = array<i32>} : memref<912xf32, #tpu.memory_space<vmem>>, vector<16xf32>,
    %add3A_889 = arith.addf %add3A_886, %get3A_888 : vector<16xf32>
    %get3A_890 = arith.constant 384 : index
    %get3A_891 = tpu.vector_load %arg18[%get3A_890] {strides = array<i32>} : memref<912xf32, #tpu.memory_space<vmem>>, vector<16xf32>,
    %add3A_892 = arith.addf %add3A_889, %get3A_891 : vector<16xf32>
    %get3A_893 = arith.constant 400 : index
    %get3A_894 = tpu.vector_load %arg18[%get3A_893] {strides = array<i32>} : memref<912xf32, #tpu.memory_space<vmem>>, vector<16xf32>,
    %add3A_895 = arith.addf %add3A_892, %get3A_894 : vector<16xf32>
    %get3A_896 = arith.constant 416 : index
    %get3A_897 = tpu.vector_load %arg18[%get3A_896] {strides = array<i32>} : memref<912xf32, #tpu.memory_space<vmem>>, vector<16xf32>,
    %add3A_898 = arith.addf %add3A_895, %get3A_897 : vector<16xf32>
    %get3A_899 = arith.constant 432 : index
    %get3A_900 = tpu.vector_load %arg18[%get3A_899] {strides = array<i32>} : memref<912xf32, #tpu.memory_space<vmem>>, vector<16xf32>,
    %add3A_901 = arith.addf %add3A_898, %get3A_900 : vector<16xf32>
    %get3A_902 = arith.constant 448 : index
    %get3A_903 = tpu.vector_load %arg18[%get3A_902] {strides = array<i32>} : memref<912xf32, #tpu.memory_space<vmem>>, vector<16xf32>,
    %add3A_904 = arith.addf %add3A_901, %get3A_903 : vector<16xf32>
    %get3A_905 = arith.constant 464 : index
    %get3A_906 = tpu.vector_load %arg18[%get3A_905] {strides = array<i32>} : memref<912xf32, #tpu.memory_space<vmem>>, vector<16xf32>,
    %add3A_907 = arith.addf %add3A_904, %get3A_906 : vector<16xf32>
    %get3A_908 = arith.constant 480 : index
    %get3A_909 = tpu.vector_load %arg18[%get3A_908] {strides = array<i32>} : memref<912xf32, #tpu.memory_space<vmem>>, vector<16xf32>,
    %add3A_910 = arith.addf %add3A_907, %get3A_909 : vector<16xf32>
    %get3A_911 = arith.constant 496 : index
    %get3A_912 = tpu.vector_load %arg18[%get3A_911] {strides = array<i32>} : memref<912xf32, #tpu.memory_space<vmem>>, vector<16xf32>,
    %add3A_913 = arith.addf %add3A_910, %get3A_912 : vector<16xf32>
    %get3A_914 = arith.constant 512 : index
    %get3A_915 = tpu.vector_load %arg18[%get3A_914] {strides = array<i32>} : memref<912xf32, #tpu.memory_space<vmem>>, vector<16xf32>,
    %add3A_916 = arith.addf %add3A_913, %get3A_915 : vector<16xf32>
    %get3A_917 = arith.constant 528 : index
    %get3A_918 = tpu.vector_load %arg18[%get3A_917] {strides = array<i32>} : memref<912xf32, #tpu.memory_space<vmem>>, vector<16xf32>,
    %add3A_919 = arith.addf %add3A_916, %get3A_918 : vector<16xf32>
    %get3A_920 = arith.constant 544 : index
    %get3A_921 = tpu.vector_load %arg18[%get3A_920] {strides = array<i32>} : memref<912xf32, #tpu.memory_space<vmem>>, vector<16xf32>,
    %add3A_922 = arith.addf %add3A_919, %get3A_921 : vector<16xf32>
    %get3A_923 = arith.constant 560 : index
    %get3A_924 = tpu.vector_load %arg18[%get3A_923] {strides = array<i32>} : memref<912xf32, #tpu.memory_space<vmem>>, vector<16xf32>,
    %add3A_925 = arith.addf %add3A_922, %get3A_924 : vector<16xf32>
    %get3A_926 = arith.constant 576 : index
    %get3A_927 = tpu.vector_load %arg18[%get3A_926] {strides = array<i32>} : memref<912xf32, #tpu.memory_space<vmem>>, vector<16xf32>,
    %add3A_928 = arith.addf %add3A_925, %get3A_927 : vector<16xf32>
    %get3A_929 = arith.constant 592 : index
    %get3A_930 = tpu.vector_load %arg18[%get3A_929] {strides = array<i32>} : memref<912xf32, #tpu.memory_space<vmem>>, vector<16xf32>,
    %add3A_931 = arith.addf %add3A_928, %get3A_930 : vector<16xf32>
    %get3A_932 = arith.constant 608 : index
    %get3A_933 = tpu.vector_load %arg18[%get3A_932] {strides = array<i32>} : memref<912xf32, #tpu.memory_space<vmem>>, vector<16xf32>,
    %add3A_934 = arith.addf %add3A_931, %get3A_933 : vector<16xf32>
    %get3A_935 = arith.constant 624 : index
    %get3A_936 = tpu.vector_load %arg18[%get3A_935] {strides = array<i32>} : memref<912xf32, #tpu.memory_space<vmem>>, vector<16xf32>,
    %add3A_937 = arith.addf %add3A_934, %get3A_936 : vector<16xf32>
    %get3A_938 = arith.constant 640 : index
    %get3A_939 = tpu.vector_load %arg18[%get3A_938] {strides = array<i32>} : memref<912xf32, #tpu.memory_space<vmem>>, vector<16xf32>,
    %add3A_940 = arith.addf %add3A_937, %get3A_939 : vector<16xf32>
    %get3A_941 = arith.constant 656 : index
    %get3A_942 = tpu.vector_load %arg18[%get3A_941] {strides = array<i32>} : memref<912xf32, #tpu.memory_space<vmem>>, vector<16xf32>,
    %add3A_943 = arith.addf %add3A_940, %get3A_942 : vector<16xf32>
    %get3A_944 = arith.constant 672 : index
    %get3A_945 = tpu.vector_load %arg18[%get3A_944] {strides = array<i32>} : memref<912xf32, #tpu.memory_space<vmem>>, vector<16xf32>,
    %add3A_946 = arith.addf %add3A_943, %get3A_945 : vector<16xf32>
    %get3A_947 = arith.constant 688 : index
    %get3A_948 = tpu.vector_load %arg18[%get3A_947] {strides = array<i32>} : memref<912xf32, #tpu.memory_space<vmem>>, vector<16xf32>,
    %add3A_949 = arith.addf %add3A_946, %get3A_948 : vector<16xf32>
    %get3A_950 = arith.constant 704 : index
    %get3A_951 = tpu.vector_load %arg18[%get3A_950] {strides = array<i32>} : memref<912xf32, #tpu.memory_space<vmem>>, vector<16xf32>,
    %add3A_952 = arith.addf %add3A_949, %get3A_951 : vector<16xf32>
    %get3A_953 = arith.constant 720 : index
    %get3A_954 = tpu.vector_load %arg18[%get3A_953] {strides = array<i32>} : memref<912xf32, #tpu.memory_space<vmem>>, vector<16xf32>,
    %add3A_955 = arith.addf %add3A_952, %get3A_954 : vector<16xf32>
    %get3A_956 = arith.constant 736 : index
    %get3A_957 = tpu.vector_load %arg18[%get3A_956] {strides = array<i32>} : memref<912xf32, #tpu.memory_space<vmem>>, vector<16xf32>,
    %add3A_958 = arith.addf %add3A_955, %get3A_957 : vector<16xf32>
    %get3A_959 = arith.constant 752 : index
    %get3A_960 = tpu.vector_load %arg18[%get3A_959] {strides = array<i32>} : memref<912xf32, #tpu.memory_space<vmem>>, vector<16xf32>,
    %add3A_961 = arith.addf %add3A_958, %get3A_960 : vector<16xf32>
    %get3A_962 = arith.constant 768 : index
    %get3A_963 = tpu.vector_load %arg18[%get3A_962] {strides = array<i32>} : memref<912xf32, #tpu.memory_space<vmem>>, vector<16xf32>,
    %add3A_964 = arith.addf %add3A_961, %get3A_963 : vector<16xf32>
    %get3A_965 = arith.constant 784 : index
    %get3A_966 = tpu.vector_load %arg18[%get3A_965] {strides = array<i32>} : memref<912xf32, #tpu.memory_space<vmem>>, vector<16xf32>,
    %add3A_967 = arith.addf %add3A_964, %get3A_966 : vector<16xf32>
    %get3A_968 = arith.constant 800 : index
    %get3A_969 = tpu.vector_load %arg18[%get3A_968] {strides = array<i32>} : memref<912xf32, #tpu.memory_space<vmem>>, vector<16xf32>,
    %add3A_970 = arith.addf %add3A_967, %get3A_969 : vector<16xf32>
    %get3A_971 = arith.constant 816 : index
    %get3A_972 = tpu.vector_load %arg18[%get3A_971] {strides = array<i32>} : memref<912xf32, #tpu.memory_space<vmem>>, vector<16xf32>,
    %add3A_973 = arith.addf %add3A_970, %get3A_972 : vector<16xf32>
    %get3A_974 = arith.constant 832 : index
    %get3A_975 = tpu.vector_load %arg18[%get3A_974] {strides = array<i32>} : memref<912xf32, #tpu.memory_space<vmem>>, vector<16xf32>,
    %add3A_976 = arith.addf %add3A_973, %get3A_975 : vector<16xf32>
    %get3A_977 = arith.constant 848 : index
    %get3A_978 = tpu.vector_load %arg18[%get3A_977] {strides = array<i32>} : memref<912xf32, #tpu.memory_space<vmem>>, vector<16xf32>,
    %add3A_979 = arith.addf %add3A_976, %get3A_978 : vector<16xf32>
    %get3A_980 = arith.constant 864 : index
    %get3A_981 = tpu.vector_load %arg18[%get3A_980] {strides = array<i32>} : memref<912xf32, #tpu.memory_space<vmem>>, vector<16xf32>,
    %add3A_982 = arith.addf %add3A_979, %get3A_981 : vector<16xf32>
    %get3A_983 = arith.constant 880 : index
    %get3A_984 = tpu.vector_load %arg18[%get3A_983] {strides = array<i32>} : memref<912xf32, #tpu.memory_space<vmem>>, vector<16xf32>,
    %add3A_985 = arith.addf %add3A_982, %get3A_984 : vector<16xf32>
    %get3A_986 = arith.constant 896 : index
    %get3A_987 = tpu.vector_load %arg18[%get3A_986] {strides = array<i32>} : memref<912xf32, #tpu.memory_space<vmem>>, vector<16xf32>,
    %add3A_988 = arith.addf %add3A_985, %get3A_987 : vector<16xf32>
    %add3A_989 = arith.addf %broadcast_in_dim3A_1, %add3A_988 : vector<16xf32>
    %mul3A_990 = arith.constant 2 : i32
    %mul3A_991 = arith.muli %add3A, %mul3A_990 : i32
    %add3A_992 = arith.constant 1 : i32
    %add3A_993 = arith.addi %mul3A_991, %add3A_992 : i32
    "tpu.region"() ({
      %run_scoped3A_1995 = tpu.sem_alloc : memref<!tpu.dma_semaphore, #tpu.memory_space<semaphore_mem>>
      %dma_start3A_1996 = arith.constant 0 : i32
      %dma_start3A_1997 = tpu.memref_slice %arg6[%add3A_993, %dma_start3A_1996] : memref<64x112xi32, #tpu.memory_space<hbm>> -> memref<1x112xi32, #tpu.memory_space<hbm>>
      %dma_start3A_1998 = tpu.memref_squeeze %dma_start3A_1997 : memref<1x112xi32, #tpu.memory_space<hbm>> -> memref<112xi32, #tpu.memory_space<hbm>>
      %dma_start3A_1999 = arith.constant 0 : i32
      %dma_start3A_2000 = tpu.memref_slice %arg6[%add3A_993, %dma_start3A_1999] : memref<64x112xi32, #tpu.memory_space<hbm>> -> memref<1x112xi32, #tpu.memory_space<hbm>>
      %dma_start3A_2001 = tpu.memref_squeeze %dma_start3A_2000 : memref<1x112xi32, #tpu.memory_space<hbm>> -> memref<112xi32, #tpu.memory_space<hbm>>
      tpu.enqueue_dma source(%dma_start3A_2001 : memref<112xi32, #tpu.memory_space<hbm>>) target(%arg9 : memref<112xi32, #tpu.memory_space<vmem>>) target_semaphore(%run_scoped3A_1995 : memref<!tpu.dma_semaphore, #tpu.memory_space<semaphore_mem>>)
      %dma_wait3A_2002 = arith.constant 0 : i32
      %dma_wait3A_2003 = tpu.memref_slice %arg6[%add3A_993, %dma_wait3A_2002] : memref<64x112xi32, #tpu.memory_space<hbm>> -> memref<1x112xi32, #tpu.memory_space<hbm>>
      %dma_wait3A_2004 = tpu.memref_squeeze %dma_wait3A_2003 : memref<1x112xi32, #tpu.memory_space<hbm>> -> memref<112xi32, #tpu.memory_space<hbm>>
      %dma_wait3A_2005 = arith.constant 0 : i32
      %dma_wait3A_2006 = tpu.memref_slice %arg6[%add3A_993, %dma_wait3A_2005] : memref<64x112xi32, #tpu.memory_space<hbm>> -> memref<1x112xi32, #tpu.memory_space<hbm>>
      %dma_wait3A_2007 = tpu.memref_squeeze %dma_wait3A_2006 : memref<1x112xi32, #tpu.memory_space<hbm>> -> memref<112xi32, #tpu.memory_space<hbm>>
      tpu.wait_dma2 semaphore(%run_scoped3A_1995 : memref<!tpu.dma_semaphore, #tpu.memory_space<semaphore_mem>>) src(%dma_wait3A_2007 : memref<112xi32, #tpu.memory_space<hbm>>) dst(%arg9 : memref<112xi32, #tpu.memory_space<vmem>>)
      tpu.yield
    }) : () -> ()
    "tpu.region"() ({
      %run_scoped3A_1995 = tpu.sem_alloc : memref<!tpu.dma_semaphore, #tpu.memory_space<semaphore_mem>>
      %dma_start3A_1996 = arith.constant 0 : i32
      %dma_start3A_1997 = tpu.memref_slice %arg7[%add3A_993, %dma_start3A_1996] : memref<64x112xi32, #tpu.memory_space<hbm>> -> memref<1x112xi32, #tpu.memory_space<hbm>>
      %dma_start3A_1998 = tpu.memref_squeeze %dma_start3A_1997 : memref<1x112xi32, #tpu.memory_space<hbm>> -> memref<112xi32, #tpu.memory_space<hbm>>
      %dma_start3A_1999 = arith.constant 0 : i32
      %dma_start3A_2000 = tpu.memref_slice %arg7[%add3A_993, %dma_start3A_1999] : memref<64x112xi32, #tpu.memory_space<hbm>> -> memref<1x112xi32, #tpu.memory_space<hbm>>
      %dma_start3A_2001 = tpu.memref_squeeze %dma_start3A_2000 : memref<1x112xi32, #tpu.memory_space<hbm>> -> memref<112xi32, #tpu.memory_space<hbm>>
      tpu.enqueue_dma source(%dma_start3A_2001 : memref<112xi32, #tpu.memory_space<hbm>>) target(%arg10 : memref<112xi32, #tpu.memory_space<vmem>>) target_semaphore(%run_scoped3A_1995 : memref<!tpu.dma_semaphore, #tpu.memory_space<semaphore_mem>>)
      %dma_wait3A_2002 = arith.constant 0 : i32
      %dma_wait3A_2003 = tpu.memref_slice %arg7[%add3A_993, %dma_wait3A_2002] : memref<64x112xi32, #tpu.memory_space<hbm>> -> memref<1x112xi32, #tpu.memory_space<hbm>>
      %dma_wait3A_2004 = tpu.memref_squeeze %dma_wait3A_2003 : memref<1x112xi32, #tpu.memory_space<hbm>> -> memref<112xi32, #tpu.memory_space<hbm>>
      %dma_wait3A_2005 = arith.constant 0 : i32
      %dma_wait3A_2006 = tpu.memref_slice %arg7[%add3A_993, %dma_wait3A_2005] : memref<64x112xi32, #tpu.memory_space<hbm>> -> memref<1x112xi32, #tpu.memory_space<hbm>>
      %dma_wait3A_2007 = tpu.memref_squeeze %dma_wait3A_2006 : memref<1x112xi32, #tpu.memory_space<hbm>> -> memref<112xi32, #tpu.memory_space<hbm>>
      tpu.wait_dma2 semaphore(%run_scoped3A_1995 : memref<!tpu.dma_semaphore, #tpu.memory_space<semaphore_mem>>) src(%dma_wait3A_2007 : memref<112xi32, #tpu.memory_space<hbm>>) dst(%arg10 : memref<112xi32, #tpu.memory_space<vmem>>)
      tpu.yield
    }) : () -> ()
    "tpu.region"() ({
      %run_scoped3A_1995 = tpu.sem_alloc : memref<!tpu.dma_semaphore, #tpu.memory_space<semaphore_mem>>
      %dma_start3A_1996 = arith.constant 0 : i32
      %dma_start3A_1997 = tpu.memref_slice %arg5[%add3A_993, %dma_start3A_1996] : memref<64x112xf32, #tpu.memory_space<hbm>> -> memref<1x112xf32, #tpu.memory_space<hbm>>
      %dma_start3A_1998 = tpu.memref_squeeze %dma_start3A_1997 : memref<1x112xf32, #tpu.memory_space<hbm>> -> memref<112xf32, #tpu.memory_space<hbm>>
      %dma_start3A_1999 = arith.constant 0 : i32
      %dma_start3A_2000 = tpu.memref_slice %arg5[%add3A_993, %dma_start3A_1999] : memref<64x112xf32, #tpu.memory_space<hbm>> -> memref<1x112xf32, #tpu.memory_space<hbm>>
      %dma_start3A_2001 = tpu.memref_squeeze %dma_start3A_2000 : memref<1x112xf32, #tpu.memory_space<hbm>> -> memref<112xf32, #tpu.memory_space<hbm>>
      tpu.enqueue_dma source(%dma_start3A_2001 : memref<112xf32, #tpu.memory_space<hbm>>) target(%arg11 : memref<112xf32, #tpu.memory_space<vmem>>) target_semaphore(%run_scoped3A_1995 : memref<!tpu.dma_semaphore, #tpu.memory_space<semaphore_mem>>)
      %dma_wait3A_2002 = arith.constant 0 : i32
      %dma_wait3A_2003 = tpu.memref_slice %arg5[%add3A_993, %dma_wait3A_2002] : memref<64x112xf32, #tpu.memory_space<hbm>> -> memref<1x112xf32, #tpu.memory_space<hbm>>
      %dma_wait3A_2004 = tpu.memref_squeeze %dma_wait3A_2003 : memref<1x112xf32, #tpu.memory_space<hbm>> -> memref<112xf32, #tpu.memory_space<hbm>>
      %dma_wait3A_2005 = arith.constant 0 : i32
      %dma_wait3A_2006 = tpu.memref_slice %arg5[%add3A_993, %dma_wait3A_2005] : memref<64x112xf32, #tpu.memory_space<hbm>> -> memref<1x112xf32, #tpu.memory_space<hbm>>
      %dma_wait3A_2007 = tpu.memref_squeeze %dma_wait3A_2006 : memref<1x112xf32, #tpu.memory_space<hbm>> -> memref<112xf32, #tpu.memory_space<hbm>>
      tpu.wait_dma2 semaphore(%run_scoped3A_1995 : memref<!tpu.dma_semaphore, #tpu.memory_space<semaphore_mem>>) src(%dma_wait3A_2007 : memref<112xf32, #tpu.memory_space<hbm>>) dst(%arg11 : memref<112xf32, #tpu.memory_space<vmem>>)
      tpu.yield
    }) : () -> ()
    "tpu.region"() ({
      %run_scoped3A_1995 = tpu.sem_alloc : memref<!tpu.dma_semaphore, #tpu.memory_space<semaphore_mem>>
      %dma_start3A_1996 = arith.constant 0 : i32
      %dma_start3A_1997 = tpu.memref_slice %arg3[%add3A_993, %dma_start3A_1996] : memref<64x3600xf32, #tpu.memory_space<hbm>> -> memref<1x3600xf32, #tpu.memory_space<hbm>>
      %dma_start3A_1998 = tpu.memref_squeeze %dma_start3A_1997 : memref<1x3600xf32, #tpu.memory_space<hbm>> -> memref<3600xf32, #tpu.memory_space<hbm>>
      %dma_start3A_1999 = arith.constant 0 : i32
      %dma_start3A_2000 = tpu.memref_slice %arg3[%add3A_993, %dma_start3A_1999] : memref<64x3600xf32, #tpu.memory_space<hbm>> -> memref<1x3600xf32, #tpu.memory_space<hbm>>
      %dma_start3A_2001 = tpu.memref_squeeze %dma_start3A_2000 : memref<1x3600xf32, #tpu.memory_space<hbm>> -> memref<3600xf32, #tpu.memory_space<hbm>>
      tpu.enqueue_dma source(%dma_start3A_2001 : memref<3600xf32, #tpu.memory_space<hbm>>) target(%arg16 : memref<3600xf32, #tpu.memory_space<vmem>>) target_semaphore(%run_scoped3A_1995 : memref<!tpu.dma_semaphore, #tpu.memory_space<semaphore_mem>>)
      %dma_wait3A_2002 = arith.constant 0 : i32
      %dma_wait3A_2003 = tpu.memref_slice %arg3[%add3A_993, %dma_wait3A_2002] : memref<64x3600xf32, #tpu.memory_space<hbm>> -> memref<1x3600xf32, #tpu.memory_space<hbm>>
      %dma_wait3A_2004 = tpu.memref_squeeze %dma_wait3A_2003 : memref<1x3600xf32, #tpu.memory_space<hbm>> -> memref<3600xf32, #tpu.memory_space<hbm>>
      %dma_wait3A_2005 = arith.constant 0 : i32
      %dma_wait3A_2006 = tpu.memref_slice %arg3[%add3A_993, %dma_wait3A_2005] : memref<64x3600xf32, #tpu.memory_space<hbm>> -> memref<1x3600xf32, #tpu.memory_space<hbm>>
      %dma_wait3A_2007 = tpu.memref_squeeze %dma_wait3A_2006 : memref<1x3600xf32, #tpu.memory_space<hbm>> -> memref<3600xf32, #tpu.memory_space<hbm>>
      tpu.wait_dma2 semaphore(%run_scoped3A_1995 : memref<!tpu.dma_semaphore, #tpu.memory_space<semaphore_mem>>) src(%dma_wait3A_2007 : memref<3600xf32, #tpu.memory_space<hbm>>) dst(%arg16 : memref<3600xf32, #tpu.memory_space<vmem>>)
      tpu.yield
    }) : () -> ()
    "tpu.region"() ({
      %run_scoped3A_1995 = tpu.sem_alloc : memref<!tpu.dma_semaphore, #tpu.memory_space<semaphore_mem>>
      %dma_start3A_1996 = arith.constant 0 : i32
      %dma_start3A_1997 = tpu.memref_slice %arg4[%add3A_993, %dma_start3A_1996] : memref<64x400xf32, #tpu.memory_space<hbm>> -> memref<1x400xf32, #tpu.memory_space<hbm>>
      %dma_start3A_1998 = tpu.memref_squeeze %dma_start3A_1997 : memref<1x400xf32, #tpu.memory_space<hbm>> -> memref<400xf32, #tpu.memory_space<hbm>>
      %dma_start3A_1999 = arith.constant 0 : i32
      %dma_start3A_2000 = tpu.memref_slice %arg4[%add3A_993, %dma_start3A_1999] : memref<64x400xf32, #tpu.memory_space<hbm>> -> memref<1x400xf32, #tpu.memory_space<hbm>>
      %dma_start3A_2001 = tpu.memref_squeeze %dma_start3A_2000 : memref<1x400xf32, #tpu.memory_space<hbm>> -> memref<400xf32, #tpu.memory_space<hbm>>
      tpu.enqueue_dma source(%dma_start3A_2001 : memref<400xf32, #tpu.memory_space<hbm>>) target(%arg17 : memref<400xf32, #tpu.memory_space<vmem>>) target_semaphore(%run_scoped3A_1995 : memref<!tpu.dma_semaphore, #tpu.memory_space<semaphore_mem>>)
      %dma_wait3A_2002 = arith.constant 0 : i32
      %dma_wait3A_2003 = tpu.memref_slice %arg4[%add3A_993, %dma_wait3A_2002] : memref<64x400xf32, #tpu.memory_space<hbm>> -> memref<1x400xf32, #tpu.memory_space<hbm>>
      %dma_wait3A_2004 = tpu.memref_squeeze %dma_wait3A_2003 : memref<1x400xf32, #tpu.memory_space<hbm>> -> memref<400xf32, #tpu.memory_space<hbm>>
      %dma_wait3A_2005 = arith.constant 0 : i32
      %dma_wait3A_2006 = tpu.memref_slice %arg4[%add3A_993, %dma_wait3A_2005] : memref<64x400xf32, #tpu.memory_space<hbm>> -> memref<1x400xf32, #tpu.memory_space<hbm>>
      %dma_wait3A_2007 = tpu.memref_squeeze %dma_wait3A_2006 : memref<1x400xf32, #tpu.memory_space<hbm>> -> memref<400xf32, #tpu.memory_space<hbm>>
      tpu.wait_dma2 semaphore(%run_scoped3A_1995 : memref<!tpu.dma_semaphore, #tpu.memory_space<semaphore_mem>>) src(%dma_wait3A_2007 : memref<400xf32, #tpu.memory_space<hbm>>) dst(%arg17 : memref<400xf32, #tpu.memory_space<vmem>>)
      tpu.yield
    }) : () -> ()
    %mul3A_994 = arith.constant 82800 : i32
    %mul3A_995 = arith.muli %add3A_993, %mul3A_994 : i32
    %get3A_996 = arith.constant 0 : index
    %get3A_997 = tpu.vector_load %arg9[%get3A_996] {strides = array<i32>} : memref<112xi32, #tpu.memory_space<vmem>>, vector<16xi32>,
    %get3A_998 = arith.constant 0 : index
    %get3A_999 = tpu.vector_load %arg10[%get3A_998] {strides = array<i32>} : memref<112xi32, #tpu.memory_space<vmem>>, vector<16xi32>,
    %gather3A_1000 = tpu.vector_load_idx %arg11[%get3A_999] : memref<112xf32, #tpu.memory_space<vmem>>[vector<16xi32>], vector<16xf32>,
    %convert_element_type3A_1001 = arith.fptosi %gather3A_1000 : vector<16xf32> to vector<16xi32>
    %mul3A_1002 = arith.constant 92 : i32
    %mul3A_1003 = vector.broadcast %mul3A_1002 : i32 to vector<16xi32>
    %mul3A_1004 = arith.muli %get3A_997, %mul3A_1003 : vector<16xi32>
    %add3A_1005 = vector.broadcast %mul3A_995 : i32 to vector<16xi32>
    %add3A_1006 = arith.addi %mul3A_1004, %add3A_1005 : vector<16xi32>
    %add3A_1007 = arith.addi %add3A_1006, %convert_element_type3A_1001 : vector<16xi32>
    %swap3A_1008 = arith.constant 0 : index
    %swap3A_1009 = tpu.vector_load %arg12[%swap3A_1008] {strides = array<i32>} : memref<112xi32, #tpu.memory_space<vmem>>, vector<16xi32>,
    tpu.vector_store %arg12[%swap3A_1008], %add3A_1007 {strides = array<i32>} : memref<112xi32, #tpu.memory_space<vmem>>, vector<16xi32>,
    %add3A_1010 = arith.constant 91 : i32
    %add3A_1011 = vector.broadcast %add3A_1010 : i32 to vector<16xi32>
    %add3A_1012 = arith.addi %add3A_1006, %add3A_1011 : vector<16xi32>
    %swap3A_1013 = arith.constant 0 : index
    %swap3A_1014 = tpu.vector_load %arg13[%swap3A_1013] {strides = array<i32>} : memref<112xi32, #tpu.memory_space<vmem>>, vector<16xi32>,
    tpu.vector_store %arg13[%swap3A_1013], %add3A_1012 {strides = array<i32>} : memref<112xi32, #tpu.memory_space<vmem>>, vector<16xi32>,
    %get3A_1015 = arith.constant 16 : index
    %get3A_1016 = tpu.vector_load %arg9[%get3A_1015] {strides = array<i32>} : memref<112xi32, #tpu.memory_space<vmem>>, vector<16xi32>,
    %get3A_1017 = arith.constant 16 : index
    %get3A_1018 = tpu.vector_load %arg10[%get3A_1017] {strides = array<i32>} : memref<112xi32, #tpu.memory_space<vmem>>, vector<16xi32>,
    %gather3A_1019 = tpu.vector_load_idx %arg11[%get3A_1018] : memref<112xf32, #tpu.memory_space<vmem>>[vector<16xi32>], vector<16xf32>,
    %convert_element_type3A_1020 = arith.fptosi %gather3A_1019 : vector<16xf32> to vector<16xi32>
    %mul3A_1021 = arith.constant 92 : i32
    %mul3A_1022 = vector.broadcast %mul3A_1021 : i32 to vector<16xi32>
    %mul3A_1023 = arith.muli %get3A_1016, %mul3A_1022 : vector<16xi32>
    %add3A_1024 = vector.broadcast %mul3A_995 : i32 to vector<16xi32>
    %add3A_1025 = arith.addi %mul3A_1023, %add3A_1024 : vector<16xi32>
    %add3A_1026 = arith.addi %add3A_1025, %convert_element_type3A_1020 : vector<16xi32>
    %swap3A_1027 = arith.constant 16 : index
    %swap3A_1028 = tpu.vector_load %arg12[%swap3A_1027] {strides = array<i32>} : memref<112xi32, #tpu.memory_space<vmem>>, vector<16xi32>,
    tpu.vector_store %arg12[%swap3A_1027], %add3A_1026 {strides = array<i32>} : memref<112xi32, #tpu.memory_space<vmem>>, vector<16xi32>,
    %add3A_1029 = arith.constant 91 : i32
    %add3A_1030 = vector.broadcast %add3A_1029 : i32 to vector<16xi32>
    %add3A_1031 = arith.addi %add3A_1025, %add3A_1030 : vector<16xi32>
    %swap3A_1032 = arith.constant 16 : index
    %swap3A_1033 = tpu.vector_load %arg13[%swap3A_1032] {strides = array<i32>} : memref<112xi32, #tpu.memory_space<vmem>>, vector<16xi32>,
    tpu.vector_store %arg13[%swap3A_1032], %add3A_1031 {strides = array<i32>} : memref<112xi32, #tpu.memory_space<vmem>>, vector<16xi32>,
    %get3A_1034 = arith.constant 32 : index
    %get3A_1035 = tpu.vector_load %arg9[%get3A_1034] {strides = array<i32>} : memref<112xi32, #tpu.memory_space<vmem>>, vector<16xi32>,
    %get3A_1036 = arith.constant 32 : index
    %get3A_1037 = tpu.vector_load %arg10[%get3A_1036] {strides = array<i32>} : memref<112xi32, #tpu.memory_space<vmem>>, vector<16xi32>,
    %gather3A_1038 = tpu.vector_load_idx %arg11[%get3A_1037] : memref<112xf32, #tpu.memory_space<vmem>>[vector<16xi32>], vector<16xf32>,
    %convert_element_type3A_1039 = arith.fptosi %gather3A_1038 : vector<16xf32> to vector<16xi32>
    %mul3A_1040 = arith.constant 92 : i32
    %mul3A_1041 = vector.broadcast %mul3A_1040 : i32 to vector<16xi32>
    %mul3A_1042 = arith.muli %get3A_1035, %mul3A_1041 : vector<16xi32>
    %add3A_1043 = vector.broadcast %mul3A_995 : i32 to vector<16xi32>
    %add3A_1044 = arith.addi %mul3A_1042, %add3A_1043 : vector<16xi32>
    %add3A_1045 = arith.addi %add3A_1044, %convert_element_type3A_1039 : vector<16xi32>
    %swap3A_1046 = arith.constant 32 : index
    %swap3A_1047 = tpu.vector_load %arg12[%swap3A_1046] {strides = array<i32>} : memref<112xi32, #tpu.memory_space<vmem>>, vector<16xi32>,
    tpu.vector_store %arg12[%swap3A_1046], %add3A_1045 {strides = array<i32>} : memref<112xi32, #tpu.memory_space<vmem>>, vector<16xi32>,
    %add3A_1048 = arith.constant 91 : i32
    %add3A_1049 = vector.broadcast %add3A_1048 : i32 to vector<16xi32>
    %add3A_1050 = arith.addi %add3A_1044, %add3A_1049 : vector<16xi32>
    %swap3A_1051 = arith.constant 32 : index
    %swap3A_1052 = tpu.vector_load %arg13[%swap3A_1051] {strides = array<i32>} : memref<112xi32, #tpu.memory_space<vmem>>, vector<16xi32>,
    tpu.vector_store %arg13[%swap3A_1051], %add3A_1050 {strides = array<i32>} : memref<112xi32, #tpu.memory_space<vmem>>, vector<16xi32>,
    %get3A_1053 = arith.constant 48 : index
    %get3A_1054 = tpu.vector_load %arg9[%get3A_1053] {strides = array<i32>} : memref<112xi32, #tpu.memory_space<vmem>>, vector<16xi32>,
    %get3A_1055 = arith.constant 48 : index
    %get3A_1056 = tpu.vector_load %arg10[%get3A_1055] {strides = array<i32>} : memref<112xi32, #tpu.memory_space<vmem>>, vector<16xi32>,
    %gather3A_1057 = tpu.vector_load_idx %arg11[%get3A_1056] : memref<112xf32, #tpu.memory_space<vmem>>[vector<16xi32>], vector<16xf32>,
    %convert_element_type3A_1058 = arith.fptosi %gather3A_1057 : vector<16xf32> to vector<16xi32>
    %mul3A_1059 = arith.constant 92 : i32
    %mul3A_1060 = vector.broadcast %mul3A_1059 : i32 to vector<16xi32>
    %mul3A_1061 = arith.muli %get3A_1054, %mul3A_1060 : vector<16xi32>
    %add3A_1062 = vector.broadcast %mul3A_995 : i32 to vector<16xi32>
    %add3A_1063 = arith.addi %mul3A_1061, %add3A_1062 : vector<16xi32>
    %add3A_1064 = arith.addi %add3A_1063, %convert_element_type3A_1058 : vector<16xi32>
    %swap3A_1065 = arith.constant 48 : index
    %swap3A_1066 = tpu.vector_load %arg12[%swap3A_1065] {strides = array<i32>} : memref<112xi32, #tpu.memory_space<vmem>>, vector<16xi32>,
    tpu.vector_store %arg12[%swap3A_1065], %add3A_1064 {strides = array<i32>} : memref<112xi32, #tpu.memory_space<vmem>>, vector<16xi32>,
    %add3A_1067 = arith.constant 91 : i32
    %add3A_1068 = vector.broadcast %add3A_1067 : i32 to vector<16xi32>
    %add3A_1069 = arith.addi %add3A_1063, %add3A_1068 : vector<16xi32>
    %swap3A_1070 = arith.constant 48 : index
    %swap3A_1071 = tpu.vector_load %arg13[%swap3A_1070] {strides = array<i32>} : memref<112xi32, #tpu.memory_space<vmem>>, vector<16xi32>,
    tpu.vector_store %arg13[%swap3A_1070], %add3A_1069 {strides = array<i32>} : memref<112xi32, #tpu.memory_space<vmem>>, vector<16xi32>,
    %get3A_1072 = arith.constant 64 : index
    %get3A_1073 = tpu.vector_load %arg9[%get3A_1072] {strides = array<i32>} : memref<112xi32, #tpu.memory_space<vmem>>, vector<16xi32>,
    %get3A_1074 = arith.constant 64 : index
    %get3A_1075 = tpu.vector_load %arg10[%get3A_1074] {strides = array<i32>} : memref<112xi32, #tpu.memory_space<vmem>>, vector<16xi32>,
    %gather3A_1076 = tpu.vector_load_idx %arg11[%get3A_1075] : memref<112xf32, #tpu.memory_space<vmem>>[vector<16xi32>], vector<16xf32>,
    %convert_element_type3A_1077 = arith.fptosi %gather3A_1076 : vector<16xf32> to vector<16xi32>
    %mul3A_1078 = arith.constant 92 : i32
    %mul3A_1079 = vector.broadcast %mul3A_1078 : i32 to vector<16xi32>
    %mul3A_1080 = arith.muli %get3A_1073, %mul3A_1079 : vector<16xi32>
    %add3A_1081 = vector.broadcast %mul3A_995 : i32 to vector<16xi32>
    %add3A_1082 = arith.addi %mul3A_1080, %add3A_1081 : vector<16xi32>
    %add3A_1083 = arith.addi %add3A_1082, %convert_element_type3A_1077 : vector<16xi32>
    %swap3A_1084 = arith.constant 64 : index
    %swap3A_1085 = tpu.vector_load %arg12[%swap3A_1084] {strides = array<i32>} : memref<112xi32, #tpu.memory_space<vmem>>, vector<16xi32>,
    tpu.vector_store %arg12[%swap3A_1084], %add3A_1083 {strides = array<i32>} : memref<112xi32, #tpu.memory_space<vmem>>, vector<16xi32>,
    %add3A_1086 = arith.constant 91 : i32
    %add3A_1087 = vector.broadcast %add3A_1086 : i32 to vector<16xi32>
    %add3A_1088 = arith.addi %add3A_1082, %add3A_1087 : vector<16xi32>
    %swap3A_1089 = arith.constant 64 : index
    %swap3A_1090 = tpu.vector_load %arg13[%swap3A_1089] {strides = array<i32>} : memref<112xi32, #tpu.memory_space<vmem>>, vector<16xi32>,
    tpu.vector_store %arg13[%swap3A_1089], %add3A_1088 {strides = array<i32>} : memref<112xi32, #tpu.memory_space<vmem>>, vector<16xi32>,
    %get3A_1091 = arith.constant 80 : index
    %get3A_1092 = tpu.vector_load %arg9[%get3A_1091] {strides = array<i32>} : memref<112xi32, #tpu.memory_space<vmem>>, vector<16xi32>,
    %get3A_1093 = arith.constant 80 : index
    %get3A_1094 = tpu.vector_load %arg10[%get3A_1093] {strides = array<i32>} : memref<112xi32, #tpu.memory_space<vmem>>, vector<16xi32>,
    %gather3A_1095 = tpu.vector_load_idx %arg11[%get3A_1094] : memref<112xf32, #tpu.memory_space<vmem>>[vector<16xi32>], vector<16xf32>,
    %convert_element_type3A_1096 = arith.fptosi %gather3A_1095 : vector<16xf32> to vector<16xi32>
    %mul3A_1097 = arith.constant 92 : i32
    %mul3A_1098 = vector.broadcast %mul3A_1097 : i32 to vector<16xi32>
    %mul3A_1099 = arith.muli %get3A_1092, %mul3A_1098 : vector<16xi32>
    %add3A_1100 = vector.broadcast %mul3A_995 : i32 to vector<16xi32>
    %add3A_1101 = arith.addi %mul3A_1099, %add3A_1100 : vector<16xi32>
    %add3A_1102 = arith.addi %add3A_1101, %convert_element_type3A_1096 : vector<16xi32>
    %swap3A_1103 = arith.constant 80 : index
    %swap3A_1104 = tpu.vector_load %arg12[%swap3A_1103] {strides = array<i32>} : memref<112xi32, #tpu.memory_space<vmem>>, vector<16xi32>,
    tpu.vector_store %arg12[%swap3A_1103], %add3A_1102 {strides = array<i32>} : memref<112xi32, #tpu.memory_space<vmem>>, vector<16xi32>,
    %add3A_1105 = arith.constant 91 : i32
    %add3A_1106 = vector.broadcast %add3A_1105 : i32 to vector<16xi32>
    %add3A_1107 = arith.addi %add3A_1101, %add3A_1106 : vector<16xi32>
    %swap3A_1108 = arith.constant 80 : index
    %swap3A_1109 = tpu.vector_load %arg13[%swap3A_1108] {strides = array<i32>} : memref<112xi32, #tpu.memory_space<vmem>>, vector<16xi32>,
    tpu.vector_store %arg13[%swap3A_1108], %add3A_1107 {strides = array<i32>} : memref<112xi32, #tpu.memory_space<vmem>>, vector<16xi32>,
    %get3A_1110 = arith.constant 96 : index
    %get3A_1111 = tpu.vector_load %arg9[%get3A_1110] {strides = array<i32>} : memref<112xi32, #tpu.memory_space<vmem>>, vector<16xi32>,
    %get3A_1112 = arith.constant 96 : index
    %get3A_1113 = tpu.vector_load %arg10[%get3A_1112] {strides = array<i32>} : memref<112xi32, #tpu.memory_space<vmem>>, vector<16xi32>,
    %gather3A_1114 = tpu.vector_load_idx %arg11[%get3A_1113] : memref<112xf32, #tpu.memory_space<vmem>>[vector<16xi32>], vector<16xf32>,
    %convert_element_type3A_1115 = arith.fptosi %gather3A_1114 : vector<16xf32> to vector<16xi32>
    %mul3A_1116 = arith.constant 92 : i32
    %mul3A_1117 = vector.broadcast %mul3A_1116 : i32 to vector<16xi32>
    %mul3A_1118 = arith.muli %get3A_1111, %mul3A_1117 : vector<16xi32>
    %add3A_1119 = vector.broadcast %mul3A_995 : i32 to vector<16xi32>
    %add3A_1120 = arith.addi %mul3A_1118, %add3A_1119 : vector<16xi32>
    %add3A_1121 = arith.addi %add3A_1120, %convert_element_type3A_1115 : vector<16xi32>
    %swap3A_1122 = arith.constant 96 : index
    %swap3A_1123 = tpu.vector_load %arg12[%swap3A_1122] {strides = array<i32>} : memref<112xi32, #tpu.memory_space<vmem>>, vector<16xi32>,
    tpu.vector_store %arg12[%swap3A_1122], %add3A_1121 {strides = array<i32>} : memref<112xi32, #tpu.memory_space<vmem>>, vector<16xi32>,
    %add3A_1124 = arith.constant 91 : i32
    %add3A_1125 = vector.broadcast %add3A_1124 : i32 to vector<16xi32>
    %add3A_1126 = arith.addi %add3A_1120, %add3A_1125 : vector<16xi32>
    %swap3A_1127 = arith.constant 96 : index
    %swap3A_1128 = tpu.vector_load %arg13[%swap3A_1127] {strides = array<i32>} : memref<112xi32, #tpu.memory_space<vmem>>, vector<16xi32>,
    tpu.vector_store %arg13[%swap3A_1127], %add3A_1126 {strides = array<i32>} : memref<112xi32, #tpu.memory_space<vmem>>, vector<16xi32>,
    %dma_start3A_1129 = arith.constant 0 : i32
    %dma_start3A_1130 = tpu.memref_slice %arg2[%dma_start3A_1129] : memref<5299200xf32, #tpu.memory_space<hbm>> -> memref<5299200xf32, #tpu.memory_space<hbm>>
    tpu.enqueue_indirect_dma source(%dma_start3A_1130 : memref<5299200xf32, #tpu.memory_space<hbm>>) target(%arg14 : memref<112xf32, #tpu.memory_space<vmem>>) offsets(%arg12 : memref<112xi32, #tpu.memory_space<vmem>>) semaphore(%arg21 : memref<!tpu.dma_semaphore, #tpu.memory_space<semaphore_mem>>)
    %dma_wait3A_1131 = arith.constant 0 : i32
    %dma_wait3A_1132 = tpu.memref_slice %arg2[%dma_wait3A_1131] : memref<5299200xf32, #tpu.memory_space<hbm>> -> memref<5299200xf32, #tpu.memory_space<hbm>>
    tpu.wait_indirect_dma semaphore(%arg21 : memref<!tpu.dma_semaphore, #tpu.memory_space<semaphore_mem>>) src(%dma_wait3A_1132 : memref<5299200xf32, #tpu.memory_space<hbm>>) dst(%arg14 : memref<112xf32, #tpu.memory_space<vmem>>)
    %dma_start3A_1133 = arith.constant 0 : i32
    %dma_start3A_1134 = tpu.memref_slice %arg2[%dma_start3A_1133] : memref<5299200xf32, #tpu.memory_space<hbm>> -> memref<5299200xf32, #tpu.memory_space<hbm>>
    tpu.enqueue_indirect_dma source(%dma_start3A_1134 : memref<5299200xf32, #tpu.memory_space<hbm>>) target(%arg15 : memref<112xf32, #tpu.memory_space<vmem>>) offsets(%arg13 : memref<112xi32, #tpu.memory_space<vmem>>) semaphore(%arg21 : memref<!tpu.dma_semaphore, #tpu.memory_space<semaphore_mem>>)
    %dma_wait3A_1135 = arith.constant 0 : i32
    %dma_wait3A_1136 = tpu.memref_slice %arg2[%dma_wait3A_1135] : memref<5299200xf32, #tpu.memory_space<hbm>> -> memref<5299200xf32, #tpu.memory_space<hbm>>
    tpu.wait_indirect_dma semaphore(%arg21 : memref<!tpu.dma_semaphore, #tpu.memory_space<semaphore_mem>>) src(%dma_wait3A_1136 : memref<5299200xf32, #tpu.memory_space<hbm>>) dst(%arg15 : memref<112xf32, #tpu.memory_space<vmem>>)
    %swap3A_1137 = arith.constant 0 : index
    %swap3A_1138 = tpu.vector_load %arg18[%swap3A_1137] {strides = array<i32>} : memref<912xf32, #tpu.memory_space<vmem>>, vector<16xf32>,
    tpu.vector_store %arg18[%swap3A_1137], %broadcast_in_dim3A_1 {strides = array<i32>} : memref<912xf32, #tpu.memory_space<vmem>>, vector<16xf32>,
    %swap3A_1139 = arith.constant 16 : index
    %swap3A_1140 = tpu.vector_load %arg18[%swap3A_1139] {strides = array<i32>} : memref<912xf32, #tpu.memory_space<vmem>>, vector<16xf32>,
    tpu.vector_store %arg18[%swap3A_1139], %broadcast_in_dim3A_1 {strides = array<i32>} : memref<912xf32, #tpu.memory_space<vmem>>, vector<16xf32>,
    %swap3A_1141 = arith.constant 32 : index
    %swap3A_1142 = tpu.vector_load %arg18[%swap3A_1141] {strides = array<i32>} : memref<912xf32, #tpu.memory_space<vmem>>, vector<16xf32>,
    tpu.vector_store %arg18[%swap3A_1141], %broadcast_in_dim3A_1 {strides = array<i32>} : memref<912xf32, #tpu.memory_space<vmem>>, vector<16xf32>,
    %swap3A_1143 = arith.constant 48 : index
    %swap3A_1144 = tpu.vector_load %arg18[%swap3A_1143] {strides = array<i32>} : memref<912xf32, #tpu.memory_space<vmem>>, vector<16xf32>,
    tpu.vector_store %arg18[%swap3A_1143], %broadcast_in_dim3A_1 {strides = array<i32>} : memref<912xf32, #tpu.memory_space<vmem>>, vector<16xf32>,
    %swap3A_1145 = arith.constant 64 : index
    %swap3A_1146 = tpu.vector_load %arg18[%swap3A_1145] {strides = array<i32>} : memref<912xf32, #tpu.memory_space<vmem>>, vector<16xf32>,
    tpu.vector_store %arg18[%swap3A_1145], %broadcast_in_dim3A_1 {strides = array<i32>} : memref<912xf32, #tpu.memory_space<vmem>>, vector<16xf32>,
    %swap3A_1147 = arith.constant 80 : index
    %swap3A_1148 = tpu.vector_load %arg18[%swap3A_1147] {strides = array<i32>} : memref<912xf32, #tpu.memory_space<vmem>>, vector<16xf32>,
    tpu.vector_store %arg18[%swap3A_1147], %broadcast_in_dim3A_1 {strides = array<i32>} : memref<912xf32, #tpu.memory_space<vmem>>, vector<16xf32>,
    %swap3A_1149 = arith.constant 96 : index
    %swap3A_1150 = tpu.vector_load %arg18[%swap3A_1149] {strides = array<i32>} : memref<912xf32, #tpu.memory_space<vmem>>, vector<16xf32>,
    tpu.vector_store %arg18[%swap3A_1149], %broadcast_in_dim3A_1 {strides = array<i32>} : memref<912xf32, #tpu.memory_space<vmem>>, vector<16xf32>,
    %swap3A_1151 = arith.constant 112 : index
    %swap3A_1152 = tpu.vector_load %arg18[%swap3A_1151] {strides = array<i32>} : memref<912xf32, #tpu.memory_space<vmem>>, vector<16xf32>,
    tpu.vector_store %arg18[%swap3A_1151], %broadcast_in_dim3A_1 {strides = array<i32>} : memref<912xf32, #tpu.memory_space<vmem>>, vector<16xf32>,
    %swap3A_1153 = arith.constant 128 : index
    %swap3A_1154 = tpu.vector_load %arg18[%swap3A_1153] {strides = array<i32>} : memref<912xf32, #tpu.memory_space<vmem>>, vector<16xf32>,
    tpu.vector_store %arg18[%swap3A_1153], %broadcast_in_dim3A_1 {strides = array<i32>} : memref<912xf32, #tpu.memory_space<vmem>>, vector<16xf32>,
    %swap3A_1155 = arith.constant 144 : index
    %swap3A_1156 = tpu.vector_load %arg18[%swap3A_1155] {strides = array<i32>} : memref<912xf32, #tpu.memory_space<vmem>>, vector<16xf32>,
    tpu.vector_store %arg18[%swap3A_1155], %broadcast_in_dim3A_1 {strides = array<i32>} : memref<912xf32, #tpu.memory_space<vmem>>, vector<16xf32>,
    %swap3A_1157 = arith.constant 160 : index
    %swap3A_1158 = tpu.vector_load %arg18[%swap3A_1157] {strides = array<i32>} : memref<912xf32, #tpu.memory_space<vmem>>, vector<16xf32>,
    tpu.vector_store %arg18[%swap3A_1157], %broadcast_in_dim3A_1 {strides = array<i32>} : memref<912xf32, #tpu.memory_space<vmem>>, vector<16xf32>,
    %swap3A_1159 = arith.constant 176 : index
    %swap3A_1160 = tpu.vector_load %arg18[%swap3A_1159] {strides = array<i32>} : memref<912xf32, #tpu.memory_space<vmem>>, vector<16xf32>,
    tpu.vector_store %arg18[%swap3A_1159], %broadcast_in_dim3A_1 {strides = array<i32>} : memref<912xf32, #tpu.memory_space<vmem>>, vector<16xf32>,
    %swap3A_1161 = arith.constant 192 : index
    %swap3A_1162 = tpu.vector_load %arg18[%swap3A_1161] {strides = array<i32>} : memref<912xf32, #tpu.memory_space<vmem>>, vector<16xf32>,
    tpu.vector_store %arg18[%swap3A_1161], %broadcast_in_dim3A_1 {strides = array<i32>} : memref<912xf32, #tpu.memory_space<vmem>>, vector<16xf32>,
    %swap3A_1163 = arith.constant 208 : index
    %swap3A_1164 = tpu.vector_load %arg18[%swap3A_1163] {strides = array<i32>} : memref<912xf32, #tpu.memory_space<vmem>>, vector<16xf32>,
    tpu.vector_store %arg18[%swap3A_1163], %broadcast_in_dim3A_1 {strides = array<i32>} : memref<912xf32, #tpu.memory_space<vmem>>, vector<16xf32>,
    %swap3A_1165 = arith.constant 224 : index
    %swap3A_1166 = tpu.vector_load %arg18[%swap3A_1165] {strides = array<i32>} : memref<912xf32, #tpu.memory_space<vmem>>, vector<16xf32>,
    tpu.vector_store %arg18[%swap3A_1165], %broadcast_in_dim3A_1 {strides = array<i32>} : memref<912xf32, #tpu.memory_space<vmem>>, vector<16xf32>,
    %swap3A_1167 = arith.constant 240 : index
    %swap3A_1168 = tpu.vector_load %arg18[%swap3A_1167] {strides = array<i32>} : memref<912xf32, #tpu.memory_space<vmem>>, vector<16xf32>,
    tpu.vector_store %arg18[%swap3A_1167], %broadcast_in_dim3A_1 {strides = array<i32>} : memref<912xf32, #tpu.memory_space<vmem>>, vector<16xf32>,
    %swap3A_1169 = arith.constant 256 : index
    %swap3A_1170 = tpu.vector_load %arg18[%swap3A_1169] {strides = array<i32>} : memref<912xf32, #tpu.memory_space<vmem>>, vector<16xf32>,
    tpu.vector_store %arg18[%swap3A_1169], %broadcast_in_dim3A_1 {strides = array<i32>} : memref<912xf32, #tpu.memory_space<vmem>>, vector<16xf32>,
    %swap3A_1171 = arith.constant 272 : index
    %swap3A_1172 = tpu.vector_load %arg18[%swap3A_1171] {strides = array<i32>} : memref<912xf32, #tpu.memory_space<vmem>>, vector<16xf32>,
    tpu.vector_store %arg18[%swap3A_1171], %broadcast_in_dim3A_1 {strides = array<i32>} : memref<912xf32, #tpu.memory_space<vmem>>, vector<16xf32>,
    %swap3A_1173 = arith.constant 288 : index
    %swap3A_1174 = tpu.vector_load %arg18[%swap3A_1173] {strides = array<i32>} : memref<912xf32, #tpu.memory_space<vmem>>, vector<16xf32>,
    tpu.vector_store %arg18[%swap3A_1173], %broadcast_in_dim3A_1 {strides = array<i32>} : memref<912xf32, #tpu.memory_space<vmem>>, vector<16xf32>,
    %swap3A_1175 = arith.constant 304 : index
    %swap3A_1176 = tpu.vector_load %arg18[%swap3A_1175] {strides = array<i32>} : memref<912xf32, #tpu.memory_space<vmem>>, vector<16xf32>,
    tpu.vector_store %arg18[%swap3A_1175], %broadcast_in_dim3A_1 {strides = array<i32>} : memref<912xf32, #tpu.memory_space<vmem>>, vector<16xf32>,
    %swap3A_1177 = arith.constant 320 : index
    %swap3A_1178 = tpu.vector_load %arg18[%swap3A_1177] {strides = array<i32>} : memref<912xf32, #tpu.memory_space<vmem>>, vector<16xf32>,
    tpu.vector_store %arg18[%swap3A_1177], %broadcast_in_dim3A_1 {strides = array<i32>} : memref<912xf32, #tpu.memory_space<vmem>>, vector<16xf32>,
    %swap3A_1179 = arith.constant 336 : index
    %swap3A_1180 = tpu.vector_load %arg18[%swap3A_1179] {strides = array<i32>} : memref<912xf32, #tpu.memory_space<vmem>>, vector<16xf32>,
    tpu.vector_store %arg18[%swap3A_1179], %broadcast_in_dim3A_1 {strides = array<i32>} : memref<912xf32, #tpu.memory_space<vmem>>, vector<16xf32>,
    %swap3A_1181 = arith.constant 352 : index
    %swap3A_1182 = tpu.vector_load %arg18[%swap3A_1181] {strides = array<i32>} : memref<912xf32, #tpu.memory_space<vmem>>, vector<16xf32>,
    tpu.vector_store %arg18[%swap3A_1181], %broadcast_in_dim3A_1 {strides = array<i32>} : memref<912xf32, #tpu.memory_space<vmem>>, vector<16xf32>,
    %swap3A_1183 = arith.constant 368 : index
    %swap3A_1184 = tpu.vector_load %arg18[%swap3A_1183] {strides = array<i32>} : memref<912xf32, #tpu.memory_space<vmem>>, vector<16xf32>,
    tpu.vector_store %arg18[%swap3A_1183], %broadcast_in_dim3A_1 {strides = array<i32>} : memref<912xf32, #tpu.memory_space<vmem>>, vector<16xf32>,
    %swap3A_1185 = arith.constant 384 : index
    %swap3A_1186 = tpu.vector_load %arg18[%swap3A_1185] {strides = array<i32>} : memref<912xf32, #tpu.memory_space<vmem>>, vector<16xf32>,
    tpu.vector_store %arg18[%swap3A_1185], %broadcast_in_dim3A_1 {strides = array<i32>} : memref<912xf32, #tpu.memory_space<vmem>>, vector<16xf32>,
    %swap3A_1187 = arith.constant 400 : index
    %swap3A_1188 = tpu.vector_load %arg18[%swap3A_1187] {strides = array<i32>} : memref<912xf32, #tpu.memory_space<vmem>>, vector<16xf32>,
    tpu.vector_store %arg18[%swap3A_1187], %broadcast_in_dim3A_1 {strides = array<i32>} : memref<912xf32, #tpu.memory_space<vmem>>, vector<16xf32>,
    %swap3A_1189 = arith.constant 416 : index
    %swap3A_1190 = tpu.vector_load %arg18[%swap3A_1189] {strides = array<i32>} : memref<912xf32, #tpu.memory_space<vmem>>, vector<16xf32>,
    tpu.vector_store %arg18[%swap3A_1189], %broadcast_in_dim3A_1 {strides = array<i32>} : memref<912xf32, #tpu.memory_space<vmem>>, vector<16xf32>,
    %swap3A_1191 = arith.constant 432 : index
    %swap3A_1192 = tpu.vector_load %arg18[%swap3A_1191] {strides = array<i32>} : memref<912xf32, #tpu.memory_space<vmem>>, vector<16xf32>,
    tpu.vector_store %arg18[%swap3A_1191], %broadcast_in_dim3A_1 {strides = array<i32>} : memref<912xf32, #tpu.memory_space<vmem>>, vector<16xf32>,
    %swap3A_1193 = arith.constant 448 : index
    %swap3A_1194 = tpu.vector_load %arg18[%swap3A_1193] {strides = array<i32>} : memref<912xf32, #tpu.memory_space<vmem>>, vector<16xf32>,
    tpu.vector_store %arg18[%swap3A_1193], %broadcast_in_dim3A_1 {strides = array<i32>} : memref<912xf32, #tpu.memory_space<vmem>>, vector<16xf32>,
    %swap3A_1195 = arith.constant 464 : index
    %swap3A_1196 = tpu.vector_load %arg18[%swap3A_1195] {strides = array<i32>} : memref<912xf32, #tpu.memory_space<vmem>>, vector<16xf32>,
    tpu.vector_store %arg18[%swap3A_1195], %broadcast_in_dim3A_1 {strides = array<i32>} : memref<912xf32, #tpu.memory_space<vmem>>, vector<16xf32>,
    %swap3A_1197 = arith.constant 480 : index
    %swap3A_1198 = tpu.vector_load %arg18[%swap3A_1197] {strides = array<i32>} : memref<912xf32, #tpu.memory_space<vmem>>, vector<16xf32>,
    tpu.vector_store %arg18[%swap3A_1197], %broadcast_in_dim3A_1 {strides = array<i32>} : memref<912xf32, #tpu.memory_space<vmem>>, vector<16xf32>,
    %swap3A_1199 = arith.constant 496 : index
    %swap3A_1200 = tpu.vector_load %arg18[%swap3A_1199] {strides = array<i32>} : memref<912xf32, #tpu.memory_space<vmem>>, vector<16xf32>,
    tpu.vector_store %arg18[%swap3A_1199], %broadcast_in_dim3A_1 {strides = array<i32>} : memref<912xf32, #tpu.memory_space<vmem>>, vector<16xf32>,
    %swap3A_1201 = arith.constant 512 : index
    %swap3A_1202 = tpu.vector_load %arg18[%swap3A_1201] {strides = array<i32>} : memref<912xf32, #tpu.memory_space<vmem>>, vector<16xf32>,
    tpu.vector_store %arg18[%swap3A_1201], %broadcast_in_dim3A_1 {strides = array<i32>} : memref<912xf32, #tpu.memory_space<vmem>>, vector<16xf32>,
    %swap3A_1203 = arith.constant 528 : index
    %swap3A_1204 = tpu.vector_load %arg18[%swap3A_1203] {strides = array<i32>} : memref<912xf32, #tpu.memory_space<vmem>>, vector<16xf32>,
    tpu.vector_store %arg18[%swap3A_1203], %broadcast_in_dim3A_1 {strides = array<i32>} : memref<912xf32, #tpu.memory_space<vmem>>, vector<16xf32>,
    %swap3A_1205 = arith.constant 544 : index
    %swap3A_1206 = tpu.vector_load %arg18[%swap3A_1205] {strides = array<i32>} : memref<912xf32, #tpu.memory_space<vmem>>, vector<16xf32>,
    tpu.vector_store %arg18[%swap3A_1205], %broadcast_in_dim3A_1 {strides = array<i32>} : memref<912xf32, #tpu.memory_space<vmem>>, vector<16xf32>,
    %swap3A_1207 = arith.constant 560 : index
    %swap3A_1208 = tpu.vector_load %arg18[%swap3A_1207] {strides = array<i32>} : memref<912xf32, #tpu.memory_space<vmem>>, vector<16xf32>,
    tpu.vector_store %arg18[%swap3A_1207], %broadcast_in_dim3A_1 {strides = array<i32>} : memref<912xf32, #tpu.memory_space<vmem>>, vector<16xf32>,
    %swap3A_1209 = arith.constant 576 : index
    %swap3A_1210 = tpu.vector_load %arg18[%swap3A_1209] {strides = array<i32>} : memref<912xf32, #tpu.memory_space<vmem>>, vector<16xf32>,
    tpu.vector_store %arg18[%swap3A_1209], %broadcast_in_dim3A_1 {strides = array<i32>} : memref<912xf32, #tpu.memory_space<vmem>>, vector<16xf32>,
    %swap3A_1211 = arith.constant 592 : index
    %swap3A_1212 = tpu.vector_load %arg18[%swap3A_1211] {strides = array<i32>} : memref<912xf32, #tpu.memory_space<vmem>>, vector<16xf32>,
    tpu.vector_store %arg18[%swap3A_1211], %broadcast_in_dim3A_1 {strides = array<i32>} : memref<912xf32, #tpu.memory_space<vmem>>, vector<16xf32>,
    %swap3A_1213 = arith.constant 608 : index
    %swap3A_1214 = tpu.vector_load %arg18[%swap3A_1213] {strides = array<i32>} : memref<912xf32, #tpu.memory_space<vmem>>, vector<16xf32>,
    tpu.vector_store %arg18[%swap3A_1213], %broadcast_in_dim3A_1 {strides = array<i32>} : memref<912xf32, #tpu.memory_space<vmem>>, vector<16xf32>,
    %swap3A_1215 = arith.constant 624 : index
    %swap3A_1216 = tpu.vector_load %arg18[%swap3A_1215] {strides = array<i32>} : memref<912xf32, #tpu.memory_space<vmem>>, vector<16xf32>,
    tpu.vector_store %arg18[%swap3A_1215], %broadcast_in_dim3A_1 {strides = array<i32>} : memref<912xf32, #tpu.memory_space<vmem>>, vector<16xf32>,
    %swap3A_1217 = arith.constant 640 : index
    %swap3A_1218 = tpu.vector_load %arg18[%swap3A_1217] {strides = array<i32>} : memref<912xf32, #tpu.memory_space<vmem>>, vector<16xf32>,
    tpu.vector_store %arg18[%swap3A_1217], %broadcast_in_dim3A_1 {strides = array<i32>} : memref<912xf32, #tpu.memory_space<vmem>>, vector<16xf32>,
    %swap3A_1219 = arith.constant 656 : index
    %swap3A_1220 = tpu.vector_load %arg18[%swap3A_1219] {strides = array<i32>} : memref<912xf32, #tpu.memory_space<vmem>>, vector<16xf32>,
    tpu.vector_store %arg18[%swap3A_1219], %broadcast_in_dim3A_1 {strides = array<i32>} : memref<912xf32, #tpu.memory_space<vmem>>, vector<16xf32>,
    %swap3A_1221 = arith.constant 672 : index
    %swap3A_1222 = tpu.vector_load %arg18[%swap3A_1221] {strides = array<i32>} : memref<912xf32, #tpu.memory_space<vmem>>, vector<16xf32>,
    tpu.vector_store %arg18[%swap3A_1221], %broadcast_in_dim3A_1 {strides = array<i32>} : memref<912xf32, #tpu.memory_space<vmem>>, vector<16xf32>,
    %swap3A_1223 = arith.constant 688 : index
    %swap3A_1224 = tpu.vector_load %arg18[%swap3A_1223] {strides = array<i32>} : memref<912xf32, #tpu.memory_space<vmem>>, vector<16xf32>,
    tpu.vector_store %arg18[%swap3A_1223], %broadcast_in_dim3A_1 {strides = array<i32>} : memref<912xf32, #tpu.memory_space<vmem>>, vector<16xf32>,
    %swap3A_1225 = arith.constant 704 : index
    %swap3A_1226 = tpu.vector_load %arg18[%swap3A_1225] {strides = array<i32>} : memref<912xf32, #tpu.memory_space<vmem>>, vector<16xf32>,
    tpu.vector_store %arg18[%swap3A_1225], %broadcast_in_dim3A_1 {strides = array<i32>} : memref<912xf32, #tpu.memory_space<vmem>>, vector<16xf32>,
    %swap3A_1227 = arith.constant 720 : index
    %swap3A_1228 = tpu.vector_load %arg18[%swap3A_1227] {strides = array<i32>} : memref<912xf32, #tpu.memory_space<vmem>>, vector<16xf32>,
    tpu.vector_store %arg18[%swap3A_1227], %broadcast_in_dim3A_1 {strides = array<i32>} : memref<912xf32, #tpu.memory_space<vmem>>, vector<16xf32>,
    %swap3A_1229 = arith.constant 736 : index
    %swap3A_1230 = tpu.vector_load %arg18[%swap3A_1229] {strides = array<i32>} : memref<912xf32, #tpu.memory_space<vmem>>, vector<16xf32>,
    tpu.vector_store %arg18[%swap3A_1229], %broadcast_in_dim3A_1 {strides = array<i32>} : memref<912xf32, #tpu.memory_space<vmem>>, vector<16xf32>,
    %swap3A_1231 = arith.constant 752 : index
    %swap3A_1232 = tpu.vector_load %arg18[%swap3A_1231] {strides = array<i32>} : memref<912xf32, #tpu.memory_space<vmem>>, vector<16xf32>,
    tpu.vector_store %arg18[%swap3A_1231], %broadcast_in_dim3A_1 {strides = array<i32>} : memref<912xf32, #tpu.memory_space<vmem>>, vector<16xf32>,
    %swap3A_1233 = arith.constant 768 : index
    %swap3A_1234 = tpu.vector_load %arg18[%swap3A_1233] {strides = array<i32>} : memref<912xf32, #tpu.memory_space<vmem>>, vector<16xf32>,
    tpu.vector_store %arg18[%swap3A_1233], %broadcast_in_dim3A_1 {strides = array<i32>} : memref<912xf32, #tpu.memory_space<vmem>>, vector<16xf32>,
    %swap3A_1235 = arith.constant 784 : index
    %swap3A_1236 = tpu.vector_load %arg18[%swap3A_1235] {strides = array<i32>} : memref<912xf32, #tpu.memory_space<vmem>>, vector<16xf32>,
    tpu.vector_store %arg18[%swap3A_1235], %broadcast_in_dim3A_1 {strides = array<i32>} : memref<912xf32, #tpu.memory_space<vmem>>, vector<16xf32>,
    %swap3A_1237 = arith.constant 800 : index
    %swap3A_1238 = tpu.vector_load %arg18[%swap3A_1237] {strides = array<i32>} : memref<912xf32, #tpu.memory_space<vmem>>, vector<16xf32>,
    tpu.vector_store %arg18[%swap3A_1237], %broadcast_in_dim3A_1 {strides = array<i32>} : memref<912xf32, #tpu.memory_space<vmem>>, vector<16xf32>,
    %swap3A_1239 = arith.constant 816 : index
    %swap3A_1240 = tpu.vector_load %arg18[%swap3A_1239] {strides = array<i32>} : memref<912xf32, #tpu.memory_space<vmem>>, vector<16xf32>,
    tpu.vector_store %arg18[%swap3A_1239], %broadcast_in_dim3A_1 {strides = array<i32>} : memref<912xf32, #tpu.memory_space<vmem>>, vector<16xf32>,
    %swap3A_1241 = arith.constant 832 : index
    %swap3A_1242 = tpu.vector_load %arg18[%swap3A_1241] {strides = array<i32>} : memref<912xf32, #tpu.memory_space<vmem>>, vector<16xf32>,
    tpu.vector_store %arg18[%swap3A_1241], %broadcast_in_dim3A_1 {strides = array<i32>} : memref<912xf32, #tpu.memory_space<vmem>>, vector<16xf32>,
    %swap3A_1243 = arith.constant 848 : index
    %swap3A_1244 = tpu.vector_load %arg18[%swap3A_1243] {strides = array<i32>} : memref<912xf32, #tpu.memory_space<vmem>>, vector<16xf32>,
    tpu.vector_store %arg18[%swap3A_1243], %broadcast_in_dim3A_1 {strides = array<i32>} : memref<912xf32, #tpu.memory_space<vmem>>, vector<16xf32>,
    %swap3A_1245 = arith.constant 864 : index
    %swap3A_1246 = tpu.vector_load %arg18[%swap3A_1245] {strides = array<i32>} : memref<912xf32, #tpu.memory_space<vmem>>, vector<16xf32>,
    tpu.vector_store %arg18[%swap3A_1245], %broadcast_in_dim3A_1 {strides = array<i32>} : memref<912xf32, #tpu.memory_space<vmem>>, vector<16xf32>,
    %swap3A_1247 = arith.constant 880 : index
    %swap3A_1248 = tpu.vector_load %arg18[%swap3A_1247] {strides = array<i32>} : memref<912xf32, #tpu.memory_space<vmem>>, vector<16xf32>,
    tpu.vector_store %arg18[%swap3A_1247], %broadcast_in_dim3A_1 {strides = array<i32>} : memref<912xf32, #tpu.memory_space<vmem>>, vector<16xf32>,
    %swap3A_1249 = arith.constant 896 : index
    %swap3A_1250 = tpu.vector_load %arg18[%swap3A_1249] {strides = array<i32>} : memref<912xf32, #tpu.memory_space<vmem>>, vector<16xf32>,
    tpu.vector_store %arg18[%swap3A_1249], %broadcast_in_dim3A_1 {strides = array<i32>} : memref<912xf32, #tpu.memory_space<vmem>>, vector<16xf32>,
    %iota3A_1251 = tpu.iota {dimensions = array<i32: 0>} : vector<16xi32>
    %add3A_1252 = arith.constant 0 : i32
    %add3A_1253 = vector.broadcast %add3A_1252 : i32 to vector<16xi32>
    %add3A_1254 = arith.addi %iota3A_1251, %add3A_1253 : vector<16xi32>
    %lt3A_1255 = arith.constant 100 : i32
    %lt3A_1256 = vector.broadcast %lt3A_1255 : i32 to vector<16xi32>
    %lt3A_1257 = arith.cmpi slt, %add3A_1254, %lt3A_1256 : vector<16xi32>
    %get3A_1258 = arith.constant 0 : index
    %get3A_1259 = tpu.vector_load %arg9[%get3A_1258] {strides = array<i32>} : memref<112xi32, #tpu.memory_space<vmem>>, vector<16xi32>,
    %get3A_1260 = arith.constant 0 : index
    %get3A_1261 = tpu.vector_load %arg10[%get3A_1260] {strides = array<i32>} : memref<112xi32, #tpu.memory_space<vmem>>, vector<16xi32>,
    %get3A_1262 = arith.constant 0 : index
    %get3A_1263 = tpu.vector_load %arg15[%get3A_1262] {strides = array<i32>} : memref<112xf32, #tpu.memory_space<vmem>>, vector<16xf32>,
    %mul3A_1264 = arith.constant 1.000000e-01 : f32
    %mul3A_1265 = vector.broadcast %mul3A_1264 : f32 to vector<16xf32>
    %mul3A_1266 = arith.mulf %mul3A_1265, %get3A_1263 : vector<16xf32>
    %get3A_1267 = arith.constant 0 : index
    %get3A_1268 = tpu.vector_load %arg14[%get3A_1267] {strides = array<i32>} : memref<112xf32, #tpu.memory_space<vmem>>, vector<16xf32>,
    %sub3A_1269 = arith.subf %mul3A_1266, %get3A_1268 : vector<16xf32>
    tpu.vector_store_idx %arg18[%get3A_1259], %sub3A_1269 masked %lt3A_1257 : memref<912xf32, #tpu.memory_space<vmem>>[vector<16xi32>], vector<16xf32>, vector<16xi1>
    %mul3A_1270 = arith.constant 4 : i32
    %mul3A_1271 = vector.broadcast %mul3A_1270 : i32 to vector<16xi32>
    %mul3A_1272 = arith.muli %get3A_1259, %mul3A_1271 : vector<16xi32>
    %mul3A_1273 = arith.constant 4 : i32
    %mul3A_1274 = vector.broadcast %mul3A_1273 : i32 to vector<16xi32>
    %mul3A_1275 = arith.muli %get3A_1261, %mul3A_1274 : vector<16xi32>
    %add3A_1276 = arith.constant 0 : i32
    %add3A_1277 = vector.broadcast %add3A_1276 : i32 to vector<16xi32>
    %add3A_1278 = arith.addi %mul3A_1272, %add3A_1277 : vector<16xi32>
    %gather3A_1279 = tpu.vector_load_idx %arg16[%add3A_1278] : memref<3600xf32, #tpu.memory_space<vmem>>[vector<16xi32>], vector<16xf32>,
    %add3A_1280 = arith.constant 0 : i32
    %add3A_1281 = vector.broadcast %add3A_1280 : i32 to vector<16xi32>
    %add3A_1282 = arith.addi %mul3A_1275, %add3A_1281 : vector<16xi32>
    %gather3A_1283 = tpu.vector_load_idx %arg17[%add3A_1282] : memref<400xf32, #tpu.memory_space<vmem>>[vector<16xi32>], vector<16xf32>,
    %sub3A_1284 = arith.subf %gather3A_1279, %gather3A_1283 : vector<16xf32>
    %abs3A_1285 = math.absf %sub3A_1284 : vector<16xf32>
    %jit3A_1286 = arith.constant 0.000000e+00 : f32
    %broadcast_in_dim3A_1287 = vector.broadcast %jit3A_1286 : f32 to vector<16xf32>
    %select_n3A_1288 = arith.select %lt3A_1257, %abs3A_1285, %broadcast_in_dim3A_1287 : vector<16xi1>, vector<16xf32>
    %add3A_1289 = arith.addf %add3A_817, %select_n3A_1288 : vector<16xf32>
    %add3A_1290 = arith.constant 1 : i32
    %add3A_1291 = vector.broadcast %add3A_1290 : i32 to vector<16xi32>
    %add3A_1292 = arith.addi %mul3A_1272, %add3A_1291 : vector<16xi32>
    %gather3A_1293 = tpu.vector_load_idx %arg16[%add3A_1292] : memref<3600xf32, #tpu.memory_space<vmem>>[vector<16xi32>], vector<16xf32>,
    %add3A_1294 = arith.constant 1 : i32
    %add3A_1295 = vector.broadcast %add3A_1294 : i32 to vector<16xi32>
    %add3A_1296 = arith.addi %mul3A_1275, %add3A_1295 : vector<16xi32>
    %gather3A_1297 = tpu.vector_load_idx %arg17[%add3A_1296] : memref<400xf32, #tpu.memory_space<vmem>>[vector<16xi32>], vector<16xf32>,
    %sub3A_1298 = arith.subf %gather3A_1293, %gather3A_1297 : vector<16xf32>
    %abs3A_1299 = math.absf %sub3A_1298 : vector<16xf32>
    %jit3A_1300 = arith.constant 0.000000e+00 : f32
    %broadcast_in_dim3A_1301 = vector.broadcast %jit3A_1300 : f32 to vector<16xf32>
    %select_n3A_1302 = arith.select %lt3A_1257, %abs3A_1299, %broadcast_in_dim3A_1301 : vector<16xi1>, vector<16xf32>
    %add3A_1303 = arith.addf %add3A_1289, %select_n3A_1302 : vector<16xf32>
    %add3A_1304 = arith.constant 2 : i32
    %add3A_1305 = vector.broadcast %add3A_1304 : i32 to vector<16xi32>
    %add3A_1306 = arith.addi %mul3A_1272, %add3A_1305 : vector<16xi32>
    %gather3A_1307 = tpu.vector_load_idx %arg16[%add3A_1306] : memref<3600xf32, #tpu.memory_space<vmem>>[vector<16xi32>], vector<16xf32>,
    %add3A_1308 = arith.constant 2 : i32
    %add3A_1309 = vector.broadcast %add3A_1308 : i32 to vector<16xi32>
    %add3A_1310 = arith.addi %mul3A_1275, %add3A_1309 : vector<16xi32>
    %gather3A_1311 = tpu.vector_load_idx %arg17[%add3A_1310] : memref<400xf32, #tpu.memory_space<vmem>>[vector<16xi32>], vector<16xf32>,
    %sub3A_1312 = arith.subf %gather3A_1307, %gather3A_1311 : vector<16xf32>
    %abs3A_1313 = math.absf %sub3A_1312 : vector<16xf32>
    %jit3A_1314 = arith.constant 0.000000e+00 : f32
    %broadcast_in_dim3A_1315 = vector.broadcast %jit3A_1314 : f32 to vector<16xf32>
    %select_n3A_1316 = arith.select %lt3A_1257, %abs3A_1313, %broadcast_in_dim3A_1315 : vector<16xi1>, vector<16xf32>
    %add3A_1317 = arith.addf %add3A_1303, %select_n3A_1316 : vector<16xf32>
    %add3A_1318 = arith.constant 3 : i32
    %add3A_1319 = vector.broadcast %add3A_1318 : i32 to vector<16xi32>
    %add3A_1320 = arith.addi %mul3A_1272, %add3A_1319 : vector<16xi32>
    %gather3A_1321 = tpu.vector_load_idx %arg16[%add3A_1320] : memref<3600xf32, #tpu.memory_space<vmem>>[vector<16xi32>], vector<16xf32>,
    %add3A_1322 = arith.constant 3 : i32
    %add3A_1323 = vector.broadcast %add3A_1322 : i32 to vector<16xi32>
    %add3A_1324 = arith.addi %mul3A_1275, %add3A_1323 : vector<16xi32>
    %gather3A_1325 = tpu.vector_load_idx %arg17[%add3A_1324] : memref<400xf32, #tpu.memory_space<vmem>>[vector<16xi32>], vector<16xf32>,
    %sub3A_1326 = arith.subf %gather3A_1321, %gather3A_1325 : vector<16xf32>
    %abs3A_1327 = math.absf %sub3A_1326 : vector<16xf32>
    %jit3A_1328 = arith.constant 0.000000e+00 : f32
    %broadcast_in_dim3A_1329 = vector.broadcast %jit3A_1328 : f32 to vector<16xf32>
    %select_n3A_1330 = arith.select %lt3A_1257, %abs3A_1327, %broadcast_in_dim3A_1329 : vector<16xi1>, vector<16xf32>
    %add3A_1331 = arith.addf %add3A_1317, %select_n3A_1330 : vector<16xf32>
    %iota3A_1332 = tpu.iota {dimensions = array<i32: 0>} : vector<16xi32>
    %add3A_1333 = arith.constant 16 : i32
    %add3A_1334 = vector.broadcast %add3A_1333 : i32 to vector<16xi32>
    %add3A_1335 = arith.addi %iota3A_1332, %add3A_1334 : vector<16xi32>
    %lt3A_1336 = arith.constant 100 : i32
    %lt3A_1337 = vector.broadcast %lt3A_1336 : i32 to vector<16xi32>
    %lt3A_1338 = arith.cmpi slt, %add3A_1335, %lt3A_1337 : vector<16xi32>
    %get3A_1339 = arith.constant 16 : index
    %get3A_1340 = tpu.vector_load %arg9[%get3A_1339] {strides = array<i32>} : memref<112xi32, #tpu.memory_space<vmem>>, vector<16xi32>,
    %get3A_1341 = arith.constant 16 : index
    %get3A_1342 = tpu.vector_load %arg10[%get3A_1341] {strides = array<i32>} : memref<112xi32, #tpu.memory_space<vmem>>, vector<16xi32>,
    %get3A_1343 = arith.constant 16 : index
    %get3A_1344 = tpu.vector_load %arg15[%get3A_1343] {strides = array<i32>} : memref<112xf32, #tpu.memory_space<vmem>>, vector<16xf32>,
    %mul3A_1345 = arith.constant 1.000000e-01 : f32
    %mul3A_1346 = vector.broadcast %mul3A_1345 : f32 to vector<16xf32>
    %mul3A_1347 = arith.mulf %mul3A_1346, %get3A_1344 : vector<16xf32>
    %get3A_1348 = arith.constant 16 : index
    %get3A_1349 = tpu.vector_load %arg14[%get3A_1348] {strides = array<i32>} : memref<112xf32, #tpu.memory_space<vmem>>, vector<16xf32>,
    %sub3A_1350 = arith.subf %mul3A_1347, %get3A_1349 : vector<16xf32>
    tpu.vector_store_idx %arg18[%get3A_1340], %sub3A_1350 masked %lt3A_1338 : memref<912xf32, #tpu.memory_space<vmem>>[vector<16xi32>], vector<16xf32>, vector<16xi1>
    %mul3A_1351 = arith.constant 4 : i32
    %mul3A_1352 = vector.broadcast %mul3A_1351 : i32 to vector<16xi32>
    %mul3A_1353 = arith.muli %get3A_1340, %mul3A_1352 : vector<16xi32>
    %mul3A_1354 = arith.constant 4 : i32
    %mul3A_1355 = vector.broadcast %mul3A_1354 : i32 to vector<16xi32>
    %mul3A_1356 = arith.muli %get3A_1342, %mul3A_1355 : vector<16xi32>
    %add3A_1357 = arith.constant 0 : i32
    %add3A_1358 = vector.broadcast %add3A_1357 : i32 to vector<16xi32>
    %add3A_1359 = arith.addi %mul3A_1353, %add3A_1358 : vector<16xi32>
    %gather3A_1360 = tpu.vector_load_idx %arg16[%add3A_1359] : memref<3600xf32, #tpu.memory_space<vmem>>[vector<16xi32>], vector<16xf32>,
    %add3A_1361 = arith.constant 0 : i32
    %add3A_1362 = vector.broadcast %add3A_1361 : i32 to vector<16xi32>
    %add3A_1363 = arith.addi %mul3A_1356, %add3A_1362 : vector<16xi32>
    %gather3A_1364 = tpu.vector_load_idx %arg17[%add3A_1363] : memref<400xf32, #tpu.memory_space<vmem>>[vector<16xi32>], vector<16xf32>,
    %sub3A_1365 = arith.subf %gather3A_1360, %gather3A_1364 : vector<16xf32>
    %abs3A_1366 = math.absf %sub3A_1365 : vector<16xf32>
    %jit3A_1367 = arith.constant 0.000000e+00 : f32
    %broadcast_in_dim3A_1368 = vector.broadcast %jit3A_1367 : f32 to vector<16xf32>
    %select_n3A_1369 = arith.select %lt3A_1338, %abs3A_1366, %broadcast_in_dim3A_1368 : vector<16xi1>, vector<16xf32>
    %add3A_1370 = arith.addf %add3A_1331, %select_n3A_1369 : vector<16xf32>
    %add3A_1371 = arith.constant 1 : i32
    %add3A_1372 = vector.broadcast %add3A_1371 : i32 to vector<16xi32>
    %add3A_1373 = arith.addi %mul3A_1353, %add3A_1372 : vector<16xi32>
    %gather3A_1374 = tpu.vector_load_idx %arg16[%add3A_1373] : memref<3600xf32, #tpu.memory_space<vmem>>[vector<16xi32>], vector<16xf32>,
    %add3A_1375 = arith.constant 1 : i32
    %add3A_1376 = vector.broadcast %add3A_1375 : i32 to vector<16xi32>
    %add3A_1377 = arith.addi %mul3A_1356, %add3A_1376 : vector<16xi32>
    %gather3A_1378 = tpu.vector_load_idx %arg17[%add3A_1377] : memref<400xf32, #tpu.memory_space<vmem>>[vector<16xi32>], vector<16xf32>,
    %sub3A_1379 = arith.subf %gather3A_1374, %gather3A_1378 : vector<16xf32>
    %abs3A_1380 = math.absf %sub3A_1379 : vector<16xf32>
    %jit3A_1381 = arith.constant 0.000000e+00 : f32
    %broadcast_in_dim3A_1382 = vector.broadcast %jit3A_1381 : f32 to vector<16xf32>
    %select_n3A_1383 = arith.select %lt3A_1338, %abs3A_1380, %broadcast_in_dim3A_1382 : vector<16xi1>, vector<16xf32>
    %add3A_1384 = arith.addf %add3A_1370, %select_n3A_1383 : vector<16xf32>
    %add3A_1385 = arith.constant 2 : i32
    %add3A_1386 = vector.broadcast %add3A_1385 : i32 to vector<16xi32>
    %add3A_1387 = arith.addi %mul3A_1353, %add3A_1386 : vector<16xi32>
    %gather3A_1388 = tpu.vector_load_idx %arg16[%add3A_1387] : memref<3600xf32, #tpu.memory_space<vmem>>[vector<16xi32>], vector<16xf32>,
    %add3A_1389 = arith.constant 2 : i32
    %add3A_1390 = vector.broadcast %add3A_1389 : i32 to vector<16xi32>
    %add3A_1391 = arith.addi %mul3A_1356, %add3A_1390 : vector<16xi32>
    %gather3A_1392 = tpu.vector_load_idx %arg17[%add3A_1391] : memref<400xf32, #tpu.memory_space<vmem>>[vector<16xi32>], vector<16xf32>,
    %sub3A_1393 = arith.subf %gather3A_1388, %gather3A_1392 : vector<16xf32>
    %abs3A_1394 = math.absf %sub3A_1393 : vector<16xf32>
    %jit3A_1395 = arith.constant 0.000000e+00 : f32
    %broadcast_in_dim3A_1396 = vector.broadcast %jit3A_1395 : f32 to vector<16xf32>
    %select_n3A_1397 = arith.select %lt3A_1338, %abs3A_1394, %broadcast_in_dim3A_1396 : vector<16xi1>, vector<16xf32>
    %add3A_1398 = arith.addf %add3A_1384, %select_n3A_1397 : vector<16xf32>
    %add3A_1399 = arith.constant 3 : i32
    %add3A_1400 = vector.broadcast %add3A_1399 : i32 to vector<16xi32>
    %add3A_1401 = arith.addi %mul3A_1353, %add3A_1400 : vector<16xi32>
    %gather3A_1402 = tpu.vector_load_idx %arg16[%add3A_1401] : memref<3600xf32, #tpu.memory_space<vmem>>[vector<16xi32>], vector<16xf32>,
    %add3A_1403 = arith.constant 3 : i32
    %add3A_1404 = vector.broadcast %add3A_1403 : i32 to vector<16xi32>
    %add3A_1405 = arith.addi %mul3A_1356, %add3A_1404 : vector<16xi32>
    %gather3A_1406 = tpu.vector_load_idx %arg17[%add3A_1405] : memref<400xf32, #tpu.memory_space<vmem>>[vector<16xi32>], vector<16xf32>,
    %sub3A_1407 = arith.subf %gather3A_1402, %gather3A_1406 : vector<16xf32>
    %abs3A_1408 = math.absf %sub3A_1407 : vector<16xf32>
    %jit3A_1409 = arith.constant 0.000000e+00 : f32
    %broadcast_in_dim3A_1410 = vector.broadcast %jit3A_1409 : f32 to vector<16xf32>
    %select_n3A_1411 = arith.select %lt3A_1338, %abs3A_1408, %broadcast_in_dim3A_1410 : vector<16xi1>, vector<16xf32>
    %add3A_1412 = arith.addf %add3A_1398, %select_n3A_1411 : vector<16xf32>
    %iota3A_1413 = tpu.iota {dimensions = array<i32: 0>} : vector<16xi32>
    %add3A_1414 = arith.constant 32 : i32
    %add3A_1415 = vector.broadcast %add3A_1414 : i32 to vector<16xi32>
    %add3A_1416 = arith.addi %iota3A_1413, %add3A_1415 : vector<16xi32>
    %lt3A_1417 = arith.constant 100 : i32
    %lt3A_1418 = vector.broadcast %lt3A_1417 : i32 to vector<16xi32>
    %lt3A_1419 = arith.cmpi slt, %add3A_1416, %lt3A_1418 : vector<16xi32>
    %get3A_1420 = arith.constant 32 : index
    %get3A_1421 = tpu.vector_load %arg9[%get3A_1420] {strides = array<i32>} : memref<112xi32, #tpu.memory_space<vmem>>, vector<16xi32>,
    %get3A_1422 = arith.constant 32 : index
    %get3A_1423 = tpu.vector_load %arg10[%get3A_1422] {strides = array<i32>} : memref<112xi32, #tpu.memory_space<vmem>>, vector<16xi32>,
    %get3A_1424 = arith.constant 32 : index
    %get3A_1425 = tpu.vector_load %arg15[%get3A_1424] {strides = array<i32>} : memref<112xf32, #tpu.memory_space<vmem>>, vector<16xf32>,
    %mul3A_1426 = arith.constant 1.000000e-01 : f32
    %mul3A_1427 = vector.broadcast %mul3A_1426 : f32 to vector<16xf32>
    %mul3A_1428 = arith.mulf %mul3A_1427, %get3A_1425 : vector<16xf32>
    %get3A_1429 = arith.constant 32 : index
    %get3A_1430 = tpu.vector_load %arg14[%get3A_1429] {strides = array<i32>} : memref<112xf32, #tpu.memory_space<vmem>>, vector<16xf32>,
    %sub3A_1431 = arith.subf %mul3A_1428, %get3A_1430 : vector<16xf32>
    tpu.vector_store_idx %arg18[%get3A_1421], %sub3A_1431 masked %lt3A_1419 : memref<912xf32, #tpu.memory_space<vmem>>[vector<16xi32>], vector<16xf32>, vector<16xi1>
    %mul3A_1432 = arith.constant 4 : i32
    %mul3A_1433 = vector.broadcast %mul3A_1432 : i32 to vector<16xi32>
    %mul3A_1434 = arith.muli %get3A_1421, %mul3A_1433 : vector<16xi32>
    %mul3A_1435 = arith.constant 4 : i32
    %mul3A_1436 = vector.broadcast %mul3A_1435 : i32 to vector<16xi32>
    %mul3A_1437 = arith.muli %get3A_1423, %mul3A_1436 : vector<16xi32>
    %add3A_1438 = arith.constant 0 : i32
    %add3A_1439 = vector.broadcast %add3A_1438 : i32 to vector<16xi32>
    %add3A_1440 = arith.addi %mul3A_1434, %add3A_1439 : vector<16xi32>
    %gather3A_1441 = tpu.vector_load_idx %arg16[%add3A_1440] : memref<3600xf32, #tpu.memory_space<vmem>>[vector<16xi32>], vector<16xf32>,
    %add3A_1442 = arith.constant 0 : i32
    %add3A_1443 = vector.broadcast %add3A_1442 : i32 to vector<16xi32>
    %add3A_1444 = arith.addi %mul3A_1437, %add3A_1443 : vector<16xi32>
    %gather3A_1445 = tpu.vector_load_idx %arg17[%add3A_1444] : memref<400xf32, #tpu.memory_space<vmem>>[vector<16xi32>], vector<16xf32>,
    %sub3A_1446 = arith.subf %gather3A_1441, %gather3A_1445 : vector<16xf32>
    %abs3A_1447 = math.absf %sub3A_1446 : vector<16xf32>
    %jit3A_1448 = arith.constant 0.000000e+00 : f32
    %broadcast_in_dim3A_1449 = vector.broadcast %jit3A_1448 : f32 to vector<16xf32>
    %select_n3A_1450 = arith.select %lt3A_1419, %abs3A_1447, %broadcast_in_dim3A_1449 : vector<16xi1>, vector<16xf32>
    %add3A_1451 = arith.addf %add3A_1412, %select_n3A_1450 : vector<16xf32>
    %add3A_1452 = arith.constant 1 : i32
    %add3A_1453 = vector.broadcast %add3A_1452 : i32 to vector<16xi32>
    %add3A_1454 = arith.addi %mul3A_1434, %add3A_1453 : vector<16xi32>
    %gather3A_1455 = tpu.vector_load_idx %arg16[%add3A_1454] : memref<3600xf32, #tpu.memory_space<vmem>>[vector<16xi32>], vector<16xf32>,
    %add3A_1456 = arith.constant 1 : i32
    %add3A_1457 = vector.broadcast %add3A_1456 : i32 to vector<16xi32>
    %add3A_1458 = arith.addi %mul3A_1437, %add3A_1457 : vector<16xi32>
    %gather3A_1459 = tpu.vector_load_idx %arg17[%add3A_1458] : memref<400xf32, #tpu.memory_space<vmem>>[vector<16xi32>], vector<16xf32>,
    %sub3A_1460 = arith.subf %gather3A_1455, %gather3A_1459 : vector<16xf32>
    %abs3A_1461 = math.absf %sub3A_1460 : vector<16xf32>
    %jit3A_1462 = arith.constant 0.000000e+00 : f32
    %broadcast_in_dim3A_1463 = vector.broadcast %jit3A_1462 : f32 to vector<16xf32>
    %select_n3A_1464 = arith.select %lt3A_1419, %abs3A_1461, %broadcast_in_dim3A_1463 : vector<16xi1>, vector<16xf32>
    %add3A_1465 = arith.addf %add3A_1451, %select_n3A_1464 : vector<16xf32>
    %add3A_1466 = arith.constant 2 : i32
    %add3A_1467 = vector.broadcast %add3A_1466 : i32 to vector<16xi32>
    %add3A_1468 = arith.addi %mul3A_1434, %add3A_1467 : vector<16xi32>
    %gather3A_1469 = tpu.vector_load_idx %arg16[%add3A_1468] : memref<3600xf32, #tpu.memory_space<vmem>>[vector<16xi32>], vector<16xf32>,
    %add3A_1470 = arith.constant 2 : i32
    %add3A_1471 = vector.broadcast %add3A_1470 : i32 to vector<16xi32>
    %add3A_1472 = arith.addi %mul3A_1437, %add3A_1471 : vector<16xi32>
    %gather3A_1473 = tpu.vector_load_idx %arg17[%add3A_1472] : memref<400xf32, #tpu.memory_space<vmem>>[vector<16xi32>], vector<16xf32>,
    %sub3A_1474 = arith.subf %gather3A_1469, %gather3A_1473 : vector<16xf32>
    %abs3A_1475 = math.absf %sub3A_1474 : vector<16xf32>
    %jit3A_1476 = arith.constant 0.000000e+00 : f32
    %broadcast_in_dim3A_1477 = vector.broadcast %jit3A_1476 : f32 to vector<16xf32>
    %select_n3A_1478 = arith.select %lt3A_1419, %abs3A_1475, %broadcast_in_dim3A_1477 : vector<16xi1>, vector<16xf32>
    %add3A_1479 = arith.addf %add3A_1465, %select_n3A_1478 : vector<16xf32>
    %add3A_1480 = arith.constant 3 : i32
    %add3A_1481 = vector.broadcast %add3A_1480 : i32 to vector<16xi32>
    %add3A_1482 = arith.addi %mul3A_1434, %add3A_1481 : vector<16xi32>
    %gather3A_1483 = tpu.vector_load_idx %arg16[%add3A_1482] : memref<3600xf32, #tpu.memory_space<vmem>>[vector<16xi32>], vector<16xf32>,
    %add3A_1484 = arith.constant 3 : i32
    %add3A_1485 = vector.broadcast %add3A_1484 : i32 to vector<16xi32>
    %add3A_1486 = arith.addi %mul3A_1437, %add3A_1485 : vector<16xi32>
    %gather3A_1487 = tpu.vector_load_idx %arg17[%add3A_1486] : memref<400xf32, #tpu.memory_space<vmem>>[vector<16xi32>], vector<16xf32>,
    %sub3A_1488 = arith.subf %gather3A_1483, %gather3A_1487 : vector<16xf32>
    %abs3A_1489 = math.absf %sub3A_1488 : vector<16xf32>
    %jit3A_1490 = arith.constant 0.000000e+00 : f32
    %broadcast_in_dim3A_1491 = vector.broadcast %jit3A_1490 : f32 to vector<16xf32>
    %select_n3A_1492 = arith.select %lt3A_1419, %abs3A_1489, %broadcast_in_dim3A_1491 : vector<16xi1>, vector<16xf32>
    %add3A_1493 = arith.addf %add3A_1479, %select_n3A_1492 : vector<16xf32>
    %iota3A_1494 = tpu.iota {dimensions = array<i32: 0>} : vector<16xi32>
    %add3A_1495 = arith.constant 48 : i32
    %add3A_1496 = vector.broadcast %add3A_1495 : i32 to vector<16xi32>
    %add3A_1497 = arith.addi %iota3A_1494, %add3A_1496 : vector<16xi32>
    %lt3A_1498 = arith.constant 100 : i32
    %lt3A_1499 = vector.broadcast %lt3A_1498 : i32 to vector<16xi32>
    %lt3A_1500 = arith.cmpi slt, %add3A_1497, %lt3A_1499 : vector<16xi32>
    %get3A_1501 = arith.constant 48 : index
    %get3A_1502 = tpu.vector_load %arg9[%get3A_1501] {strides = array<i32>} : memref<112xi32, #tpu.memory_space<vmem>>, vector<16xi32>,
    %get3A_1503 = arith.constant 48 : index
    %get3A_1504 = tpu.vector_load %arg10[%get3A_1503] {strides = array<i32>} : memref<112xi32, #tpu.memory_space<vmem>>, vector<16xi32>,
    %get3A_1505 = arith.constant 48 : index
    %get3A_1506 = tpu.vector_load %arg15[%get3A_1505] {strides = array<i32>} : memref<112xf32, #tpu.memory_space<vmem>>, vector<16xf32>,
    %mul3A_1507 = arith.constant 1.000000e-01 : f32
    %mul3A_1508 = vector.broadcast %mul3A_1507 : f32 to vector<16xf32>
    %mul3A_1509 = arith.mulf %mul3A_1508, %get3A_1506 : vector<16xf32>
    %get3A_1510 = arith.constant 48 : index
    %get3A_1511 = tpu.vector_load %arg14[%get3A_1510] {strides = array<i32>} : memref<112xf32, #tpu.memory_space<vmem>>, vector<16xf32>,
    %sub3A_1512 = arith.subf %mul3A_1509, %get3A_1511 : vector<16xf32>
    tpu.vector_store_idx %arg18[%get3A_1502], %sub3A_1512 masked %lt3A_1500 : memref<912xf32, #tpu.memory_space<vmem>>[vector<16xi32>], vector<16xf32>, vector<16xi1>
    %mul3A_1513 = arith.constant 4 : i32
    %mul3A_1514 = vector.broadcast %mul3A_1513 : i32 to vector<16xi32>
    %mul3A_1515 = arith.muli %get3A_1502, %mul3A_1514 : vector<16xi32>
    %mul3A_1516 = arith.constant 4 : i32
    %mul3A_1517 = vector.broadcast %mul3A_1516 : i32 to vector<16xi32>
    %mul3A_1518 = arith.muli %get3A_1504, %mul3A_1517 : vector<16xi32>
    %add3A_1519 = arith.constant 0 : i32
    %add3A_1520 = vector.broadcast %add3A_1519 : i32 to vector<16xi32>
    %add3A_1521 = arith.addi %mul3A_1515, %add3A_1520 : vector<16xi32>
    %gather3A_1522 = tpu.vector_load_idx %arg16[%add3A_1521] : memref<3600xf32, #tpu.memory_space<vmem>>[vector<16xi32>], vector<16xf32>,
    %add3A_1523 = arith.constant 0 : i32
    %add3A_1524 = vector.broadcast %add3A_1523 : i32 to vector<16xi32>
    %add3A_1525 = arith.addi %mul3A_1518, %add3A_1524 : vector<16xi32>
    %gather3A_1526 = tpu.vector_load_idx %arg17[%add3A_1525] : memref<400xf32, #tpu.memory_space<vmem>>[vector<16xi32>], vector<16xf32>,
    %sub3A_1527 = arith.subf %gather3A_1522, %gather3A_1526 : vector<16xf32>
    %abs3A_1528 = math.absf %sub3A_1527 : vector<16xf32>
    %jit3A_1529 = arith.constant 0.000000e+00 : f32
    %broadcast_in_dim3A_1530 = vector.broadcast %jit3A_1529 : f32 to vector<16xf32>
    %select_n3A_1531 = arith.select %lt3A_1500, %abs3A_1528, %broadcast_in_dim3A_1530 : vector<16xi1>, vector<16xf32>
    %add3A_1532 = arith.addf %add3A_1493, %select_n3A_1531 : vector<16xf32>
    %add3A_1533 = arith.constant 1 : i32
    %add3A_1534 = vector.broadcast %add3A_1533 : i32 to vector<16xi32>
    %add3A_1535 = arith.addi %mul3A_1515, %add3A_1534 : vector<16xi32>
    %gather3A_1536 = tpu.vector_load_idx %arg16[%add3A_1535] : memref<3600xf32, #tpu.memory_space<vmem>>[vector<16xi32>], vector<16xf32>,
    %add3A_1537 = arith.constant 1 : i32
    %add3A_1538 = vector.broadcast %add3A_1537 : i32 to vector<16xi32>
    %add3A_1539 = arith.addi %mul3A_1518, %add3A_1538 : vector<16xi32>
    %gather3A_1540 = tpu.vector_load_idx %arg17[%add3A_1539] : memref<400xf32, #tpu.memory_space<vmem>>[vector<16xi32>], vector<16xf32>,
    %sub3A_1541 = arith.subf %gather3A_1536, %gather3A_1540 : vector<16xf32>
    %abs3A_1542 = math.absf %sub3A_1541 : vector<16xf32>
    %jit3A_1543 = arith.constant 0.000000e+00 : f32
    %broadcast_in_dim3A_1544 = vector.broadcast %jit3A_1543 : f32 to vector<16xf32>
    %select_n3A_1545 = arith.select %lt3A_1500, %abs3A_1542, %broadcast_in_dim3A_1544 : vector<16xi1>, vector<16xf32>
    %add3A_1546 = arith.addf %add3A_1532, %select_n3A_1545 : vector<16xf32>
    %add3A_1547 = arith.constant 2 : i32
    %add3A_1548 = vector.broadcast %add3A_1547 : i32 to vector<16xi32>
    %add3A_1549 = arith.addi %mul3A_1515, %add3A_1548 : vector<16xi32>
    %gather3A_1550 = tpu.vector_load_idx %arg16[%add3A_1549] : memref<3600xf32, #tpu.memory_space<vmem>>[vector<16xi32>], vector<16xf32>,
    %add3A_1551 = arith.constant 2 : i32
    %add3A_1552 = vector.broadcast %add3A_1551 : i32 to vector<16xi32>
    %add3A_1553 = arith.addi %mul3A_1518, %add3A_1552 : vector<16xi32>
    %gather3A_1554 = tpu.vector_load_idx %arg17[%add3A_1553] : memref<400xf32, #tpu.memory_space<vmem>>[vector<16xi32>], vector<16xf32>,
    %sub3A_1555 = arith.subf %gather3A_1550, %gather3A_1554 : vector<16xf32>
    %abs3A_1556 = math.absf %sub3A_1555 : vector<16xf32>
    %jit3A_1557 = arith.constant 0.000000e+00 : f32
    %broadcast_in_dim3A_1558 = vector.broadcast %jit3A_1557 : f32 to vector<16xf32>
    %select_n3A_1559 = arith.select %lt3A_1500, %abs3A_1556, %broadcast_in_dim3A_1558 : vector<16xi1>, vector<16xf32>
    %add3A_1560 = arith.addf %add3A_1546, %select_n3A_1559 : vector<16xf32>
    %add3A_1561 = arith.constant 3 : i32
    %add3A_1562 = vector.broadcast %add3A_1561 : i32 to vector<16xi32>
    %add3A_1563 = arith.addi %mul3A_1515, %add3A_1562 : vector<16xi32>
    %gather3A_1564 = tpu.vector_load_idx %arg16[%add3A_1563] : memref<3600xf32, #tpu.memory_space<vmem>>[vector<16xi32>], vector<16xf32>,
    %add3A_1565 = arith.constant 3 : i32
    %add3A_1566 = vector.broadcast %add3A_1565 : i32 to vector<16xi32>
    %add3A_1567 = arith.addi %mul3A_1518, %add3A_1566 : vector<16xi32>
    %gather3A_1568 = tpu.vector_load_idx %arg17[%add3A_1567] : memref<400xf32, #tpu.memory_space<vmem>>[vector<16xi32>], vector<16xf32>,
    %sub3A_1569 = arith.subf %gather3A_1564, %gather3A_1568 : vector<16xf32>
    %abs3A_1570 = math.absf %sub3A_1569 : vector<16xf32>
    %jit3A_1571 = arith.constant 0.000000e+00 : f32
    %broadcast_in_dim3A_1572 = vector.broadcast %jit3A_1571 : f32 to vector<16xf32>
    %select_n3A_1573 = arith.select %lt3A_1500, %abs3A_1570, %broadcast_in_dim3A_1572 : vector<16xi1>, vector<16xf32>
    %add3A_1574 = arith.addf %add3A_1560, %select_n3A_1573 : vector<16xf32>
    %iota3A_1575 = tpu.iota {dimensions = array<i32: 0>} : vector<16xi32>
    %add3A_1576 = arith.constant 64 : i32
    %add3A_1577 = vector.broadcast %add3A_1576 : i32 to vector<16xi32>
    %add3A_1578 = arith.addi %iota3A_1575, %add3A_1577 : vector<16xi32>
    %lt3A_1579 = arith.constant 100 : i32
    %lt3A_1580 = vector.broadcast %lt3A_1579 : i32 to vector<16xi32>
    %lt3A_1581 = arith.cmpi slt, %add3A_1578, %lt3A_1580 : vector<16xi32>
    %get3A_1582 = arith.constant 64 : index
    %get3A_1583 = tpu.vector_load %arg9[%get3A_1582] {strides = array<i32>} : memref<112xi32, #tpu.memory_space<vmem>>, vector<16xi32>,
    %get3A_1584 = arith.constant 64 : index
    %get3A_1585 = tpu.vector_load %arg10[%get3A_1584] {strides = array<i32>} : memref<112xi32, #tpu.memory_space<vmem>>, vector<16xi32>,
    %get3A_1586 = arith.constant 64 : index
    %get3A_1587 = tpu.vector_load %arg15[%get3A_1586] {strides = array<i32>} : memref<112xf32, #tpu.memory_space<vmem>>, vector<16xf32>,
    %mul3A_1588 = arith.constant 1.000000e-01 : f32
    %mul3A_1589 = vector.broadcast %mul3A_1588 : f32 to vector<16xf32>
    %mul3A_1590 = arith.mulf %mul3A_1589, %get3A_1587 : vector<16xf32>
    %get3A_1591 = arith.constant 64 : index
    %get3A_1592 = tpu.vector_load %arg14[%get3A_1591] {strides = array<i32>} : memref<112xf32, #tpu.memory_space<vmem>>, vector<16xf32>,
    %sub3A_1593 = arith.subf %mul3A_1590, %get3A_1592 : vector<16xf32>
    tpu.vector_store_idx %arg18[%get3A_1583], %sub3A_1593 masked %lt3A_1581 : memref<912xf32, #tpu.memory_space<vmem>>[vector<16xi32>], vector<16xf32>, vector<16xi1>
    %mul3A_1594 = arith.constant 4 : i32
    %mul3A_1595 = vector.broadcast %mul3A_1594 : i32 to vector<16xi32>
    %mul3A_1596 = arith.muli %get3A_1583, %mul3A_1595 : vector<16xi32>
    %mul3A_1597 = arith.constant 4 : i32
    %mul3A_1598 = vector.broadcast %mul3A_1597 : i32 to vector<16xi32>
    %mul3A_1599 = arith.muli %get3A_1585, %mul3A_1598 : vector<16xi32>
    %add3A_1600 = arith.constant 0 : i32
    %add3A_1601 = vector.broadcast %add3A_1600 : i32 to vector<16xi32>
    %add3A_1602 = arith.addi %mul3A_1596, %add3A_1601 : vector<16xi32>
    %gather3A_1603 = tpu.vector_load_idx %arg16[%add3A_1602] : memref<3600xf32, #tpu.memory_space<vmem>>[vector<16xi32>], vector<16xf32>,
    %add3A_1604 = arith.constant 0 : i32
    %add3A_1605 = vector.broadcast %add3A_1604 : i32 to vector<16xi32>
    %add3A_1606 = arith.addi %mul3A_1599, %add3A_1605 : vector<16xi32>
    %gather3A_1607 = tpu.vector_load_idx %arg17[%add3A_1606] : memref<400xf32, #tpu.memory_space<vmem>>[vector<16xi32>], vector<16xf32>,
    %sub3A_1608 = arith.subf %gather3A_1603, %gather3A_1607 : vector<16xf32>
    %abs3A_1609 = math.absf %sub3A_1608 : vector<16xf32>
    %jit3A_1610 = arith.constant 0.000000e+00 : f32
    %broadcast_in_dim3A_1611 = vector.broadcast %jit3A_1610 : f32 to vector<16xf32>
    %select_n3A_1612 = arith.select %lt3A_1581, %abs3A_1609, %broadcast_in_dim3A_1611 : vector<16xi1>, vector<16xf32>
    %add3A_1613 = arith.addf %add3A_1574, %select_n3A_1612 : vector<16xf32>
    %add3A_1614 = arith.constant 1 : i32
    %add3A_1615 = vector.broadcast %add3A_1614 : i32 to vector<16xi32>
    %add3A_1616 = arith.addi %mul3A_1596, %add3A_1615 : vector<16xi32>
    %gather3A_1617 = tpu.vector_load_idx %arg16[%add3A_1616] : memref<3600xf32, #tpu.memory_space<vmem>>[vector<16xi32>], vector<16xf32>,
    %add3A_1618 = arith.constant 1 : i32
    %add3A_1619 = vector.broadcast %add3A_1618 : i32 to vector<16xi32>
    %add3A_1620 = arith.addi %mul3A_1599, %add3A_1619 : vector<16xi32>
    %gather3A_1621 = tpu.vector_load_idx %arg17[%add3A_1620] : memref<400xf32, #tpu.memory_space<vmem>>[vector<16xi32>], vector<16xf32>,
    %sub3A_1622 = arith.subf %gather3A_1617, %gather3A_1621 : vector<16xf32>
    %abs3A_1623 = math.absf %sub3A_1622 : vector<16xf32>
    %jit3A_1624 = arith.constant 0.000000e+00 : f32
    %broadcast_in_dim3A_1625 = vector.broadcast %jit3A_1624 : f32 to vector<16xf32>
    %select_n3A_1626 = arith.select %lt3A_1581, %abs3A_1623, %broadcast_in_dim3A_1625 : vector<16xi1>, vector<16xf32>
    %add3A_1627 = arith.addf %add3A_1613, %select_n3A_1626 : vector<16xf32>
    %add3A_1628 = arith.constant 2 : i32
    %add3A_1629 = vector.broadcast %add3A_1628 : i32 to vector<16xi32>
    %add3A_1630 = arith.addi %mul3A_1596, %add3A_1629 : vector<16xi32>
    %gather3A_1631 = tpu.vector_load_idx %arg16[%add3A_1630] : memref<3600xf32, #tpu.memory_space<vmem>>[vector<16xi32>], vector<16xf32>,
    %add3A_1632 = arith.constant 2 : i32
    %add3A_1633 = vector.broadcast %add3A_1632 : i32 to vector<16xi32>
    %add3A_1634 = arith.addi %mul3A_1599, %add3A_1633 : vector<16xi32>
    %gather3A_1635 = tpu.vector_load_idx %arg17[%add3A_1634] : memref<400xf32, #tpu.memory_space<vmem>>[vector<16xi32>], vector<16xf32>,
    %sub3A_1636 = arith.subf %gather3A_1631, %gather3A_1635 : vector<16xf32>
    %abs3A_1637 = math.absf %sub3A_1636 : vector<16xf32>
    %jit3A_1638 = arith.constant 0.000000e+00 : f32
    %broadcast_in_dim3A_1639 = vector.broadcast %jit3A_1638 : f32 to vector<16xf32>
    %select_n3A_1640 = arith.select %lt3A_1581, %abs3A_1637, %broadcast_in_dim3A_1639 : vector<16xi1>, vector<16xf32>
    %add3A_1641 = arith.addf %add3A_1627, %select_n3A_1640 : vector<16xf32>
    %add3A_1642 = arith.constant 3 : i32
    %add3A_1643 = vector.broadcast %add3A_1642 : i32 to vector<16xi32>
    %add3A_1644 = arith.addi %mul3A_1596, %add3A_1643 : vector<16xi32>
    %gather3A_1645 = tpu.vector_load_idx %arg16[%add3A_1644] : memref<3600xf32, #tpu.memory_space<vmem>>[vector<16xi32>], vector<16xf32>,
    %add3A_1646 = arith.constant 3 : i32
    %add3A_1647 = vector.broadcast %add3A_1646 : i32 to vector<16xi32>
    %add3A_1648 = arith.addi %mul3A_1599, %add3A_1647 : vector<16xi32>
    %gather3A_1649 = tpu.vector_load_idx %arg17[%add3A_1648] : memref<400xf32, #tpu.memory_space<vmem>>[vector<16xi32>], vector<16xf32>,
    %sub3A_1650 = arith.subf %gather3A_1645, %gather3A_1649 : vector<16xf32>
    %abs3A_1651 = math.absf %sub3A_1650 : vector<16xf32>
    %jit3A_1652 = arith.constant 0.000000e+00 : f32
    %broadcast_in_dim3A_1653 = vector.broadcast %jit3A_1652 : f32 to vector<16xf32>
    %select_n3A_1654 = arith.select %lt3A_1581, %abs3A_1651, %broadcast_in_dim3A_1653 : vector<16xi1>, vector<16xf32>
    %add3A_1655 = arith.addf %add3A_1641, %select_n3A_1654 : vector<16xf32>
    %iota3A_1656 = tpu.iota {dimensions = array<i32: 0>} : vector<16xi32>
    %add3A_1657 = arith.constant 80 : i32
    %add3A_1658 = vector.broadcast %add3A_1657 : i32 to vector<16xi32>
    %add3A_1659 = arith.addi %iota3A_1656, %add3A_1658 : vector<16xi32>
    %lt3A_1660 = arith.constant 100 : i32
    %lt3A_1661 = vector.broadcast %lt3A_1660 : i32 to vector<16xi32>
    %lt3A_1662 = arith.cmpi slt, %add3A_1659, %lt3A_1661 : vector<16xi32>
    %get3A_1663 = arith.constant 80 : index
    %get3A_1664 = tpu.vector_load %arg9[%get3A_1663] {strides = array<i32>} : memref<112xi32, #tpu.memory_space<vmem>>, vector<16xi32>,
    %get3A_1665 = arith.constant 80 : index
    %get3A_1666 = tpu.vector_load %arg10[%get3A_1665] {strides = array<i32>} : memref<112xi32, #tpu.memory_space<vmem>>, vector<16xi32>,
    %get3A_1667 = arith.constant 80 : index
    %get3A_1668 = tpu.vector_load %arg15[%get3A_1667] {strides = array<i32>} : memref<112xf32, #tpu.memory_space<vmem>>, vector<16xf32>,
    %mul3A_1669 = arith.constant 1.000000e-01 : f32
    %mul3A_1670 = vector.broadcast %mul3A_1669 : f32 to vector<16xf32>
    %mul3A_1671 = arith.mulf %mul3A_1670, %get3A_1668 : vector<16xf32>
    %get3A_1672 = arith.constant 80 : index
    %get3A_1673 = tpu.vector_load %arg14[%get3A_1672] {strides = array<i32>} : memref<112xf32, #tpu.memory_space<vmem>>, vector<16xf32>,
    %sub3A_1674 = arith.subf %mul3A_1671, %get3A_1673 : vector<16xf32>
    tpu.vector_store_idx %arg18[%get3A_1664], %sub3A_1674 masked %lt3A_1662 : memref<912xf32, #tpu.memory_space<vmem>>[vector<16xi32>], vector<16xf32>, vector<16xi1>
    %mul3A_1675 = arith.constant 4 : i32
    %mul3A_1676 = vector.broadcast %mul3A_1675 : i32 to vector<16xi32>
    %mul3A_1677 = arith.muli %get3A_1664, %mul3A_1676 : vector<16xi32>
    %mul3A_1678 = arith.constant 4 : i32
    %mul3A_1679 = vector.broadcast %mul3A_1678 : i32 to vector<16xi32>
    %mul3A_1680 = arith.muli %get3A_1666, %mul3A_1679 : vector<16xi32>
    %add3A_1681 = arith.constant 0 : i32
    %add3A_1682 = vector.broadcast %add3A_1681 : i32 to vector<16xi32>
    %add3A_1683 = arith.addi %mul3A_1677, %add3A_1682 : vector<16xi32>
    %gather3A_1684 = tpu.vector_load_idx %arg16[%add3A_1683] : memref<3600xf32, #tpu.memory_space<vmem>>[vector<16xi32>], vector<16xf32>,
    %add3A_1685 = arith.constant 0 : i32
    %add3A_1686 = vector.broadcast %add3A_1685 : i32 to vector<16xi32>
    %add3A_1687 = arith.addi %mul3A_1680, %add3A_1686 : vector<16xi32>
    %gather3A_1688 = tpu.vector_load_idx %arg17[%add3A_1687] : memref<400xf32, #tpu.memory_space<vmem>>[vector<16xi32>], vector<16xf32>,
    %sub3A_1689 = arith.subf %gather3A_1684, %gather3A_1688 : vector<16xf32>
    %abs3A_1690 = math.absf %sub3A_1689 : vector<16xf32>
    %jit3A_1691 = arith.constant 0.000000e+00 : f32
    %broadcast_in_dim3A_1692 = vector.broadcast %jit3A_1691 : f32 to vector<16xf32>
    %select_n3A_1693 = arith.select %lt3A_1662, %abs3A_1690, %broadcast_in_dim3A_1692 : vector<16xi1>, vector<16xf32>
    %add3A_1694 = arith.addf %add3A_1655, %select_n3A_1693 : vector<16xf32>
    %add3A_1695 = arith.constant 1 : i32
    %add3A_1696 = vector.broadcast %add3A_1695 : i32 to vector<16xi32>
    %add3A_1697 = arith.addi %mul3A_1677, %add3A_1696 : vector<16xi32>
    %gather3A_1698 = tpu.vector_load_idx %arg16[%add3A_1697] : memref<3600xf32, #tpu.memory_space<vmem>>[vector<16xi32>], vector<16xf32>,
    %add3A_1699 = arith.constant 1 : i32
    %add3A_1700 = vector.broadcast %add3A_1699 : i32 to vector<16xi32>
    %add3A_1701 = arith.addi %mul3A_1680, %add3A_1700 : vector<16xi32>
    %gather3A_1702 = tpu.vector_load_idx %arg17[%add3A_1701] : memref<400xf32, #tpu.memory_space<vmem>>[vector<16xi32>], vector<16xf32>,
    %sub3A_1703 = arith.subf %gather3A_1698, %gather3A_1702 : vector<16xf32>
    %abs3A_1704 = math.absf %sub3A_1703 : vector<16xf32>
    %jit3A_1705 = arith.constant 0.000000e+00 : f32
    %broadcast_in_dim3A_1706 = vector.broadcast %jit3A_1705 : f32 to vector<16xf32>
    %select_n3A_1707 = arith.select %lt3A_1662, %abs3A_1704, %broadcast_in_dim3A_1706 : vector<16xi1>, vector<16xf32>
    %add3A_1708 = arith.addf %add3A_1694, %select_n3A_1707 : vector<16xf32>
    %add3A_1709 = arith.constant 2 : i32
    %add3A_1710 = vector.broadcast %add3A_1709 : i32 to vector<16xi32>
    %add3A_1711 = arith.addi %mul3A_1677, %add3A_1710 : vector<16xi32>
    %gather3A_1712 = tpu.vector_load_idx %arg16[%add3A_1711] : memref<3600xf32, #tpu.memory_space<vmem>>[vector<16xi32>], vector<16xf32>,
    %add3A_1713 = arith.constant 2 : i32
    %add3A_1714 = vector.broadcast %add3A_1713 : i32 to vector<16xi32>
    %add3A_1715 = arith.addi %mul3A_1680, %add3A_1714 : vector<16xi32>
    %gather3A_1716 = tpu.vector_load_idx %arg17[%add3A_1715] : memref<400xf32, #tpu.memory_space<vmem>>[vector<16xi32>], vector<16xf32>,
    %sub3A_1717 = arith.subf %gather3A_1712, %gather3A_1716 : vector<16xf32>
    %abs3A_1718 = math.absf %sub3A_1717 : vector<16xf32>
    %jit3A_1719 = arith.constant 0.000000e+00 : f32
    %broadcast_in_dim3A_1720 = vector.broadcast %jit3A_1719 : f32 to vector<16xf32>
    %select_n3A_1721 = arith.select %lt3A_1662, %abs3A_1718, %broadcast_in_dim3A_1720 : vector<16xi1>, vector<16xf32>
    %add3A_1722 = arith.addf %add3A_1708, %select_n3A_1721 : vector<16xf32>
    %add3A_1723 = arith.constant 3 : i32
    %add3A_1724 = vector.broadcast %add3A_1723 : i32 to vector<16xi32>
    %add3A_1725 = arith.addi %mul3A_1677, %add3A_1724 : vector<16xi32>
    %gather3A_1726 = tpu.vector_load_idx %arg16[%add3A_1725] : memref<3600xf32, #tpu.memory_space<vmem>>[vector<16xi32>], vector<16xf32>,
    %add3A_1727 = arith.constant 3 : i32
    %add3A_1728 = vector.broadcast %add3A_1727 : i32 to vector<16xi32>
    %add3A_1729 = arith.addi %mul3A_1680, %add3A_1728 : vector<16xi32>
    %gather3A_1730 = tpu.vector_load_idx %arg17[%add3A_1729] : memref<400xf32, #tpu.memory_space<vmem>>[vector<16xi32>], vector<16xf32>,
    %sub3A_1731 = arith.subf %gather3A_1726, %gather3A_1730 : vector<16xf32>
    %abs3A_1732 = math.absf %sub3A_1731 : vector<16xf32>
    %jit3A_1733 = arith.constant 0.000000e+00 : f32
    %broadcast_in_dim3A_1734 = vector.broadcast %jit3A_1733 : f32 to vector<16xf32>
    %select_n3A_1735 = arith.select %lt3A_1662, %abs3A_1732, %broadcast_in_dim3A_1734 : vector<16xi1>, vector<16xf32>
    %add3A_1736 = arith.addf %add3A_1722, %select_n3A_1735 : vector<16xf32>
    %iota3A_1737 = tpu.iota {dimensions = array<i32: 0>} : vector<16xi32>
    %add3A_1738 = arith.constant 96 : i32
    %add3A_1739 = vector.broadcast %add3A_1738 : i32 to vector<16xi32>
    %add3A_1740 = arith.addi %iota3A_1737, %add3A_1739 : vector<16xi32>
    %lt3A_1741 = arith.constant 100 : i32
    %lt3A_1742 = vector.broadcast %lt3A_1741 : i32 to vector<16xi32>
    %lt3A_1743 = arith.cmpi slt, %add3A_1740, %lt3A_1742 : vector<16xi32>
    %get3A_1744 = arith.constant 96 : index
    %get3A_1745 = tpu.vector_load %arg9[%get3A_1744] {strides = array<i32>} : memref<112xi32, #tpu.memory_space<vmem>>, vector<16xi32>,
    %get3A_1746 = arith.constant 96 : index
    %get3A_1747 = tpu.vector_load %arg10[%get3A_1746] {strides = array<i32>} : memref<112xi32, #tpu.memory_space<vmem>>, vector<16xi32>,
    %get3A_1748 = arith.constant 96 : index
    %get3A_1749 = tpu.vector_load %arg15[%get3A_1748] {strides = array<i32>} : memref<112xf32, #tpu.memory_space<vmem>>, vector<16xf32>,
    %mul3A_1750 = arith.constant 1.000000e-01 : f32
    %mul3A_1751 = vector.broadcast %mul3A_1750 : f32 to vector<16xf32>
    %mul3A_1752 = arith.mulf %mul3A_1751, %get3A_1749 : vector<16xf32>
    %get3A_1753 = arith.constant 96 : index
    %get3A_1754 = tpu.vector_load %arg14[%get3A_1753] {strides = array<i32>} : memref<112xf32, #tpu.memory_space<vmem>>, vector<16xf32>,
    %sub3A_1755 = arith.subf %mul3A_1752, %get3A_1754 : vector<16xf32>
    tpu.vector_store_idx %arg18[%get3A_1745], %sub3A_1755 masked %lt3A_1743 : memref<912xf32, #tpu.memory_space<vmem>>[vector<16xi32>], vector<16xf32>, vector<16xi1>
    %mul3A_1756 = arith.constant 4 : i32
    %mul3A_1757 = vector.broadcast %mul3A_1756 : i32 to vector<16xi32>
    %mul3A_1758 = arith.muli %get3A_1745, %mul3A_1757 : vector<16xi32>
    %mul3A_1759 = arith.constant 4 : i32
    %mul3A_1760 = vector.broadcast %mul3A_1759 : i32 to vector<16xi32>
    %mul3A_1761 = arith.muli %get3A_1747, %mul3A_1760 : vector<16xi32>
    %add3A_1762 = arith.constant 0 : i32
    %add3A_1763 = vector.broadcast %add3A_1762 : i32 to vector<16xi32>
    %add3A_1764 = arith.addi %mul3A_1758, %add3A_1763 : vector<16xi32>
    %gather3A_1765 = tpu.vector_load_idx %arg16[%add3A_1764] : memref<3600xf32, #tpu.memory_space<vmem>>[vector<16xi32>], vector<16xf32>,
    %add3A_1766 = arith.constant 0 : i32
    %add3A_1767 = vector.broadcast %add3A_1766 : i32 to vector<16xi32>
    %add3A_1768 = arith.addi %mul3A_1761, %add3A_1767 : vector<16xi32>
    %gather3A_1769 = tpu.vector_load_idx %arg17[%add3A_1768] : memref<400xf32, #tpu.memory_space<vmem>>[vector<16xi32>], vector<16xf32>,
    %sub3A_1770 = arith.subf %gather3A_1765, %gather3A_1769 : vector<16xf32>
    %abs3A_1771 = math.absf %sub3A_1770 : vector<16xf32>
    %jit3A_1772 = arith.constant 0.000000e+00 : f32
    %broadcast_in_dim3A_1773 = vector.broadcast %jit3A_1772 : f32 to vector<16xf32>
    %select_n3A_1774 = arith.select %lt3A_1743, %abs3A_1771, %broadcast_in_dim3A_1773 : vector<16xi1>, vector<16xf32>
    %add3A_1775 = arith.addf %add3A_1736, %select_n3A_1774 : vector<16xf32>
    %add3A_1776 = arith.constant 1 : i32
    %add3A_1777 = vector.broadcast %add3A_1776 : i32 to vector<16xi32>
    %add3A_1778 = arith.addi %mul3A_1758, %add3A_1777 : vector<16xi32>
    %gather3A_1779 = tpu.vector_load_idx %arg16[%add3A_1778] : memref<3600xf32, #tpu.memory_space<vmem>>[vector<16xi32>], vector<16xf32>,
    %add3A_1780 = arith.constant 1 : i32
    %add3A_1781 = vector.broadcast %add3A_1780 : i32 to vector<16xi32>
    %add3A_1782 = arith.addi %mul3A_1761, %add3A_1781 : vector<16xi32>
    %gather3A_1783 = tpu.vector_load_idx %arg17[%add3A_1782] : memref<400xf32, #tpu.memory_space<vmem>>[vector<16xi32>], vector<16xf32>,
    %sub3A_1784 = arith.subf %gather3A_1779, %gather3A_1783 : vector<16xf32>
    %abs3A_1785 = math.absf %sub3A_1784 : vector<16xf32>
    %jit3A_1786 = arith.constant 0.000000e+00 : f32
    %broadcast_in_dim3A_1787 = vector.broadcast %jit3A_1786 : f32 to vector<16xf32>
    %select_n3A_1788 = arith.select %lt3A_1743, %abs3A_1785, %broadcast_in_dim3A_1787 : vector<16xi1>, vector<16xf32>
    %add3A_1789 = arith.addf %add3A_1775, %select_n3A_1788 : vector<16xf32>
    %add3A_1790 = arith.constant 2 : i32
    %add3A_1791 = vector.broadcast %add3A_1790 : i32 to vector<16xi32>
    %add3A_1792 = arith.addi %mul3A_1758, %add3A_1791 : vector<16xi32>
    %gather3A_1793 = tpu.vector_load_idx %arg16[%add3A_1792] : memref<3600xf32, #tpu.memory_space<vmem>>[vector<16xi32>], vector<16xf32>,
    %add3A_1794 = arith.constant 2 : i32
    %add3A_1795 = vector.broadcast %add3A_1794 : i32 to vector<16xi32>
    %add3A_1796 = arith.addi %mul3A_1761, %add3A_1795 : vector<16xi32>
    %gather3A_1797 = tpu.vector_load_idx %arg17[%add3A_1796] : memref<400xf32, #tpu.memory_space<vmem>>[vector<16xi32>], vector<16xf32>,
    %sub3A_1798 = arith.subf %gather3A_1793, %gather3A_1797 : vector<16xf32>
    %abs3A_1799 = math.absf %sub3A_1798 : vector<16xf32>
    %jit3A_1800 = arith.constant 0.000000e+00 : f32
    %broadcast_in_dim3A_1801 = vector.broadcast %jit3A_1800 : f32 to vector<16xf32>
    %select_n3A_1802 = arith.select %lt3A_1743, %abs3A_1799, %broadcast_in_dim3A_1801 : vector<16xi1>, vector<16xf32>
    %add3A_1803 = arith.addf %add3A_1789, %select_n3A_1802 : vector<16xf32>
    %add3A_1804 = arith.constant 3 : i32
    %add3A_1805 = vector.broadcast %add3A_1804 : i32 to vector<16xi32>
    %add3A_1806 = arith.addi %mul3A_1758, %add3A_1805 : vector<16xi32>
    %gather3A_1807 = tpu.vector_load_idx %arg16[%add3A_1806] : memref<3600xf32, #tpu.memory_space<vmem>>[vector<16xi32>], vector<16xf32>,
    %add3A_1808 = arith.constant 3 : i32
    %add3A_1809 = vector.broadcast %add3A_1808 : i32 to vector<16xi32>
    %add3A_1810 = arith.addi %mul3A_1761, %add3A_1809 : vector<16xi32>
    %gather3A_1811 = tpu.vector_load_idx %arg17[%add3A_1810] : memref<400xf32, #tpu.memory_space<vmem>>[vector<16xi32>], vector<16xf32>,
    %sub3A_1812 = arith.subf %gather3A_1807, %gather3A_1811 : vector<16xf32>
    %abs3A_1813 = math.absf %sub3A_1812 : vector<16xf32>
    %jit3A_1814 = arith.constant 0.000000e+00 : f32
    %broadcast_in_dim3A_1815 = vector.broadcast %jit3A_1814 : f32 to vector<16xf32>
    %select_n3A_1816 = arith.select %lt3A_1743, %abs3A_1813, %broadcast_in_dim3A_1815 : vector<16xi1>, vector<16xf32>
    %add3A_1817 = arith.addf %add3A_1803, %select_n3A_1816 : vector<16xf32>
    %get3A_1818 = arith.constant 0 : index
    %get3A_1819 = tpu.vector_load %arg18[%get3A_1818] {strides = array<i32>} : memref<912xf32, #tpu.memory_space<vmem>>, vector<16xf32>,
    %add3A_1820 = arith.addf %broadcast_in_dim3A_1, %get3A_1819 : vector<16xf32>
    %get3A_1821 = arith.constant 16 : index
    %get3A_1822 = tpu.vector_load %arg18[%get3A_1821] {strides = array<i32>} : memref<912xf32, #tpu.memory_space<vmem>>, vector<16xf32>,
    %add3A_1823 = arith.addf %add3A_1820, %get3A_1822 : vector<16xf32>
    %get3A_1824 = arith.constant 32 : index
    %get3A_1825 = tpu.vector_load %arg18[%get3A_1824] {strides = array<i32>} : memref<912xf32, #tpu.memory_space<vmem>>, vector<16xf32>,
    %add3A_1826 = arith.addf %add3A_1823, %get3A_1825 : vector<16xf32>
    %get3A_1827 = arith.constant 48 : index
    %get3A_1828 = tpu.vector_load %arg18[%get3A_1827] {strides = array<i32>} : memref<912xf32, #tpu.memory_space<vmem>>, vector<16xf32>,
    %add3A_1829 = arith.addf %add3A_1826, %get3A_1828 : vector<16xf32>
    %get3A_1830 = arith.constant 64 : index
    %get3A_1831 = tpu.vector_load %arg18[%get3A_1830] {strides = array<i32>} : memref<912xf32, #tpu.memory_space<vmem>>, vector<16xf32>,
    %add3A_1832 = arith.addf %add3A_1829, %get3A_1831 : vector<16xf32>
    %get3A_1833 = arith.constant 80 : index
    %get3A_1834 = tpu.vector_load %arg18[%get3A_1833] {strides = array<i32>} : memref<912xf32, #tpu.memory_space<vmem>>, vector<16xf32>,
    %add3A_1835 = arith.addf %add3A_1832, %get3A_1834 : vector<16xf32>
    %get3A_1836 = arith.constant 96 : index
    %get3A_1837 = tpu.vector_load %arg18[%get3A_1836] {strides = array<i32>} : memref<912xf32, #tpu.memory_space<vmem>>, vector<16xf32>,
    %add3A_1838 = arith.addf %add3A_1835, %get3A_1837 : vector<16xf32>
    %get3A_1839 = arith.constant 112 : index
    %get3A_1840 = tpu.vector_load %arg18[%get3A_1839] {strides = array<i32>} : memref<912xf32, #tpu.memory_space<vmem>>, vector<16xf32>,
    %add3A_1841 = arith.addf %add3A_1838, %get3A_1840 : vector<16xf32>
    %get3A_1842 = arith.constant 128 : index
    %get3A_1843 = tpu.vector_load %arg18[%get3A_1842] {strides = array<i32>} : memref<912xf32, #tpu.memory_space<vmem>>, vector<16xf32>,
    %add3A_1844 = arith.addf %add3A_1841, %get3A_1843 : vector<16xf32>
    %get3A_1845 = arith.constant 144 : index
    %get3A_1846 = tpu.vector_load %arg18[%get3A_1845] {strides = array<i32>} : memref<912xf32, #tpu.memory_space<vmem>>, vector<16xf32>,
    %add3A_1847 = arith.addf %add3A_1844, %get3A_1846 : vector<16xf32>
    %get3A_1848 = arith.constant 160 : index
    %get3A_1849 = tpu.vector_load %arg18[%get3A_1848] {strides = array<i32>} : memref<912xf32, #tpu.memory_space<vmem>>, vector<16xf32>,
    %add3A_1850 = arith.addf %add3A_1847, %get3A_1849 : vector<16xf32>
    %get3A_1851 = arith.constant 176 : index
    %get3A_1852 = tpu.vector_load %arg18[%get3A_1851] {strides = array<i32>} : memref<912xf32, #tpu.memory_space<vmem>>, vector<16xf32>,
    %add3A_1853 = arith.addf %add3A_1850, %get3A_1852 : vector<16xf32>
    %get3A_1854 = arith.constant 192 : index
    %get3A_1855 = tpu.vector_load %arg18[%get3A_1854] {strides = array<i32>} : memref<912xf32, #tpu.memory_space<vmem>>, vector<16xf32>,
    %add3A_1856 = arith.addf %add3A_1853, %get3A_1855 : vector<16xf32>
    %get3A_1857 = arith.constant 208 : index
    %get3A_1858 = tpu.vector_load %arg18[%get3A_1857] {strides = array<i32>} : memref<912xf32, #tpu.memory_space<vmem>>, vector<16xf32>,
    %add3A_1859 = arith.addf %add3A_1856, %get3A_1858 : vector<16xf32>
    %get3A_1860 = arith.constant 224 : index
    %get3A_1861 = tpu.vector_load %arg18[%get3A_1860] {strides = array<i32>} : memref<912xf32, #tpu.memory_space<vmem>>, vector<16xf32>,
    %add3A_1862 = arith.addf %add3A_1859, %get3A_1861 : vector<16xf32>
    %get3A_1863 = arith.constant 240 : index
    %get3A_1864 = tpu.vector_load %arg18[%get3A_1863] {strides = array<i32>} : memref<912xf32, #tpu.memory_space<vmem>>, vector<16xf32>,
    %add3A_1865 = arith.addf %add3A_1862, %get3A_1864 : vector<16xf32>
    %get3A_1866 = arith.constant 256 : index
    %get3A_1867 = tpu.vector_load %arg18[%get3A_1866] {strides = array<i32>} : memref<912xf32, #tpu.memory_space<vmem>>, vector<16xf32>,
    %add3A_1868 = arith.addf %add3A_1865, %get3A_1867 : vector<16xf32>
    %get3A_1869 = arith.constant 272 : index
    %get3A_1870 = tpu.vector_load %arg18[%get3A_1869] {strides = array<i32>} : memref<912xf32, #tpu.memory_space<vmem>>, vector<16xf32>,
    %add3A_1871 = arith.addf %add3A_1868, %get3A_1870 : vector<16xf32>
    %get3A_1872 = arith.constant 288 : index
    %get3A_1873 = tpu.vector_load %arg18[%get3A_1872] {strides = array<i32>} : memref<912xf32, #tpu.memory_space<vmem>>, vector<16xf32>,
    %add3A_1874 = arith.addf %add3A_1871, %get3A_1873 : vector<16xf32>
    %get3A_1875 = arith.constant 304 : index
    %get3A_1876 = tpu.vector_load %arg18[%get3A_1875] {strides = array<i32>} : memref<912xf32, #tpu.memory_space<vmem>>, vector<16xf32>,
    %add3A_1877 = arith.addf %add3A_1874, %get3A_1876 : vector<16xf32>
    %get3A_1878 = arith.constant 320 : index
    %get3A_1879 = tpu.vector_load %arg18[%get3A_1878] {strides = array<i32>} : memref<912xf32, #tpu.memory_space<vmem>>, vector<16xf32>,
    %add3A_1880 = arith.addf %add3A_1877, %get3A_1879 : vector<16xf32>
    %get3A_1881 = arith.constant 336 : index
    %get3A_1882 = tpu.vector_load %arg18[%get3A_1881] {strides = array<i32>} : memref<912xf32, #tpu.memory_space<vmem>>, vector<16xf32>,
    %add3A_1883 = arith.addf %add3A_1880, %get3A_1882 : vector<16xf32>
    %get3A_1884 = arith.constant 352 : index
    %get3A_1885 = tpu.vector_load %arg18[%get3A_1884] {strides = array<i32>} : memref<912xf32, #tpu.memory_space<vmem>>, vector<16xf32>,
    %add3A_1886 = arith.addf %add3A_1883, %get3A_1885 : vector<16xf32>
    %get3A_1887 = arith.constant 368 : index
    %get3A_1888 = tpu.vector_load %arg18[%get3A_1887] {strides = array<i32>} : memref<912xf32, #tpu.memory_space<vmem>>, vector<16xf32>,
    %add3A_1889 = arith.addf %add3A_1886, %get3A_1888 : vector<16xf32>
    %get3A_1890 = arith.constant 384 : index
    %get3A_1891 = tpu.vector_load %arg18[%get3A_1890] {strides = array<i32>} : memref<912xf32, #tpu.memory_space<vmem>>, vector<16xf32>,
    %add3A_1892 = arith.addf %add3A_1889, %get3A_1891 : vector<16xf32>
    %get3A_1893 = arith.constant 400 : index
    %get3A_1894 = tpu.vector_load %arg18[%get3A_1893] {strides = array<i32>} : memref<912xf32, #tpu.memory_space<vmem>>, vector<16xf32>,
    %add3A_1895 = arith.addf %add3A_1892, %get3A_1894 : vector<16xf32>
    %get3A_1896 = arith.constant 416 : index
    %get3A_1897 = tpu.vector_load %arg18[%get3A_1896] {strides = array<i32>} : memref<912xf32, #tpu.memory_space<vmem>>, vector<16xf32>,
    %add3A_1898 = arith.addf %add3A_1895, %get3A_1897 : vector<16xf32>
    %get3A_1899 = arith.constant 432 : index
    %get3A_1900 = tpu.vector_load %arg18[%get3A_1899] {strides = array<i32>} : memref<912xf32, #tpu.memory_space<vmem>>, vector<16xf32>,
    %add3A_1901 = arith.addf %add3A_1898, %get3A_1900 : vector<16xf32>
    %get3A_1902 = arith.constant 448 : index
    %get3A_1903 = tpu.vector_load %arg18[%get3A_1902] {strides = array<i32>} : memref<912xf32, #tpu.memory_space<vmem>>, vector<16xf32>,
    %add3A_1904 = arith.addf %add3A_1901, %get3A_1903 : vector<16xf32>
    %get3A_1905 = arith.constant 464 : index
    %get3A_1906 = tpu.vector_load %arg18[%get3A_1905] {strides = array<i32>} : memref<912xf32, #tpu.memory_space<vmem>>, vector<16xf32>,
    %add3A_1907 = arith.addf %add3A_1904, %get3A_1906 : vector<16xf32>
    %get3A_1908 = arith.constant 480 : index
    %get3A_1909 = tpu.vector_load %arg18[%get3A_1908] {strides = array<i32>} : memref<912xf32, #tpu.memory_space<vmem>>, vector<16xf32>,
    %add3A_1910 = arith.addf %add3A_1907, %get3A_1909 : vector<16xf32>
    %get3A_1911 = arith.constant 496 : index
    %get3A_1912 = tpu.vector_load %arg18[%get3A_1911] {strides = array<i32>} : memref<912xf32, #tpu.memory_space<vmem>>, vector<16xf32>,
    %add3A_1913 = arith.addf %add3A_1910, %get3A_1912 : vector<16xf32>
    %get3A_1914 = arith.constant 512 : index
    %get3A_1915 = tpu.vector_load %arg18[%get3A_1914] {strides = array<i32>} : memref<912xf32, #tpu.memory_space<vmem>>, vector<16xf32>,
    %add3A_1916 = arith.addf %add3A_1913, %get3A_1915 : vector<16xf32>
    %get3A_1917 = arith.constant 528 : index
    %get3A_1918 = tpu.vector_load %arg18[%get3A_1917] {strides = array<i32>} : memref<912xf32, #tpu.memory_space<vmem>>, vector<16xf32>,
    %add3A_1919 = arith.addf %add3A_1916, %get3A_1918 : vector<16xf32>
    %get3A_1920 = arith.constant 544 : index
    %get3A_1921 = tpu.vector_load %arg18[%get3A_1920] {strides = array<i32>} : memref<912xf32, #tpu.memory_space<vmem>>, vector<16xf32>,
    %add3A_1922 = arith.addf %add3A_1919, %get3A_1921 : vector<16xf32>
    %get3A_1923 = arith.constant 560 : index
    %get3A_1924 = tpu.vector_load %arg18[%get3A_1923] {strides = array<i32>} : memref<912xf32, #tpu.memory_space<vmem>>, vector<16xf32>,
    %add3A_1925 = arith.addf %add3A_1922, %get3A_1924 : vector<16xf32>
    %get3A_1926 = arith.constant 576 : index
    %get3A_1927 = tpu.vector_load %arg18[%get3A_1926] {strides = array<i32>} : memref<912xf32, #tpu.memory_space<vmem>>, vector<16xf32>,
    %add3A_1928 = arith.addf %add3A_1925, %get3A_1927 : vector<16xf32>
    %get3A_1929 = arith.constant 592 : index
    %get3A_1930 = tpu.vector_load %arg18[%get3A_1929] {strides = array<i32>} : memref<912xf32, #tpu.memory_space<vmem>>, vector<16xf32>,
    %add3A_1931 = arith.addf %add3A_1928, %get3A_1930 : vector<16xf32>
    %get3A_1932 = arith.constant 608 : index
    %get3A_1933 = tpu.vector_load %arg18[%get3A_1932] {strides = array<i32>} : memref<912xf32, #tpu.memory_space<vmem>>, vector<16xf32>,
    %add3A_1934 = arith.addf %add3A_1931, %get3A_1933 : vector<16xf32>
    %get3A_1935 = arith.constant 624 : index
    %get3A_1936 = tpu.vector_load %arg18[%get3A_1935] {strides = array<i32>} : memref<912xf32, #tpu.memory_space<vmem>>, vector<16xf32>,
    %add3A_1937 = arith.addf %add3A_1934, %get3A_1936 : vector<16xf32>
    %get3A_1938 = arith.constant 640 : index
    %get3A_1939 = tpu.vector_load %arg18[%get3A_1938] {strides = array<i32>} : memref<912xf32, #tpu.memory_space<vmem>>, vector<16xf32>,
    %add3A_1940 = arith.addf %add3A_1937, %get3A_1939 : vector<16xf32>
    %get3A_1941 = arith.constant 656 : index
    %get3A_1942 = tpu.vector_load %arg18[%get3A_1941] {strides = array<i32>} : memref<912xf32, #tpu.memory_space<vmem>>, vector<16xf32>,
    %add3A_1943 = arith.addf %add3A_1940, %get3A_1942 : vector<16xf32>
    %get3A_1944 = arith.constant 672 : index
    %get3A_1945 = tpu.vector_load %arg18[%get3A_1944] {strides = array<i32>} : memref<912xf32, #tpu.memory_space<vmem>>, vector<16xf32>,
    %add3A_1946 = arith.addf %add3A_1943, %get3A_1945 : vector<16xf32>
    %get3A_1947 = arith.constant 688 : index
    %get3A_1948 = tpu.vector_load %arg18[%get3A_1947] {strides = array<i32>} : memref<912xf32, #tpu.memory_space<vmem>>, vector<16xf32>,
    %add3A_1949 = arith.addf %add3A_1946, %get3A_1948 : vector<16xf32>
    %get3A_1950 = arith.constant 704 : index
    %get3A_1951 = tpu.vector_load %arg18[%get3A_1950] {strides = array<i32>} : memref<912xf32, #tpu.memory_space<vmem>>, vector<16xf32>,
    %add3A_1952 = arith.addf %add3A_1949, %get3A_1951 : vector<16xf32>
    %get3A_1953 = arith.constant 720 : index
    %get3A_1954 = tpu.vector_load %arg18[%get3A_1953] {strides = array<i32>} : memref<912xf32, #tpu.memory_space<vmem>>, vector<16xf32>,
    %add3A_1955 = arith.addf %add3A_1952, %get3A_1954 : vector<16xf32>
    %get3A_1956 = arith.constant 736 : index
    %get3A_1957 = tpu.vector_load %arg18[%get3A_1956] {strides = array<i32>} : memref<912xf32, #tpu.memory_space<vmem>>, vector<16xf32>,
    %add3A_1958 = arith.addf %add3A_1955, %get3A_1957 : vector<16xf32>
    %get3A_1959 = arith.constant 752 : index
    %get3A_1960 = tpu.vector_load %arg18[%get3A_1959] {strides = array<i32>} : memref<912xf32, #tpu.memory_space<vmem>>, vector<16xf32>,
    %add3A_1961 = arith.addf %add3A_1958, %get3A_1960 : vector<16xf32>
    %get3A_1962 = arith.constant 768 : index
    %get3A_1963 = tpu.vector_load %arg18[%get3A_1962] {strides = array<i32>} : memref<912xf32, #tpu.memory_space<vmem>>, vector<16xf32>,
    %add3A_1964 = arith.addf %add3A_1961, %get3A_1963 : vector<16xf32>
    %get3A_1965 = arith.constant 784 : index
    %get3A_1966 = tpu.vector_load %arg18[%get3A_1965] {strides = array<i32>} : memref<912xf32, #tpu.memory_space<vmem>>, vector<16xf32>,
    %add3A_1967 = arith.addf %add3A_1964, %get3A_1966 : vector<16xf32>
    %get3A_1968 = arith.constant 800 : index
    %get3A_1969 = tpu.vector_load %arg18[%get3A_1968] {strides = array<i32>} : memref<912xf32, #tpu.memory_space<vmem>>, vector<16xf32>,
    %add3A_1970 = arith.addf %add3A_1967, %get3A_1969 : vector<16xf32>
    %get3A_1971 = arith.constant 816 : index
    %get3A_1972 = tpu.vector_load %arg18[%get3A_1971] {strides = array<i32>} : memref<912xf32, #tpu.memory_space<vmem>>, vector<16xf32>,
    %add3A_1973 = arith.addf %add3A_1970, %get3A_1972 : vector<16xf32>
    %get3A_1974 = arith.constant 832 : index
    %get3A_1975 = tpu.vector_load %arg18[%get3A_1974] {strides = array<i32>} : memref<912xf32, #tpu.memory_space<vmem>>, vector<16xf32>,
    %add3A_1976 = arith.addf %add3A_1973, %get3A_1975 : vector<16xf32>
    %get3A_1977 = arith.constant 848 : index
    %get3A_1978 = tpu.vector_load %arg18[%get3A_1977] {strides = array<i32>} : memref<912xf32, #tpu.memory_space<vmem>>, vector<16xf32>,
    %add3A_1979 = arith.addf %add3A_1976, %get3A_1978 : vector<16xf32>
    %get3A_1980 = arith.constant 864 : index
    %get3A_1981 = tpu.vector_load %arg18[%get3A_1980] {strides = array<i32>} : memref<912xf32, #tpu.memory_space<vmem>>, vector<16xf32>,
    %add3A_1982 = arith.addf %add3A_1979, %get3A_1981 : vector<16xf32>
    %get3A_1983 = arith.constant 880 : index
    %get3A_1984 = tpu.vector_load %arg18[%get3A_1983] {strides = array<i32>} : memref<912xf32, #tpu.memory_space<vmem>>, vector<16xf32>,
    %add3A_1985 = arith.addf %add3A_1982, %get3A_1984 : vector<16xf32>
    %get3A_1986 = arith.constant 896 : index
    %get3A_1987 = tpu.vector_load %arg18[%get3A_1986] {strides = array<i32>} : memref<912xf32, #tpu.memory_space<vmem>>, vector<16xf32>,
    %add3A_1988 = arith.addf %add3A_1985, %get3A_1987 : vector<16xf32>
    %add3A_1989 = arith.addf %add3A_989, %add3A_1988 : vector<16xf32>
    %swap3A_1990 = arith.constant 0 : index
    %swap3A_1991 = tpu.vector_load %arg19[%swap3A_1990] {strides = array<i32>} : memref<16xf32, #tpu.memory_space<vmem>>, vector<16xf32>,
    tpu.vector_store %arg19[%swap3A_1990], %add3A_1989 {strides = array<i32>} : memref<16xf32, #tpu.memory_space<vmem>>, vector<16xf32>,
    %swap3A_1992 = arith.constant 0 : index
    %swap3A_1993 = tpu.vector_load %arg20[%swap3A_1992] {strides = array<i32>} : memref<16xf32, #tpu.memory_space<vmem>>, vector<16xf32>,
    tpu.vector_store %arg20[%swap3A_1992], %add3A_1817 {strides = array<i32>} : memref<16xf32, #tpu.memory_space<vmem>>, vector<16xf32>,
    %run_scoped3A = arith.constant 0 : i32
    "tpu.region"() ({
      %run_scoped3A_1995 = tpu.sem_alloc : memref<!tpu.dma_semaphore, #tpu.memory_space<semaphore_mem>>
      %dma_start3A_1996 = arith.constant 0 : i32
      %dma_start3A_1997 = tpu.memref_slice %arg8[%run_scoped3A, %add3A, %dma_start3A_1996] : memref<2x32x16xf32, #tpu.memory_space<hbm>> -> memref<1x1x16xf32, #tpu.memory_space<hbm>>
      %dma_start3A_1998 = tpu.memref_squeeze %dma_start3A_1997 : memref<1x1x16xf32, #tpu.memory_space<hbm>> -> memref<16xf32, #tpu.memory_space<hbm>>
      %dma_start3A_1999 = arith.constant 0 : i32
      %dma_start3A_2000 = tpu.memref_slice %arg8[%run_scoped3A, %add3A, %dma_start3A_1999] : memref<2x32x16xf32, #tpu.memory_space<hbm>> -> memref<1x1x16xf32, #tpu.memory_space<hbm>>
      %dma_start3A_2001 = tpu.memref_squeeze %dma_start3A_2000 : memref<1x1x16xf32, #tpu.memory_space<hbm>> -> memref<16xf32, #tpu.memory_space<hbm>>
      tpu.enqueue_dma source(%arg19 : memref<16xf32, #tpu.memory_space<vmem>>) target(%dma_start3A_2001 : memref<16xf32, #tpu.memory_space<hbm>>) target_semaphore(%run_scoped3A_1995 : memref<!tpu.dma_semaphore, #tpu.memory_space<semaphore_mem>>)
      %dma_wait3A_2002 = arith.constant 0 : i32
      %dma_wait3A_2003 = tpu.memref_slice %arg8[%run_scoped3A, %add3A, %dma_wait3A_2002] : memref<2x32x16xf32, #tpu.memory_space<hbm>> -> memref<1x1x16xf32, #tpu.memory_space<hbm>>
      %dma_wait3A_2004 = tpu.memref_squeeze %dma_wait3A_2003 : memref<1x1x16xf32, #tpu.memory_space<hbm>> -> memref<16xf32, #tpu.memory_space<hbm>>
      %dma_wait3A_2005 = arith.constant 0 : i32
      %dma_wait3A_2006 = tpu.memref_slice %arg8[%run_scoped3A, %add3A, %dma_wait3A_2005] : memref<2x32x16xf32, #tpu.memory_space<hbm>> -> memref<1x1x16xf32, #tpu.memory_space<hbm>>
      %dma_wait3A_2007 = tpu.memref_squeeze %dma_wait3A_2006 : memref<1x1x16xf32, #tpu.memory_space<hbm>> -> memref<16xf32, #tpu.memory_space<hbm>>
      tpu.wait_dma2 semaphore(%run_scoped3A_1995 : memref<!tpu.dma_semaphore, #tpu.memory_space<semaphore_mem>>) src(%arg19 : memref<16xf32, #tpu.memory_space<vmem>>) dst(%dma_wait3A_2007 : memref<16xf32, #tpu.memory_space<hbm>>)
      tpu.yield
    }) : () -> ()
    %run_scoped3A_1994 = arith.constant 1 : i32
    "tpu.region"() ({
      %run_scoped3A_1995 = tpu.sem_alloc : memref<!tpu.dma_semaphore, #tpu.memory_space<semaphore_mem>>
      %dma_start3A_1996 = arith.constant 0 : i32
      %dma_start3A_1997 = tpu.memref_slice %arg8[%run_scoped3A_1994, %add3A, %dma_start3A_1996] : memref<2x32x16xf32, #tpu.memory_space<hbm>> -> memref<1x1x16xf32, #tpu.memory_space<hbm>>
      %dma_start3A_1998 = tpu.memref_squeeze %dma_start3A_1997 : memref<1x1x16xf32, #tpu.memory_space<hbm>> -> memref<16xf32, #tpu.memory_space<hbm>>
      %dma_start3A_1999 = arith.constant 0 : i32
      %dma_start3A_2000 = tpu.memref_slice %arg8[%run_scoped3A_1994, %add3A, %dma_start3A_1999] : memref<2x32x16xf32, #tpu.memory_space<hbm>> -> memref<1x1x16xf32, #tpu.memory_space<hbm>>
      %dma_start3A_2001 = tpu.memref_squeeze %dma_start3A_2000 : memref<1x1x16xf32, #tpu.memory_space<hbm>> -> memref<16xf32, #tpu.memory_space<hbm>>
      tpu.enqueue_dma source(%arg20 : memref<16xf32, #tpu.memory_space<vmem>>) target(%dma_start3A_2001 : memref<16xf32, #tpu.memory_space<hbm>>) target_semaphore(%run_scoped3A_1995 : memref<!tpu.dma_semaphore, #tpu.memory_space<semaphore_mem>>)
      %dma_wait3A_2002 = arith.constant 0 : i32
      %dma_wait3A_2003 = tpu.memref_slice %arg8[%run_scoped3A_1994, %add3A, %dma_wait3A_2002] : memref<2x32x16xf32, #tpu.memory_space<hbm>> -> memref<1x1x16xf32, #tpu.memory_space<hbm>>
      %dma_wait3A_2004 = tpu.memref_squeeze %dma_wait3A_2003 : memref<1x1x16xf32, #tpu.memory_space<hbm>> -> memref<16xf32, #tpu.memory_space<hbm>>
      %dma_wait3A_2005 = arith.constant 0 : i32
      %dma_wait3A_2006 = tpu.memref_slice %arg8[%run_scoped3A_1994, %add3A, %dma_wait3A_2005] : memref<2x32x16xf32, #tpu.memory_space<hbm>> -> memref<1x1x16xf32, #tpu.memory_space<hbm>>
      %dma_wait3A_2007 = tpu.memref_squeeze %dma_wait3A_2006 : memref<1x1x16xf32, #tpu.memory_space<hbm>> -> memref<16xf32, #tpu.memory_space<hbm>>
      tpu.wait_dma2 semaphore(%run_scoped3A_1995 : memref<!tpu.dma_semaphore, #tpu.memory_space<semaphore_mem>>) src(%arg20 : memref<16xf32, #tpu.memory_space<vmem>>) dst(%dma_wait3A_2007 : memref<16xf32, #tpu.memory_space<hbm>>)
      tpu.yield
    }) : () -> ()
    return
  }
}

module attributes {stable_mosaic.version = 14 : i64} {
  func.func @_tc_body(%arg0: i32, %arg1: memref<8x900x92xf32, #tpu.memory_space<vmem>>, %arg2: memref<8x1x100xi32, #tpu.memory_space<vmem>>, %arg3: memref<1x8xf32, #tpu.memory_space<vmem>>, %arg4: memref<900x1xf32, #tpu.memory_space<vmem>>, %arg5: memref<900x1xf32, #tpu.memory_space<vmem>>, %arg6: memref<900x1xf32, #tpu.memory_space<vmem>>) attributes {dimension_semantics = [#tpu.dimension_semantics<arbitrary>], iteration_bounds = array<i64: 8>, scalar_prefetch = 0 : i64, scratch_operands = 3 : i64, tpu.core_type = #tpu.core_type<tc>, window_params = [{transform_indices = @transform_0, window_bounds = array<i64: 8, 900, 92>}, {transform_indices = @transform_1, window_bounds = array<i64: 8, 1, 100>}, {pipeline_mode = #tpu.pipeline_mode<synchronous>, transform_indices = @transform_2, window_bounds = array<i64: 1, 8>}]} {
    %get3A = arith.constant 0 : index
    %get3A_0 = arith.constant 0 : index
    %get3A_1 = arith.constant 0 : index
    %get3A_2 = vector.load %arg1[%get3A, %get3A_0, %get3A_1] : memref<8x900x92xf32, #tpu.memory_space<vmem>>, vector<1x900x92xf32>
    %get3A_3 = vector.shape_cast %get3A_2 : vector<1x900x92xf32> to vector<900x92xf32>
    %get3A_4 = arith.constant 0 : index
    %get3A_5 = arith.constant 0 : index
    %get3A_6 = arith.constant 0 : index
    %get3A_7 = vector.load %arg2[%get3A_4, %get3A_5, %get3A_6] : memref<8x1x100xi32, #tpu.memory_space<vmem>>, vector<1x1x100xi32>
    %get3A_8 = vector.shape_cast %get3A_7 : vector<1x1x100xi32> to vector<1x100xi32>
    %reduce_max3A = arith.constant dense<0xFF800000> : vector<900xf32>
    %reduce_max3A_9 = vector.multi_reduction <maximumf>, %get3A_3, %reduce_max3A [1] : vector<900x92xf32> to vector<900xf32>
    %broadcast_in_dim3A = vector.shape_cast %reduce_max3A_9 : vector<900xf32> to vector<900x1xf32>
    %sub3A = vector.broadcast %broadcast_in_dim3A : vector<900x1xf32> to vector<900x92xf32>
    %sub3A_10 = arith.subf %get3A_3, %sub3A : vector<900x92xf32>
    %exp3A = math.exp %sub3A_10 : vector<900x92xf32>
    %reduce_sum3A = arith.constant dense<0.000000e+00> : vector<900xf32>
    %reduce_sum3A_11 = vector.multi_reduction <add>, %exp3A, %reduce_sum3A [1] : vector<900x92xf32> to vector<900xf32>
    %broadcast_in_dim3A_12 = vector.shape_cast %reduce_sum3A_11 : vector<900xf32> to vector<900x1xf32>
    %log3A = math.log %broadcast_in_dim3A_12 : vector<900x1xf32>
    %add3A = arith.addf %broadcast_in_dim3A, %log3A : vector<900x1xf32>
    %slice3A = vector.extract_strided_slice %get3A_3 {offsets = [0, 91], sizes = [900, 1], strides = [1, 1]} : vector<900x92xf32> to vector<900x1xf32>
    %sub3A_13 = arith.subf %add3A, %slice3A : vector<900x1xf32>
    %iota3A = tpu.iota {dimensions = array<i32: 0>} : vector<900x100xi32>
    %broadcast_in_dim3A_14 = vector.shape_cast %get3A_8 : vector<1x100xi32> to vector<1x100xi32>
    %broadcast_in_dim3A_15 = vector.broadcast %broadcast_in_dim3A_14 : vector<1x100xi32> to vector<900x100xi32>
    %eq3A = arith.cmpi eq, %iota3A, %broadcast_in_dim3A_15 : vector<900x100xi32>
    %convert_element_type3A = arith.extui %eq3A : vector<900x100xi1> to vector<900x100xi32>
    %convert_element_type3A_16 = arith.sitofp %convert_element_type3A : vector<900x100xi32> to vector<900x100xf32>
    %broadcast_in_dim3A_17 = arith.constant 1.000000e+00 : f32
    %broadcast_in_dim3A_18 = vector.broadcast %broadcast_in_dim3A_17 : f32 to vector<100x1xf32>
    %dot_general3A = arith.constant dense<0.000000e+00> : vector<900x1xf32>
    %dot_general3A_19 = tpu.matmul %convert_element_type3A_16, %broadcast_in_dim3A_18, %dot_general3A {dimension_numbers = #tpu.dot_dimension_numbers<[1], [0], [0], [1], [0, 0, 1, 1], [], []>, transpose_lhs_hint = false} : vector<900x100xf32>, vector<100x1xf32>, vector<900x1xf32> -> vector<900x1xf32>
    %min3A = arith.constant 1.000000e+00 : f32
    %min3A_20 = vector.broadcast %min3A : f32 to vector<900x1xf32>
    %min3A_21 = arith.minimumf %dot_general3A_19, %min3A_20 : vector<900x1xf32>
    %mul3A = arith.mulf %min3A_21, %add3A : vector<900x1xf32>
    %get3A_22 = arith.constant 1 : index
    %get3A_23 = arith.constant 0 : index
    %get3A_24 = arith.constant 0 : index
    %get3A_25 = vector.load %arg1[%get3A_22, %get3A_23, %get3A_24] : memref<8x900x92xf32, #tpu.memory_space<vmem>>, vector<1x900x92xf32>
    %get3A_26 = vector.shape_cast %get3A_25 : vector<1x900x92xf32> to vector<900x92xf32>
    %get3A_27 = arith.constant 1 : index
    %get3A_28 = arith.constant 0 : index
    %get3A_29 = arith.constant 0 : index
    %get3A_30 = vector.load %arg2[%get3A_27, %get3A_28, %get3A_29] : memref<8x1x100xi32, #tpu.memory_space<vmem>>, vector<1x1x100xi32>
    %get3A_31 = vector.shape_cast %get3A_30 : vector<1x1x100xi32> to vector<1x100xi32>
    %reduce_max3A_32 = arith.constant dense<0xFF800000> : vector<900xf32>
    %reduce_max3A_33 = vector.multi_reduction <maximumf>, %get3A_26, %reduce_max3A_32 [1] : vector<900x92xf32> to vector<900xf32>
    %broadcast_in_dim3A_34 = vector.shape_cast %reduce_max3A_33 : vector<900xf32> to vector<900x1xf32>
    %sub3A_35 = vector.broadcast %broadcast_in_dim3A_34 : vector<900x1xf32> to vector<900x92xf32>
    %sub3A_36 = arith.subf %get3A_26, %sub3A_35 : vector<900x92xf32>
    %exp3A_37 = math.exp %sub3A_36 : vector<900x92xf32>
    %reduce_sum3A_38 = arith.constant dense<0.000000e+00> : vector<900xf32>
    %reduce_sum3A_39 = vector.multi_reduction <add>, %exp3A_37, %reduce_sum3A_38 [1] : vector<900x92xf32> to vector<900xf32>
    %broadcast_in_dim3A_40 = vector.shape_cast %reduce_sum3A_39 : vector<900xf32> to vector<900x1xf32>
    %log3A_41 = math.log %broadcast_in_dim3A_40 : vector<900x1xf32>
    %add3A_42 = arith.addf %broadcast_in_dim3A_34, %log3A_41 : vector<900x1xf32>
    %slice3A_43 = vector.extract_strided_slice %get3A_26 {offsets = [0, 91], sizes = [900, 1], strides = [1, 1]} : vector<900x92xf32> to vector<900x1xf32>
    %sub3A_44 = arith.subf %add3A_42, %slice3A_43 : vector<900x1xf32>
    %iota3A_45 = tpu.iota {dimensions = array<i32: 0>} : vector<900x100xi32>
    %broadcast_in_dim3A_46 = vector.shape_cast %get3A_31 : vector<1x100xi32> to vector<1x100xi32>
    %broadcast_in_dim3A_47 = vector.broadcast %broadcast_in_dim3A_46 : vector<1x100xi32> to vector<900x100xi32>
    %eq3A_48 = arith.cmpi eq, %iota3A_45, %broadcast_in_dim3A_47 : vector<900x100xi32>
    %convert_element_type3A_49 = arith.extui %eq3A_48 : vector<900x100xi1> to vector<900x100xi32>
    %convert_element_type3A_50 = arith.sitofp %convert_element_type3A_49 : vector<900x100xi32> to vector<900x100xf32>
    %broadcast_in_dim3A_51 = arith.constant 1.000000e+00 : f32
    %broadcast_in_dim3A_52 = vector.broadcast %broadcast_in_dim3A_51 : f32 to vector<100x1xf32>
    %dot_general3A_53 = arith.constant dense<0.000000e+00> : vector<900x1xf32>
    %dot_general3A_54 = tpu.matmul %convert_element_type3A_50, %broadcast_in_dim3A_52, %dot_general3A_53 {dimension_numbers = #tpu.dot_dimension_numbers<[1], [0], [0], [1], [0, 0, 1, 1], [], []>, transpose_lhs_hint = false} : vector<900x100xf32>, vector<100x1xf32>, vector<900x1xf32> -> vector<900x1xf32>
    %min3A_55 = arith.constant 1.000000e+00 : f32
    %min3A_56 = vector.broadcast %min3A_55 : f32 to vector<900x1xf32>
    %min3A_57 = arith.minimumf %dot_general3A_54, %min3A_56 : vector<900x1xf32>
    %mul3A_58 = arith.mulf %min3A_57, %add3A_42 : vector<900x1xf32>
    %get3A_59 = arith.constant 2 : index
    %get3A_60 = arith.constant 0 : index
    %get3A_61 = arith.constant 0 : index
    %get3A_62 = vector.load %arg1[%get3A_59, %get3A_60, %get3A_61] : memref<8x900x92xf32, #tpu.memory_space<vmem>>, vector<1x900x92xf32>
    %get3A_63 = vector.shape_cast %get3A_62 : vector<1x900x92xf32> to vector<900x92xf32>
    %get3A_64 = arith.constant 2 : index
    %get3A_65 = arith.constant 0 : index
    %get3A_66 = arith.constant 0 : index
    %get3A_67 = vector.load %arg2[%get3A_64, %get3A_65, %get3A_66] : memref<8x1x100xi32, #tpu.memory_space<vmem>>, vector<1x1x100xi32>
    %get3A_68 = vector.shape_cast %get3A_67 : vector<1x1x100xi32> to vector<1x100xi32>
    %reduce_max3A_69 = arith.constant dense<0xFF800000> : vector<900xf32>
    %reduce_max3A_70 = vector.multi_reduction <maximumf>, %get3A_63, %reduce_max3A_69 [1] : vector<900x92xf32> to vector<900xf32>
    %broadcast_in_dim3A_71 = vector.shape_cast %reduce_max3A_70 : vector<900xf32> to vector<900x1xf32>
    %sub3A_72 = vector.broadcast %broadcast_in_dim3A_71 : vector<900x1xf32> to vector<900x92xf32>
    %sub3A_73 = arith.subf %get3A_63, %sub3A_72 : vector<900x92xf32>
    %exp3A_74 = math.exp %sub3A_73 : vector<900x92xf32>
    %reduce_sum3A_75 = arith.constant dense<0.000000e+00> : vector<900xf32>
    %reduce_sum3A_76 = vector.multi_reduction <add>, %exp3A_74, %reduce_sum3A_75 [1] : vector<900x92xf32> to vector<900xf32>
    %broadcast_in_dim3A_77 = vector.shape_cast %reduce_sum3A_76 : vector<900xf32> to vector<900x1xf32>
    %log3A_78 = math.log %broadcast_in_dim3A_77 : vector<900x1xf32>
    %add3A_79 = arith.addf %broadcast_in_dim3A_71, %log3A_78 : vector<900x1xf32>
    %slice3A_80 = vector.extract_strided_slice %get3A_63 {offsets = [0, 91], sizes = [900, 1], strides = [1, 1]} : vector<900x92xf32> to vector<900x1xf32>
    %sub3A_81 = arith.subf %add3A_79, %slice3A_80 : vector<900x1xf32>
    %iota3A_82 = tpu.iota {dimensions = array<i32: 0>} : vector<900x100xi32>
    %broadcast_in_dim3A_83 = vector.shape_cast %get3A_68 : vector<1x100xi32> to vector<1x100xi32>
    %broadcast_in_dim3A_84 = vector.broadcast %broadcast_in_dim3A_83 : vector<1x100xi32> to vector<900x100xi32>
    %eq3A_85 = arith.cmpi eq, %iota3A_82, %broadcast_in_dim3A_84 : vector<900x100xi32>
    %convert_element_type3A_86 = arith.extui %eq3A_85 : vector<900x100xi1> to vector<900x100xi32>
    %convert_element_type3A_87 = arith.sitofp %convert_element_type3A_86 : vector<900x100xi32> to vector<900x100xf32>
    %broadcast_in_dim3A_88 = arith.constant 1.000000e+00 : f32
    %broadcast_in_dim3A_89 = vector.broadcast %broadcast_in_dim3A_88 : f32 to vector<100x1xf32>
    %dot_general3A_90 = arith.constant dense<0.000000e+00> : vector<900x1xf32>
    %dot_general3A_91 = tpu.matmul %convert_element_type3A_87, %broadcast_in_dim3A_89, %dot_general3A_90 {dimension_numbers = #tpu.dot_dimension_numbers<[1], [0], [0], [1], [0, 0, 1, 1], [], []>, transpose_lhs_hint = false} : vector<900x100xf32>, vector<100x1xf32>, vector<900x1xf32> -> vector<900x1xf32>
    %min3A_92 = arith.constant 1.000000e+00 : f32
    %min3A_93 = vector.broadcast %min3A_92 : f32 to vector<900x1xf32>
    %min3A_94 = arith.minimumf %dot_general3A_91, %min3A_93 : vector<900x1xf32>
    %mul3A_95 = arith.mulf %min3A_94, %add3A_79 : vector<900x1xf32>
    %get3A_96 = arith.constant 3 : index
    %get3A_97 = arith.constant 0 : index
    %get3A_98 = arith.constant 0 : index
    %get3A_99 = vector.load %arg1[%get3A_96, %get3A_97, %get3A_98] : memref<8x900x92xf32, #tpu.memory_space<vmem>>, vector<1x900x92xf32>
    %get3A_100 = vector.shape_cast %get3A_99 : vector<1x900x92xf32> to vector<900x92xf32>
    %get3A_101 = arith.constant 3 : index
    %get3A_102 = arith.constant 0 : index
    %get3A_103 = arith.constant 0 : index
    %get3A_104 = vector.load %arg2[%get3A_101, %get3A_102, %get3A_103] : memref<8x1x100xi32, #tpu.memory_space<vmem>>, vector<1x1x100xi32>
    %get3A_105 = vector.shape_cast %get3A_104 : vector<1x1x100xi32> to vector<1x100xi32>
    %reduce_max3A_106 = arith.constant dense<0xFF800000> : vector<900xf32>
    %reduce_max3A_107 = vector.multi_reduction <maximumf>, %get3A_100, %reduce_max3A_106 [1] : vector<900x92xf32> to vector<900xf32>
    %broadcast_in_dim3A_108 = vector.shape_cast %reduce_max3A_107 : vector<900xf32> to vector<900x1xf32>
    %sub3A_109 = vector.broadcast %broadcast_in_dim3A_108 : vector<900x1xf32> to vector<900x92xf32>
    %sub3A_110 = arith.subf %get3A_100, %sub3A_109 : vector<900x92xf32>
    %exp3A_111 = math.exp %sub3A_110 : vector<900x92xf32>
    %reduce_sum3A_112 = arith.constant dense<0.000000e+00> : vector<900xf32>
    %reduce_sum3A_113 = vector.multi_reduction <add>, %exp3A_111, %reduce_sum3A_112 [1] : vector<900x92xf32> to vector<900xf32>
    %broadcast_in_dim3A_114 = vector.shape_cast %reduce_sum3A_113 : vector<900xf32> to vector<900x1xf32>
    %log3A_115 = math.log %broadcast_in_dim3A_114 : vector<900x1xf32>
    %add3A_116 = arith.addf %broadcast_in_dim3A_108, %log3A_115 : vector<900x1xf32>
    %slice3A_117 = vector.extract_strided_slice %get3A_100 {offsets = [0, 91], sizes = [900, 1], strides = [1, 1]} : vector<900x92xf32> to vector<900x1xf32>
    %sub3A_118 = arith.subf %add3A_116, %slice3A_117 : vector<900x1xf32>
    %iota3A_119 = tpu.iota {dimensions = array<i32: 0>} : vector<900x100xi32>
    %broadcast_in_dim3A_120 = vector.shape_cast %get3A_105 : vector<1x100xi32> to vector<1x100xi32>
    %broadcast_in_dim3A_121 = vector.broadcast %broadcast_in_dim3A_120 : vector<1x100xi32> to vector<900x100xi32>
    %eq3A_122 = arith.cmpi eq, %iota3A_119, %broadcast_in_dim3A_121 : vector<900x100xi32>
    %convert_element_type3A_123 = arith.extui %eq3A_122 : vector<900x100xi1> to vector<900x100xi32>
    %convert_element_type3A_124 = arith.sitofp %convert_element_type3A_123 : vector<900x100xi32> to vector<900x100xf32>
    %broadcast_in_dim3A_125 = arith.constant 1.000000e+00 : f32
    %broadcast_in_dim3A_126 = vector.broadcast %broadcast_in_dim3A_125 : f32 to vector<100x1xf32>
    %dot_general3A_127 = arith.constant dense<0.000000e+00> : vector<900x1xf32>
    %dot_general3A_128 = tpu.matmul %convert_element_type3A_124, %broadcast_in_dim3A_126, %dot_general3A_127 {dimension_numbers = #tpu.dot_dimension_numbers<[1], [0], [0], [1], [0, 0, 1, 1], [], []>, transpose_lhs_hint = false} : vector<900x100xf32>, vector<100x1xf32>, vector<900x1xf32> -> vector<900x1xf32>
    %min3A_129 = arith.constant 1.000000e+00 : f32
    %min3A_130 = vector.broadcast %min3A_129 : f32 to vector<900x1xf32>
    %min3A_131 = arith.minimumf %dot_general3A_128, %min3A_130 : vector<900x1xf32>
    %mul3A_132 = arith.mulf %min3A_131, %add3A_116 : vector<900x1xf32>
    %get3A_133 = arith.constant 4 : index
    %get3A_134 = arith.constant 0 : index
    %get3A_135 = arith.constant 0 : index
    %get3A_136 = vector.load %arg1[%get3A_133, %get3A_134, %get3A_135] : memref<8x900x92xf32, #tpu.memory_space<vmem>>, vector<1x900x92xf32>
    %get3A_137 = vector.shape_cast %get3A_136 : vector<1x900x92xf32> to vector<900x92xf32>
    %get3A_138 = arith.constant 4 : index
    %get3A_139 = arith.constant 0 : index
    %get3A_140 = arith.constant 0 : index
    %get3A_141 = vector.load %arg2[%get3A_138, %get3A_139, %get3A_140] : memref<8x1x100xi32, #tpu.memory_space<vmem>>, vector<1x1x100xi32>
    %get3A_142 = vector.shape_cast %get3A_141 : vector<1x1x100xi32> to vector<1x100xi32>
    %reduce_max3A_143 = arith.constant dense<0xFF800000> : vector<900xf32>
    %reduce_max3A_144 = vector.multi_reduction <maximumf>, %get3A_137, %reduce_max3A_143 [1] : vector<900x92xf32> to vector<900xf32>
    %broadcast_in_dim3A_145 = vector.shape_cast %reduce_max3A_144 : vector<900xf32> to vector<900x1xf32>
    %sub3A_146 = vector.broadcast %broadcast_in_dim3A_145 : vector<900x1xf32> to vector<900x92xf32>
    %sub3A_147 = arith.subf %get3A_137, %sub3A_146 : vector<900x92xf32>
    %exp3A_148 = math.exp %sub3A_147 : vector<900x92xf32>
    %reduce_sum3A_149 = arith.constant dense<0.000000e+00> : vector<900xf32>
    %reduce_sum3A_150 = vector.multi_reduction <add>, %exp3A_148, %reduce_sum3A_149 [1] : vector<900x92xf32> to vector<900xf32>
    %broadcast_in_dim3A_151 = vector.shape_cast %reduce_sum3A_150 : vector<900xf32> to vector<900x1xf32>
    %log3A_152 = math.log %broadcast_in_dim3A_151 : vector<900x1xf32>
    %add3A_153 = arith.addf %broadcast_in_dim3A_145, %log3A_152 : vector<900x1xf32>
    %slice3A_154 = vector.extract_strided_slice %get3A_137 {offsets = [0, 91], sizes = [900, 1], strides = [1, 1]} : vector<900x92xf32> to vector<900x1xf32>
    %sub3A_155 = arith.subf %add3A_153, %slice3A_154 : vector<900x1xf32>
    %iota3A_156 = tpu.iota {dimensions = array<i32: 0>} : vector<900x100xi32>
    %broadcast_in_dim3A_157 = vector.shape_cast %get3A_142 : vector<1x100xi32> to vector<1x100xi32>
    %broadcast_in_dim3A_158 = vector.broadcast %broadcast_in_dim3A_157 : vector<1x100xi32> to vector<900x100xi32>
    %eq3A_159 = arith.cmpi eq, %iota3A_156, %broadcast_in_dim3A_158 : vector<900x100xi32>
    %convert_element_type3A_160 = arith.extui %eq3A_159 : vector<900x100xi1> to vector<900x100xi32>
    %convert_element_type3A_161 = arith.sitofp %convert_element_type3A_160 : vector<900x100xi32> to vector<900x100xf32>
    %broadcast_in_dim3A_162 = arith.constant 1.000000e+00 : f32
    %broadcast_in_dim3A_163 = vector.broadcast %broadcast_in_dim3A_162 : f32 to vector<100x1xf32>
    %dot_general3A_164 = arith.constant dense<0.000000e+00> : vector<900x1xf32>
    %dot_general3A_165 = tpu.matmul %convert_element_type3A_161, %broadcast_in_dim3A_163, %dot_general3A_164 {dimension_numbers = #tpu.dot_dimension_numbers<[1], [0], [0], [1], [0, 0, 1, 1], [], []>, transpose_lhs_hint = false} : vector<900x100xf32>, vector<100x1xf32>, vector<900x1xf32> -> vector<900x1xf32>
    %min3A_166 = arith.constant 1.000000e+00 : f32
    %min3A_167 = vector.broadcast %min3A_166 : f32 to vector<900x1xf32>
    %min3A_168 = arith.minimumf %dot_general3A_165, %min3A_167 : vector<900x1xf32>
    %mul3A_169 = arith.mulf %min3A_168, %add3A_153 : vector<900x1xf32>
    %get3A_170 = arith.constant 5 : index
    %get3A_171 = arith.constant 0 : index
    %get3A_172 = arith.constant 0 : index
    %get3A_173 = vector.load %arg1[%get3A_170, %get3A_171, %get3A_172] : memref<8x900x92xf32, #tpu.memory_space<vmem>>, vector<1x900x92xf32>
    %get3A_174 = vector.shape_cast %get3A_173 : vector<1x900x92xf32> to vector<900x92xf32>
    %get3A_175 = arith.constant 5 : index
    %get3A_176 = arith.constant 0 : index
    %get3A_177 = arith.constant 0 : index
    %get3A_178 = vector.load %arg2[%get3A_175, %get3A_176, %get3A_177] : memref<8x1x100xi32, #tpu.memory_space<vmem>>, vector<1x1x100xi32>
    %get3A_179 = vector.shape_cast %get3A_178 : vector<1x1x100xi32> to vector<1x100xi32>
    %reduce_max3A_180 = arith.constant dense<0xFF800000> : vector<900xf32>
    %reduce_max3A_181 = vector.multi_reduction <maximumf>, %get3A_174, %reduce_max3A_180 [1] : vector<900x92xf32> to vector<900xf32>
    %broadcast_in_dim3A_182 = vector.shape_cast %reduce_max3A_181 : vector<900xf32> to vector<900x1xf32>
    %sub3A_183 = vector.broadcast %broadcast_in_dim3A_182 : vector<900x1xf32> to vector<900x92xf32>
    %sub3A_184 = arith.subf %get3A_174, %sub3A_183 : vector<900x92xf32>
    %exp3A_185 = math.exp %sub3A_184 : vector<900x92xf32>
    %reduce_sum3A_186 = arith.constant dense<0.000000e+00> : vector<900xf32>
    %reduce_sum3A_187 = vector.multi_reduction <add>, %exp3A_185, %reduce_sum3A_186 [1] : vector<900x92xf32> to vector<900xf32>
    %broadcast_in_dim3A_188 = vector.shape_cast %reduce_sum3A_187 : vector<900xf32> to vector<900x1xf32>
    %log3A_189 = math.log %broadcast_in_dim3A_188 : vector<900x1xf32>
    %add3A_190 = arith.addf %broadcast_in_dim3A_182, %log3A_189 : vector<900x1xf32>
    %slice3A_191 = vector.extract_strided_slice %get3A_174 {offsets = [0, 91], sizes = [900, 1], strides = [1, 1]} : vector<900x92xf32> to vector<900x1xf32>
    %sub3A_192 = arith.subf %add3A_190, %slice3A_191 : vector<900x1xf32>
    %iota3A_193 = tpu.iota {dimensions = array<i32: 0>} : vector<900x100xi32>
    %broadcast_in_dim3A_194 = vector.shape_cast %get3A_179 : vector<1x100xi32> to vector<1x100xi32>
    %broadcast_in_dim3A_195 = vector.broadcast %broadcast_in_dim3A_194 : vector<1x100xi32> to vector<900x100xi32>
    %eq3A_196 = arith.cmpi eq, %iota3A_193, %broadcast_in_dim3A_195 : vector<900x100xi32>
    %convert_element_type3A_197 = arith.extui %eq3A_196 : vector<900x100xi1> to vector<900x100xi32>
    %convert_element_type3A_198 = arith.sitofp %convert_element_type3A_197 : vector<900x100xi32> to vector<900x100xf32>
    %broadcast_in_dim3A_199 = arith.constant 1.000000e+00 : f32
    %broadcast_in_dim3A_200 = vector.broadcast %broadcast_in_dim3A_199 : f32 to vector<100x1xf32>
    %dot_general3A_201 = arith.constant dense<0.000000e+00> : vector<900x1xf32>
    %dot_general3A_202 = tpu.matmul %convert_element_type3A_198, %broadcast_in_dim3A_200, %dot_general3A_201 {dimension_numbers = #tpu.dot_dimension_numbers<[1], [0], [0], [1], [0, 0, 1, 1], [], []>, transpose_lhs_hint = false} : vector<900x100xf32>, vector<100x1xf32>, vector<900x1xf32> -> vector<900x1xf32>
    %min3A_203 = arith.constant 1.000000e+00 : f32
    %min3A_204 = vector.broadcast %min3A_203 : f32 to vector<900x1xf32>
    %min3A_205 = arith.minimumf %dot_general3A_202, %min3A_204 : vector<900x1xf32>
    %mul3A_206 = arith.mulf %min3A_205, %add3A_190 : vector<900x1xf32>
    %get3A_207 = arith.constant 6 : index
    %get3A_208 = arith.constant 0 : index
    %get3A_209 = arith.constant 0 : index
    %get3A_210 = vector.load %arg1[%get3A_207, %get3A_208, %get3A_209] : memref<8x900x92xf32, #tpu.memory_space<vmem>>, vector<1x900x92xf32>
    %get3A_211 = vector.shape_cast %get3A_210 : vector<1x900x92xf32> to vector<900x92xf32>
    %get3A_212 = arith.constant 6 : index
    %get3A_213 = arith.constant 0 : index
    %get3A_214 = arith.constant 0 : index
    %get3A_215 = vector.load %arg2[%get3A_212, %get3A_213, %get3A_214] : memref<8x1x100xi32, #tpu.memory_space<vmem>>, vector<1x1x100xi32>
    %get3A_216 = vector.shape_cast %get3A_215 : vector<1x1x100xi32> to vector<1x100xi32>
    %reduce_max3A_217 = arith.constant dense<0xFF800000> : vector<900xf32>
    %reduce_max3A_218 = vector.multi_reduction <maximumf>, %get3A_211, %reduce_max3A_217 [1] : vector<900x92xf32> to vector<900xf32>
    %broadcast_in_dim3A_219 = vector.shape_cast %reduce_max3A_218 : vector<900xf32> to vector<900x1xf32>
    %sub3A_220 = vector.broadcast %broadcast_in_dim3A_219 : vector<900x1xf32> to vector<900x92xf32>
    %sub3A_221 = arith.subf %get3A_211, %sub3A_220 : vector<900x92xf32>
    %exp3A_222 = math.exp %sub3A_221 : vector<900x92xf32>
    %reduce_sum3A_223 = arith.constant dense<0.000000e+00> : vector<900xf32>
    %reduce_sum3A_224 = vector.multi_reduction <add>, %exp3A_222, %reduce_sum3A_223 [1] : vector<900x92xf32> to vector<900xf32>
    %broadcast_in_dim3A_225 = vector.shape_cast %reduce_sum3A_224 : vector<900xf32> to vector<900x1xf32>
    %log3A_226 = math.log %broadcast_in_dim3A_225 : vector<900x1xf32>
    %add3A_227 = arith.addf %broadcast_in_dim3A_219, %log3A_226 : vector<900x1xf32>
    %slice3A_228 = vector.extract_strided_slice %get3A_211 {offsets = [0, 91], sizes = [900, 1], strides = [1, 1]} : vector<900x92xf32> to vector<900x1xf32>
    %sub3A_229 = arith.subf %add3A_227, %slice3A_228 : vector<900x1xf32>
    %iota3A_230 = tpu.iota {dimensions = array<i32: 0>} : vector<900x100xi32>
    %broadcast_in_dim3A_231 = vector.shape_cast %get3A_216 : vector<1x100xi32> to vector<1x100xi32>
    %broadcast_in_dim3A_232 = vector.broadcast %broadcast_in_dim3A_231 : vector<1x100xi32> to vector<900x100xi32>
    %eq3A_233 = arith.cmpi eq, %iota3A_230, %broadcast_in_dim3A_232 : vector<900x100xi32>
    %convert_element_type3A_234 = arith.extui %eq3A_233 : vector<900x100xi1> to vector<900x100xi32>
    %convert_element_type3A_235 = arith.sitofp %convert_element_type3A_234 : vector<900x100xi32> to vector<900x100xf32>
    %broadcast_in_dim3A_236 = arith.constant 1.000000e+00 : f32
    %broadcast_in_dim3A_237 = vector.broadcast %broadcast_in_dim3A_236 : f32 to vector<100x1xf32>
    %dot_general3A_238 = arith.constant dense<0.000000e+00> : vector<900x1xf32>
    %dot_general3A_239 = tpu.matmul %convert_element_type3A_235, %broadcast_in_dim3A_237, %dot_general3A_238 {dimension_numbers = #tpu.dot_dimension_numbers<[1], [0], [0], [1], [0, 0, 1, 1], [], []>, transpose_lhs_hint = false} : vector<900x100xf32>, vector<100x1xf32>, vector<900x1xf32> -> vector<900x1xf32>
    %min3A_240 = arith.constant 1.000000e+00 : f32
    %min3A_241 = vector.broadcast %min3A_240 : f32 to vector<900x1xf32>
    %min3A_242 = arith.minimumf %dot_general3A_239, %min3A_241 : vector<900x1xf32>
    %mul3A_243 = arith.mulf %min3A_242, %add3A_227 : vector<900x1xf32>
    %get3A_244 = arith.constant 7 : index
    %get3A_245 = arith.constant 0 : index
    %get3A_246 = arith.constant 0 : index
    %get3A_247 = vector.load %arg1[%get3A_244, %get3A_245, %get3A_246] : memref<8x900x92xf32, #tpu.memory_space<vmem>>, vector<1x900x92xf32>
    %get3A_248 = vector.shape_cast %get3A_247 : vector<1x900x92xf32> to vector<900x92xf32>
    %get3A_249 = arith.constant 7 : index
    %get3A_250 = arith.constant 0 : index
    %get3A_251 = arith.constant 0 : index
    %get3A_252 = vector.load %arg2[%get3A_249, %get3A_250, %get3A_251] : memref<8x1x100xi32, #tpu.memory_space<vmem>>, vector<1x1x100xi32>
    %get3A_253 = vector.shape_cast %get3A_252 : vector<1x1x100xi32> to vector<1x100xi32>
    %reduce_max3A_254 = arith.constant dense<0xFF800000> : vector<900xf32>
    %reduce_max3A_255 = vector.multi_reduction <maximumf>, %get3A_248, %reduce_max3A_254 [1] : vector<900x92xf32> to vector<900xf32>
    %broadcast_in_dim3A_256 = vector.shape_cast %reduce_max3A_255 : vector<900xf32> to vector<900x1xf32>
    %sub3A_257 = vector.broadcast %broadcast_in_dim3A_256 : vector<900x1xf32> to vector<900x92xf32>
    %sub3A_258 = arith.subf %get3A_248, %sub3A_257 : vector<900x92xf32>
    %exp3A_259 = math.exp %sub3A_258 : vector<900x92xf32>
    %reduce_sum3A_260 = arith.constant dense<0.000000e+00> : vector<900xf32>
    %reduce_sum3A_261 = vector.multi_reduction <add>, %exp3A_259, %reduce_sum3A_260 [1] : vector<900x92xf32> to vector<900xf32>
    %broadcast_in_dim3A_262 = vector.shape_cast %reduce_sum3A_261 : vector<900xf32> to vector<900x1xf32>
    %log3A_263 = math.log %broadcast_in_dim3A_262 : vector<900x1xf32>
    %add3A_264 = arith.addf %broadcast_in_dim3A_256, %log3A_263 : vector<900x1xf32>
    %slice3A_265 = vector.extract_strided_slice %get3A_248 {offsets = [0, 91], sizes = [900, 1], strides = [1, 1]} : vector<900x92xf32> to vector<900x1xf32>
    %sub3A_266 = arith.subf %add3A_264, %slice3A_265 : vector<900x1xf32>
    %iota3A_267 = tpu.iota {dimensions = array<i32: 0>} : vector<900x100xi32>
    %broadcast_in_dim3A_268 = vector.shape_cast %get3A_253 : vector<1x100xi32> to vector<1x100xi32>
    %broadcast_in_dim3A_269 = vector.broadcast %broadcast_in_dim3A_268 : vector<1x100xi32> to vector<900x100xi32>
    %eq3A_270 = arith.cmpi eq, %iota3A_267, %broadcast_in_dim3A_269 : vector<900x100xi32>
    %convert_element_type3A_271 = arith.extui %eq3A_270 : vector<900x100xi1> to vector<900x100xi32>
    %convert_element_type3A_272 = arith.sitofp %convert_element_type3A_271 : vector<900x100xi32> to vector<900x100xf32>
    %broadcast_in_dim3A_273 = arith.constant 1.000000e+00 : f32
    %broadcast_in_dim3A_274 = vector.broadcast %broadcast_in_dim3A_273 : f32 to vector<100x1xf32>
    %dot_general3A_275 = arith.constant dense<0.000000e+00> : vector<900x1xf32>
    %dot_general3A_276 = tpu.matmul %convert_element_type3A_272, %broadcast_in_dim3A_274, %dot_general3A_275 {dimension_numbers = #tpu.dot_dimension_numbers<[1], [0], [0], [1], [0, 0, 1, 1], [], []>, transpose_lhs_hint = false} : vector<900x100xf32>, vector<100x1xf32>, vector<900x1xf32> -> vector<900x1xf32>
    %min3A_277 = arith.constant 1.000000e+00 : f32
    %min3A_278 = vector.broadcast %min3A_277 : f32 to vector<900x1xf32>
    %min3A_279 = arith.minimumf %dot_general3A_276, %min3A_278 : vector<900x1xf32>
    %mul3A_280 = arith.mulf %min3A_279, %add3A_264 : vector<900x1xf32>
    %add3A_281 = arith.constant 0.000000e+00 : f32
    %add3A_282 = vector.broadcast %add3A_281 : f32 to vector<900x1xf32>
    %add3A_283 = arith.addf %add3A_282, %sub3A_44 : vector<900x1xf32>
    %add3A_284 = arith.addf %add3A_283, %sub3A_81 : vector<900x1xf32>
    %add3A_285 = arith.addf %add3A_284, %sub3A_118 : vector<900x1xf32>
    %add3A_286 = arith.addf %add3A_285, %sub3A_155 : vector<900x1xf32>
    %add3A_287 = arith.addf %add3A_286, %sub3A_192 : vector<900x1xf32>
    %add3A_288 = arith.addf %add3A_287, %sub3A_229 : vector<900x1xf32>
    %add3A_289 = arith.addf %add3A_288, %sub3A_266 : vector<900x1xf32>
    %add3A_290 = arith.addf %add3A_289, %sub3A_13 : vector<900x1xf32>
    %add3A_291 = arith.constant 0.000000e+00 : f32
    %add3A_292 = vector.broadcast %add3A_291 : f32 to vector<900x1xf32>
    %add3A_293 = arith.addf %add3A_292, %mul3A_58 : vector<900x1xf32>
    %add3A_294 = arith.addf %add3A_293, %mul3A_95 : vector<900x1xf32>
    %add3A_295 = arith.addf %add3A_294, %mul3A_132 : vector<900x1xf32>
    %add3A_296 = arith.addf %add3A_295, %mul3A_169 : vector<900x1xf32>
    %add3A_297 = arith.addf %add3A_296, %mul3A_206 : vector<900x1xf32>
    %add3A_298 = arith.addf %add3A_297, %mul3A_243 : vector<900x1xf32>
    %add3A_299 = arith.addf %add3A_298, %mul3A_280 : vector<900x1xf32>
    %add3A_300 = arith.addf %add3A_299, %mul3A : vector<900x1xf32>
    %add3A_301 = arith.constant 0.000000e+00 : f32
    %add3A_302 = vector.broadcast %add3A_301 : f32 to vector<900x1xf32>
    %add3A_303 = arith.addf %add3A_302, %min3A_57 : vector<900x1xf32>
    %add3A_304 = arith.addf %add3A_303, %min3A_94 : vector<900x1xf32>
    %add3A_305 = arith.addf %add3A_304, %min3A_131 : vector<900x1xf32>
    %add3A_306 = arith.addf %add3A_305, %min3A_168 : vector<900x1xf32>
    %add3A_307 = arith.addf %add3A_306, %min3A_205 : vector<900x1xf32>
    %add3A_308 = arith.addf %add3A_307, %min3A_242 : vector<900x1xf32>
    %add3A_309 = arith.addf %add3A_308, %min3A_279 : vector<900x1xf32>
    %add3A_310 = arith.addf %add3A_309, %min3A_21 : vector<900x1xf32>
    %eq3A_311 = arith.constant 0 : i32
    %eq3A_312 = arith.cmpi eq, %arg0, %eq3A_311 : i32
    %convert_element_type3A_313 = arith.extui %eq3A_312 : i1 to i32
    %cond3A = arith.constant 0 : i32
    %cond3A_314 = arith.cmpi ne, %convert_element_type3A_313, %cond3A : i32
    scf.if %cond3A_314 {
      %swap3A = arith.constant 0 : index
      %swap3A_324 = arith.constant 0 : index
      %swap3A_325 = vector.load %arg4[%swap3A, %swap3A_324] : memref<900x1xf32, #tpu.memory_space<vmem>>, vector<900x1xf32>
      tpu.vector_store %arg4[%swap3A, %swap3A_324], %add3A_290 {strides = array<i32>} : memref<900x1xf32, #tpu.memory_space<vmem>>, vector<900x1xf32>,
      %swap3A_326 = arith.constant 0 : index
      %swap3A_327 = arith.constant 0 : index
      %swap3A_328 = vector.load %arg5[%swap3A_326, %swap3A_327] : memref<900x1xf32, #tpu.memory_space<vmem>>, vector<900x1xf32>
      tpu.vector_store %arg5[%swap3A_326, %swap3A_327], %add3A_300 {strides = array<i32>} : memref<900x1xf32, #tpu.memory_space<vmem>>, vector<900x1xf32>,
      %swap3A_329 = arith.constant 0 : index
      %swap3A_330 = arith.constant 0 : index
      %swap3A_331 = vector.load %arg6[%swap3A_329, %swap3A_330] : memref<900x1xf32, #tpu.memory_space<vmem>>, vector<900x1xf32>
      tpu.vector_store %arg6[%swap3A_329, %swap3A_330], %add3A_310 {strides = array<i32>} : memref<900x1xf32, #tpu.memory_space<vmem>>, vector<900x1xf32>,
    } else {
    }
    %gt3A = arith.constant 0 : i32
    %gt3A_315 = arith.cmpi sgt, %arg0, %gt3A : i32
    %convert_element_type3A_316 = arith.extui %gt3A_315 : i1 to i32
    %cond3A_317 = arith.constant 0 : i32
    %cond3A_318 = arith.cmpi ne, %convert_element_type3A_316, %cond3A_317 : i32
    scf.if %cond3A_318 {
      %get3A_324 = arith.constant 0 : index
      %get3A_325 = arith.constant 0 : index
      %get3A_326 = vector.load %arg4[%get3A_324, %get3A_325] : memref<900x1xf32, #tpu.memory_space<vmem>>, vector<900x1xf32>
      %add3A_327 = arith.addf %get3A_326, %add3A_290 : vector<900x1xf32>
      %swap3A = arith.constant 0 : index
      %swap3A_328 = arith.constant 0 : index
      %swap3A_329 = vector.load %arg4[%swap3A, %swap3A_328] : memref<900x1xf32, #tpu.memory_space<vmem>>, vector<900x1xf32>
      tpu.vector_store %arg4[%swap3A, %swap3A_328], %add3A_327 {strides = array<i32>} : memref<900x1xf32, #tpu.memory_space<vmem>>, vector<900x1xf32>,
      %get3A_330 = arith.constant 0 : index
      %get3A_331 = arith.constant 0 : index
      %get3A_332 = vector.load %arg5[%get3A_330, %get3A_331] : memref<900x1xf32, #tpu.memory_space<vmem>>, vector<900x1xf32>
      %add3A_333 = arith.addf %get3A_332, %add3A_300 : vector<900x1xf32>
      %swap3A_334 = arith.constant 0 : index
      %swap3A_335 = arith.constant 0 : index
      %swap3A_336 = vector.load %arg5[%swap3A_334, %swap3A_335] : memref<900x1xf32, #tpu.memory_space<vmem>>, vector<900x1xf32>
      tpu.vector_store %arg5[%swap3A_334, %swap3A_335], %add3A_333 {strides = array<i32>} : memref<900x1xf32, #tpu.memory_space<vmem>>, vector<900x1xf32>,
      %get3A_337 = arith.constant 0 : index
      %get3A_338 = arith.constant 0 : index
      %get3A_339 = vector.load %arg6[%get3A_337, %get3A_338] : memref<900x1xf32, #tpu.memory_space<vmem>>, vector<900x1xf32>
      %add3A_340 = arith.addf %get3A_339, %add3A_310 : vector<900x1xf32>
      %swap3A_341 = arith.constant 0 : index
      %swap3A_342 = arith.constant 0 : index
      %swap3A_343 = vector.load %arg6[%swap3A_341, %swap3A_342] : memref<900x1xf32, #tpu.memory_space<vmem>>, vector<900x1xf32>
      tpu.vector_store %arg6[%swap3A_341, %swap3A_342], %add3A_340 {strides = array<i32>} : memref<900x1xf32, #tpu.memory_space<vmem>>, vector<900x1xf32>,
    } else {
    }
    %eq3A_319 = arith.constant 7 : i32
    %eq3A_320 = arith.cmpi eq, %arg0, %eq3A_319 : i32
    %convert_element_type3A_321 = arith.extui %eq3A_320 : i1 to i32
    %cond3A_322 = arith.constant 0 : i32
    %cond3A_323 = arith.cmpi ne, %convert_element_type3A_321, %cond3A_322 : i32
    scf.if %cond3A_323 {
      %get3A_324 = arith.constant 0 : index
      %get3A_325 = arith.constant 0 : index
      %get3A_326 = vector.load %arg6[%get3A_324, %get3A_325] : memref<900x1xf32, #tpu.memory_space<vmem>>, vector<900x1xf32>
      %reduce_sum3A_327 = vector.shape_cast %get3A_326 : vector<900x1xf32> to vector<1x900x1xf32>
      %reduce_sum3A_328 = arith.constant dense<0.000000e+00> : vector<1xf32>
      %reduce_sum3A_329 = vector.multi_reduction <add>, %reduce_sum3A_327, %reduce_sum3A_328 [1, 2] : vector<1x900x1xf32> to vector<1xf32>
      %reduce_sum3A_330 = vector.shape_cast %reduce_sum3A_329 : vector<1xf32> to vector<1x1x1xf32>
      %reduce_sum3A_331 = vector.extract %reduce_sum3A_330[0, 0, 0] : f32 from vector<1x1x1xf32>
      %get3A_332 = arith.constant 0 : index
      %get3A_333 = arith.constant 0 : index
      %get3A_334 = vector.load %arg4[%get3A_332, %get3A_333] : memref<900x1xf32, #tpu.memory_space<vmem>>, vector<900x1xf32>
      %reduce_sum3A_335 = vector.shape_cast %get3A_334 : vector<900x1xf32> to vector<1x900x1xf32>
      %reduce_sum3A_336 = arith.constant dense<0.000000e+00> : vector<1xf32>
      %reduce_sum3A_337 = vector.multi_reduction <add>, %reduce_sum3A_335, %reduce_sum3A_336 [1, 2] : vector<1x900x1xf32> to vector<1xf32>
      %reduce_sum3A_338 = vector.shape_cast %reduce_sum3A_337 : vector<1xf32> to vector<1x1x1xf32>
      %reduce_sum3A_339 = vector.extract %reduce_sum3A_338[0, 0, 0] : f32 from vector<1x1x1xf32>
      %mul3A_340 = arith.constant 1.000000e-01 : f32
      %mul3A_341 = arith.mulf %mul3A_340, %reduce_sum3A_339 : f32
      %get3A_342 = arith.constant 0 : index
      %get3A_343 = arith.constant 0 : index
      %get3A_344 = vector.load %arg5[%get3A_342, %get3A_343] : memref<900x1xf32, #tpu.memory_space<vmem>>, vector<900x1xf32>
      %reduce_sum3A_345 = vector.shape_cast %get3A_344 : vector<900x1xf32> to vector<1x900x1xf32>
      %reduce_sum3A_346 = arith.constant dense<0.000000e+00> : vector<1xf32>
      %reduce_sum3A_347 = vector.multi_reduction <add>, %reduce_sum3A_345, %reduce_sum3A_346 [1, 2] : vector<1x900x1xf32> to vector<1xf32>
      %reduce_sum3A_348 = vector.shape_cast %reduce_sum3A_347 : vector<1xf32> to vector<1x1x1xf32>
      %reduce_sum3A_349 = vector.extract %reduce_sum3A_348[0, 0, 0] : f32 from vector<1x1x1xf32>
      %mul3A_350 = arith.constant 0.899999976 : f32
      %mul3A_351 = arith.mulf %mul3A_350, %reduce_sum3A_349 : f32
      %add3A_352 = arith.addf %mul3A_341, %mul3A_351 : f32
      %mul3A_353 = arith.constant 0.899999976 : f32
      %mul3A_354 = arith.mulf %mul3A_353, %reduce_sum3A_331 : f32
      %add3A_355 = arith.constant 5.760000e+03 : f32
      %add3A_356 = arith.addf %add3A_355, %mul3A_354 : f32
      %iota3A_357 = tpu.iota {dimensions = array<i32: 1>} : vector<1x8xi32>
      %eq3A_358 = arith.constant 0 : i32
      %eq3A_359 = vector.broadcast %eq3A_358 : i32 to vector<1x8xi32>
      %eq3A_360 = arith.cmpi eq, %iota3A_357, %eq3A_359 : vector<1x8xi32>
      %eq3A_361 = arith.constant 1 : i32
      %eq3A_362 = vector.broadcast %eq3A_361 : i32 to vector<1x8xi32>
      %eq3A_363 = arith.cmpi eq, %iota3A_357, %eq3A_362 : vector<1x8xi32>
      %jit3A = arith.constant 0.000000e+00 : f32
      %broadcast_in_dim3A_364 = vector.broadcast %add3A_356 : f32 to vector<1x8xf32>
      %broadcast_in_dim3A_365 = vector.broadcast %jit3A : f32 to vector<1x8xf32>
      %select_n3A = arith.select %eq3A_363, %broadcast_in_dim3A_364, %broadcast_in_dim3A_365 : vector<1x8xi1>, vector<1x8xf32>
      %broadcast_in_dim3A_366 = vector.broadcast %add3A_352 : f32 to vector<1x8xf32>
      %select_n3A_367 = arith.select %eq3A_360, %broadcast_in_dim3A_366, %select_n3A : vector<1x8xi1>, vector<1x8xf32>
      %swap3A = arith.constant 0 : index
      %swap3A_368 = arith.constant 0 : index
      %swap3A_369 = vector.load %arg3[%swap3A, %swap3A_368] : memref<1x8xf32, #tpu.memory_space<vmem>>, vector<1x8xf32>
      tpu.vector_store %arg3[%swap3A, %swap3A_368], %select_n3A_367 {strides = array<i32>} : memref<1x8xf32, #tpu.memory_space<vmem>>, vector<1x8xf32>,
    } else {
    }
    return
  }
  func.func @transform_0(%arg0: i32) -> (i32, i32, i32) {
    %c0_i32 = arith.constant 0 : i32
    %c0_i32_0 = arith.constant 0 : i32
    %c0_i32_1 = arith.constant 0 : i32
    return %arg0, %c0_i32, %c0_i32_0 : i32, i32, i32
  }
  func.func @transform_1(%arg0: i32) -> (i32, i32, i32) {
    %c0_i32 = arith.constant 0 : i32
    %c0_i32_0 = arith.constant 0 : i32
    %c0_i32_1 = arith.constant 0 : i32
    return %arg0, %c0_i32, %c0_i32_0 : i32, i32, i32
  }
  func.func @transform_2(%arg0: i32) -> (i32, i32) {
    %c0_i32 = arith.constant 0 : i32
    %c0_i32_0 = arith.constant 0 : i32
    %c0_i32_1 = arith.constant 0 : i32
    return %c0_i32, %c0_i32_0 : i32, i32
  }
}

</mosaic_0001>

<sc_bundles>
// kernel: _detr_loss.4.cloned.1.call-start
scs
__scs_entry_jumppad:
0x0: {  	(pc) =	sbr.rel $0x88, $3  }
0x1: {  	(tag) =	ssettag $0x0;
	lr =	simm.s32 $0x1  }
0x2: {  	[smem:$0x3F9B] =	sst lr;
	_ =	strace $0xD0000000  }
0x3: {  	_ = 	snop  }
0x4: {  	_ = 	snop  }
0x5: {  	_ = 	snop  }
0x6: {  	_ = 	snop  }
0x7: {  	_ = 	snop  }
__scs_overlays_trampoline_lowered:
0x8: {  	[smem:$0x3FAA] =	sst s0  }
0x9: {  	[smem:$0x3FAB] =	sst s1  }
0xa: {  	[smem:$0x3FAC] =	sst s2  }
0xb: {  	[smem:$0x3FAD] =	sst s3  }
0xc: {  	[smem:$0x3FAE] =	sst s4  }
0xd: {  	[smem:$0x3FAF] =	sst s5  }
0xe: {  	[smem:$0x3FB0] =	sst s6  }
0xf: {  	[smem:$0x3FB1] =	sst s7  }
0x10: {  	[smem:$0x3FB2] =	sst s8  }
0x11: {  	[smem:$0x3FB3] =	sst s9;
	s0 =	simm.s32 @!p0 $0x0  }
0x12: {  	s1 =	sld [smem:$0x3F99];
	s0 =	simm.s32 @p0 $0x1  }
0x13: {  	[smem:$0x3FB4] =	sst s0;
	s0 =	simm.s32 @!p1 $0x0  }
0x14: {  	s2 =	sld [smem:$0x3F98];
	s0 =	simm.s32 @p1 $0x1  }
0x15: {  	[smem:$0x3FB5] =	sst s0;
	s0 =	simm.s32 @!p2 $0x0  }
0x16: {  	s3 =	sld [smem:$0x3FDB];
	s0 =	simm.s32 @p2 $0x1  }
0x17: {  	s4 =	simm.s32 $0x1BF5;
	[smem:$0x3FB7] =	sst s0  }
0x18: {  	s0 =	sld [smem:$0x3F9A];
	_ =	swait.ge [sflag:s4], $0x0  }
0x19: {  	s7 =	sld [smem:$0x3F9B]  }
0x1a: {  	s8 =	sadd.s32 $0xFFFFE003, lr  }
0x1b: {  	s9 =	sadd.s32 $0xFFFFFEF7, lr;
	s5 =	simm.s32 $0xFFFFFFFF;
	p2 =	slt.u32 s8, $0xFFFFF086  }
0x1c: {  	p1 =	slt.u32 s9, $0xF7A;
	s5 =	simm.s32 @!p2 $0x0  }
0x1d: {  	s5 =	simm.s32 @p1 $0x1;
	p0 =	seq.s32 s7, s2  }
0x1e: {  	s7 =	smul.u32 @!p0 $0xF7A, s2;
	p2 =	seq.s32 @!p0 s5, $0x0  }
0x1f: {  	s9 =	smul.u32 $0xF7A, s1;
	s8 =	simm.s32 @!p0 $0x1BF5;
	p2 =	por !p2, p0  }
0x20: {  	[sflag:s8] =	ssyncset.s32 @!p0 $0xFFFFF086;
	s6 =	sadd.s32 @!p0 s3, s7;
	s7 =	simm.s32 @!p0 $0x108  }
0x21: {  	s3 =	sadd.s32 s3, s9;
	s6 =	sadd.s32 @!p0 $0x88, s6;
	s7 =	simm.s32 @p2 $0x1082  }
0x22: {  	[simem:s7], [sflag:s8] =	dma.local @!p0 [hbm:s6], $0xF7A  }
0x23: {  	s9 =	sor.u32 $0xD0000000, s2;
	s6 =	simm.s32 $0x108;
	_ =	swait.ge @!p0 [sflag:s8], $0x0  }
0x24: {  	s3 =	sadd.s32 $0x88, s3;
	s6 =	simm.s32 @!p1 $0x1082;
	[sflag:s4] =	ssyncset.s32 $0xFFFFF086  }
0x25: {  	[simem:s6], [sflag:s4] =	dma.local [hbm:s3], $0xF7A  }
0x26: {  	[smem:$0x3F9B] =	sst s1;
	(tag) =	ssettag s2;
	_ =	strace s9  }
0x27: {  	s1 =	sld [smem:$0x3FAB]  }
0x28: {  	s2 =	sld [smem:$0x3FAC]  }
0x29: {  	s4 =	sld [smem:$0x3FAE]  }
0x2a: {  	p0 =	seq.s32 s5, $0x0;
	s5 =	sld [smem:$0x3FAF]  }
0x2b: {  	s6 =	sld [smem:$0x3FB0]  }
0x2c: {  	s7 =	sld [smem:$0x3FB1]  }
0x2d: {  	s3 =	simm.s32 $0x108;
	s8 =	sld [smem:$0x3FB2]  }
0x2e: {  	s3 =	simm.s32 @!p0 $0x1082;
	s9 =	sld [smem:$0x3FB3]  }
0x2f: {  	lr =	sadd.s32 s0, s3;
	s0 =	sld [smem:$0x3FAA]  }
0x30: {  	s3 =	sld [smem:$0x3FAD]  }
0x31: {  	[smem:$0x3FB6] =	sst s10  }
0x32: {  	s10 =	sld [smem:$0x3FB4];
	_ =	sdelay $0x3  }
0x33: {  	p0 =	seq.s32 s10, $0x1;
	s10 =	sld [smem:$0x3FB6];
	_ =	sdelay $0x3  }
0x34: {  	[smem:$0x3FB6] =	sst s10  }
0x35: {  	s10 =	sld [smem:$0x3FB5];
	_ =	sdelay $0x3  }
0x36: {  	p1 =	seq.s32 s10, $0x1;
	s10 =	sld [smem:$0x3FB6];
	_ =	sdelay $0x3  }
0x37: {  	[smem:$0x3FB6] =	sst s10  }
0x38: {  	s10 =	sld [smem:$0x3FB7]  }
0x39: {  	_ = 	snop;
	(pc) =	sbr.ind lr, $3  }
0x3a: {  	_ = 	snop  }
0x3b: {  	_ = 	snop  }
0x3c: {  	p2 =	seq.s32 s10, $0x1;
	s10 =	sld [smem:$0x3FB6]  }
0x3d: {  	_ =	shalt  }
0x3e: {  	_ =	shalt  }
0x3f: {  	_ =	shalt  }
0x40: {  	_ =	shalt  }
0x41: {  	_ =	shalt  }
0x42: {  	_ =	shalt  }
0x43: {  	_ =	shalt  }
0x44: {  	_ =	shalt  }
0x45: {  	_ =	shalt  }
0x46: {  	_ =	shalt  }
0x47: {  	_ =	shalt  }
0x48: {  	_ =	shalt  }
0x49: {  	_ =	shalt  }
0x4a: {  	_ =	shalt  }
0x4b: {  	_ =	shalt  }
0x4c: {  	_ =	shalt  }
0x4d: {  	_ =	shalt  }
0x4e: {  	_ =	shalt  }
0x4f: {  	_ =	shalt  }
0x50: {  	_ =	shalt  }
0x51: {  	_ =	shalt  }
0x52: {  	_ =	shalt  }
0x53: {  	_ =	shalt  }
0x54: {  	_ =	shalt  }
0x55: {  	_ =	shalt  }
0x56: {  	_ =	shalt  }
0x57: {  	_ =	shalt  }
0x58: {  	_ =	shalt  }
0x59: {  	_ =	shalt  }
0x5a: {  	_ =	shalt  }
0x5b: {  	_ =	shalt  }
0x5c: {  	_ =	shalt  }
0x5d: {  	_ =	shalt  }
0x5e: {  	_ =	shalt  }
0x5f: {  	_ =	shalt  }
0x60: {  	_ =	shalt  }
0x61: {  	_ =	shalt  }
0x62: {  	_ =	shalt  }
0x63: {  	_ =	shalt  }
0x64: {  	_ =	shalt  }
0x65: {  	_ =	shalt  }
0x66: {  	_ =	shalt  }
0x67: {  	_ =	shalt  }
0x68: {  	_ =	shalt  }
0x69: {  	_ =	shalt  }
0x6a: {  	_ =	shalt  }
0x6b: {  	_ =	shalt  }
0x6c: {  	_ =	shalt  }
0x6d: {  	_ =	shalt  }
0x6e: {  	_ =	shalt  }
0x6f: {  	_ =	shalt  }
0x70: {  	_ =	shalt  }
0x71: {  	_ =	shalt  }
0x72: {  	_ =	shalt  }
0x73: {  	_ =	shalt  }
0x74: {  	_ =	shalt  }
0x75: {  	_ =	shalt  }
0x76: {  	_ =	shalt  }
0x77: {  	_ =	shalt  }
0x78: {  	_ =	shalt  }
0x79: {  	_ =	shalt  }
0x7a: {  	_ =	shalt  }
0x7b: {  	_ =	shalt  }
0x7c: {  	_ =	shalt  }
0x7d: {  	_ =	shalt  }
0x7e: {  	_ =	shalt  }
0x7f: {  	_ =	shalt  }
0x80: {  	_ =	shalt  }
0x81: {  	_ =	shalt  }
0x82: {  	_ =	shalt  }
0x83: {  	_ =	shalt  }
0x84: {  	_ =	shalt  }
0x85: {  	_ =	shalt  }
0x86: {  	_ =	shalt  }
0x87: {  	_ =	shalt  }
.Lfunc_end0:
.L_simem_size_0:
called_computation_lowered:
.L_overlay_start_0:
0x88: {  	s2 =	sld [smem:$0x3FD9]  }
0x89: {  	s3 =	sld [smem:$0x3FFE];
	_ =	sdelay $0x1  }
0x8a: {  	s1 =	srdreg.scid  }
0x8b: {  	s0 =	sand.u32 $0x1, s1  }
0x8c: {  	s16 =	sshll.u32 s0, $0xA;
	s2 =	sadd.s32 s3, s2  }
0x8d: {  	s2 =	sadd.s32 s2, s16  }
0x8e: {  	[smem:$0x3FC2] =	sst s2  }
0x8f: {  	_ = 	snop  }
0x90: {  	(tm) =	ssettm $0x1  }
0x91: {  	s17 =	sld [smem:$0x3FFB];
	_ =	sdelay $0x3  }
0x92: {  	_ =	strace s17  }
0x93: {  	s2 =	sld [smem:$0x3FFC];
	_ =	sdelay $0x3  }
0x94: {  	_ =	strace s2  }
0x95: {  	s2 =	sld [smem:$0x3FFD];
	_ =	sdelay $0x3  }
0x96: {  	_ =	strace s2  }
0x97: {  	_ =	strace $0x8FFFFFFF  }
0x98: {  	s18 =	sld [smem:$0x3FDB];
	_ =	sdelay $0x1  }
0x99: {  	s19 =	simm.s32 $_scs_section_size  }
0x9a: {  	s4 =	simm.s32 $_size__tile_overlayer_lowered;
	s5 =	simm.s32 $_tile_overlayer_lowered  }
0x9b: {  	s22 =	simm.s32 $0x1BFF;
	s21 =	sshll.u32 s5, $0x1;
	s2 =	sadd.s32 s19, s18  }
0x9c: {  	s6 =	simm.s32 $0x0;
	s20 =	sshll.u32 s4, $0x1;
	s4 =	sadd.s32 s21, s2  }
0x9d: {  	[timem:s6], [sflag:s22] =	dma.local [hbm:s4], s20  }
0x9e: {  	_ =	swait.ge [sflag:s22], s20  }
0x9f: {  	s3 =	ssub.s32 $0x0, s20;
	[sflag:s22] =	ssyncset.done $0x0  }
0xa0: {  	[sflag:s22] =	ssyncadd.s32 s3;
	_ =	sdelay $0x1  }
0xa1: {  	s23 =	simm.s32 $0x1B8B  }
0xa2: {  	_ =	swait.ge [sflag:s23], $0x1  }
0xa3: {  	[sflag:s23] =	ssyncset.done $0x0  }
0xa4: {  	s25 =	simm.s32 $0x1B8E;
	s24 =	sld [smem:$0x3FFE];
	[sflag:s23] =	ssyncadd.s32 $0xFFFFFFFF  }
0xa5: {  	s26 =	simm.s32 $execute0_lowered;
	[smem:$0x3FD2] =	sst s25  }
0xa6: {  	s4 =	sshll.u32 s26, $0x1;
	_ =	strace $0x80000046;
	[dreg:$0x1] =	wrdreg $0xFFFFFFFF  }
0xa7: {  	s28 =	simm.s32 $_size_execute0_lowered;
	s2 =	sadd.s32 s2, s4;
	[dreg:$0x0] =	wrdreg $0x0  }
0xa8: {  	s4 =	sshll.u32 s28, $0x1;
	[dreg:$0x2] =	wrdreg s2  }
0xa9: {  	[dreg:$0x3] =	wrdreg s4  }
0xaa: {  	[dreg:$0x4] =	wrdreg $0xC0  }
0xab: {  	_ =	task [dreg:s6], $0x5FFFF  }
0xac: {  	[dreg:$0x1] =	wrdreg $0xFFFFFFFF  }
0xad: {  	[dreg:$0x0] =	wrdreg $0x60  }
0xae: {  	[dreg:$0x2] =	wrdreg s24  }
0xaf: {  	[dreg:$0x3] =	wrdreg $0x9  }
0xb0: {  	_ =	task.clear_ibuf [dreg:s6], $0x4FFFF;
	_ =	strace $0x90000046  }
0xb1: {  	s29 =	simm.s32 $0x9;
	_ =	strace $0x80000048  }
0xb2: {  	_ =	swait.ge [sflag:s29], $0x1  }
0xb3: {  	[sflag:s29] =	ssyncadd.s32 $0xFFFFFFFF  }
0xb4: {  	_ =	strace $0x90000048  }
0xb5: {  	_ =	sfence  }
0xb6: {  	s30 =	sld [smem:$0x0];
	_ =	sdelay $0x2  }
0xb7: {  	s31 =	sshll.u32 s1, $0xD;
	s1 =	sshrl.u32 s1, $0x2  }
0xb8: {  	s3 =	sand.u32 $0x4000, s31;
	s1 =	sadd.s32 s1, s30  }
0xb9: {  	s0 =	sor.u32 s3, s0;
	s1 =	sshll.u32 s1, $0x11  }
0xba: {  	s0 =	sor.u32 s1, s0  }
0xbb: {  	s0 =	sadd.s32 $0x8F2B, s0  }
0xbc: {  	[sflag:s0] =	ssyncadd.remote.s32 $0x1  }
0xbd: {  	_ =	sfence.sel $0xFFFF  }
0xbe: {  	[dreg:$0x0] =	wrdreg $0xFFFFFFFF;
	(pc) =	sbr.abs _section_cstart, $3  }
0xbf: {  	[dreg:$0x1] =	wrdreg $0xFFFFFFFF  }
0xc0: {  	_ =	task.clear_ibuf [dreg:s6], $0x2FFFF;
	_ =	strace $0x9FFFFFFF  }
0xc1: {  	(tm) =	ssettm $0x7FFFFFFF  }
tec
execute0_lowered:
.L_overlay_start_1:
0x0: {  	(tag) =	ssettag $0x1  }
0x1: {  	s4 =	rddreg [dreg:$0x0];
	s2 =	simm.s32 $0x0;
	s3 =	srdreg.scid  }
0x2: {  	s1 =	stileid.u32;
	s28 =	simm.s32 $0x300;
	s29 =	simm.s32 $0x1400  }
0x3: {  	s30 =	simm.s32 $0x1800;
	s31 =	simm.s32 $0x1880;
	[smem:$0x7FF] =	sst s2  }
0x4: {  	s5 =	sand.u32 $0x1, s3;
	s3 =	sadd.s32 $0xA00, s4;
	s11 =	sadd.s32 $0x184600, s4  }
0x5: {  	s25 =	sshll.u32 s1, $0x1;
	s12 =	sadd.s32 $0x18BA00, s4;
	s10 =	sadd.s32 $0x18D200, s4  }
0x6: {  	s6 =	sshrl.u32 s1, $0x1;
	s14 =	sadd.s32 $0x18CA00, s4;
	s15 =	sadd.s32 $0x18CE00, s4  }
0x7: {  	_ =	strace $0x80000047;
	s8 =	sor.u32 s5, s25;
	s9 =	sshll.u32 s6, $0xA  }
0x8: {  	s5 =	ssub.s32 $0x2, s5;
	s18 =	smul.u32 $0x7400, s6;
	s21 =	sshll.u32 s6, $0xC  }
0x9: {  	s7 =	sshll.u32 s8, $0x8;
	s16 =	sshll.u32 s8, $0x4;
	s26 =	sshrl.u32 s5, $0x1  }
0xa: {  	s19 =	sshllo.u32 s8, $0x1;
	s22 =	smul.u32 $0x286E0, s8;
	s7 =	sand.u32 $0x300, s7  }
0xb: {  	s16 =	sadd.s32 s16, s4;
	s0 =	ssub.s32 s5, s26;
	s23 =	sshll.u32 s19, $0x7  }
0xc: {  	s13 =	sor.u32 s9, s7;
	s20 =	sor.u32 s18, s7;
	s7 =	sor.u32 s21, s7  }
0xd: {  	v0 =	vmov s22;
	s22 =	simm.s32 $0x70;
	s13 =	sshrl.u32 s13, $0x3;
	s24 =	sshrl.u32 s20, $0x3  }
0xe: {  	s7 =	sshrl.u32 s7, $0x3;
	s20 =	simm.s32 $0x380;
	s17 =	sadd.s32 s14, s13  }
0xf: {  	s4 =	sadd.s32 s15, s13;
	s5 =	sadd.s32 s10, s13;
	s13 =	sand.u32 $0x380, s23  }
0x10: {  	s6 =	sadd.s32 s11, s24;
	s7 =	sadd.s32 s12, s7;
	s23 =	simm.s32 $0x180  }
0x11: {  	s24 =	simm.s32 $0x280;
	[dreg:$0x2] =	wrdreg s17;
	s9 =	sor.u32 s9, s13  }
0x12: {  	s26 =	sor.u32 s18, s13;
	s13 =	sor.u32 s21, s13;
	s17 =	simm.s32 $0x80  }
0x13: {  	s18 =	simm.s32 $0x100;
	s21 =	simm.s32 $0x1200;
	s25 =	sshrl.u32 s9, $0x3  }
0x14: {  	s13 =	sshrl.u32 s13, $0x3;
	s8 =	sadd.s32 s14, s25;
	s9 =	sadd.s32 s15, s25  }
0x15: {  	s10 =	sadd.s32 s10, s25;
	s14 =	sshrl.u32 s26, $0x3;
	s25 =	smul.u32 $0x14370, s19  }
0x16: {  	s12 =	sadd.s32 s12, s13;
	s13 =	sadd.s32 $0x18D600, s16;
	s15 =	smax.u32 s0, $0x1  }
0x17: {  	v4 =	vimm.f32 $0.0e+00;
	s19 =	simm.s32 $0x400;
	s26 =	simm.s32 $0x200;
	s11 =	sadd.s32 s11, s14;
	v2 =	vmov s25  }
0x18: {  	vm0 =	vmmov $0xf;
	v58 =	vadd.s32 $0x5B, v0;
	s14 =	sadd.s32 $0x18D800, s16;
	s16 =	simm.s32 $0x2;
	s25 =	simm.s32 $0x1;
	v3 =	vadd.s32 $0x5B, v2  }
.LBB2_1:
0x19: {  	s0 =	rddreg [dreg:$0x2]  }
0x1a: {  	[tilespmem:s2], [sflag:$0x2] =	stream.linear.gather [hbm4b:s0+s2], $0x80, $0x38;
	[tilespmem:$0x1900] =	vst v63  }
0x1b: {  	_ =	swait.ge [sflag:s16], $0x80  }
0x1c: {  	[sflag:s16] =	ssyncset.done $0x0  }
0x1d: {  	[sflag:s16] =	ssyncadd.s32 $0xFFFFFF80  }
0x1e: {  	[tilespmem:s17], [sflag:$0x2] =	stream.linear.gather [hbm4b:s4+s2], $0x80, $0x38;
	[tilespmem:$0x1900] =	vst v63  }
0x1f: {  	_ =	swait.ge [sflag:s16], $0x80  }
0x20: {  	[sflag:s16] =	ssyncset.done $0x0  }
0x21: {  	[sflag:s16] =	ssyncadd.s32 $0xFFFFFF80  }
0x22: {  	[tilespmem:s18], [sflag:$0x2] =	stream.linear.gather [hbm4b:s5+s2], $0x80, $0x38;
	[tilespmem:$0x1900] =	vst v63  }
0x23: {  	_ =	swait.ge [sflag:s16], $0x80  }
0x24: {  	[sflag:s16] =	ssyncset.done $0x0  }
0x25: {  	[sflag:s16] =	ssyncadd.s32 $0xFFFFFF80  }
0x26: {  	[tilespmem:s20], [sflag:$0x2] =	stream.strided.gather [hbm4b:s6+s17], $0xE80, s19, s17, $0x38;
	[tilespmem:$0x1900] =	vst v63  }
0x27: {  	_ =	swait.ge [sflag:s16], $0xE80  }
0x28: {  	[sflag:s16] =	ssyncset.done $0x0  }
0x29: {  	[sflag:s16] =	ssyncadd.s32 $0xFFFFF180  }
0x2a: {  	[tilespmem:s21], [sflag:$0x2] =	stream.strided.gather [hbm4b:s7+s17], $0x200, s19, s17, $0x38;
	[tilespmem:$0x1900] =	vst v63  }
0x2b: {  	_ =	swait.ge [sflag:s16], $0x200  }
0x2c: {  	[sflag:s16] =	ssyncset.done $0x0  }
0x2d: {  	[sflag:s16] =	ssyncadd.s32 $0xFFFFFE00  }
0x2e: {  	v1 =	vld [tilespmem:$0x80];
	_ =	sdelay $0x6  }
0x2f: {  	v5 =	vld [tilespmem:$0x0]  }
0x30: {  	v1 =	vld.idx.msk [tilespmem:v1+s18+$0x0], $0xffff;
	_ =	sdelay $0x2  }
0x31: {  	v6 =	vld [tilespmem:$0x90];
	_ =	sdelay $0x1  }
0x32: {  	v5 =	vmul.u32 $0x5C, v5;
	v1 =	vtrunc.f32 v1  }
0x33: {  	v1 =	vcvt.f32.s32 v1  }
0x34: {  	v7 =	vadd.s32 v0, v5  }
0x35: {  	v1 =	vadd.s32 v1, v7  }
0x36: {  	[tilespmem:$0x180] =	vst v1;
	v1 =	vadd.s32 v58, v5  }
0x37: {  	[tilespmem:$0x200] =	vst v1;
	v1 =	vld [tilespmem:$0x10]  }
0x38: {  	v5 =	vld.idx.msk [tilespmem:v6+s18+$0x0], $0xffff;
	_ =	sdelay $0x1  }
0x39: {  	v6 =	vld [tilespmem:$0xA0];
	_ =	sdelay $0x2  }
0x3a: {  	v1 =	vmul.u32 $0x5C, v1;
	v5 =	vtrunc.f32 v5  }
0x3b: {  	v5 =	vcvt.f32.s32 v5  }
0x3c: {  	v7 =	vadd.s32 v0, v1;
	v1 =	vadd.s32 v58, v1  }
0x3d: {  	[tilespmem:$0x210] =	vst v1;
	v5 =	vadd.s32 v5, v7  }
0x3e: {  	v1 =	vld [tilespmem:$0x20];
	[tilespmem:$0x190] =	vst v5  }
0x3f: {  	v5 =	vld.idx.msk [tilespmem:v6+s18+$0x0], $0xffff;
	_ =	sdelay $0x4  }
0x40: {  	v1 =	vmul.u32 $0x5C, v1;
	v5 =	vtrunc.f32 v5  }
0x41: {  	v5 =	vcvt.f32.s32 v5  }
0x42: {  	v6 =	vadd.s32 v0, v1  }
0x43: {  	v5 =	vadd.s32 v5, v6  }
0x44: {  	[tilespmem:$0x1A0] =	vst v5;
	v5 =	vld [tilespmem:$0xB0];
	_ =	sdelay $0x5  }
0x45: {  	v1 =	vadd.s32 v58, v1  }
0x46: {  	[tilespmem:$0x220] =	vst v1;
	v1 =	vld [tilespmem:$0x30]  }
0x47: {  	v5 =	vld.idx.msk [tilespmem:v5+s18+$0x0], $0xffff;
	_ =	sdelay $0x1  }
0x48: {  	v6 =	vld [tilespmem:$0xC0];
	_ =	sdelay $0x2  }
0x49: {  	v1 =	vmul.u32 $0x5C, v1;
	v5 =	vtrunc.f32 v5  }
0x4a: {  	v5 =	vcvt.f32.s32 v5  }
0x4b: {  	v7 =	vadd.s32 v0, v1;
	v1 =	vadd.s32 v58, v1  }
0x4c: {  	[tilespmem:$0x230] =	vst v1;
	v5 =	vadd.s32 v5, v7  }
0x4d: {  	v1 =	vld [tilespmem:$0x40];
	[tilespmem:$0x1B0] =	vst v5  }
0x4e: {  	v5 =	vld.idx.msk [tilespmem:v6+s18+$0x0], $0xffff;
	_ =	sdelay $0x1  }
0x4f: {  	v6 =	vld [tilespmem:$0xD0];
	_ =	sdelay $0x2  }
0x50: {  	v1 =	vmul.u32 $0x5C, v1;
	v5 =	vtrunc.f32 v5  }
0x51: {  	v5 =	vcvt.f32.s32 v5  }
0x52: {  	v7 =	vadd.s32 v0, v1;
	v1 =	vadd.s32 v58, v1  }
0x53: {  	[tilespmem:$0x240] =	vst v1;
	v5 =	vadd.s32 v5, v7  }
0x54: {  	v1 =	vld [tilespmem:$0x50];
	[tilespmem:$0x1C0] =	vst v5  }
0x55: {  	v5 =	vld.idx.msk [tilespmem:v6+s18+$0x0], $0xffff;
	_ =	sdelay $0x1  }
0x56: {  	v6 =	vld [tilespmem:$0xE0];
	_ =	sdelay $0x2  }
0x57: {  	v1 =	vmul.u32 $0x5C, v1;
	v5 =	vtrunc.f32 v5  }
0x58: {  	v5 =	vcvt.f32.s32 v5  }
0x59: {  	v7 =	vadd.s32 v0, v1;
	v1 =	vadd.s32 v58, v1  }
0x5a: {  	[tilespmem:$0x250] =	vst v1;
	v5 =	vadd.s32 v5, v7  }
0x5b: {  	v1 =	vld [tilespmem:$0x60];
	[tilespmem:$0x1D0] =	vst v5  }
0x5c: {  	v5 =	vld.idx.msk [tilespmem:v6+s18+$0x0], $0xffff;
	_ =	sdelay $0x4  }
0x5d: {  	v1 =	vmul.u32 $0x5C, v1;
	v5 =	vtrunc.f32 v5  }
0x5e: {  	v5 =	vcvt.f32.s32 v5  }
0x5f: {  	v6 =	vadd.s32 v0, v1;
	v1 =	vadd.s32 v58, v1  }
0x60: {  	[tilespmem:$0x260] =	vst v1;
	v5 =	vadd.s32 v5, v6  }
0x61: {  	[tilespmem:$0x1E0] =	vst v5  }
0x62: {  	[tilespmem:s24], [sflag:$0x1] =	stream.indirect.gather [hbm4b:s3+s22], $0x1, s23, s22, $0xb8;
	[tilespmem:$0x1900] =	vst v63  }
0x63: {  	_ =	swait.ge [sflag:s25], $0x70  }
0x64: {  	[sflag:s25] =	ssyncset.done $0x0  }
0x65: {  	[sflag:s25] =	ssyncadd.s32 $0xFFFFFF90  }
0x66: {  	[tilespmem:s28], [sflag:$0x1] =	stream.indirect.gather [hbm4b:s3+s22], $0x1, s26, s22, $0xb8;
	[tilespmem:$0x1900] =	vst v63  }
0x67: {  	_ =	swait.ge [sflag:s25], $0x70  }
0x68: {  	[sflag:s25] =	ssyncset.done $0x0  }
0x69: {  	[sflag:s25] =	ssyncadd.s32 $0xFFFFFF90  }
0x6a: {  	[tilespmem:$0x1400] =	vst v4  }
0x6b: {  	[tilespmem:$0x1410] =	vst v4  }
0x6c: {  	[tilespmem:$0x1420] =	vst v4  }
0x6d: {  	[tilespmem:$0x1430] =	vst v4  }
0x6e: {  	[tilespmem:$0x1440] =	vst v4  }
0x6f: {  	[tilespmem:$0x1450] =	vst v4  }
0x70: {  	[tilespmem:$0x1460] =	vst v4  }
0x71: {  	[tilespmem:$0x1470] =	vst v4  }
0x72: {  	[tilespmem:$0x1480] =	vst v4  }
0x73: {  	[tilespmem:$0x1490] =	vst v4  }
0x74: {  	[tilespmem:$0x14A0] =	vst v4  }
0x75: {  	[tilespmem:$0x14B0] =	vst v4  }
0x76: {  	[tilespmem:$0x14C0] =	vst v4  }
0x77: {  	[tilespmem:$0x14D0] =	vst v4  }
0x78: {  	[tilespmem:$0x14E0] =	vst v4  }
0x79: {  	[tilespmem:$0x14F0] =	vst v4  }
0x7a: {  	[tilespmem:$0x1500] =	vst v4  }
0x7b: {  	[tilespmem:$0x1510] =	vst v4  }
0x7c: {  	[tilespmem:$0x1520] =	vst v4  }
0x7d: {  	[tilespmem:$0x1530] =	vst v4  }
0x7e: {  	[tilespmem:$0x1540] =	vst v4  }
0x7f: {  	[tilespmem:$0x1550] =	vst v4  }
0x80: {  	[tilespmem:$0x1560] =	vst v4  }
0x81: {  	[tilespmem:$0x1570] =	vst v4  }
0x82: {  	[tilespmem:$0x1580] =	vst v4  }
0x83: {  	[tilespmem:$0x1590] =	vst v4  }
0x84: {  	[tilespmem:$0x15A0] =	vst v4  }
0x85: {  	[tilespmem:$0x15B0] =	vst v4  }
0x86: {  	[tilespmem:$0x15C0] =	vst v4  }
0x87: {  	[tilespmem:$0x15D0] =	vst v4  }
0x88: {  	[tilespmem:$0x15E0] =	vst v4  }
0x89: {  	[tilespmem:$0x15F0] =	vst v4  }
0x8a: {  	[tilespmem:$0x1600] =	vst v4  }
0x8b: {  	[tilespmem:$0x1610] =	vst v4  }
0x8c: {  	[tilespmem:$0x1620] =	vst v4  }
0x8d: {  	[tilespmem:$0x1630] =	vst v4  }
0x8e: {  	[tilespmem:$0x1640] =	vst v4  }
0x8f: {  	[tilespmem:$0x1650] =	vst v4  }
0x90: {  	[tilespmem:$0x1660] =	vst v4  }
0x91: {  	[tilespmem:$0x1670] =	vst v4  }
0x92: {  	[tilespmem:$0x1680] =	vst v4  }
0x93: {  	[tilespmem:$0x1690] =	vst v4  }
0x94: {  	[tilespmem:$0x16A0] =	vst v4  }
0x95: {  	[tilespmem:$0x16B0] =	vst v4  }
0x96: {  	[tilespmem:$0x16C0] =	vst v4  }
0x97: {  	[tilespmem:$0x16D0] =	vst v4  }
0x98: {  	[tilespmem:$0x16E0] =	vst v4  }
0x99: {  	[tilespmem:$0x16F0] =	vst v4  }
0x9a: {  	[tilespmem:$0x1700] =	vst v4;
	v5 =	vld [tilespmem:$0x300]  }
0x9b: {  	v1 =	vld [tilespmem:$0x0];
	[tilespmem:$0x1710] =	vst v4  }
0x9c: {  	[tilespmem:$0x1720] =	vst v4;
	v7 =	vld [tilespmem:$0x280]  }
0x9d: {  	[tilespmem:$0x1730] =	vst v4  }
0x9e: {  	v6 =	vld [tilespmem:$0x80];
	[tilespmem:$0x1740] =	vst v4  }
0x9f: {  	[tilespmem:$0x1750] =	vst v4;
	v5 =	vmul.f32 $1.000000010e-01, v5  }
0xa0: {  	[tilespmem:$0x1760] =	vst v4  }
0xa1: {  	[tilespmem:$0x1770] =	vst v4;
	v5 =	vsub.f32 v5, v7  }
0xa2: {  	[tilespmem:$0x1780] =	vst v4;
	v8 =	vshll.u32 v1, $0x2  }
0xa3: {  	v6 =	vshll.u32 v6, $0x2;
	[tilespmem:v1+s29+$0x0] =	vst.idx.msk $0xffff, v5;
	v1 =	vor.u32 $0x1, v8  }
0xa4: {  	v5 =	vor.u32 $0x1, v6;
	_ =	sdelay $0x3  }
0xa5: {  	v1 =	vld.idx.msk [tilespmem:v1+s20+$0x0], $0xffff  }
0xa6: {  	v9 =	vor.u32 $0x2, v8;
	v5 =	vld.idx.msk [tilespmem:v5+s21+$0x0], $0xffff;
	_ =	sdelay $0x2  }
0xa7: {  	v7 =	vld [tilespmem:$0x10]  }
0xa8: {  	v10 =	vld [tilespmem:$0x310];
	[tilespmem:$0x1F950] =	vst v1  }
0xa9: {  	v1 =	vor.u32 $0x3, v6;
	[tilespmem:$0x1F960] =	vst v5;
	v5 =	vld.idx.msk [tilespmem:v9+s20+$0x0], $0xffff  }
0xaa: {  	v59 =	vld.idx.msk [tilespmem:v8+s20+$0x0], $0xffff  }
0xab: {  	v13 =	vld [tilespmem:$0x290]  }
0xac: {  	v11 =	vor.u32 $0x2, v6;
	v60 =	vld.idx.msk [tilespmem:v6+s21+$0x0], $0xffff  }
0xad: {  	v12 =	vld [tilespmem:$0x90];
	v8 =	vor.u32 $0x3, v8  }
0xae: {  	v6 =	vshll.u32 v7, $0x2;
	[tilespmem:$0x1F970] =	vst v5;
	v5 =	vmul.f32 $1.000000010e-01, v10;
	v1 =	vld.idx.msk [tilespmem:v1+s21+$0x0], $0xffff;
	_ =	sdelay $0x1  }
0xaf: {  	v5 =	vsub.f32 v5, v13  }
0xb0: {  	v31 =	vld.idx.msk [tilespmem:v11+s21+$0x0], $0xffff  }
0xb1: {  	v8 =	vld.idx.msk [tilespmem:v8+s20+$0x0], $0xffff;
	[tilespmem:v7+s29+$0x0] =	vst.idx.msk $0xffff, v5  }
0xb2: {  	v32 =	vshll.u32 v12, $0x2;
	[tilespmem:$0x1F9B0] =	vst v1;
	v1 =	vld.idx.msk [tilespmem:v6+s20+$0x0], $0xffff;
	_ =	sdelay $0x4  }
0xb3: {  	[tilespmem:$0x1F9D0] =	vst v1;
	v1 =	vld.idx.msk [tilespmem:v32+s21+$0x0], $0xffff;
	_ =	sdelay $0x3  }
0xb4: {  	v5 =	vor.u32 $0x1, v32  }
0xb5: {  	[tilespmem:$0x1F9E0] =	vst v1;
	v1 =	vor.u32 $0x1, v6;
	_ =	sdelay $0x3  }
0xb6: {  	v5 =	vld.idx.msk [tilespmem:v5+s21+$0x0], $0xffff  }
0xb7: {  	v33 =	vor.u32 $0x2, v6;
	v1 =	vld.idx.msk [tilespmem:v1+s20+$0x0], $0xffff;
	_ =	sdelay $0x2  }
0xb8: {  	v7 =	vld [tilespmem:$0x20]  }
0xb9: {  	v34 =	vld [tilespmem:$0x320];
	[tilespmem:$0x1FA10] =	vst v5  }
0xba: {  	v5 =	vld.idx.msk [tilespmem:v33+s20+$0x0], $0xffff;
	[tilespmem:$0x1FA00] =	vst v1;
	v1 =	vor.u32 $0x3, v32;
	_ =	sdelay $0x1  }
0xbb: {  	v37 =	vld [tilespmem:$0x2A0]  }
0xbc: {  	v35 =	vor.u32 $0x2, v32  }
0xbd: {  	v36 =	vld [tilespmem:$0xA0];
	v6 =	vor.u32 $0x3, v6  }
0xbe: {  	v38 =	vshll.u32 v7, $0x2;
	[tilespmem:$0x1FA30] =	vst v5;
	v5 =	vmul.f32 $1.000000010e-01, v34;
	v1 =	vld.idx.msk [tilespmem:v1+s21+$0x0], $0xffff;
	_ =	sdelay $0x1  }
0xbf: {  	v5 =	vsub.f32 v5, v37  }
0xc0: {  	v39 =	vld.idx.msk [tilespmem:v35+s21+$0x0], $0xffff  }
0xc1: {  	v6 =	vld.idx.msk [tilespmem:v6+s20+$0x0], $0xffff;
	[tilespmem:v7+s29+$0x0] =	vst.idx.msk $0xffff, v5  }
0xc2: {  	v40 =	vshll.u32 v36, $0x2;
	[tilespmem:$0x1FA70] =	vst v1;
	v1 =	vld.idx.msk [tilespmem:v38+s20+$0x0], $0xffff;
	_ =	sdelay $0x4  }
0xc3: {  	[tilespmem:$0x1FA90] =	vst v1;
	v1 =	vld.idx.msk [tilespmem:v40+s21+$0x0], $0xffff;
	_ =	sdelay $0x3  }
0xc4: {  	v5 =	vor.u32 $0x1, v40  }
0xc5: {  	[tilespmem:$0x1FAA0] =	vst v1;
	v1 =	vor.u32 $0x1, v38;
	_ =	sdelay $0x3  }
0xc6: {  	v5 =	vld.idx.msk [tilespmem:v5+s21+$0x0], $0xffff  }
0xc7: {  	v7 =	vor.u32 $0x2, v38;
	v1 =	vld.idx.msk [tilespmem:v1+s20+$0x0], $0xffff;
	_ =	sdelay $0x2  }
0xc8: {  	[tilespmem:$0x1FA60] =	vst v6;
	v6 =	vld [tilespmem:$0x30]  }
0xc9: {  	v41 =	vld [tilespmem:$0x330];
	[tilespmem:$0x1FAD0] =	vst v5  }
0xca: {  	v5 =	vld.idx.msk [tilespmem:v7+s20+$0x0], $0xffff;
	[tilespmem:$0x1FAC0] =	vst v1;
	v1 =	vor.u32 $0x3, v40;
	_ =	sdelay $0x1  }
0xcb: {  	v44 =	vld [tilespmem:$0x2B0]  }
0xcc: {  	v42 =	vor.u32 $0x2, v40  }
0xcd: {  	[tilespmem:$0x1F9A0] =	vst v8;
	v8 =	vor.u32 $0x3, v38;
	v43 =	vld [tilespmem:$0xB0]  }
0xce: {  	v7 =	vshll.u32 v6, $0x2;
	[tilespmem:$0x1FAF0] =	vst v5;
	v5 =	vmul.f32 $1.000000010e-01, v41;
	v1 =	vld.idx.msk [tilespmem:v1+s21+$0x0], $0xffff;
	_ =	sdelay $0x1  }
0xcf: {  	v5 =	vsub.f32 v5, v44  }
0xd0: {  	v45 =	vld.idx.msk [tilespmem:v42+s21+$0x0], $0xffff  }
0xd1: {  	v8 =	vld.idx.msk [tilespmem:v8+s20+$0x0], $0xffff;
	[tilespmem:v6+s29+$0x0] =	vst.idx.msk $0xffff, v5  }
0xd2: {  	v46 =	vshll.u32 v43, $0x2;
	[tilespmem:$0x1FB30] =	vst v1;
	v1 =	vld.idx.msk [tilespmem:v7+s20+$0x0], $0xffff;
	_ =	sdelay $0x4  }
0xd3: {  	[tilespmem:$0x1FB50] =	vst v1;
	v1 =	vld.idx.msk [tilespmem:v46+s21+$0x0], $0xffff;
	_ =	sdelay $0x3  }
0xd4: {  	v5 =	vor.u32 $0x1, v46  }
0xd5: {  	[tilespmem:$0x1FB60] =	vst v1;
	v1 =	vor.u32 $0x1, v7;
	_ =	sdelay $0x3  }
0xd6: {  	v5 =	vld.idx.msk [tilespmem:v5+s21+$0x0], $0xffff  }
0xd7: {  	v47 =	vor.u32 $0x2, v7;
	v1 =	vld.idx.msk [tilespmem:v1+s20+$0x0], $0xffff;
	_ =	sdelay $0x2  }
0xd8: {  	v6 =	vld [tilespmem:$0x40]  }
0xd9: {  	v48 =	vld [tilespmem:$0x340];
	[tilespmem:$0x1FB90] =	vst v5  }
0xda: {  	v5 =	vld.idx.msk [tilespmem:v47+s20+$0x0], $0xffff;
	[tilespmem:$0x1FB80] =	vst v1;
	v1 =	vor.u32 $0x3, v46;
	_ =	sdelay $0x1  }
0xdb: {  	v51 =	vld [tilespmem:$0x2C0]  }
0xdc: {  	v49 =	vor.u32 $0x2, v46  }
0xdd: {  	v50 =	vld [tilespmem:$0xC0];
	v7 =	vor.u32 $0x3, v7  }
0xde: {  	v52 =	vshll.u32 v6, $0x2;
	[tilespmem:$0x1FBB0] =	vst v5;
	v5 =	vmul.f32 $1.000000010e-01, v48;
	v1 =	vld.idx.msk [tilespmem:v1+s21+$0x0], $0xffff;
	_ =	sdelay $0x1  }
0xdf: {  	v5 =	vsub.f32 v5, v51  }
0xe0: {  	v53 =	vld.idx.msk [tilespmem:v49+s21+$0x0], $0xffff  }
0xe1: {  	v7 =	vld.idx.msk [tilespmem:v7+s20+$0x0], $0xffff;
	[tilespmem:v6+s29+$0x0] =	vst.idx.msk $0xffff, v5  }
0xe2: {  	v54 =	vshll.u32 v50, $0x2;
	[tilespmem:$0x1FBF0] =	vst v1;
	v1 =	vld.idx.msk [tilespmem:v52+s20+$0x0], $0xffff;
	_ =	sdelay $0x4  }
0xe3: {  	[tilespmem:$0x1FC10] =	vst v1;
	v1 =	vld.idx.msk [tilespmem:v54+s21+$0x0], $0xffff;
	_ =	sdelay $0x3  }
0xe4: {  	v5 =	vor.u32 $0x1, v54  }
0xe5: {  	[tilespmem:$0x1FC20] =	vst v1;
	v1 =	vor.u32 $0x1, v52;
	_ =	sdelay $0x3  }
0xe6: {  	v5 =	vld.idx.msk [tilespmem:v5+s21+$0x0], $0xffff  }
0xe7: {  	[tilespmem:$0x1FBE0] =	vst v7;
	v7 =	vor.u32 $0x2, v52;
	v1 =	vld.idx.msk [tilespmem:v1+s20+$0x0], $0xffff;
	_ =	sdelay $0x2  }
0xe8: {  	v6 =	vld [tilespmem:$0x50]  }
0xe9: {  	v55 =	vld [tilespmem:$0x350];
	[tilespmem:$0x1FC50] =	vst v5  }
0xea: {  	v5 =	vld.idx.msk [tilespmem:v7+s20+$0x0], $0xffff;
	[tilespmem:$0x1FC40] =	vst v1;
	v1 =	vor.u32 $0x3, v54;
	_ =	sdelay $0x1  }
0xeb: {  	v61 =	vld [tilespmem:$0x2D0]  }
0xec: {  	v56 =	vor.u32 $0x2, v54  }
0xed: {  	[tilespmem:$0x1FB20] =	vst v8;
	v8 =	vor.u32 $0x3, v52;
	v57 =	vld [tilespmem:$0xD0]  }
0xee: {  	v7 =	vshll.u32 v6, $0x2;
	[tilespmem:$0x1FC70] =	vst v5;
	v5 =	vmul.f32 $1.000000010e-01, v55;
	v1 =	vld.idx.msk [tilespmem:v1+s21+$0x0], $0xffff;
	_ =	sdelay $0x1  }
0xef: {  	v5 =	vsub.f32 v5, v61  }
0xf0: {  	v62 =	vld.idx.msk [tilespmem:v56+s21+$0x0], $0xffff  }
0xf1: {  	v8 =	vld.idx.msk [tilespmem:v8+s20+$0x0], $0xffff;
	[tilespmem:v6+s29+$0x0] =	vst.idx.msk $0xffff, v5  }
0xf2: {  	v63 =	vshll.u32 v57, $0x2;
	[tilespmem:$0x1FCB0] =	vst v1;
	v1 =	vld.idx.msk [tilespmem:v7+s20+$0x0], $0xffff;
	_ =	sdelay $0x4  }
0xf3: {  	[tilespmem:$0x1FCD0] =	vst v1;
	v1 =	vld.idx.msk [tilespmem:v63+s21+$0x0], $0xffff;
	_ =	sdelay $0x2  }
0xf4: {  	v5 =	vor.u32 $0x1, v63;
	_ =	sdelay $0x1  }
0xf5: {  	[tilespmem:$0x1FCE0] =	vst v1;
	v1 =	vor.u32 $0x1, v7;
	_ =	sdelay $0x2  }
0xf6: {  	v16 =	vor.u32 $0x2, v7;
	v5 =	vld.idx.msk [tilespmem:v5+s21+$0x0], $0xffff;
	_ =	sdelay $0x1  }
0xf7: {  	v1 =	vld.idx.msk [tilespmem:v1+s20+$0x0], $0xffff  }
0xf8: {  	v6 =	vld [tilespmem:$0x60]  }
0xf9: {  	v17 =	vld [tilespmem:$0x360]  }
0xfa: {  	[tilespmem:$0x1FD10] =	vst v5;
	v5 =	vld.idx.msk [tilespmem:v16+s20+$0x0], $0xffff;
	_ =	sdelay $0x1  }
0xfb: {  	v20 =	vld [tilespmem:$0x2E0];
	[tilespmem:$0x1FD00] =	vst v1;
	v1 =	vor.u32 $0x3, v63  }
0xfc: {  	v18 =	vor.u32 $0x2, v63  }
0xfd: {  	[tilespmem:$0x1F980] =	vst v31;
	v7 =	vor.u32 $0x3, v7  }
0xfe: {  	v21 =	vshll.u32 v6, $0x2;
	[tilespmem:$0x1FD30] =	vst v5;
	v5 =	vmul.f32 $1.000000010e-01, v17  }
0xff: {  	[tilespmem:$0x1FA40] =	vst v39;
	v19 =	vld [tilespmem:$0xE0]  }
0x100: {  	[tilespmem:$0x1FB00] =	vst v45;
	v5 =	vsub.f32 v5, v20;
	v1 =	vld.idx.msk [tilespmem:v1+s21+$0x0], $0xffff  }
0x101: {  	[tilespmem:$0x1FBC0] =	vst v53;
	v22 =	vld.idx.msk [tilespmem:v18+s21+$0x0], $0xffff  }
0x102: {  	v7 =	vld.idx.msk [tilespmem:v7+s20+$0x0], $0xffff;
	[tilespmem:v6+s29+$0x0] =	vst.idx.msk $0xf, v5  }
0x103: {  	[tilespmem:$0x1FC80] =	vst v62;
	v6 =	vld.idx.msk [tilespmem:v21+s20+$0x0], $0xffff  }
0x104: {  	[tilespmem:$0x1FCA0] =	vst v8;
	v23 =	vshll.u32 v19, $0x2  }
0x105: {  	[tilespmem:$0x1FD70] =	vst v1;
	v1 =	vor.u32 $0x1, v23  }
0x106: {  	[tilespmem:$0x1FD40] =	vst v22  }
0x107: {  	[tilespmem:$0x1FD60] =	vst v7  }
0x108: {  	[tilespmem:$0x1FD90] =	vst v6  }
0x109: {  	v24 =	vld.idx.msk [tilespmem:v23+s21+$0x0], $0xffff  }
0x10a: {  	v5 =	vor.u32 $0x2, v21;
	v1 =	vld.idx.msk [tilespmem:v1+s21+$0x0], $0xffff;
	_ =	sdelay $0x3  }
0x10b: {  	v7 =	vor.u32 $0x1, v21  }
0x10c: {  	v6 =	vor.u32 $0x2, v23;
	[tilespmem:$0x1FDD0] =	vst v1;
	v1 =	vld.idx.msk [tilespmem:v5+s20+$0x0], $0xffff;
	_ =	sdelay $0x3  }
0x10d: {  	v7 =	vld.idx.msk [tilespmem:v7+s20+$0x0], $0xffff  }
0x10e: {  	v8 =	vor.u32 $0x3, v21;
	[tilespmem:$0x1FDF0] =	vst v1;
	v1 =	vld.idx.msk [tilespmem:v6+s21+$0x0], $0xffff;
	_ =	sdelay $0x3  }
0x10f: {  	[tilespmem:$0x1FDC0] =	vst v7  }
0x110: {  	v7 =	vor.u32 $0x3, v23;
	[tilespmem:$0x1FE00] =	vst v1;
	v1 =	vld.idx.msk [tilespmem:v8+s20+$0x0], $0xffff;
	_ =	sdelay $0x4  }
0x111: {  	[tilespmem:$0x1FE20] =	vst v1;
	v1 =	vld.idx.msk [tilespmem:v7+s21+$0x0], $0xffff;
	_ =	sdelay $0x4  }
0x112: {  	[tilespmem:$0x1FE30] =	vst v1;
	v1 =	vld [tilespmem:$0x1440];
	_ =	sdelay $0x4  }
0x113: {  	[tilespmem:$0x1F990] =	vst v1;
	v1 =	vld [tilespmem:$0x1450];
	_ =	sdelay $0x4  }
0x114: {  	[tilespmem:$0x1F9C0] =	vst v1;
	v1 =	vld [tilespmem:$0x1460];
	_ =	sdelay $0x4  }
0x115: {  	[tilespmem:$0x1F9F0] =	vst v1;
	v1 =	vld [tilespmem:$0x1470];
	_ =	sdelay $0x4  }
0x116: {  	[tilespmem:$0x1FA20] =	vst v1;
	v1 =	vld [tilespmem:$0x1480];
	_ =	sdelay $0x4  }
0x117: {  	[tilespmem:$0x1FA50] =	vst v1;
	v1 =	vld [tilespmem:$0x1490];
	_ =	sdelay $0x4  }
0x118: {  	[tilespmem:$0x1FA80] =	vst v1;
	v1 =	vld [tilespmem:$0x14A0];
	_ =	sdelay $0x4  }
0x119: {  	[tilespmem:$0x1FAB0] =	vst v1;
	v1 =	vld [tilespmem:$0x14B0];
	_ =	sdelay $0x4  }
0x11a: {  	[tilespmem:$0x1FAE0] =	vst v1;
	v1 =	vld [tilespmem:$0x14C0];
	_ =	sdelay $0x4  }
0x11b: {  	[tilespmem:$0x1FB10] =	vst v1;
	v1 =	vld [tilespmem:$0x14D0];
	_ =	sdelay $0x4  }
0x11c: {  	[tilespmem:$0x1FB40] =	vst v1;
	v1 =	vld [tilespmem:$0x14E0];
	_ =	sdelay $0x4  }
0x11d: {  	[tilespmem:$0x1FB70] =	vst v1;
	v1 =	vld [tilespmem:$0x14F0];
	_ =	sdelay $0x4  }
0x11e: {  	[tilespmem:$0x1FBA0] =	vst v1;
	v1 =	vld [tilespmem:$0x1500];
	_ =	sdelay $0x4  }
0x11f: {  	[tilespmem:$0x1FBD0] =	vst v1;
	v1 =	vld [tilespmem:$0x1510];
	_ =	sdelay $0x4  }
0x120: {  	[tilespmem:$0x1FC00] =	vst v1;
	v1 =	vld [tilespmem:$0x1520];
	_ =	sdelay $0x4  }
0x121: {  	[tilespmem:$0x1FC30] =	vst v1;
	v1 =	vld [tilespmem:$0x1530];
	_ =	sdelay $0x4  }
0x122: {  	[tilespmem:$0x1FC60] =	vst v1;
	v1 =	vld [tilespmem:$0x1540];
	_ =	sdelay $0x4  }
0x123: {  	[tilespmem:$0x1FC90] =	vst v1;
	v1 =	vld [tilespmem:$0x1550];
	_ =	sdelay $0x4  }
0x124: {  	[tilespmem:$0x1FCC0] =	vst v1;
	v1 =	vld [tilespmem:$0x1560];
	_ =	sdelay $0x4  }
0x125: {  	[tilespmem:$0x1FCF0] =	vst v1;
	v1 =	vld [tilespmem:$0x1570];
	_ =	sdelay $0x4  }
0x126: {  	[tilespmem:$0x1FD20] =	vst v1;
	v1 =	vld [tilespmem:$0x1580];
	_ =	sdelay $0x4  }
0x127: {  	[tilespmem:$0x1FD50] =	vst v1;
	v1 =	vld [tilespmem:$0x1590];
	_ =	sdelay $0x4  }
0x128: {  	[tilespmem:$0x1FD80] =	vst v1;
	v1 =	vld [tilespmem:$0x15A0];
	_ =	sdelay $0x4  }
0x129: {  	[tilespmem:$0x1FDB0] =	vst v1;
	v1 =	vld [tilespmem:$0x15B0];
	_ =	sdelay $0x4  }
0x12a: {  	[tilespmem:$0x1FDE0] =	vst v1;
	v1 =	vld [tilespmem:$0x15C0];
	_ =	sdelay $0x4  }
0x12b: {  	[tilespmem:$0x1FE10] =	vst v1;
	v1 =	vld [tilespmem:$0x15D0];
	_ =	sdelay $0x4  }
0x12c: {  	[tilespmem:$0x1FE40] =	vst v1;
	v1 =	vld [tilespmem:$0x15E0];
	_ =	sdelay $0x4  }
0x12d: {  	[tilespmem:$0x1FE50] =	vst v1;
	v1 =	vld [tilespmem:$0x15F0];
	_ =	sdelay $0x4  }
0x12e: {  	[tilespmem:$0x1FE60] =	vst v1;
	v1 =	vld [tilespmem:$0x1600];
	_ =	sdelay $0x4  }
0x12f: {  	[tilespmem:$0x1FE70] =	vst v1;
	v1 =	vld [tilespmem:$0x1610];
	_ =	sdelay $0x4  }
0x130: {  	[tilespmem:$0x1FE80] =	vst v1;
	v1 =	vld [tilespmem:$0x1620];
	_ =	sdelay $0x4  }
0x131: {  	[tilespmem:$0x1FE90] =	vst v1;
	v1 =	vld [tilespmem:$0x1630];
	_ =	sdelay $0x4  }
0x132: {  	[tilespmem:$0x1FEA0] =	vst v1;
	v1 =	vld [tilespmem:$0x1640];
	_ =	sdelay $0x4  }
0x133: {  	[tilespmem:$0x1FEB0] =	vst v1;
	v1 =	vld [tilespmem:$0x1650];
	_ =	sdelay $0x4  }
0x134: {  	[tilespmem:$0x1FEC0] =	vst v1;
	v1 =	vld [tilespmem:$0x1660];
	_ =	sdelay $0x4  }
0x135: {  	[tilespmem:$0x1FED0] =	vst v1;
	v1 =	vld [tilespmem:$0x1670];
	_ =	sdelay $0x4  }
0x136: {  	[tilespmem:$0x1FEE0] =	vst v1;
	v1 =	vld [tilespmem:$0x1680];
	_ =	sdelay $0x4  }
0x137: {  	[tilespmem:$0x1FEF0] =	vst v1;
	v1 =	vld [tilespmem:$0x1690];
	_ =	sdelay $0x4  }
0x138: {  	[tilespmem:$0x1FF00] =	vst v1;
	v1 =	vld [tilespmem:$0x16A0];
	_ =	sdelay $0x4  }
0x139: {  	[tilespmem:$0x1FF10] =	vst v1;
	v1 =	vld [tilespmem:$0x16B0];
	_ =	sdelay $0x4  }
0x13a: {  	[tilespmem:$0x1FF20] =	vst v1;
	v1 =	vld [tilespmem:$0x16C0];
	_ =	sdelay $0x4  }
0x13b: {  	[tilespmem:$0x1FF30] =	vst v1;
	v1 =	vld [tilespmem:$0x16D0];
	_ =	sdelay $0x4  }
0x13c: {  	[tilespmem:$0x1FF40] =	vst v1;
	v1 =	vld [tilespmem:$0x16E0];
	_ =	sdelay $0x4  }
0x13d: {  	[tilespmem:$0x1FF50] =	vst v1;
	v1 =	vld [tilespmem:$0x16F0];
	_ =	sdelay $0x4  }
0x13e: {  	[tilespmem:$0x1FF60] =	vst v1;
	v1 =	vld [tilespmem:$0x1700];
	_ =	sdelay $0x4  }
0x13f: {  	[tilespmem:$0x1FF70] =	vst v1;
	v1 =	vld [tilespmem:$0x1710];
	_ =	sdelay $0x4  }
0x140: {  	[tilespmem:$0x1FF80] =	vst v1;
	v1 =	vld [tilespmem:$0x1720];
	_ =	sdelay $0x4  }
0x141: {  	[tilespmem:$0x1FF90] =	vst v1;
	v1 =	vld [tilespmem:$0x1730];
	_ =	sdelay $0x4  }
0x142: {  	[tilespmem:$0x1FFA0] =	vst v1;
	v1 =	vld [tilespmem:$0x1740];
	_ =	sdelay $0x4  }
0x143: {  	[tilespmem:$0x1FFB0] =	vst v1;
	v1 =	vld [tilespmem:$0x1750];
	_ =	sdelay $0x4  }
0x144: {  	[tilespmem:$0x1FFC0] =	vst v1;
	v1 =	vld [tilespmem:$0x1760];
	_ =	sdelay $0x4  }
0x145: {  	[tilespmem:$0x1FFD0] =	vst v1;
	v1 =	vld [tilespmem:$0x1770];
	_ =	sdelay $0x4  }
0x146: {  	[tilespmem:$0x1FFE0] =	vst v1;
	v1 =	vld [tilespmem:$0x1780]  }
0x147: {  	v53 =	vld [tilespmem:$0x1400]  }
0x148: {  	v54 =	vld [tilespmem:$0x1410]  }
0x149: {  	v55 =	vld [tilespmem:$0x1420]  }
0x14a: {  	[tilespmem:$0x1FDA0] =	vst v24;
	v56 =	vld [tilespmem:$0x1430];
	[tilespmem:s2], [sflag:$0x2] =	stream.linear.gather [hbm4b:s8+s2], $0x80, $0x38  }
0x14b: {  	[tilespmem:$0x1FFF0] =	vst v1  }
0x14c: {  	_ =	swait.ge [sflag:s16], $0x80  }
0x14d: {  	[sflag:s16] =	ssyncset.done $0x0  }
0x14e: {  	[sflag:s16] =	ssyncadd.s32 $0xFFFFFF80  }
0x14f: {  	[tilespmem:s17], [sflag:$0x2] =	stream.linear.gather [hbm4b:s9+s2], $0x80, $0x38;
	[tilespmem:$0x1900] =	vst v63  }
0x150: {  	_ =	swait.ge [sflag:s16], $0x80  }
0x151: {  	[sflag:s16] =	ssyncset.done $0x0  }
0x152: {  	[sflag:s16] =	ssyncadd.s32 $0xFFFFFF80  }
0x153: {  	[tilespmem:s18], [sflag:$0x2] =	stream.linear.gather [hbm4b:s10+s2], $0x80, $0x38;
	[tilespmem:$0x1900] =	vst v63  }
0x154: {  	_ =	swait.ge [sflag:s16], $0x80  }
0x155: {  	[sflag:s16] =	ssyncset.done $0x0  }
0x156: {  	[sflag:s16] =	ssyncadd.s32 $0xFFFFFF80  }
0x157: {  	[tilespmem:s20], [sflag:$0x2] =	stream.strided.gather [hbm4b:s11+s17], $0xE80, s19, s17, $0x38;
	[tilespmem:$0x1900] =	vst v63  }
0x158: {  	_ =	swait.ge [sflag:s16], $0xE80  }
0x159: {  	[sflag:s16] =	ssyncset.done $0x0  }
0x15a: {  	[sflag:s16] =	ssyncadd.s32 $0xFFFFF180  }
0x15b: {  	[tilespmem:s21], [sflag:$0x2] =	stream.strided.gather [hbm4b:s12+s17], $0x200, s19, s17, $0x38;
	[tilespmem:$0x1900] =	vst v63  }
0x15c: {  	_ =	swait.ge [sflag:s16], $0x200  }
0x15d: {  	[sflag:s16] =	ssyncset.done $0x0  }
0x15e: {  	[sflag:s16] =	ssyncadd.s32 $0xFFFFFE00  }
0x15f: {  	v1 =	vld [tilespmem:$0x80];
	_ =	sdelay $0x6  }
0x160: {  	v5 =	vld [tilespmem:$0x0]  }
0x161: {  	v1 =	vld.idx.msk [tilespmem:v1+s18+$0x0], $0xffff;
	_ =	sdelay $0x2  }
0x162: {  	v6 =	vld [tilespmem:$0x90];
	_ =	sdelay $0x1  }
0x163: {  	v5 =	vmul.u32 $0x5C, v5;
	v1 =	vtrunc.f32 v1  }
0x164: {  	v1 =	vcvt.f32.s32 v1  }
0x165: {  	v7 =	vadd.s32 v2, v5  }
0x166: {  	v1 =	vadd.s32 v1, v7  }
0x167: {  	[tilespmem:$0x180] =	vst v1;
	v1 =	vadd.s32 v3, v5  }
0x168: {  	v5 =	vld [tilespmem:$0x10];
	[tilespmem:$0x200] =	vst v1  }
0x169: {  	v1 =	vld.idx.msk [tilespmem:v6+s18+$0x0], $0xffff;
	_ =	sdelay $0x2  }
0x16a: {  	v6 =	vld [tilespmem:$0xA0];
	_ =	sdelay $0x1  }
0x16b: {  	v5 =	vmul.u32 $0x5C, v5;
	v1 =	vtrunc.f32 v1  }
0x16c: {  	v1 =	vcvt.f32.s32 v1  }
0x16d: {  	v7 =	vadd.s32 v2, v5  }
0x16e: {  	v1 =	vadd.s32 v1, v7  }
0x16f: {  	[tilespmem:$0x190] =	vst v1;
	v1 =	vadd.s32 v3, v5  }
0x170: {  	v5 =	vld [tilespmem:$0x20];
	[tilespmem:$0x210] =	vst v1  }
0x171: {  	v1 =	vld.idx.msk [tilespmem:v6+s18+$0x0], $0xffff;
	_ =	sdelay $0x2  }
0x172: {  	v6 =	vld [tilespmem:$0xB0];
	_ =	sdelay $0x1  }
0x173: {  	v5 =	vmul.u32 $0x5C, v5;
	v1 =	vtrunc.f32 v1  }
0x174: {  	v1 =	vcvt.f32.s32 v1  }
0x175: {  	v7 =	vadd.s32 v2, v5  }
0x176: {  	v1 =	vadd.s32 v1, v7  }
0x177: {  	[tilespmem:$0x1A0] =	vst v1;
	v1 =	vadd.s32 v3, v5  }
0x178: {  	v5 =	vld [tilespmem:$0x30];
	[tilespmem:$0x220] =	vst v1  }
0x179: {  	v1 =	vld.idx.msk [tilespmem:v6+s18+$0x0], $0xffff;
	_ =	sdelay $0x2  }
0x17a: {  	v6 =	vld [tilespmem:$0xC0];
	_ =	sdelay $0x1  }
0x17b: {  	v5 =	vmul.u32 $0x5C, v5;
	v1 =	vtrunc.f32 v1  }
0x17c: {  	v1 =	vcvt.f32.s32 v1  }
0x17d: {  	v7 =	vadd.s32 v2, v5  }
0x17e: {  	v1 =	vadd.s32 v1, v7  }
0x17f: {  	[tilespmem:$0x1B0] =	vst v1;
	v1 =	vadd.s32 v3, v5  }
0x180: {  	v5 =	vld [tilespmem:$0x40];
	[tilespmem:$0x230] =	vst v1  }
0x181: {  	v1 =	vld.idx.msk [tilespmem:v6+s18+$0x0], $0xffff;
	_ =	sdelay $0x2  }
0x182: {  	v6 =	vld [tilespmem:$0xD0];
	_ =	sdelay $0x1  }
0x183: {  	v5 =	vmul.u32 $0x5C, v5;
	v1 =	vtrunc.f32 v1  }
0x184: {  	v1 =	vcvt.f32.s32 v1  }
0x185: {  	v7 =	vadd.s32 v2, v5  }
0x186: {  	v1 =	vadd.s32 v1, v7  }
0x187: {  	[tilespmem:$0x1C0] =	vst v1;
	v1 =	vadd.s32 v3, v5  }
0x188: {  	v5 =	vld [tilespmem:$0x50];
	[tilespmem:$0x240] =	vst v1  }
0x189: {  	v1 =	vld.idx.msk [tilespmem:v6+s18+$0x0], $0xffff;
	_ =	sdelay $0x2  }
0x18a: {  	v6 =	vld [tilespmem:$0xE0];
	_ =	sdelay $0x1  }
0x18b: {  	v5 =	vmul.u32 $0x5C, v5;
	v1 =	vtrunc.f32 v1  }
0x18c: {  	v1 =	vcvt.f32.s32 v1  }
0x18d: {  	v7 =	vadd.s32 v2, v5  }
0x18e: {  	v1 =	vadd.s32 v1, v7  }
0x18f: {  	[tilespmem:$0x1D0] =	vst v1;
	v1 =	vadd.s32 v3, v5  }
0x190: {  	v5 =	vld [tilespmem:$0x60];
	[tilespmem:$0x250] =	vst v1  }
0x191: {  	v1 =	vld.idx.msk [tilespmem:v6+s18+$0x0], $0xffff;
	_ =	sdelay $0x4  }
0x192: {  	v5 =	vmul.u32 $0x5C, v5;
	v1 =	vtrunc.f32 v1  }
0x193: {  	v1 =	vcvt.f32.s32 v1  }
0x194: {  	v6 =	vadd.s32 v2, v5  }
0x195: {  	v1 =	vadd.s32 v1, v6  }
0x196: {  	[tilespmem:$0x1E0] =	vst v1;
	v1 =	vadd.s32 v3, v5  }
0x197: {  	[tilespmem:$0x260] =	vst v1  }
0x198: {  	[tilespmem:s24], [sflag:$0x1] =	stream.indirect.gather [hbm4b:s3+s22], $0x1, s23, s22, $0xb8;
	[tilespmem:$0x1900] =	vst v63  }
0x199: {  	_ =	swait.ge [sflag:s25], $0x70  }
0x19a: {  	[sflag:s25] =	ssyncset.done $0x0  }
0x19b: {  	[sflag:s25] =	ssyncadd.s32 $0xFFFFFF90  }
0x19c: {  	[tilespmem:s28], [sflag:$0x1] =	stream.indirect.gather [hbm4b:s3+s22], $0x1, s26, s22, $0xb8;
	[tilespmem:$0x1900] =	vst v63  }
0x19d: {  	_ =	swait.ge [sflag:s25], $0x70  }
0x19e: {  	[sflag:s25] =	ssyncset.done $0x0  }
0x19f: {  	[sflag:s25] =	ssyncadd.s32 $0xFFFFFF90  }
0x1a0: {  	[tilespmem:$0x1400] =	vst v4  }
0x1a1: {  	[tilespmem:$0x1410] =	vst v4  }
0x1a2: {  	[tilespmem:$0x1420] =	vst v4  }
0x1a3: {  	[tilespmem:$0x1430] =	vst v4  }
0x1a4: {  	[tilespmem:$0x1440] =	vst v4  }
0x1a5: {  	[tilespmem:$0x1450] =	vst v4  }
0x1a6: {  	[tilespmem:$0x1460] =	vst v4  }
0x1a7: {  	[tilespmem:$0x1470] =	vst v4  }
0x1a8: {  	[tilespmem:$0x1480] =	vst v4  }
0x1a9: {  	[tilespmem:$0x1490] =	vst v4  }
0x1aa: {  	[tilespmem:$0x14A0] =	vst v4  }
0x1ab: {  	[tilespmem:$0x14B0] =	vst v4  }
0x1ac: {  	[tilespmem:$0x14C0] =	vst v4  }
0x1ad: {  	[tilespmem:$0x14D0] =	vst v4  }
0x1ae: {  	[tilespmem:$0x14E0] =	vst v4  }
0x1af: {  	[tilespmem:$0x14F0] =	vst v4  }
0x1b0: {  	[tilespmem:$0x1500] =	vst v4  }
0x1b1: {  	[tilespmem:$0x1510] =	vst v4  }
0x1b2: {  	[tilespmem:$0x1520] =	vst v4  }
0x1b3: {  	[tilespmem:$0x1530] =	vst v4  }
0x1b4: {  	[tilespmem:$0x1540] =	vst v4  }
0x1b5: {  	[tilespmem:$0x1550] =	vst v4  }
0x1b6: {  	[tilespmem:$0x1560] =	vst v4  }
0x1b7: {  	[tilespmem:$0x1570] =	vst v4  }
0x1b8: {  	[tilespmem:$0x1580] =	vst v4  }
0x1b9: {  	[tilespmem:$0x1590] =	vst v4  }
0x1ba: {  	[tilespmem:$0x15A0] =	vst v4  }
0x1bb: {  	[tilespmem:$0x15B0] =	vst v4  }
0x1bc: {  	[tilespmem:$0x15C0] =	vst v4  }
0x1bd: {  	[tilespmem:$0x15D0] =	vst v4  }
0x1be: {  	[tilespmem:$0x15E0] =	vst v4  }
0x1bf: {  	[tilespmem:$0x15F0] =	vst v4  }
0x1c0: {  	[tilespmem:$0x1600] =	vst v4  }
0x1c1: {  	[tilespmem:$0x1610] =	vst v4  }
0x1c2: {  	[tilespmem:$0x1620] =	vst v4  }
0x1c3: {  	[tilespmem:$0x1630] =	vst v4  }
0x1c4: {  	[tilespmem:$0x1640] =	vst v4  }
0x1c5: {  	[tilespmem:$0x1650] =	vst v4  }
0x1c6: {  	[tilespmem:$0x1660] =	vst v4  }
0x1c7: {  	[tilespmem:$0x1670] =	vst v4  }
0x1c8: {  	[tilespmem:$0x1680] =	vst v4  }
0x1c9: {  	[tilespmem:$0x1690] =	vst v4  }
0x1ca: {  	[tilespmem:$0x16A0] =	vst v4  }
0x1cb: {  	[tilespmem:$0x16B0] =	vst v4  }
0x1cc: {  	[tilespmem:$0x16C0] =	vst v4  }
0x1cd: {  	[tilespmem:$0x16D0] =	vst v4  }
0x1ce: {  	[tilespmem:$0x16E0] =	vst v4  }
0x1cf: {  	[tilespmem:$0x16F0] =	vst v4  }
0x1d0: {  	[tilespmem:$0x1700] =	vst v4;
	v5 =	vld [tilespmem:$0x300]  }
0x1d1: {  	v1 =	vld [tilespmem:$0x0];
	[tilespmem:$0x1710] =	vst v4  }
0x1d2: {  	[tilespmem:$0x1720] =	vst v4;
	v6 =	vld [tilespmem:$0x280]  }
0x1d3: {  	[tilespmem:$0x1730] =	vst v4  }
0x1d4: {  	[tilespmem:$0x1740] =	vst v4  }
0x1d5: {  	[tilespmem:$0x1750] =	vst v4;
	v5 =	vmul.f32 $1.000000010e-01, v5  }
0x1d6: {  	[tilespmem:$0x1760] =	vst v4;
	v26 =	vld [tilespmem:$0x80]  }
0x1d7: {  	[tilespmem:$0x1770] =	vst v4;
	v5 =	vsub.f32 v5, v6  }
0x1d8: {  	[tilespmem:$0x1780] =	vst v4;
	v7 =	vshll.u32 v1, $0x2  }
0x1d9: {  	[tilespmem:v1+s29+$0x0] =	vst.idx.msk $0xffff, v5  }
0x1da: {  	v25 =	vor.u32 $0x1, v7;
	v6 =	vld [tilespmem:$0x10]  }
0x1db: {  	v1 =	vshll.u32 v26, $0x2;
	v28 =	vld [tilespmem:$0x90]  }
0x1dc: {  	v29 =	vor.u32 $0x2, v7;
	v30 =	vld [tilespmem:$0x310]  }
0x1dd: {  	v27 =	vor.u32 $0x1, v1;
	v9 =	vld.idx.msk [tilespmem:v7+s20+$0x0], $0xffff  }
0x1de: {  	v14 =	vor.u32 $0x2, v1;
	v15 =	vld [tilespmem:$0x290]  }
0x1df: {  	v7 =	vor.u32 $0x3, v7;
	v38 =	vld.idx.msk [tilespmem:v25+s20+$0x0], $0xffff  }
0x1e0: {  	v5 =	vld.idx.msk [tilespmem:v1+s21+$0x0], $0xffff;
	v1 =	vor.u32 $0x3, v1  }
0x1e1: {  	v21 =	vld.idx.msk [tilespmem:v29+s20+$0x0], $0xffff;
	v40 =	vmul.f32 $1.000000010e-01, v30  }
0x1e2: {  	v10 =	vld.idx.msk [tilespmem:v27+s21+$0x0], $0xffff  }
0x1e3: {  	v31 =	vshll.u32 v6, $0x2;
	v11 =	vld.idx.msk [tilespmem:v14+s21+$0x0], $0xffff;
	v12 =	vsub.f32 v40, v15  }
0x1e4: {  	v19 =	vld.idx.msk [tilespmem:v7+s20+$0x0], $0xffff  }
0x1e5: {  	v41 =	vshll.u32 v28, $0x2;
	v17 =	vld.idx.msk [tilespmem:v1+s21+$0x0], $0xffff;
	[tilespmem:v6+s29+$0x0] =	vst.idx.msk $0xffff, v12  }
0x1e6: {  	v7 =	vld [tilespmem:$0x20]  }
0x1e7: {  	v16 =	vor.u32 $0x1, v31;
	v44 =	vld [tilespmem:$0x320]  }
0x1e8: {  	v42 =	vor.u32 $0x1, v41;
	v12 =	vld.idx.msk [tilespmem:v31+s20+$0x0], $0xffff  }
0x1e9: {  	v43 =	vor.u32 $0x2, v41;
	v45 =	vld [tilespmem:$0x2A0]  }
0x1ea: {  	v8 =	vor.u32 $0x3, v31;
	v6 =	vld.idx.msk [tilespmem:v41+s21+$0x0], $0xffff  }
0x1eb: {  	v1 =	vor.u32 $0x2, v31;
	v18 =	vld [tilespmem:$0xA0]  }
0x1ec: {  	v13 =	vor.u32 $0x3, v41;
	v36 =	vld.idx.msk [tilespmem:v16+s20+$0x0], $0xffff  }
0x1ed: {  	v35 =	vld.idx.msk [tilespmem:v42+s21+$0x0], $0xffff;
	v46 =	vmul.f32 $1.000000010e-01, v44  }
0x1ee: {  	v23 =	vld.idx.msk [tilespmem:v43+s21+$0x0], $0xffff  }
0x1ef: {  	v25 =	vld.idx.msk [tilespmem:v8+s20+$0x0], $0xffff;
	v14 =	vsub.f32 v46, v45  }
0x1f0: {  	v29 =	vld.idx.msk [tilespmem:v1+s20+$0x0], $0xffff;
	v1 =	vshll.u32 v7, $0x2  }
0x1f1: {  	v24 =	vld.idx.msk [tilespmem:v13+s21+$0x0], $0xffff;
	[tilespmem:v7+s29+$0x0] =	vst.idx.msk $0xffff, v14  }
0x1f2: {  	v48 =	vshll.u32 v18, $0x2;
	v49 =	vld [tilespmem:$0x30]  }
0x1f3: {  	v47 =	vor.u32 $0x1, v1;
	v14 =	vld [tilespmem:$0xB0]  }
0x1f4: {  	v50 =	vor.u32 $0x1, v48;
	v20 =	vld [tilespmem:$0x330]  }
0x1f5: {  	v51 =	vor.u32 $0x2, v1;
	v18 =	vld.idx.msk [tilespmem:v1+s20+$0x0], $0xffff  }
0x1f6: {  	v22 =	vor.u32 $0x2, v48;
	v27 =	vld [tilespmem:$0x2B0]  }
0x1f7: {  	v1 =	vor.u32 $0x3, v1;
	v7 =	vld.idx.msk [tilespmem:v48+s21+$0x0], $0xffff  }
0x1f8: {  	v8 =	vor.u32 $0x3, v48;
	v42 =	vld.idx.msk [tilespmem:v47+s20+$0x0], $0xffff  }
0x1f9: {  	v13 =	vld.idx.msk [tilespmem:v50+s21+$0x0], $0xffff;
	v52 =	vmul.f32 $1.000000010e-01, v20  }
0x1fa: {  	v26 =	vld.idx.msk [tilespmem:v51+s20+$0x0], $0xffff  }
0x1fb: {  	v28 =	vshll.u32 v49, $0x2;
	v30 =	vshll.u32 v14, $0x2;
	v14 =	vld.idx.msk [tilespmem:v22+s21+$0x0], $0xffff;
	v16 =	vsub.f32 v52, v27  }
0x1fc: {  	v22 =	vld.idx.msk [tilespmem:v1+s20+$0x0], $0xffff  }
0x1fd: {  	v20 =	vld.idx.msk [tilespmem:v8+s21+$0x0], $0xffff;
	[tilespmem:v49+s29+$0x0] =	vst.idx.msk $0xffff, v16  }
0x1fe: {  	v16 =	vld [tilespmem:$0x40]  }
0x1ff: {  	v31 =	vor.u32 $0x1, v28;
	v61 =	vld [tilespmem:$0x340]  }
0x200: {  	v32 =	vor.u32 $0x1, v30;
	v15 =	vld.idx.msk [tilespmem:v28+s20+$0x0], $0xffff  }
0x201: {  	v1 =	vor.u32 $0x2, v28;
	v33 =	vld [tilespmem:$0x2C0]  }
0x202: {  	v57 =	vor.u32 $0x2, v30;
	v8 =	vld.idx.msk [tilespmem:v30+s21+$0x0], $0xffff  }
0x203: {  	v30 =	vor.u32 $0x3, v30;
	v37 =	vld [tilespmem:$0xC0]  }
0x204: {  	v28 =	vor.u32 $0x3, v28;
	v41 =	vld.idx.msk [tilespmem:v31+s20+$0x0], $0xffff  }
0x205: {  	v39 =	vld.idx.msk [tilespmem:v32+s21+$0x0], $0xffff;
	v32 =	vmul.f32 $1.000000010e-01, v61  }
0x206: {  	v31 =	vld.idx.msk [tilespmem:v1+s20+$0x0], $0xffff  }
0x207: {  	v27 =	vld.idx.msk [tilespmem:v57+s21+$0x0], $0xffff;
	v33 =	vsub.f32 v32, v33  }
0x208: {  	v1 =	vshll.u32 v16, $0x2;
	v30 =	vld.idx.msk [tilespmem:v30+s21+$0x0], $0xffff  }
0x209: {  	v34 =	vor.u32 $0x1, v1;
	v32 =	vld.idx.msk [tilespmem:v28+s20+$0x0], $0xffff;
	[tilespmem:v16+s29+$0x0] =	vst.idx.msk $0xffff, v33  }
0x20a: {  	v44 =	vld [tilespmem:$0x50]  }
0x20b: {  	v62 =	vshll.u32 v37, $0x2;
	v40 =	vld [tilespmem:$0x350]  }
0x20c: {  	v63 =	vor.u32 $0x1, v62;
	v45 =	vld [tilespmem:$0xD0]  }
0x20d: {  	v52 =	vor.u32 $0x2, v1;
	v46 =	vld [tilespmem:$0x2D0]  }
0x20e: {  	v43 =	vor.u32 $0x2, v62;
	v47 =	vld.idx.msk [tilespmem:v34+s20+$0x0], $0xffff  }
0x20f: {  	v34 =	vld.idx.msk [tilespmem:v1+s20+$0x0], $0xffff;
	v1 =	vor.u32 $0x3, v1  }
0x210: {  	v48 =	vor.u32 $0x3, v62;
	v16 =	vld.idx.msk [tilespmem:v62+s21+$0x0], $0xffff  }
0x211: {  	v28 =	vld.idx.msk [tilespmem:v63+s21+$0x0], $0xffff;
	v49 =	vshll.u32 v44, $0x2;
	v40 =	vmul.f32 $1.000000010e-01, v40  }
0x212: {  	v37 =	vld.idx.msk [tilespmem:v52+s20+$0x0], $0xffff;
	v52 =	vshll.u32 v45, $0x2  }
0x213: {  	v33 =	vld.idx.msk [tilespmem:v43+s21+$0x0], $0xffff;
	v46 =	vsub.f32 v40, v46  }
0x214: {  	v43 =	vld.idx.msk [tilespmem:v1+s20+$0x0], $0xffff  }
0x215: {  	v40 =	vld.idx.msk [tilespmem:v48+s21+$0x0], $0xffff;
	[tilespmem:v44+s29+$0x0] =	vst.idx.msk $0xffff, v46  }
0x216: {  	v50 =	vor.u32 $0x1, v49;
	v46 =	vld.idx.msk [tilespmem:v49+s20+$0x0], $0xffff  }
0x217: {  	v48 =	vor.u32 $0x2, v49;
	v45 =	vld.idx.msk [tilespmem:v52+s21+$0x0], $0xffff  }
0x218: {  	v57 =	vor.u32 $0x2, v52;
	v63 =	vld [tilespmem:$0x360]  }
0x219: {  	v62 =	vor.u32 $0x3, v49;
	v1 =	vld [tilespmem:$0x60]  }
0x21a: {  	v44 =	vor.u32 $0x1, v52;
	v61 =	vld [tilespmem:$0x2E0]  }
0x21b: {  	v52 =	vor.u32 $0x3, v52;
	v51 =	vld.idx.msk [tilespmem:v50+s20+$0x0], $0xffff  }
0x21c: {  	v49 =	vld.idx.msk [tilespmem:v48+s20+$0x0], $0xffff  }
0x21d: {  	v48 =	vld.idx.msk [tilespmem:v57+s21+$0x0], $0xffff;
	v57 =	vmul.f32 $1.000000010e-01, v63  }
0x21e: {  	v62 =	vld.idx.msk [tilespmem:v62+s20+$0x0], $0xffff  }
0x21f: {  	v44 =	vld.idx.msk [tilespmem:v44+s21+$0x0], $0xffff;
	v61 =	vsub.f32 v57, v61  }
0x220: {  	v50 =	vld.idx.msk [tilespmem:v52+s21+$0x0], $0xffff  }
0x221: {  	v63 =	vld [tilespmem:$0xE0];
	[tilespmem:v1+s29+$0x0] =	vst.idx.msk $0xf, v61  }
0x222: {  	v57 =	vld [tilespmem:$0x1400];
	_ =	sdelay $0x3  }
0x223: {  	v60 =	vsub.f32 v59, v60;
	v59 =	vld [tilespmem:$0x1F950]  }
0x224: {  	v52 =	vadd.f32 $0.0e+00, v57;
	v57 =	vld [tilespmem:$0x1F960]  }
0x225: {  	v53 =	vadd.f32 $0.0e+00, v53;
	v61 =	vld [tilespmem:$0x1410];
	_ =	sdelay $0x1  }
0x226: {  	v53 =	vadd.f32 v54, v53;
	v54 =	vld [tilespmem:$0x1420];
	_ =	sdelay $0x1  }
0x227: {  	v59 =	vsub.f32 v59, v57  }
0x228: {  	v52 =	vadd.f32 v61, v52  }
0x229: {  	v60 =	vand.u32 $0x7FFFFFFF, v60;
	v59 =	vand.u32 $0x7FFFFFFF, v59  }
0x22a: {  	v52 =	vadd.f32 v54, v52;
	v54 =	vadd.f32 v59, v60;
	v60 =	vld [tilespmem:$0x1F990]  }
0x22b: {  	v53 =	vadd.f32 v55, v53;
	_ =	sdelay $0x1  }
0x22c: {  	v53 =	vadd.f32 v56, v53;
	v61 =	vld [tilespmem:$0x1F970]  }
0x22d: {  	v59 =	vld [tilespmem:$0x1F9A0]  }
0x22e: {  	v53 =	vadd.f32 v60, v53;
	v60 =	vld [tilespmem:$0x1F9B0]  }
0x22f: {  	v57 =	vld [tilespmem:$0x1F980];
	_ =	sdelay $0x3  }
0x230: {  	v59 =	vsub.f32 v59, v60;
	v60 =	vld [tilespmem:$0x1F9C0]  }
0x231: {  	v61 =	vsub.f32 v61, v57;
	_ =	sdelay $0x1  }
0x232: {  	v61 =	vand.u32 $0x7FFFFFFF, v61  }
0x233: {  	v54 =	vadd.f32 v61, v54;
	v61 =	vld [tilespmem:$0x1F9E0]  }
0x234: {  	v53 =	vadd.f32 v60, v53;
	v60 =	vld [tilespmem:$0x1F9D0];
	_ =	sdelay $0x4  }
0x235: {  	v60 =	vsub.f32 v60, v61;
	v61 =	vand.u32 $0x7FFFFFFF, v59  }
0x236: {  	v54 =	vadd.f32 v61, v54;
	v61 =	vld [tilespmem:$0x1F9F0];
	_ =	sdelay $0x3  }
0x237: {  	v59 =	vld [tilespmem:$0x1FA00]  }
0x238: {  	v53 =	vadd.f32 v61, v53;
	v61 =	vld [tilespmem:$0x1FA10];
	_ =	sdelay $0x4  }
0x239: {  	v59 =	vsub.f32 v59, v61;
	v61 =	vand.u32 $0x7FFFFFFF, v60;
	v60 =	vld [tilespmem:$0x1FA20];
	_ =	sdelay $0x3  }
0x23a: {  	v54 =	vadd.f32 v61, v54;
	v61 =	vld [tilespmem:$0x1FA40]  }
0x23b: {  	v53 =	vadd.f32 v60, v53;
	v60 =	vld [tilespmem:$0x1FA30];
	_ =	sdelay $0x4  }
0x23c: {  	v60 =	vsub.f32 v60, v61;
	v61 =	vand.u32 $0x7FFFFFFF, v59;
	v59 =	vld [tilespmem:$0x1FA50];
	_ =	sdelay $0x3  }
0x23d: {  	v54 =	vadd.f32 v61, v54;
	v61 =	vld [tilespmem:$0x1FA70]  }
0x23e: {  	v53 =	vadd.f32 v59, v53;
	v59 =	vld [tilespmem:$0x1FA60];
	_ =	sdelay $0x4  }
0x23f: {  	v59 =	vsub.f32 v59, v61;
	v61 =	vand.u32 $0x7FFFFFFF, v60;
	v60 =	vld [tilespmem:$0x1FA80];
	_ =	sdelay $0x3  }
0x240: {  	v54 =	vadd.f32 v61, v54;
	v61 =	vld [tilespmem:$0x1FAA0]  }
0x241: {  	v53 =	vadd.f32 v60, v53;
	v60 =	vld [tilespmem:$0x1FA90];
	_ =	sdelay $0x4  }
0x242: {  	v60 =	vsub.f32 v60, v61;
	v61 =	vand.u32 $0x7FFFFFFF, v59  }
0x243: {  	v54 =	vadd.f32 v61, v54;
	v61 =	vld [tilespmem:$0x1FAB0];
	_ =	sdelay $0x3  }
0x244: {  	v59 =	vld [tilespmem:$0x1FAC0]  }
0x245: {  	v53 =	vadd.f32 v61, v53;
	v61 =	vld [tilespmem:$0x1FAD0];
	_ =	sdelay $0x4  }
0x246: {  	v59 =	vsub.f32 v59, v61;
	v61 =	vand.u32 $0x7FFFFFFF, v60;
	v60 =	vld [tilespmem:$0x1FAE0];
	_ =	sdelay $0x3  }
0x247: {  	v54 =	vadd.f32 v61, v54;
	v61 =	vld [tilespmem:$0x1FB00]  }
0x248: {  	v53 =	vadd.f32 v60, v53;
	v60 =	vld [tilespmem:$0x1FAF0];
	_ =	sdelay $0x4  }
0x249: {  	v60 =	vsub.f32 v60, v61;
	v61 =	vand.u32 $0x7FFFFFFF, v59  }
0x24a: {  	v54 =	vadd.f32 v61, v54;
	v61 =	vld [tilespmem:$0x1FB10];
	_ =	sdelay $0x3  }
0x24b: {  	v59 =	vld [tilespmem:$0x1FB20]  }
0x24c: {  	v53 =	vadd.f32 v61, v53;
	v61 =	vld [tilespmem:$0x1FB30];
	_ =	sdelay $0x4  }
0x24d: {  	v59 =	vsub.f32 v59, v61;
	v61 =	vand.u32 $0x7FFFFFFF, v60;
	v60 =	vld [tilespmem:$0x1FB40];
	_ =	sdelay $0x3  }
0x24e: {  	v54 =	vadd.f32 v61, v54;
	v61 =	vld [tilespmem:$0x1FB60]  }
0x24f: {  	v53 =	vadd.f32 v60, v53;
	v60 =	vld [tilespmem:$0x1FB50];
	_ =	sdelay $0x4  }
0x250: {  	v60 =	vsub.f32 v60, v61;
	v61 =	vand.u32 $0x7FFFFFFF, v59;
	v59 =	vld [tilespmem:$0x1FB70];
	_ =	sdelay $0x3  }
0x251: {  	v54 =	vadd.f32 v61, v54;
	v61 =	vld [tilespmem:$0x1FB90]  }
0x252: {  	v53 =	vadd.f32 v59, v53;
	v59 =	vld [tilespmem:$0x1FB80];
	_ =	sdelay $0x4  }
0x253: {  	v59 =	vsub.f32 v59, v61;
	v61 =	vand.u32 $0x7FFFFFFF, v60;
	v60 =	vld [tilespmem:$0x1FBA0];
	_ =	sdelay $0x3  }
0x254: {  	v54 =	vadd.f32 v61, v54;
	v61 =	vld [tilespmem:$0x1FBC0]  }
0x255: {  	v53 =	vadd.f32 v60, v53;
	v60 =	vld [tilespmem:$0x1FBB0];
	_ =	sdelay $0x4  }
0x256: {  	v60 =	vsub.f32 v60, v61;
	v61 =	vand.u32 $0x7FFFFFFF, v59  }
0x257: {  	v54 =	vadd.f32 v61, v54;
	v61 =	vld [tilespmem:$0x1FBD0];
	_ =	sdelay $0x3  }
0x258: {  	v59 =	vld [tilespmem:$0x1FBE0]  }
0x259: {  	v53 =	vadd.f32 v61, v53;
	v61 =	vld [tilespmem:$0x1FBF0];
	_ =	sdelay $0x4  }
0x25a: {  	v59 =	vsub.f32 v59, v61;
	v61 =	vand.u32 $0x7FFFFFFF, v60;
	v60 =	vld [tilespmem:$0x1FC00];
	_ =	sdelay $0x3  }
0x25b: {  	v54 =	vadd.f32 v61, v54;
	v61 =	vld [tilespmem:$0x1FC20]  }
0x25c: {  	v53 =	vadd.f32 v60, v53;
	v60 =	vld [tilespmem:$0x1FC10];
	_ =	sdelay $0x4  }
0x25d: {  	v60 =	vsub.f32 v60, v61;
	v61 =	vand.u32 $0x7FFFFFFF, v59  }
0x25e: {  	v54 =	vadd.f32 v61, v54;
	v61 =	vld [tilespmem:$0x1FC30];
	_ =	sdelay $0x3  }
0x25f: {  	v59 =	vld [tilespmem:$0x1FC40]  }
0x260: {  	v53 =	vadd.f32 v61, v53;
	v61 =	vld [tilespmem:$0x1FC50];
	_ =	sdelay $0x4  }
0x261: {  	v59 =	vsub.f32 v59, v61;
	v61 =	vand.u32 $0x7FFFFFFF, v60;
	v60 =	vld [tilespmem:$0x1FC60];
	_ =	sdelay $0x3  }
0x262: {  	v54 =	vadd.f32 v61, v54;
	v61 =	vld [tilespmem:$0x1FC80]  }
0x263: {  	v53 =	vadd.f32 v60, v53;
	v60 =	vld [tilespmem:$0x1FC70];
	_ =	sdelay $0x4  }
0x264: {  	v60 =	vsub.f32 v60, v61;
	v61 =	vand.u32 $0x7FFFFFFF, v59;
	v59 =	vld [tilespmem:$0x1FC90];
	_ =	sdelay $0x3  }
0x265: {  	v54 =	vadd.f32 v61, v54;
	v61 =	vld [tilespmem:$0x1FCB0]  }
0x266: {  	v53 =	vadd.f32 v59, v53;
	v59 =	vld [tilespmem:$0x1FCA0];
	_ =	sdelay $0x4  }
0x267: {  	v59 =	vsub.f32 v59, v61;
	v61 =	vand.u32 $0x7FFFFFFF, v60;
	v60 =	vld [tilespmem:$0x1FCC0];
	_ =	sdelay $0x3  }
0x268: {  	v54 =	vadd.f32 v61, v54;
	v61 =	vld [tilespmem:$0x1FCE0]  }
0x269: {  	v53 =	vadd.f32 v60, v53;
	v60 =	vld [tilespmem:$0x1FCD0];
	_ =	sdelay $0x3  }
0x26a: {  	v55 =	vld [tilespmem:$0x1430]  }
0x26b: {  	v56 =	vld [tilespmem:$0x1440];
	v60 =	vsub.f32 v60, v61;
	v61 =	vand.u32 $0x7FFFFFFF, v59  }
0x26c: {  	v54 =	vadd.f32 v61, v54;
	v61 =	vld [tilespmem:$0x1FCF0];
	_ =	sdelay $0x1  }
0x26d: {  	v57 =	vld [tilespmem:$0x1450]  }
0x26e: {  	v52 =	vadd.f32 v55, v52;
	v55 =	vld [tilespmem:$0x1460]  }
0x26f: {  	v59 =	vld [tilespmem:$0x1FD00]  }
0x270: {  	v52 =	vadd.f32 v56, v52;
	v53 =	vadd.f32 v61, v53;
	v61 =	vld [tilespmem:$0x1FD10]  }
0x271: {  	v56 =	vld [tilespmem:$0x1470]  }
0x272: {  	v52 =	vadd.f32 v57, v52  }
0x273: {  	v57 =	vld [tilespmem:$0x1480]  }
0x274: {  	v52 =	vadd.f32 v55, v52  }
0x275: {  	v59 =	vsub.f32 v59, v61;
	v61 =	vand.u32 $0x7FFFFFFF, v60;
	v60 =	vld [tilespmem:$0x1FD20]  }
0x276: {  	v55 =	vld [tilespmem:$0x1490];
	v52 =	vadd.f32 v56, v52  }
0x277: {  	v56 =	vld [tilespmem:$0x14A0]  }
0x278: {  	v52 =	vadd.f32 v57, v52;
	v57 =	vld [tilespmem:$0x14B0]  }
0x279: {  	v54 =	vadd.f32 v61, v54;
	v61 =	vld [tilespmem:$0x1FD40]  }
0x27a: {  	v53 =	vadd.f32 v60, v53;
	v60 =	vld [tilespmem:$0x1FD30]  }
0x27b: {  	v52 =	vadd.f32 v55, v52  }
0x27c: {  	v55 =	vld [tilespmem:$0x14C0]  }
0x27d: {  	v52 =	vadd.f32 v56, v52  }
0x27e: {  	v56 =	vld [tilespmem:$0x14D0]  }
0x27f: {  	v52 =	vadd.f32 v57, v52;
	v57 =	vld [tilespmem:$0x14E0];
	v60 =	vsub.f32 v60, v61;
	v61 =	vand.u32 $0x7FFFFFFF, v59  }
0x280: {  	v54 =	vadd.f32 v61, v54;
	v61 =	vld [tilespmem:$0x1FD50]  }
0x281: {  	v52 =	vadd.f32 v55, v52  }
0x282: {  	v55 =	vld [tilespmem:$0x14F0]  }
0x283: {  	v52 =	vadd.f32 v56, v52;
	v56 =	vld [tilespmem:$0x1500]  }
0x284: {  	v59 =	vld [tilespmem:$0x1FD60]  }
0x285: {  	v52 =	vadd.f32 v57, v52;
	v53 =	vadd.f32 v61, v53;
	v61 =	vld [tilespmem:$0x1FD70]  }
0x286: {  	v57 =	vld [tilespmem:$0x1510]  }
0x287: {  	v52 =	vadd.f32 v55, v52  }
0x288: {  	v55 =	vld [tilespmem:$0x1520]  }
0x289: {  	v52 =	vadd.f32 v56, v52;
	v56 =	vld [tilespmem:$0x1530]  }
0x28a: {  	v59 =	vsub.f32 v59, v61;
	v61 =	vand.u32 $0x7FFFFFFF, v60;
	v60 =	vld [tilespmem:$0x1FD80]  }
0x28b: {  	v52 =	vadd.f32 v57, v52  }
0x28c: {  	v57 =	vld [tilespmem:$0x1540]  }
0x28d: {  	v52 =	vadd.f32 v55, v52;
	v55 =	vld [tilespmem:$0x1550]  }
0x28e: {  	v54 =	vadd.f32 v61, v54;
	v61 =	vld [tilespmem:$0x1FDA0]  }
0x28f: {  	v52 =	vadd.f32 v56, v52;
	v53 =	vadd.f32 v60, v53;
	v60 =	vld [tilespmem:$0x1FD90]  }
0x290: {  	v56 =	vld [tilespmem:$0x1560]  }
0x291: {  	v52 =	vadd.f32 v57, v52  }
0x292: {  	v57 =	vld [tilespmem:$0x1570]  }
0x293: {  	v52 =	vadd.f32 v55, v52;
	v55 =	vld [tilespmem:$0x1580]  }
0x294: {  	v60 =	vsub.f32 v60, v61;
	v61 =	vand.u32 $0x7FFFFFFF, v59;
	v59 =	vld [tilespmem:$0x1FDB0]  }
0x295: {  	v52 =	vadd.f32 v56, v52  }
0x296: {  	v56 =	vld [tilespmem:$0x1590]  }
0x297: {  	v52 =	vadd.f32 v57, v52;
	v57 =	vld [tilespmem:$0x15A0]  }
0x298: {  	v54 =	vadd.f32 v61, v54;
	v61 =	vld [tilespmem:$0x1FDD0]  }
0x299: {  	v52 =	vadd.f32 v55, v52;
	v53 =	vadd.f32 v59, v53;
	v59 =	vld [tilespmem:$0x1FDC0];
	_ =	sdelay $0x1  }
0x29a: {  	v52 =	vadd.f32 v56, v52;
	_ =	sdelay $0x1  }
0x29b: {  	v52 =	vadd.f32 v57, v52;
	v57 =	vld [tilespmem:$0x1FDF0]  }
0x29c: {  	v59 =	vsub.f32 v59, v61;
	v61 =	vld [tilespmem:$0x1FE00];
	_ =	sdelay $0x2  }
0x29d: {  	v56 =	vand.u32 $0x7FFFFFFF, v60;
	v60 =	vld [tilespmem:$0x1FDE0]  }
0x29e: {  	v55 =	vld [tilespmem:$0x15B0]  }
0x29f: {  	v57 =	vsub.f32 v57, v61;
	v61 =	vld [tilespmem:$0x1FE10];
	_ =	sdelay $0x2  }
0x2a0: {  	v53 =	vadd.f32 v60, v53  }
0x2a1: {  	v52 =	vadd.f32 v55, v52;
	v55 =	vld [tilespmem:$0x1FE20]  }
0x2a2: {  	v53 =	vadd.f32 v61, v53;
	v61 =	vld [tilespmem:$0x1FE30];
	_ =	sdelay $0x4  }
0x2a3: {  	v55 =	vsub.f32 v55, v61;
	v61 =	vld [tilespmem:$0x1FE40]  }
0x2a4: {  	v60 =	vld [tilespmem:$0x15C0]  }
0x2a5: {  	v56 =	vnsel vm0, $0x0, v56  }
0x2a6: {  	v54 =	vadd.f32 v56, v54;
	v56 =	vand.u32 $0x7FFFFFFF, v59;
	v59 =	vld [tilespmem:$0x15D0]  }
0x2a7: {  	v35 =	vsub.f32 v36, v35;
	v36 =	vld [tilespmem:$0x1FEB0];
	v13 =	vsub.f32 v42, v13  }
0x2a8: {  	v42 =	vld [tilespmem:$0x1FF20];
	v56 =	vnsel vm0, $0x0, v56;
	v53 =	vadd.f32 v61, v53;
	v61 =	vand.u32 $0x7FFFFFFF, v57  }
0x2a9: {  	v52 =	vadd.f32 v60, v52;
	v54 =	vadd.f32 v56, v54;
	v56 =	vnsel vm0, $0x0, v61;
	v61 =	vld [tilespmem:$0x1FE50]  }
0x2aa: {  	v44 =	vsub.f32 v51, v44;
	v51 =	vld [tilespmem:$0x1FFC0]  }
0x2ab: {  	v5 =	vsub.f32 v9, v5;
	v9 =	vadd.f32 v59, v52;
	v59 =	vld [tilespmem:$0x1600]  }
0x2ac: {  	v57 =	vld [tilespmem:$0x15E0]  }
0x2ad: {  	v54 =	vadd.f32 v56, v54;
	v56 =	vld [tilespmem:$0x15F0]  }
0x2ae: {  	v55 =	vand.u32 $0x7FFFFFFF, v55;
	v53 =	vadd.f32 v61, v53;
	v61 =	vld [tilespmem:$0x1FE60]  }
0x2af: {  	v60 =	vnsel vm0, $0x0, v55;
	v55 =	vld [tilespmem:$0x1FE80]  }
0x2b0: {  	v52 =	vadd.f32 v60, v54;
	v60 =	vld [tilespmem:$0x1FE70]  }
0x2b1: {  	v54 =	vld [tilespmem:$0x1660];
	v9 =	vadd.f32 v57, v9  }
0x2b2: {  	v10 =	vsub.f32 v38, v10;
	v57 =	vld [tilespmem:$0x1FE90]  }
0x2b3: {  	v5 =	vand.u32 $0x7FFFFFFF, v5;
	v9 =	vadd.f32 v56, v9;
	v56 =	vld [tilespmem:$0x1620];
	v53 =	vadd.f32 v61, v53  }
0x2b4: {  	v11 =	vsub.f32 v21, v11;
	v5 =	vadd.f32 v5, v52;
	v61 =	vld [tilespmem:$0x1610]  }
0x2b5: {  	v10 =	vand.u32 $0x7FFFFFFF, v10;
	v9 =	vadd.f32 v59, v9;
	v59 =	vld [tilespmem:$0x1630];
	v38 =	vadd.f32 v60, v53  }
0x2b6: {  	v17 =	vsub.f32 v19, v17;
	v5 =	vadd.f32 v10, v5;
	v53 =	vld [tilespmem:$0x1FEC0]  }
0x2b7: {  	v21 =	vadd.f32 v55, v38;
	v55 =	vsub.f32 v25, v24;
	v25 =	vld [tilespmem:$0x1FF00]  }
0x2b8: {  	v11 =	vand.u32 $0x7FFFFFFF, v11;
	v38 =	vsub.f32 v29, v23;
	v23 =	vsub.f32 v26, v14;
	v26 =	vld [tilespmem:$0x16A0]  }
0x2b9: {  	v5 =	vadd.f32 v11, v5;
	v9 =	vadd.f32 v61, v9;
	v61 =	vld [tilespmem:$0x1FEA0]  }
0x2ba: {  	v6 =	vsub.f32 v12, v6;
	v60 =	vand.u32 $0x7FFFFFFF, v17;
	v29 =	vsub.f32 v22, v20;
	v22 =	vld [tilespmem:$0x1FF60]  }
0x2bb: {  	v5 =	vadd.f32 v60, v5;
	v19 =	vadd.f32 v57, v21;
	v21 =	vld [tilespmem:$0x1640]  }
0x2bc: {  	v6 =	vand.u32 $0x7FFFFFFF, v6;
	v20 =	vsub.f32 v34, v16;
	v34 =	vld [tilespmem:$0x1720];
	v9 =	vadd.f32 v56, v9  }
0x2bd: {  	v5 =	vadd.f32 v6, v5;
	v6 =	vld [tilespmem:$0x1650]  }
0x2be: {  	v52 =	vand.u32 $0x7FFFFFFF, v35;
	v57 =	vld [tilespmem:$0x1FED0];
	v9 =	vadd.f32 v59, v9;
	v17 =	vadd.f32 v61, v19  }
0x2bf: {  	v60 =	vand.u32 $0x7FFFFFFF, v55;
	v55 =	vsub.f32 v31, v27;
	v27 =	vld [tilespmem:$0x1FF70];
	v5 =	vadd.f32 v52, v5  }
0x2c0: {  	v56 =	vand.u32 $0x7FFFFFFF, v38;
	v59 =	vld [tilespmem:$0x1670];
	v9 =	vadd.f32 v21, v9;
	v10 =	vadd.f32 v36, v17  }
0x2c1: {  	v7 =	vsub.f32 v18, v7;
	v5 =	vadd.f32 v56, v5;
	v61 =	vld [tilespmem:$0x1FEE0]  }
0x2c2: {  	v19 =	vld [tilespmem:$0x1680];
	v6 =	vadd.f32 v6, v9;
	v10 =	vadd.f32 v53, v10  }
0x2c3: {  	v5 =	vadd.f32 v60, v5;
	v21 =	vld [tilespmem:$0x1FEF0]  }
0x2c4: {  	v7 =	vand.u32 $0x7FFFFFFF, v7;
	v38 =	vld [tilespmem:$0x16B0];
	v6 =	vadd.f32 v54, v6;
	v10 =	vadd.f32 v57, v10  }
0x2c5: {  	v52 =	vsub.f32 v41, v39;
	v5 =	vadd.f32 v7, v5;
	v7 =	vld [tilespmem:$0x1690]  }
0x2c6: {  	v24 =	vand.u32 $0x7FFFFFFF, v13;
	v39 =	vld [tilespmem:$0x1730];
	v6 =	vadd.f32 v59, v6;
	v10 =	vadd.f32 v61, v10  }
0x2c7: {  	v8 =	vsub.f32 v15, v8;
	v35 =	vand.u32 $0x7FFFFFFF, v23;
	v36 =	vld [tilespmem:$0x1FF10];
	v5 =	vadd.f32 v24, v5  }
0x2c8: {  	v56 =	vand.u32 $0x7FFFFFFF, v52;
	v52 =	vld [tilespmem:$0x1760];
	v6 =	vadd.f32 v19, v6;
	v10 =	vadd.f32 v21, v10  }
0x2c9: {  	v60 =	vsub.f32 v32, v30;
	v32 =	vld [tilespmem:$0x1FF80];
	v5 =	vadd.f32 v35, v5  }
0x2ca: {  	v53 =	vld [tilespmem:$0x1FF30];
	v6 =	vadd.f32 v7, v6;
	v7 =	vand.u32 $0x7FFFFFFF, v29;
	v10 =	vadd.f32 v25, v10  }
0x2cb: {  	v30 =	vsub.f32 v37, v33;
	v5 =	vadd.f32 v7, v5;
	v7 =	vld [tilespmem:$0x16C0]  }
0x2cc: {  	v8 =	vand.u32 $0x7FFFFFFF, v8;
	v37 =	vld [tilespmem:$0x1FF90];
	v6 =	vadd.f32 v26, v6;
	v10 =	vadd.f32 v36, v10  }
0x2cd: {  	v57 =	vld [tilespmem:$0x1FF40];
	v5 =	vadd.f32 v8, v5  }
0x2ce: {  	v54 =	vld [tilespmem:$0x16D0];
	v6 =	vadd.f32 v38, v6;
	v10 =	vadd.f32 v42, v10  }
0x2cf: {  	v61 =	vld [tilespmem:$0x1FF50];
	v5 =	vadd.f32 v56, v5  }
0x2d0: {  	v24 =	vld [tilespmem:$0x1700];
	v6 =	vadd.f32 v7, v6;
	v7 =	vand.u32 $0x7FFFFFFF, v55;
	v10 =	vadd.f32 v53, v10  }
0x2d1: {  	v1 =	vshll.u32 v1, $0x2;
	v59 =	vld [tilespmem:$0x16E0];
	v35 =	vsub.f32 v43, v40;
	v5 =	vadd.f32 v7, v5  }
0x2d2: {  	v40 =	vsub.f32 v46, v45;
	v43 =	vld [tilespmem:$0x1740];
	v21 =	vand.u32 $0x7FFFFFFF, v60;
	v10 =	vadd.f32 v57, v10  }
0x2d3: {  	v25 =	vsub.f32 v47, v28;
	v7 =	vshll.u32 v63, $0x2;
	v63 =	vld [tilespmem:$0x16F0];
	v5 =	vadd.f32 v21, v5  }
0x2d4: {  	v13 =	vand.u32 $0x7FFFFFFF, v20;
	v46 =	vld [tilespmem:$0x1FFB0];
	v6 =	vadd.f32 v54, v6;
	v10 =	vadd.f32 v61, v10  }
0x2d5: {  	v23 =	vor.u32 $0x1, v1;
	v60 =	vld [tilespmem:$0x1FFE0];
	v5 =	vadd.f32 v13, v5  }
0x2d6: {  	v29 =	vld [tilespmem:$0x1710];
	v14 =	vand.u32 $0x7FFFFFFF, v25;
	v6 =	vadd.f32 v59, v6;
	v10 =	vadd.f32 v22, v10  }
0x2d7: {  	v47 =	vld [tilespmem:$0x1750];
	v5 =	vadd.f32 v14, v5  }
0x2d8: {  	v26 =	vld.idx.msk [tilespmem:v1+s20+$0x0], $0xffff;
	v36 =	vand.u32 $0x7FFFFFFF, v30;
	v6 =	vadd.f32 v63, v6;
	v10 =	vadd.f32 v27, v10  }
0x2d9: {  	v33 =	vor.u32 $0x2, v1;
	v42 =	vld [tilespmem:$0x1FFA0];
	v28 =	vor.u32 $0x1, v7;
	v5 =	vadd.f32 v36, v5  }
0x2da: {  	v41 =	vand.u32 $0x7FFFFFFF, v35;
	v8 =	vld.idx.msk [tilespmem:v23+s20+$0x0], $0xffff;
	v6 =	vadd.f32 v24, v6;
	v10 =	vadd.f32 v32, v10  }
0x2db: {  	v45 =	vand.u32 $0x7FFFFFFF, v40;
	v56 =	vld [tilespmem:$0x1FFD0];
	v38 =	vor.u32 $0x2, v7;
	v5 =	vadd.f32 v41, v5  }
0x2dc: {  	v1 =	vor.u32 $0x3, v1;
	v31 =	vld.idx.msk [tilespmem:v7+s21+$0x0], $0xffff;
	v6 =	vadd.f32 v29, v6;
	v10 =	vadd.f32 v37, v10  }
0x2dd: {  	v48 =	vsub.f32 v49, v48;
	v55 =	vld [tilespmem:$0x1770];
	v7 =	vor.u32 $0x3, v7;
	v5 =	vadd.f32 v45, v5  }
0x2de: {  	v49 =	vand.u32 $0x7FFFFFFF, v44;
	v13 =	vld.idx.msk [tilespmem:v28+s21+$0x0], $0xffff;
	v6 =	vadd.f32 v34, v6;
	v10 =	vadd.f32 v42, v10  }
0x2df: {  	v53 =	vsub.f32 v62, v50;
	v14 =	vld.idx.msk [tilespmem:v33+s20+$0x0], $0xffff;
	v5 =	vadd.f32 v49, v5  }
0x2e0: {  	v54 =	vand.u32 $0x7FFFFFFF, v48;
	v11 =	vld.idx.msk [tilespmem:v38+s21+$0x0], $0xffff;
	v6 =	vadd.f32 v39, v6;
	v10 =	vadd.f32 v46, v10  }
0x2e1: {  	v1 =	vld.idx.msk [tilespmem:v1+s20+$0x0], $0xffff;
	v9 =	vsub.f32 v26, v31;
	v5 =	vadd.f32 v54, v5  }
0x2e2: {  	v57 =	vand.u32 $0x7FFFFFFF, v53;
	v7 =	vld.idx.msk [tilespmem:v7+s21+$0x0], $0xffff;
	v6 =	vadd.f32 v43, v6;
	v10 =	vadd.f32 v51, v10  }
0x2e3: {  	v62 =	vld [tilespmem:$0x1FFF0];
	v8 =	vsub.f32 v8, v13;
	v9 =	vand.u32 $0x7FFFFFFF, v9;
	v5 =	vadd.f32 v57, v5  }
0x2e4: {  	v9 =	vnsel vm0, $0x0, v9;
	v6 =	vadd.f32 v47, v6;
	v10 =	vadd.f32 v56, v10  }
0x2e5: {  	v59 =	vld [tilespmem:$0x1780];
	v61 =	vsub.f32 v14, v11;
	v8 =	vand.u32 $0x7FFFFFFF, v8;
	v5 =	vadd.f32 v9, v5  }
0x2e6: {  	v8 =	vnsel vm0, $0x0, v8;
	v6 =	vadd.f32 v52, v6;
	v10 =	vadd.f32 v60, v10  }
0x2e7: {  	v1 =	vsub.f32 v1, v7;
	v7 =	vand.u32 $0x7FFFFFFF, v61;
	v5 =	vadd.f32 v8, v5  }
0x2e8: {  	v7 =	vnsel vm0, $0x0, v7;
	v6 =	vadd.f32 v55, v6;
	v10 =	vadd.f32 v62, v10  }
0x2e9: {  	v1 =	vand.u32 $0x7FFFFFFF, v1;
	v5 =	vadd.f32 v7, v5  }
0x2ea: {  	v1 =	vnsel vm0, $0x0, v1;
	v6 =	vadd.f32 v59, v6;
	v63 =	vadd.f32 $0.0e+00, v10  }
0x2eb: {  	v1 =	vadd.f32 v1, v5  }
0x2ec: {  	v6 =	vadd.f32 v6, v63  }
0x2ed: {  	[tilespmem:$0x1880] =	vst v1  }
0x2ee: {  	[tilespmem:$0x1800] =	vst v6  }
0x2ef: {  	[hbm4b:s13+s2] =	stream.linear.scatter [tilespmem:s30], [sflag:$0x2], $0x80, $0x38;
	[tilespmem:$0x1900] =	vst v63  }
0x2f0: {  	_ =	swait.ge [sflag:s16], $0x80  }
0x2f1: {  	p0 =	sne.s32 s15, $0x1;
	[sflag:s16] =	ssyncset.done $0x0  }
.Ltmp0:
0x2f2: {  	[sflag:s16] =	ssyncadd.s32 $0xFFFFFF80;
	(pc) =	sbr.rel @p0 .LBB2_1-.Ltmp0, $4  }
0x2f3: {  	[hbm4b:s14+s2] =	stream.linear.scatter [tilespmem:s31], [sflag:$0x2], $0x80, $0x38;
	[tilespmem:$0x1900] =	vst v63  }
0x2f4: {  	_ =	swait.ge [sflag:s16], $0x80  }
0x2f5: {  	[sflag:s16] =	ssyncset.done $0x0  }
0x2f6: {  	s15 =	sadd.s32 $0xFFFFFFFF, s15;
	[sflag:s16] =	ssyncadd.s32 $0xFFFFFF80  }
0x2f7: {  	_ =	sfence.sel $0x180000  }
0x2f8: {  	[bflag:$0x0] =	sbarrier.arrive $0xFFFF  }
0x2f9: {  	_ =	strace $0x90000047  }
0x2fa: {  	[bflag:$0x2] =	sbarrier.arrive $0xFFFF  }
0x2fb: {  	p0 =	sne.s32 s1, $0x0;
	s0 =	rddreg [dreg:$0x1]  }
0x2fc: {  	s0 =	sadd.s32 @!p0 $0x100000, s0  }
0x2fd: {  	[sflag:s0] =	ssyncadd.tile.s32 @!p0 $0x1;
	_ =	shalt  }
.Lfunc_end2:
_tile_overlayer_lowered:
.L_overlay_start_2:
0x2fe: {  	(tag) =	ssettag $0x2  }
0x2ff: {  	s0 =	rddreg [dreg:$0x0];
	s2 =	stileid.u32  }
0x300: {  	s1 =	rddreg [dreg:$0x1];
	p0 =	sne.s32 s2, $0x0  }
0x301: {  	s3 =	rddreg [dreg:$0x2];
	[bflag:$0x3] =	sbarrier.arrive $0xFFFF;
	s2 =	simm.s32 @!p0 $0x1C02  }
0x302: {  	[timem:s3], [sflag:s2] =	dma.local @!p0 [hbm:s0], s1  }
0x303: {  	s0 =	simm.s32 @!p0 $0x2  }
0x304: {  	_ =	swait.ge @!p0 [sflag:s0], s1  }
0x305: {  	s1 =	ssub.s32 @!p0 $0x0, s1;
	[sflag:s0] =	ssyncset.done @!p0 $0x0  }
0x306: {  	[sflag:s0] =	ssyncadd.s32 @!p0 s1  }
0x307: {  	[bflag:$0x3] =	sbarrier.arrive $0xFFFF  }
0x308: {  	_ =	shalt  }

</sc_bundles>
